<compile_context>
chip_gen: v7x
topology: tpu7x:2x2x1
jax: 0.10.2.dev20260603
libtpu: 0.0.44.dev20260713+nightly
codegen_flags: <defaults>
</compile_context>

<pallas_src>
import jax
import jax.numpy as jnp
from jax import lax
from jax.experimental import pallas as pl
from jax.experimental.pallas import tpu as pltpu
from jax.experimental.pallas import tpu_sc as plsc

NC = 2
NS = 16
NW = NC * NS
G = 64
BE = 8000


def _sc_mesh():
    return plsc.VectorSubcoreMesh(
        core_axis_name="c", subcore_axis_name="s", num_cores=NC, num_subcores=NS
    )


def _chunk(per_w):
    for c in range(min(80, per_w), 7, -1):
        if per_w % c == 0 and c % 8 == 0:
            return c
    raise ValueError(f"no valid chunk for {per_w}")



def _sc_gather(table, idx, off, n):
    NP, H = table.shape
    dt = table.dtype
    per_w = n // NW
    C = 400 if (jnp.dtype(dt).itemsize == 2 and per_w % 400 == 0) else 80
    stripe = NP // NS
    nch = -(-per_w // C)

    def body(table_hbm, idx_hbm, out_hbm, s_sh,
             i0, i1, r0, r1, si0, si1, ss0, ss1, sg):
        cid = lax.axis_index("c")
        sid = lax.axis_index("s")
        wid = sid * NC + cid
        w0 = wid * per_w

        def base_of(k):
            return w0 + jnp.minimum(k * C, per_w - C)

        pltpu.async_copy(idx_hbm.at[pl.ds(off + base_of(0), C)], i0, si0)
        pltpu.async_copy(idx_hbm.at[pl.ds(off + base_of(1), C)], i1, si1)
        pltpu.sync_copy(table_hbm.at[pl.ds(sid * stripe, stripe)],
                        s_sh.at[pl.ds(sid * stripe, stripe)])
        plsc.subcore_barrier()

        def do_chunk(k, bi, br, semi, sems):
            base = base_of(k)
            pltpu.make_async_copy(idx_hbm.at[pl.ds(0, C)], bi, semi).wait()

            @pl.when(k >= 2)
            def _():
                pltpu.make_async_copy(br, out_hbm.at[pl.ds(0, C)], sems).wait()

            pltpu.async_copy(s_sh.at[bi], br, sg).wait()
            pltpu.async_copy(br, out_hbm.at[pl.ds(base, C)], sems)

            @pl.when(k + 2 < nch)
            def _():
                pltpu.async_copy(idx_hbm.at[pl.ds(off + base_of(k + 2), C)],
                                 bi, semi)

        def pair(j, carry):
            do_chunk(2 * j, i0, r0, si0, ss0)
            do_chunk(2 * j + 1, i1, r1, si1, ss1)
            return carry

        lax.fori_loop(0, nch // 2, pair, 0)
        if nch % 2:
            do_chunk(nch - 1, i0, r0, si0, ss0)
        if nch >= 2:
            pltpu.make_async_copy(r1, out_hbm.at[pl.ds(0, C)], ss1).wait()
        pltpu.make_async_copy(r0, out_hbm.at[pl.ds(0, C)], ss0).wait()

    return pl.kernel(
        body,
        out_type=jax.ShapeDtypeStruct((n, H), dt),
        mesh=_sc_mesh(),
        scratch_types=[
            pltpu.VMEM_SHARED((NP, H), dt),
            pltpu.VMEM((C,), jnp.int32),
            pltpu.VMEM((C,), jnp.int32),
            pltpu.VMEM((C, H), dt),
            pltpu.VMEM((C, H), dt),
            pltpu.SemaphoreType.DMA,
            pltpu.SemaphoreType.DMA,
            pltpu.SemaphoreType.DMA,
            pltpu.SemaphoreType.DMA,
            pltpu.SemaphoreType.DMA,
        ],
    )(table, idx)


def _sc_scatter(vals, dst, zeros, off):
    n, H = vals.shape
    NP = zeros.shape[0]
    per_w = n // NW
    C = _chunk(per_w)
    stripe = NP // NS
    nch = per_w // C

    def body(vals_hbm, dst_hbm, zero_hbm, out_hbm, s_sh,
             i0, i1, v0, v1, si0, si1, sv0, sv1):
        cid = lax.axis_index("c")
        sid = lax.axis_index("s")
        wid = sid * NC + cid
        w0 = wid * per_w
        pltpu.async_copy(dst_hbm.at[pl.ds(off + w0, C)], i0, si0)
        pltpu.async_copy(vals_hbm.at[pl.ds(w0, C)], v0, sv0)
        pltpu.async_copy(dst_hbm.at[pl.ds(off + w0 + C, C)], i1, si1)
        pltpu.async_copy(vals_hbm.at[pl.ds(w0 + C, C)], v1, sv1)
        pltpu.sync_copy(zero_hbm.at[pl.ds(sid * stripe, stripe)],
                        s_sh.at[pl.ds(sid * stripe, stripe)])
        plsc.subcore_barrier()

        def do_chunk(k, bi, bv, semi, semv):
            base = w0 + k * C
            pltpu.make_async_copy(dst_hbm.at[pl.ds(0, C)], bi, semi).wait()
            pltpu.make_async_copy(vals_hbm.at[pl.ds(0, C)], bv, semv).wait()
            pltpu.sync_copy(bv, s_sh.at[bi], add=True)

            @pl.when(k + 2 < nch)
            def _():
                pltpu.async_copy(dst_hbm.at[pl.ds(off + base + 2 * C, C)],
                                 bi, semi)
                pltpu.async_copy(vals_hbm.at[pl.ds(base + 2 * C, C)], bv, semv)

        def pair(j, carry):
            do_chunk(2 * j, i0, v0, si0, sv0)
            do_chunk(2 * j + 1, i1, v1, si1, sv1)
            return carry

        lax.fori_loop(0, nch // 2, pair, 0)
        if nch % 2:
            do_chunk(nch - 1, i0, v0, si0, sv0)
        plsc.subcore_barrier()
        pltpu.sync_copy(s_sh.at[pl.ds(sid * stripe, stripe)],
                        out_hbm.at[cid, pl.ds(sid * stripe, stripe)])

    return pl.kernel(
        body,
        out_type=jax.ShapeDtypeStruct((NC, NP, H), jnp.float32),
        mesh=_sc_mesh(),
        scratch_types=[
            pltpu.VMEM_SHARED((NP, H), jnp.float32),
            pltpu.VMEM((C,), jnp.int32),
            pltpu.VMEM((C,), jnp.int32),
            pltpu.VMEM((C, H), jnp.float32),
            pltpu.VMEM((C, H), jnp.float32),
            pltpu.SemaphoreType.DMA,
            pltpu.SemaphoreType.DMA,
            pltpu.SemaphoreType.DMA,
            pltpu.SemaphoreType.DMA,
        ],
    )(vals, dst, zeros)



def _tc_merge_one(p):
    _, NP, H = p.shape

    def body(p_ref, out_ref):
        out_ref[...] = p_ref[0] + p_ref[1]

    return pl.pallas_call(
        body, out_shape=jax.ShapeDtypeStruct((NP, H), jnp.float32)
    )(p)


def _tc_node_pre(x_p, W1):
    NP, _ = x_p.shape
    H = W1.shape[1]

    def body(x_ref, w_ref, out_ref):
        out_ref[...] = jnp.dot(x_ref[...], w_ref[...],
                               preferred_element_type=jnp.float32)

    return pl.pallas_call(
        body, out_shape=jax.ShapeDtypeStruct((NP, H), jnp.float32)
    )(x_p, W1)


def _tc_edge_init(xs, ea, W2, Wh, part):
    n, H = xs.shape
    DE = ea.shape[1]
    be = BE if n % BE == 0 else n
    po = part * (n // be)

    def body(xs_ref, ea_ref, w2_ref, wh_ref, h0_ref, g_ref):
        h0 = jax.nn.relu(
            xs_ref[...]
            + jnp.dot(ea_ref[...], w2_ref[...], preferred_element_type=jnp.float32)
        )
        h0_ref[...] = h0
        g_ref[...] = jnp.dot(h0, wh_ref[...], preferred_element_type=jnp.float32)

    return pl.pallas_call(
        body,
        grid=(n // be,),
        in_specs=[
            pl.BlockSpec((be, H), lambda i: (i, 0)),
            pl.BlockSpec((be, DE), lambda i: (i + po, 0)),
            pl.BlockSpec((DE, H), lambda i: (0, 0)),
            pl.BlockSpec((H, H), lambda i: (0, 0)),
        ],
        out_specs=[
            pl.BlockSpec((be, H), lambda i: (i, 0)),
            pl.BlockSpec((be, H), lambda i: (i, 0)),
        ],
        out_shape=[
            jax.ShapeDtypeStruct((n, H), jnp.float32),
            jax.ShapeDtypeStruct((n, H), jnp.float32),
        ],
    )(xs, ea, W2, Wh)


def _pair_swap(g):
    up = jnp.roll(g, -1, axis=0)
    down = jnp.roll(g, 1, axis=0)
    par = lax.broadcasted_iota(jnp.int32, g.shape, 0) % 2
    return jnp.where(par == 0, up, down)


def _tc_edge_step(h0, ss, g, Wh, last):
    n, H = h0.shape
    be = BE if n % BE == 0 else n

    def body(h0_ref, ss_ref, g_ref, wh_ref, out_ref):
        h = jax.nn.relu(h0_ref[...] + ss_ref[...] - _pair_swap(g_ref[...]))
        if not last:
            h = jnp.dot(h, wh_ref[...], preferred_element_type=jnp.float32)
        out_ref[...] = h

    return pl.pallas_call(
        body,
        grid=(n // be,),
        in_specs=[
            pl.BlockSpec((be, H), lambda i: (i, 0)),
            pl.BlockSpec((be, H), lambda i: (i, 0)),
            pl.BlockSpec((be, H), lambda i: (i, 0)),
            pl.BlockSpec((H, H), lambda i: (0, 0)),
        ],
        out_specs=pl.BlockSpec((be, H), lambda i: (i, 0)),
        out_shape=jax.ShapeDtypeStruct((n, H), jnp.float32),
    )(h0, ss, g, Wh)


def _tc_head(x_p, ap, batch2, Wo1, Wo2, f1, f2):
    NP, _ = x_p.shape

    def body(x_ref, a_ref, b_ref, wo1_ref, wo2_ref, f1_ref, f2_ref,
             out_ref):
        a = a_ref[0] + a_ref[1]
        nh = jax.nn.relu(
            jnp.dot(x_ref[...], wo1_ref[...], preferred_element_type=jnp.float32)
            + jnp.dot(a, wo2_ref[...], preferred_element_type=jnp.float32)
        )
        gid = lax.broadcasted_iota(jnp.int32, (G, NP), 0)
        oh = (b_ref[...] == gid).astype(jnp.float32)
        cnt = jnp.maximum(jnp.sum(oh, axis=1), 1.0)
        gh = jnp.dot(oh, nh, preferred_element_type=jnp.float32) / cnt[:, None]
        hid = jax.nn.relu(jnp.dot(gh, f1_ref[...], preferred_element_type=jnp.float32))
        out_ref[...] = jnp.dot(hid, f2_ref[...], preferred_element_type=jnp.float32)

    return pl.pallas_call(
        body, out_shape=jax.ShapeDtypeStruct((G, 1), jnp.float32)
    )(x_p, ap, batch2, Wo1, Wo2, f1, f2)



def kernel(x, edge_index, edge_attr, batch, W_i, W_h, W_o, ffn_w1, ffn_w2):
    N, D = x.shape
    E = edge_index.shape[1]
    H = W_h.shape[0]
    T = 3

    NP = -(-N // 256) * 256

    src = edge_index[0]
    dst = edge_index[1]
    x_p = jnp.pad(x, ((0, NP - N), (0, 0)))
    batch2 = jnp.pad(batch, (0, NP - N), constant_values=G).reshape(1, NP)
    zeros = jnp.zeros((NP, H), jnp.float32)

    xw = _tc_node_pre(x_p, W_i[:D])
    xs = _sc_gather(xw, src, 0, E)
    h0, g = _tc_edge_init(xs, edge_attr, W_i[D:], W_h, 0)

    for t in range(T):
        last = t == T - 1
        p = _sc_scatter(g, dst, zeros, 0)
        s = _tc_merge_one(p)
        ss = _sc_gather(s, src, 0, E)
        g = _tc_edge_step(h0, ss, g, W_h, last)

    a = _sc_scatter(g, dst, zeros, 0)
    preds = _tc_head(x_p, a, batch2, W_o[:D], W_o[D:], ffn_w1, ffn_w2)
    return preds.reshape(-1)

# --- scband reference (transcript-rebuilt; emitter-appended) ---
"""Pipeline reference for scband-parallel-synth-32658931319104 (READ-ONLY COPY).

The authoritative reference and input builder live on the scoring server;
editing this copy changes nothing except your own understanding.
"""

import jax, jax.numpy as jnp
import numpy as np

N = 10000     # total atoms across batch
E = 320000    # directed bonds (paired: edge e and e^1 are reverses)
D = 128       # atom feature dim
DE = 16       # bond feature dim
H = 128       # hidden dim
G = 64        # number of molecules in batch
T = 3         # message passing depth


def setup_inputs(seed: int = 0) -> dict:
    key = jax.random.key(seed)
    ks = jax.random.split(key, 10)
    x = jax.random.normal(ks[0], (N, D), dtype=jnp.float32)
    edge_index = jax.random.randint(ks[1], (2, E), 0, N, dtype=jnp.int32)
    edge_attr = jax.random.normal(ks[2], (E, DE), dtype=jnp.float32)
    batch = jnp.sort(jax.random.randint(ks[3], (N,), 0, G, dtype=jnp.int32))
    # chemprop D-MPNN parameters
    W_i = jax.random.normal(ks[4], (D + DE, H), dtype=jnp.float32) / np.sqrt(D + DE)
    W_h = jax.random.normal(ks[5], (H, H), dtype=jnp.float32) / np.sqrt(H)
    W_o = jax.random.normal(ks[6], (D + H, H), dtype=jnp.float32) / np.sqrt(D + H)
    ffn_w1 = jax.random.normal(ks[7], (H, H), dtype=jnp.float32) / np.sqrt(H)
    ffn_w2 = jax.random.normal(ks[8], (H, 1), dtype=jnp.float32) / np.sqrt(H)
    return {"x": x, "edge_index": edge_index, "edge_attr": edge_attr, "batch": batch,
            "W_i": W_i, "W_h": W_h, "W_o": W_o, "ffn_w1": ffn_w1, "ffn_w2": ffn_w2}


def reference(x, edge_index, edge_attr, batch, W_i, W_h, W_o, ffn_w1, ffn_w2):
    # chemprop-style directed-edge message passing network (MPN) + readout + FFN,
    # matching the eval_batch computation of ParallelSynth (scaler is identity).
    src = edge_index[0]
    dst = edge_index[1]
    rev = jnp.arange(E, dtype=jnp.int32) ^ 1  # paired reverse-edge convention
    # initial directed-edge hidden states: h0 = ReLU(W_i [x_src ; e])
    h0 = jax.nn.relu(jnp.concatenate([x[src], edge_attr], axis=1) @ W_i)
    h = h0
    for _ in range(T):
        # aggregate incoming edge messages at each node
        a = jax.ops.segment_sum(h, dst, num_segments=N)
        # message for edge e excludes its reverse edge
        m = a[src] - h[rev]
        h = jax.nn.relu(h0 + m @ W_h)
    # atom readout
    a = jax.ops.segment_sum(h, dst, num_segments=N)
    node_h = jax.nn.relu(jnp.concatenate([x, a], axis=1) @ W_o)
    # mean readout per molecule
    counts = jax.ops.segment_sum(jnp.ones((N,), jnp.float32), batch, num_segments=G)
    counts = jnp.maximum(counts, 1.0)
    graph_h = jax.ops.segment_sum(node_h, batch, num_segments=G) / counts[:, None]
    # FFN head -> scalar synthesizability score per molecule
    preds = jax.nn.relu(graph_h @ ffn_w1) @ ffn_w2
    return preds.reshape(-1)

if __name__ == "__main__":
    import jax
    _d = setup_inputs()
    print(jax.jit(kernel)(*tuple(_d.values())))

</pallas_src>

<mosaic_0001>
#map = affine_map<(d0, d1) -> (0, 0)>
#map1 = affine_map<(d0, d1) -> (0)>
module attributes {stable_mosaic.version = 14 : i64} {
  func.func @body(%arg0: i32, %arg1: i32, %arg2: memref<10240x128xf32, #tpu.memory_space<hbm>>, %arg3: memref<320000xi32, #tpu.memory_space<hbm>>, %arg4: memref<320000x128xf32, #tpu.memory_space<hbm>>, %arg5: memref<10240x128xf32, #tpu.memory_space<vmem_shared>>, %arg6: memref<80xi32, #tpu.memory_space<vmem>>, %arg7: memref<80xi32, #tpu.memory_space<vmem>>, %arg8: memref<80x128xf32, #tpu.memory_space<vmem>>, %arg9: memref<80x128xf32, #tpu.memory_space<vmem>>, %arg10: memref<!tpu.dma_semaphore, #tpu.memory_space<semaphore_mem>>, %arg11: memref<!tpu.dma_semaphore, #tpu.memory_space<semaphore_mem>>, %arg12: memref<!tpu.dma_semaphore, #tpu.memory_space<semaphore_mem>>, %arg13: memref<!tpu.dma_semaphore, #tpu.memory_space<semaphore_mem>>, %arg14: memref<!tpu.dma_semaphore, #tpu.memory_space<semaphore_mem>>) attributes {dimension_semantics = [#tpu.dimension_semantics<core_parallel>, #tpu.dimension_semantics<subcore_parallel>], iteration_bounds = array<i64: 2, 16>, scalar_prefetch = 0 : i64, scratch_operands = 10 : i64, tpu.core_type = #tpu.core_type<sc_vector_subcore>, window_params = [{transform_indices = #map}, {transform_indices = #map1}, {transform_indices = #map}]} {
    %mul3A = arith.constant 2 : i32
    %mul3A_0 = arith.muli %arg1, %mul3A : i32
    %add3A = arith.addi %mul3A_0, %arg0 : i32
    %mul3A_1 = arith.constant 10000 : i32
    %mul3A_2 = arith.muli %add3A, %mul3A_1 : i32
    %min3A = arith.constant 0 : i32
    %min3A_3 = arith.constant 9920 : i32
    %min3A_4 = arith.minsi %min3A, %min3A_3 : i32
    %add3A_5 = arith.addi %mul3A_2, %min3A_4 : i32
    %add3A_6 = arith.constant 0 : i32
    %add3A_7 = arith.addi %add3A_6, %add3A_5 : i32
    %dma_start3A = tpu.memref_slice %arg3[%add3A_7] : memref<320000xi32, #tpu.memory_space<hbm>> -> memref<80xi32, #tpu.memory_space<hbm>>
    %dma_start3A_8 = tpu.memref_slice %arg3[%add3A_7] : memref<320000xi32, #tpu.memory_space<hbm>> -> memref<80xi32, #tpu.memory_space<hbm>>
    tpu.enqueue_dma source(%dma_start3A_8 : memref<80xi32, #tpu.memory_space<hbm>>) target(%arg6 : memref<80xi32, #tpu.memory_space<vmem>>) target_semaphore(%arg10 : memref<!tpu.dma_semaphore, #tpu.memory_space<semaphore_mem>>)
    %min3A_9 = arith.constant 80 : i32
    %min3A_10 = arith.constant 9920 : i32
    %min3A_11 = arith.minsi %min3A_9, %min3A_10 : i32
    %add3A_12 = arith.addi %mul3A_2, %min3A_11 : i32
    %add3A_13 = arith.constant 0 : i32
    %add3A_14 = arith.addi %add3A_13, %add3A_12 : i32
    %dma_start3A_15 = tpu.memref_slice %arg3[%add3A_14] : memref<320000xi32, #tpu.memory_space<hbm>> -> memref<80xi32, #tpu.memory_space<hbm>>
    %dma_start3A_16 = tpu.memref_slice %arg3[%add3A_14] : memref<320000xi32, #tpu.memory_space<hbm>> -> memref<80xi32, #tpu.memory_space<hbm>>
    tpu.enqueue_dma source(%dma_start3A_16 : memref<80xi32, #tpu.memory_space<hbm>>) target(%arg7 : memref<80xi32, #tpu.memory_space<vmem>>) target_semaphore(%arg11 : memref<!tpu.dma_semaphore, #tpu.memory_space<semaphore_mem>>)
    %mul3A_17 = arith.constant 640 : i32
    %mul3A_18 = arith.muli %arg1, %mul3A_17 : i32
    %mul3A_19 = arith.constant 640 : i32
    %mul3A_20 = arith.muli %arg1, %mul3A_19 : i32
    "tpu.region"() ({
      %run_scoped3A = tpu.sem_alloc : memref<!tpu.dma_semaphore, #tpu.memory_space<semaphore_mem>>
      %dma_start3A_61 = arith.constant 0 : i32
      %dma_start3A_62 = tpu.memref_slice %arg5[%mul3A_20, %dma_start3A_61] : memref<10240x128xf32, #tpu.memory_space<vmem_shared>> -> memref<640x128xf32, #tpu.memory_space<vmem_shared>>
      %dma_start3A_63 = arith.constant 0 : i32
      %dma_start3A_64 = tpu.memref_slice %arg2[%mul3A_18, %dma_start3A_63] : memref<10240x128xf32, #tpu.memory_space<hbm>> -> memref<640x128xf32, #tpu.memory_space<hbm>>
      tpu.enqueue_dma source(%dma_start3A_64 : memref<640x128xf32, #tpu.memory_space<hbm>>) target(%dma_start3A_62 : memref<640x128xf32, #tpu.memory_space<vmem_shared>>) target_semaphore(%run_scoped3A : memref<!tpu.dma_semaphore, #tpu.memory_space<semaphore_mem>>)
      %dma_wait3A_65 = arith.constant 0 : i32
      %dma_wait3A_66 = tpu.memref_slice %arg5[%mul3A_20, %dma_wait3A_65] : memref<10240x128xf32, #tpu.memory_space<vmem_shared>> -> memref<640x128xf32, #tpu.memory_space<vmem_shared>>
      %dma_wait3A_67 = arith.constant 0 : i32
      %dma_wait3A_68 = tpu.memref_slice %arg2[%mul3A_18, %dma_wait3A_67] : memref<10240x128xf32, #tpu.memory_space<hbm>> -> memref<640x128xf32, #tpu.memory_space<hbm>>
      tpu.wait_dma2 semaphore(%run_scoped3A : memref<!tpu.dma_semaphore, #tpu.memory_space<semaphore_mem>>) src(%dma_wait3A_68 : memref<640x128xf32, #tpu.memory_space<hbm>>) dst(%dma_wait3A_66 : memref<640x128xf32, #tpu.memory_space<vmem_shared>>)
      tpu.yield
    }) : () -> ()
    %barrier3A = arith.constant 0 : index
    tpu.barrier barrier_id(%barrier3A)
    %scan3A = arith.constant 0 : i32
    %scan3A_21 = arith.constant 0 : i32
    %scan3A_22 = arith.constant 62 : i32
    %scan3A_23 = arith.addi %scan3A_21, %scan3A_22 : i32
    %scan3A_24 = arith.constant 1 : i32
    scf.for %scan3A_61 = %scan3A_21 to %scan3A_23 step %scan3A_24  : i32 {
      %mul3A_62 = arith.constant 2 : i32
      %mul3A_63 = arith.muli %mul3A_62, %scan3A_61 : i32
      %mul3A_64 = arith.constant 80 : i32
      %mul3A_65 = arith.muli %mul3A_63, %mul3A_64 : i32
      %min3A_66 = arith.constant 9920 : i32
      %min3A_67 = arith.minsi %mul3A_65, %min3A_66 : i32
      %add3A_68 = arith.addi %mul3A_2, %min3A_67 : i32
      %dma_wait3A_69 = arith.constant 0 : i32
      %dma_wait3A_70 = tpu.memref_slice %arg3[%dma_wait3A_69] : memref<320000xi32, #tpu.memory_space<hbm>> -> memref<80xi32, #tpu.memory_space<hbm>>
      %dma_wait3A_71 = arith.constant 0 : i32
      %dma_wait3A_72 = tpu.memref_slice %arg3[%dma_wait3A_71] : memref<320000xi32, #tpu.memory_space<hbm>> -> memref<80xi32, #tpu.memory_space<hbm>>
      tpu.wait_dma2 semaphore(%arg10 : memref<!tpu.dma_semaphore, #tpu.memory_space<semaphore_mem>>) src(%dma_wait3A_72 : memref<80xi32, #tpu.memory_space<hbm>>) dst(%arg6 : memref<80xi32, #tpu.memory_space<vmem>>)
      %ge3A = arith.constant 2 : i32
      %ge3A_73 = arith.cmpi sge, %mul3A_63, %ge3A : i32
      %convert_element_type3A = arith.extui %ge3A_73 : i1 to i32
      %cond3A = arith.constant 0 : i32
      %cond3A_74 = arith.cmpi ne, %convert_element_type3A, %cond3A : i32
      scf.if %cond3A_74 {
        %dma_wait3A_126 = arith.constant 0 : i32
        %dma_wait3A_127 = arith.constant 0 : i32
        %dma_wait3A_128 = tpu.memref_slice %arg4[%dma_wait3A_126, %dma_wait3A_127] : memref<320000x128xf32, #tpu.memory_space<hbm>> -> memref<80x128xf32, #tpu.memory_space<hbm>>
        %dma_wait3A_129 = arith.constant 0 : i32
        %dma_wait3A_130 = arith.constant 0 : i32
        %dma_wait3A_131 = tpu.memref_slice %arg4[%dma_wait3A_129, %dma_wait3A_130] : memref<320000x128xf32, #tpu.memory_space<hbm>> -> memref<80x128xf32, #tpu.memory_space<hbm>>
        tpu.wait_dma2 semaphore(%arg12 : memref<!tpu.dma_semaphore, #tpu.memory_space<semaphore_mem>>) src(%arg8 : memref<80x128xf32, #tpu.memory_space<vmem>>) dst(%dma_wait3A_131 : memref<80x128xf32, #tpu.memory_space<hbm>>)
      } else {
      }
      %dma_start3A_75 = arith.constant 0 : i32
      %dma_start3A_76 = arith.constant 0 : i32
      %dma_start3A_77 = tpu.memref_slice %arg5[%dma_start3A_75, %dma_start3A_76] : memref<10240x128xf32, #tpu.memory_space<vmem_shared>> -> memref<10240x128xf32, #tpu.memory_space<vmem_shared>>
      tpu.enqueue_indirect_dma source(%dma_start3A_77 : memref<10240x128xf32, #tpu.memory_space<vmem_shared>>) target(%arg8 : memref<80x128xf32, #tpu.memory_space<vmem>>) offsets(%arg6 : memref<80xi32, #tpu.memory_space<vmem>>) semaphore(%arg14 : memref<!tpu.dma_semaphore, #tpu.memory_space<semaphore_mem>>)
      %dma_wait3A_78 = arith.constant 0 : i32
      %dma_wait3A_79 = arith.constant 0 : i32
      %dma_wait3A_80 = tpu.memref_slice %arg5[%dma_wait3A_78, %dma_wait3A_79] : memref<10240x128xf32, #tpu.memory_space<vmem_shared>> -> memref<10240x128xf32, #tpu.memory_space<vmem_shared>>
      tpu.wait_indirect_dma semaphore(%arg14 : memref<!tpu.dma_semaphore, #tpu.memory_space<semaphore_mem>>) src(%dma_wait3A_80 : memref<10240x128xf32, #tpu.memory_space<vmem_shared>>) dst(%arg8 : memref<80x128xf32, #tpu.memory_space<vmem>>)
      %dma_start3A_81 = arith.constant 0 : i32
      %dma_start3A_82 = tpu.memref_slice %arg4[%add3A_68, %dma_start3A_81] : memref<320000x128xf32, #tpu.memory_space<hbm>> -> memref<80x128xf32, #tpu.memory_space<hbm>>
      %dma_start3A_83 = arith.constant 0 : i32
      %dma_start3A_84 = tpu.memref_slice %arg4[%add3A_68, %dma_start3A_83] : memref<320000x128xf32, #tpu.memory_space<hbm>> -> memref<80x128xf32, #tpu.memory_space<hbm>>
      tpu.enqueue_dma source(%arg8 : memref<80x128xf32, #tpu.memory_space<vmem>>) target(%dma_start3A_84 : memref<80x128xf32, #tpu.memory_space<hbm>>) target_semaphore(%arg12 : memref<!tpu.dma_semaphore, #tpu.memory_space<semaphore_mem>>)
      %add3A_85 = arith.constant 2 : i32
      %add3A_86 = arith.addi %mul3A_63, %add3A_85 : i32
      %lt3A = arith.constant 125 : i32
      %lt3A_87 = arith.cmpi slt, %add3A_86, %lt3A : i32
      %convert_element_type3A_88 = arith.extui %lt3A_87 : i1 to i32
      %cond3A_89 = arith.constant 0 : i32
      %cond3A_90 = arith.cmpi ne, %convert_element_type3A_88, %cond3A_89 : i32
      scf.if %cond3A_90 {
        %add3A_126 = arith.constant 2 : i32
        %add3A_127 = arith.addi %mul3A_63, %add3A_126 : i32
        %mul3A_128 = arith.constant 80 : i32
        %mul3A_129 = arith.muli %add3A_127, %mul3A_128 : i32
        %min3A_130 = arith.constant 9920 : i32
        %min3A_131 = arith.minsi %mul3A_129, %min3A_130 : i32
        %add3A_132 = arith.addi %mul3A_2, %min3A_131 : i32
        %add3A_133 = arith.constant 0 : i32
        %add3A_134 = arith.addi %add3A_133, %add3A_132 : i32
        %dma_start3A_135 = tpu.memref_slice %arg3[%add3A_134] : memref<320000xi32, #tpu.memory_space<hbm>> -> memref<80xi32, #tpu.memory_space<hbm>>
        %dma_start3A_136 = tpu.memref_slice %arg3[%add3A_134] : memref<320000xi32, #tpu.memory_space<hbm>> -> memref<80xi32, #tpu.memory_space<hbm>>
        tpu.enqueue_dma source(%dma_start3A_136 : memref<80xi32, #tpu.memory_space<hbm>>) target(%arg6 : memref<80xi32, #tpu.memory_space<vmem>>) target_semaphore(%arg10 : memref<!tpu.dma_semaphore, #tpu.memory_space<semaphore_mem>>)
      } else {
      }
      %mul3A_91 = arith.constant 2 : i32
      %mul3A_92 = arith.muli %mul3A_91, %scan3A_61 : i32
      %add3A_93 = arith.constant 1 : i32
      %add3A_94 = arith.addi %mul3A_92, %add3A_93 : i32
      %mul3A_95 = arith.constant 80 : i32
      %mul3A_96 = arith.muli %add3A_94, %mul3A_95 : i32
      %min3A_97 = arith.constant 9920 : i32
      %min3A_98 = arith.minsi %mul3A_96, %min3A_97 : i32
      %add3A_99 = arith.addi %mul3A_2, %min3A_98 : i32
      %dma_wait3A_100 = arith.constant 0 : i32
      %dma_wait3A_101 = tpu.memref_slice %arg3[%dma_wait3A_100] : memref<320000xi32, #tpu.memory_space<hbm>> -> memref<80xi32, #tpu.memory_space<hbm>>
      %dma_wait3A_102 = arith.constant 0 : i32
      %dma_wait3A_103 = tpu.memref_slice %arg3[%dma_wait3A_102] : memref<320000xi32, #tpu.memory_space<hbm>> -> memref<80xi32, #tpu.memory_space<hbm>>
      tpu.wait_dma2 semaphore(%arg11 : memref<!tpu.dma_semaphore, #tpu.memory_space<semaphore_mem>>) src(%dma_wait3A_103 : memref<80xi32, #tpu.memory_space<hbm>>) dst(%arg7 : memref<80xi32, #tpu.memory_space<vmem>>)
      %ge3A_104 = arith.constant 2 : i32
      %ge3A_105 = arith.cmpi sge, %add3A_94, %ge3A_104 : i32
      %convert_element_type3A_106 = arith.extui %ge3A_105 : i1 to i32
      %cond3A_107 = arith.constant 0 : i32
      %cond3A_108 = arith.cmpi ne, %convert_element_type3A_106, %cond3A_107 : i32
      scf.if %cond3A_108 {
        %dma_wait3A_126 = arith.constant 0 : i32
        %dma_wait3A_127 = arith.constant 0 : i32
        %dma_wait3A_128 = tpu.memref_slice %arg4[%dma_wait3A_126, %dma_wait3A_127] : memref<320000x128xf32, #tpu.memory_space<hbm>> -> memref<80x128xf32, #tpu.memory_space<hbm>>
        %dma_wait3A_129 = arith.constant 0 : i32
        %dma_wait3A_130 = arith.constant 0 : i32
        %dma_wait3A_131 = tpu.memref_slice %arg4[%dma_wait3A_129, %dma_wait3A_130] : memref<320000x128xf32, #tpu.memory_space<hbm>> -> memref<80x128xf32, #tpu.memory_space<hbm>>
        tpu.wait_dma2 semaphore(%arg13 : memref<!tpu.dma_semaphore, #tpu.memory_space<semaphore_mem>>) src(%arg9 : memref<80x128xf32, #tpu.memory_space<vmem>>) dst(%dma_wait3A_131 : memref<80x128xf32, #tpu.memory_space<hbm>>)
      } else {
      }
      %dma_start3A_109 = arith.constant 0 : i32
      %dma_start3A_110 = arith.constant 0 : i32
      %dma_start3A_111 = tpu.memref_slice %arg5[%dma_start3A_109, %dma_start3A_110] : memref<10240x128xf32, #tpu.memory_space<vmem_shared>> -> memref<10240x128xf32, #tpu.memory_space<vmem_shared>>
      tpu.enqueue_indirect_dma source(%dma_start3A_111 : memref<10240x128xf32, #tpu.memory_space<vmem_shared>>) target(%arg9 : memref<80x128xf32, #tpu.memory_space<vmem>>) offsets(%arg7 : memref<80xi32, #tpu.memory_space<vmem>>) semaphore(%arg14 : memref<!tpu.dma_semaphore, #tpu.memory_space<semaphore_mem>>)
      %dma_wait3A_112 = arith.constant 0 : i32
      %dma_wait3A_113 = arith.constant 0 : i32
      %dma_wait3A_114 = tpu.memref_slice %arg5[%dma_wait3A_112, %dma_wait3A_113] : memref<10240x128xf32, #tpu.memory_space<vmem_shared>> -> memref<10240x128xf32, #tpu.memory_space<vmem_shared>>
      tpu.wait_indirect_dma semaphore(%arg14 : memref<!tpu.dma_semaphore, #tpu.memory_space<semaphore_mem>>) src(%dma_wait3A_114 : memref<10240x128xf32, #tpu.memory_space<vmem_shared>>) dst(%arg9 : memref<80x128xf32, #tpu.memory_space<vmem>>)
      %dma_start3A_115 = arith.constant 0 : i32
      %dma_start3A_116 = tpu.memref_slice %arg4[%add3A_99, %dma_start3A_115] : memref<320000x128xf32, #tpu.memory_space<hbm>> -> memref<80x128xf32, #tpu.memory_space<hbm>>
      %dma_start3A_117 = arith.constant 0 : i32
      %dma_start3A_118 = tpu.memref_slice %arg4[%add3A_99, %dma_start3A_117] : memref<320000x128xf32, #tpu.memory_space<hbm>> -> memref<80x128xf32, #tpu.memory_space<hbm>>
      tpu.enqueue_dma source(%arg9 : memref<80x128xf32, #tpu.memory_space<vmem>>) target(%dma_start3A_118 : memref<80x128xf32, #tpu.memory_space<hbm>>) target_semaphore(%arg13 : memref<!tpu.dma_semaphore, #tpu.memory_space<semaphore_mem>>)
      %add3A_119 = arith.constant 2 : i32
      %add3A_120 = arith.addi %add3A_94, %add3A_119 : i32
      %lt3A_121 = arith.constant 125 : i32
      %lt3A_122 = arith.cmpi slt, %add3A_120, %lt3A_121 : i32
      %convert_element_type3A_123 = arith.extui %lt3A_122 : i1 to i32
      %cond3A_124 = arith.constant 0 : i32
      %cond3A_125 = arith.cmpi ne, %convert_element_type3A_123, %cond3A_124 : i32
      scf.if %cond3A_125 {
        %add3A_126 = arith.constant 2 : i32
        %add3A_127 = arith.addi %add3A_94, %add3A_126 : i32
        %mul3A_128 = arith.constant 80 : i32
        %mul3A_129 = arith.muli %add3A_127, %mul3A_128 : i32
        %min3A_130 = arith.constant 9920 : i32
        %min3A_131 = arith.minsi %mul3A_129, %min3A_130 : i32
        %add3A_132 = arith.addi %mul3A_2, %min3A_131 : i32
        %add3A_133 = arith.constant 0 : i32
        %add3A_134 = arith.addi %add3A_133, %add3A_132 : i32
        %dma_start3A_135 = tpu.memref_slice %arg3[%add3A_134] : memref<320000xi32, #tpu.memory_space<hbm>> -> memref<80xi32, #tpu.memory_space<hbm>>
        %dma_start3A_136 = tpu.memref_slice %arg3[%add3A_134] : memref<320000xi32, #tpu.memory_space<hbm>> -> memref<80xi32, #tpu.memory_space<hbm>>
        tpu.enqueue_dma source(%dma_start3A_136 : memref<80xi32, #tpu.memory_space<hbm>>) target(%arg7 : memref<80xi32, #tpu.memory_space<vmem>>) target_semaphore(%arg11 : memref<!tpu.dma_semaphore, #tpu.memory_space<semaphore_mem>>)
      } else {
      }
    }
    %scan3A_25 = arith.constant 62 : i32
    %min3A_26 = arith.constant 9920 : i32
    %min3A_27 = arith.constant 9920 : i32
    %min3A_28 = arith.minsi %min3A_26, %min3A_27 : i32
    %add3A_29 = arith.addi %mul3A_2, %min3A_28 : i32
    %dma_wait3A = arith.constant 0 : i32
    %dma_wait3A_30 = tpu.memref_slice %arg3[%dma_wait3A] : memref<320000xi32, #tpu.memory_space<hbm>> -> memref<80xi32, #tpu.memory_space<hbm>>
    %dma_wait3A_31 = arith.constant 0 : i32
    %dma_wait3A_32 = tpu.memref_slice %arg3[%dma_wait3A_31] : memref<320000xi32, #tpu.memory_space<hbm>> -> memref<80xi32, #tpu.memory_space<hbm>>
    tpu.wait_dma2 semaphore(%arg10 : memref<!tpu.dma_semaphore, #tpu.memory_space<semaphore_mem>>) src(%dma_wait3A_32 : memref<80xi32, #tpu.memory_space<hbm>>) dst(%arg6 : memref<80xi32, #tpu.memory_space<vmem>>)
    %dma_wait3A_33 = arith.constant 0 : i32
    %dma_wait3A_34 = arith.constant 0 : i32
    %dma_wait3A_35 = tpu.memref_slice %arg4[%dma_wait3A_33, %dma_wait3A_34] : memref<320000x128xf32, #tpu.memory_space<hbm>> -> memref<80x128xf32, #tpu.memory_space<hbm>>
    %dma_wait3A_36 = arith.constant 0 : i32
    %dma_wait3A_37 = arith.constant 0 : i32
    %dma_wait3A_38 = tpu.memref_slice %arg4[%dma_wait3A_36, %dma_wait3A_37] : memref<320000x128xf32, #tpu.memory_space<hbm>> -> memref<80x128xf32, #tpu.memory_space<hbm>>
    tpu.wait_dma2 semaphore(%arg12 : memref<!tpu.dma_semaphore, #tpu.memory_space<semaphore_mem>>) src(%arg8 : memref<80x128xf32, #tpu.memory_space<vmem>>) dst(%dma_wait3A_38 : memref<80x128xf32, #tpu.memory_space<hbm>>)
    %dma_start3A_39 = arith.constant 0 : i32
    %dma_start3A_40 = arith.constant 0 : i32
    %dma_start3A_41 = tpu.memref_slice %arg5[%dma_start3A_39, %dma_start3A_40] : memref<10240x128xf32, #tpu.memory_space<vmem_shared>> -> memref<10240x128xf32, #tpu.memory_space<vmem_shared>>
    tpu.enqueue_indirect_dma source(%dma_start3A_41 : memref<10240x128xf32, #tpu.memory_space<vmem_shared>>) target(%arg8 : memref<80x128xf32, #tpu.memory_space<vmem>>) offsets(%arg6 : memref<80xi32, #tpu.memory_space<vmem>>) semaphore(%arg14 : memref<!tpu.dma_semaphore, #tpu.memory_space<semaphore_mem>>)
    %dma_wait3A_42 = arith.constant 0 : i32
    %dma_wait3A_43 = arith.constant 0 : i32
    %dma_wait3A_44 = tpu.memref_slice %arg5[%dma_wait3A_42, %dma_wait3A_43] : memref<10240x128xf32, #tpu.memory_space<vmem_shared>> -> memref<10240x128xf32, #tpu.memory_space<vmem_shared>>
    tpu.wait_indirect_dma semaphore(%arg14 : memref<!tpu.dma_semaphore, #tpu.memory_space<semaphore_mem>>) src(%dma_wait3A_44 : memref<10240x128xf32, #tpu.memory_space<vmem_shared>>) dst(%arg8 : memref<80x128xf32, #tpu.memory_space<vmem>>)
    %dma_start3A_45 = arith.constant 0 : i32
    %dma_start3A_46 = tpu.memref_slice %arg4[%add3A_29, %dma_start3A_45] : memref<320000x128xf32, #tpu.memory_space<hbm>> -> memref<80x128xf32, #tpu.memory_space<hbm>>
    %dma_start3A_47 = arith.constant 0 : i32
    %dma_start3A_48 = tpu.memref_slice %arg4[%add3A_29, %dma_start3A_47] : memref<320000x128xf32, #tpu.memory_space<hbm>> -> memref<80x128xf32, #tpu.memory_space<hbm>>
    tpu.enqueue_dma source(%arg8 : memref<80x128xf32, #tpu.memory_space<vmem>>) target(%dma_start3A_48 : memref<80x128xf32, #tpu.memory_space<hbm>>) target_semaphore(%arg12 : memref<!tpu.dma_semaphore, #tpu.memory_space<semaphore_mem>>)
    %dma_wait3A_49 = arith.constant 0 : i32
    %dma_wait3A_50 = arith.constant 0 : i32
    %dma_wait3A_51 = tpu.memref_slice %arg4[%dma_wait3A_49, %dma_wait3A_50] : memref<320000x128xf32, #tpu.memory_space<hbm>> -> memref<80x128xf32, #tpu.memory_space<hbm>>
    %dma_wait3A_52 = arith.constant 0 : i32
    %dma_wait3A_53 = arith.constant 0 : i32
    %dma_wait3A_54 = tpu.memref_slice %arg4[%dma_wait3A_52, %dma_wait3A_53] : memref<320000x128xf32, #tpu.memory_space<hbm>> -> memref<80x128xf32, #tpu.memory_space<hbm>>
    tpu.wait_dma2 semaphore(%arg13 : memref<!tpu.dma_semaphore, #tpu.memory_space<semaphore_mem>>) src(%arg9 : memref<80x128xf32, #tpu.memory_space<vmem>>) dst(%dma_wait3A_54 : memref<80x128xf32, #tpu.memory_space<hbm>>)
    %dma_wait3A_55 = arith.constant 0 : i32
    %dma_wait3A_56 = arith.constant 0 : i32
    %dma_wait3A_57 = tpu.memref_slice %arg4[%dma_wait3A_55, %dma_wait3A_56] : memref<320000x128xf32, #tpu.memory_space<hbm>> -> memref<80x128xf32, #tpu.memory_space<hbm>>
    %dma_wait3A_58 = arith.constant 0 : i32
    %dma_wait3A_59 = arith.constant 0 : i32
    %dma_wait3A_60 = tpu.memref_slice %arg4[%dma_wait3A_58, %dma_wait3A_59] : memref<320000x128xf32, #tpu.memory_space<hbm>> -> memref<80x128xf32, #tpu.memory_space<hbm>>
    tpu.wait_dma2 semaphore(%arg12 : memref<!tpu.dma_semaphore, #tpu.memory_space<semaphore_mem>>) src(%arg8 : memref<80x128xf32, #tpu.memory_space<vmem>>) dst(%dma_wait3A_60 : memref<80x128xf32, #tpu.memory_space<hbm>>)
    return
  }
}

#map = affine_map<(d0, d1) -> (0, 0)>
#map1 = affine_map<(d0, d1) -> (0)>
#map2 = affine_map<(d0, d1) -> (0, 0, 0)>
module attributes {stable_mosaic.version = 14 : i64} {
  func.func @body(%arg0: i32, %arg1: i32, %arg2: memref<320000x128xf32, #tpu.memory_space<hbm>>, %arg3: memref<320000xi32, #tpu.memory_space<hbm>>, %arg4: memref<10240x128xf32, #tpu.memory_space<hbm>>, %arg5: memref<2x10240x128xf32, #tpu.memory_space<hbm>>, %arg6: memref<10240x128xf32, #tpu.memory_space<vmem_shared>>, %arg7: memref<80xi32, #tpu.memory_space<vmem>>, %arg8: memref<80xi32, #tpu.memory_space<vmem>>, %arg9: memref<80x128xf32, #tpu.memory_space<vmem>>, %arg10: memref<80x128xf32, #tpu.memory_space<vmem>>, %arg11: memref<!tpu.dma_semaphore, #tpu.memory_space<semaphore_mem>>, %arg12: memref<!tpu.dma_semaphore, #tpu.memory_space<semaphore_mem>>, %arg13: memref<!tpu.dma_semaphore, #tpu.memory_space<semaphore_mem>>, %arg14: memref<!tpu.dma_semaphore, #tpu.memory_space<semaphore_mem>>) attributes {dimension_semantics = [#tpu.dimension_semantics<core_parallel>, #tpu.dimension_semantics<subcore_parallel>], iteration_bounds = array<i64: 2, 16>, scalar_prefetch = 0 : i64, scratch_operands = 9 : i64, tpu.core_type = #tpu.core_type<sc_vector_subcore>, window_params = [{transform_indices = #map}, {transform_indices = #map1}, {transform_indices = #map}, {transform_indices = #map2}]} {
    %mul3A = arith.constant 2 : i32
    %mul3A_0 = arith.muli %arg1, %mul3A : i32
    %add3A = arith.addi %mul3A_0, %arg0 : i32
    %mul3A_1 = arith.constant 10000 : i32
    %mul3A_2 = arith.muli %add3A, %mul3A_1 : i32
    %add3A_3 = arith.constant 0 : i32
    %add3A_4 = arith.addi %add3A_3, %mul3A_2 : i32
    %dma_start3A = tpu.memref_slice %arg3[%add3A_4] : memref<320000xi32, #tpu.memory_space<hbm>> -> memref<80xi32, #tpu.memory_space<hbm>>
    %dma_start3A_5 = tpu.memref_slice %arg3[%add3A_4] : memref<320000xi32, #tpu.memory_space<hbm>> -> memref<80xi32, #tpu.memory_space<hbm>>
    tpu.enqueue_dma source(%dma_start3A_5 : memref<80xi32, #tpu.memory_space<hbm>>) target(%arg7 : memref<80xi32, #tpu.memory_space<vmem>>) target_semaphore(%arg11 : memref<!tpu.dma_semaphore, #tpu.memory_space<semaphore_mem>>)
    %dma_start3A_6 = arith.constant 0 : i32
    %dma_start3A_7 = tpu.memref_slice %arg2[%mul3A_2, %dma_start3A_6] : memref<320000x128xf32, #tpu.memory_space<hbm>> -> memref<80x128xf32, #tpu.memory_space<hbm>>
    %dma_start3A_8 = arith.constant 0 : i32
    %dma_start3A_9 = tpu.memref_slice %arg2[%mul3A_2, %dma_start3A_8] : memref<320000x128xf32, #tpu.memory_space<hbm>> -> memref<80x128xf32, #tpu.memory_space<hbm>>
    tpu.enqueue_dma source(%dma_start3A_9 : memref<80x128xf32, #tpu.memory_space<hbm>>) target(%arg9 : memref<80x128xf32, #tpu.memory_space<vmem>>) target_semaphore(%arg13 : memref<!tpu.dma_semaphore, #tpu.memory_space<semaphore_mem>>)
    %add3A_10 = arith.constant 0 : i32
    %add3A_11 = arith.addi %add3A_10, %mul3A_2 : i32
    %add3A_12 = arith.constant 80 : i32
    %add3A_13 = arith.addi %add3A_11, %add3A_12 : i32
    %dma_start3A_14 = tpu.memref_slice %arg3[%add3A_13] : memref<320000xi32, #tpu.memory_space<hbm>> -> memref<80xi32, #tpu.memory_space<hbm>>
    %dma_start3A_15 = tpu.memref_slice %arg3[%add3A_13] : memref<320000xi32, #tpu.memory_space<hbm>> -> memref<80xi32, #tpu.memory_space<hbm>>
    tpu.enqueue_dma source(%dma_start3A_15 : memref<80xi32, #tpu.memory_space<hbm>>) target(%arg8 : memref<80xi32, #tpu.memory_space<vmem>>) target_semaphore(%arg12 : memref<!tpu.dma_semaphore, #tpu.memory_space<semaphore_mem>>)
    %add3A_16 = arith.constant 80 : i32
    %add3A_17 = arith.addi %mul3A_2, %add3A_16 : i32
    %dma_start3A_18 = arith.constant 0 : i32
    %dma_start3A_19 = tpu.memref_slice %arg2[%add3A_17, %dma_start3A_18] : memref<320000x128xf32, #tpu.memory_space<hbm>> -> memref<80x128xf32, #tpu.memory_space<hbm>>
    %dma_start3A_20 = arith.constant 0 : i32
    %dma_start3A_21 = tpu.memref_slice %arg2[%add3A_17, %dma_start3A_20] : memref<320000x128xf32, #tpu.memory_space<hbm>> -> memref<80x128xf32, #tpu.memory_space<hbm>>
    tpu.enqueue_dma source(%dma_start3A_21 : memref<80x128xf32, #tpu.memory_space<hbm>>) target(%arg10 : memref<80x128xf32, #tpu.memory_space<vmem>>) target_semaphore(%arg14 : memref<!tpu.dma_semaphore, #tpu.memory_space<semaphore_mem>>)
    %mul3A_22 = arith.constant 640 : i32
    %mul3A_23 = arith.muli %arg1, %mul3A_22 : i32
    %mul3A_24 = arith.constant 640 : i32
    %mul3A_25 = arith.muli %arg1, %mul3A_24 : i32
    "tpu.region"() ({
      %run_scoped3A = tpu.sem_alloc : memref<!tpu.dma_semaphore, #tpu.memory_space<semaphore_mem>>
      %dma_start3A_47 = arith.constant 0 : i32
      %dma_start3A_48 = tpu.memref_slice %arg6[%mul3A_25, %dma_start3A_47] : memref<10240x128xf32, #tpu.memory_space<vmem_shared>> -> memref<640x128xf32, #tpu.memory_space<vmem_shared>>
      %dma_start3A_49 = arith.constant 0 : i32
      %dma_start3A_50 = tpu.memref_slice %arg4[%mul3A_23, %dma_start3A_49] : memref<10240x128xf32, #tpu.memory_space<hbm>> -> memref<640x128xf32, #tpu.memory_space<hbm>>
      tpu.enqueue_dma source(%dma_start3A_50 : memref<640x128xf32, #tpu.memory_space<hbm>>) target(%dma_start3A_48 : memref<640x128xf32, #tpu.memory_space<vmem_shared>>) target_semaphore(%run_scoped3A : memref<!tpu.dma_semaphore, #tpu.memory_space<semaphore_mem>>)
      %dma_wait3A_51 = arith.constant 0 : i32
      %dma_wait3A_52 = tpu.memref_slice %arg6[%mul3A_25, %dma_wait3A_51] : memref<10240x128xf32, #tpu.memory_space<vmem_shared>> -> memref<640x128xf32, #tpu.memory_space<vmem_shared>>
      %dma_wait3A_53 = arith.constant 0 : i32
      %dma_wait3A_54 = tpu.memref_slice %arg4[%mul3A_23, %dma_wait3A_53] : memref<10240x128xf32, #tpu.memory_space<hbm>> -> memref<640x128xf32, #tpu.memory_space<hbm>>
      tpu.wait_dma2 semaphore(%run_scoped3A : memref<!tpu.dma_semaphore, #tpu.memory_space<semaphore_mem>>) src(%dma_wait3A_54 : memref<640x128xf32, #tpu.memory_space<hbm>>) dst(%dma_wait3A_52 : memref<640x128xf32, #tpu.memory_space<vmem_shared>>)
      tpu.yield
    }) : () -> ()
    %barrier3A = arith.constant 0 : index
    tpu.barrier barrier_id(%barrier3A)
    %scan3A = arith.constant 0 : i32
    %scan3A_26 = arith.constant 0 : i32
    %scan3A_27 = arith.constant 62 : i32
    %scan3A_28 = arith.addi %scan3A_26, %scan3A_27 : i32
    %scan3A_29 = arith.constant 1 : i32
    scf.for %scan3A_47 = %scan3A_26 to %scan3A_28 step %scan3A_29  : i32 {
      %mul3A_48 = arith.constant 2 : i32
      %mul3A_49 = arith.muli %mul3A_48, %scan3A_47 : i32
      %mul3A_50 = arith.constant 80 : i32
      %mul3A_51 = arith.muli %mul3A_49, %mul3A_50 : i32
      %add3A_52 = arith.addi %mul3A_2, %mul3A_51 : i32
      %dma_wait3A_53 = arith.constant 0 : i32
      %dma_wait3A_54 = tpu.memref_slice %arg3[%dma_wait3A_53] : memref<320000xi32, #tpu.memory_space<hbm>> -> memref<80xi32, #tpu.memory_space<hbm>>
      %dma_wait3A_55 = arith.constant 0 : i32
      %dma_wait3A_56 = tpu.memref_slice %arg3[%dma_wait3A_55] : memref<320000xi32, #tpu.memory_space<hbm>> -> memref<80xi32, #tpu.memory_space<hbm>>
      tpu.wait_dma2 semaphore(%arg11 : memref<!tpu.dma_semaphore, #tpu.memory_space<semaphore_mem>>) src(%dma_wait3A_56 : memref<80xi32, #tpu.memory_space<hbm>>) dst(%arg7 : memref<80xi32, #tpu.memory_space<vmem>>)
      %dma_wait3A_57 = arith.constant 0 : i32
      %dma_wait3A_58 = arith.constant 0 : i32
      %dma_wait3A_59 = tpu.memref_slice %arg2[%dma_wait3A_57, %dma_wait3A_58] : memref<320000x128xf32, #tpu.memory_space<hbm>> -> memref<80x128xf32, #tpu.memory_space<hbm>>
      %dma_wait3A_60 = arith.constant 0 : i32
      %dma_wait3A_61 = arith.constant 0 : i32
      %dma_wait3A_62 = tpu.memref_slice %arg2[%dma_wait3A_60, %dma_wait3A_61] : memref<320000x128xf32, #tpu.memory_space<hbm>> -> memref<80x128xf32, #tpu.memory_space<hbm>>
      tpu.wait_dma2 semaphore(%arg13 : memref<!tpu.dma_semaphore, #tpu.memory_space<semaphore_mem>>) src(%dma_wait3A_62 : memref<80x128xf32, #tpu.memory_space<hbm>>) dst(%arg9 : memref<80x128xf32, #tpu.memory_space<vmem>>)
      "tpu.region"() ({
        %run_scoped3A = tpu.sem_alloc : memref<!tpu.dma_semaphore, #tpu.memory_space<semaphore_mem>>
        %dma_start3A_91 = arith.constant 0 : i32
        %dma_start3A_92 = arith.constant 0 : i32
        %dma_start3A_93 = tpu.memref_slice %arg6[%dma_start3A_91, %dma_start3A_92] : memref<10240x128xf32, #tpu.memory_space<vmem_shared>> -> memref<10240x128xf32, #tpu.memory_space<vmem_shared>>
        tpu.enqueue_indirect_dma source(%arg9 : memref<80x128xf32, #tpu.memory_space<vmem>>) target(%dma_start3A_93 : memref<10240x128xf32, #tpu.memory_space<vmem_shared>>) offsets(%arg7 : memref<80xi32, #tpu.memory_space<vmem>>) semaphore(%run_scoped3A : memref<!tpu.dma_semaphore, #tpu.memory_space<semaphore_mem>>) {add = true}
        %dma_wait3A_94 = arith.constant 0 : i32
        %dma_wait3A_95 = arith.constant 0 : i32
        %dma_wait3A_96 = tpu.memref_slice %arg6[%dma_wait3A_94, %dma_wait3A_95] : memref<10240x128xf32, #tpu.memory_space<vmem_shared>> -> memref<10240x128xf32, #tpu.memory_space<vmem_shared>>
        tpu.wait_indirect_dma semaphore(%run_scoped3A : memref<!tpu.dma_semaphore, #tpu.memory_space<semaphore_mem>>) src(%arg9 : memref<80x128xf32, #tpu.memory_space<vmem>>) dst(%dma_wait3A_96 : memref<10240x128xf32, #tpu.memory_space<vmem_shared>>)
        tpu.yield
      }) : () -> ()
      %add3A_63 = arith.constant 2 : i32
      %add3A_64 = arith.addi %mul3A_49, %add3A_63 : i32
      %lt3A = arith.constant 125 : i32
      %lt3A_65 = arith.cmpi slt, %add3A_64, %lt3A : i32
      %convert_element_type3A = arith.extui %lt3A_65 : i1 to i32
      %cond3A = arith.constant 0 : i32
      %cond3A_66 = arith.cmpi ne, %convert_element_type3A, %cond3A : i32
      scf.if %cond3A_66 {
        %add3A_91 = arith.constant 0 : i32
        %add3A_92 = arith.addi %add3A_91, %add3A_52 : i32
        %add3A_93 = arith.constant 160 : i32
        %add3A_94 = arith.addi %add3A_92, %add3A_93 : i32
        %dma_start3A_95 = tpu.memref_slice %arg3[%add3A_94] : memref<320000xi32, #tpu.memory_space<hbm>> -> memref<80xi32, #tpu.memory_space<hbm>>
        %dma_start3A_96 = tpu.memref_slice %arg3[%add3A_94] : memref<320000xi32, #tpu.memory_space<hbm>> -> memref<80xi32, #tpu.memory_space<hbm>>
        tpu.enqueue_dma source(%dma_start3A_96 : memref<80xi32, #tpu.memory_space<hbm>>) target(%arg7 : memref<80xi32, #tpu.memory_space<vmem>>) target_semaphore(%arg11 : memref<!tpu.dma_semaphore, #tpu.memory_space<semaphore_mem>>)
        %add3A_97 = arith.constant 160 : i32
        %add3A_98 = arith.addi %add3A_52, %add3A_97 : i32
        %dma_start3A_99 = arith.constant 0 : i32
        %dma_start3A_100 = tpu.memref_slice %arg2[%add3A_98, %dma_start3A_99] : memref<320000x128xf32, #tpu.memory_space<hbm>> -> memref<80x128xf32, #tpu.memory_space<hbm>>
        %dma_start3A_101 = arith.constant 0 : i32
        %dma_start3A_102 = tpu.memref_slice %arg2[%add3A_98, %dma_start3A_101] : memref<320000x128xf32, #tpu.memory_space<hbm>> -> memref<80x128xf32, #tpu.memory_space<hbm>>
        tpu.enqueue_dma source(%dma_start3A_102 : memref<80x128xf32, #tpu.memory_space<hbm>>) target(%arg9 : memref<80x128xf32, #tpu.memory_space<vmem>>) target_semaphore(%arg13 : memref<!tpu.dma_semaphore, #tpu.memory_space<semaphore_mem>>)
      } else {
      }
      %mul3A_67 = arith.constant 2 : i32
      %mul3A_68 = arith.muli %mul3A_67, %scan3A_47 : i32
      %add3A_69 = arith.constant 1 : i32
      %add3A_70 = arith.addi %mul3A_68, %add3A_69 : i32
      %mul3A_71 = arith.constant 80 : i32
      %mul3A_72 = arith.muli %add3A_70, %mul3A_71 : i32
      %add3A_73 = arith.addi %mul3A_2, %mul3A_72 : i32
      %dma_wait3A_74 = arith.constant 0 : i32
      %dma_wait3A_75 = tpu.memref_slice %arg3[%dma_wait3A_74] : memref<320000xi32, #tpu.memory_space<hbm>> -> memref<80xi32, #tpu.memory_space<hbm>>
      %dma_wait3A_76 = arith.constant 0 : i32
      %dma_wait3A_77 = tpu.memref_slice %arg3[%dma_wait3A_76] : memref<320000xi32, #tpu.memory_space<hbm>> -> memref<80xi32, #tpu.memory_space<hbm>>
      tpu.wait_dma2 semaphore(%arg12 : memref<!tpu.dma_semaphore, #tpu.memory_space<semaphore_mem>>) src(%dma_wait3A_77 : memref<80xi32, #tpu.memory_space<hbm>>) dst(%arg8 : memref<80xi32, #tpu.memory_space<vmem>>)
      %dma_wait3A_78 = arith.constant 0 : i32
      %dma_wait3A_79 = arith.constant 0 : i32
      %dma_wait3A_80 = tpu.memref_slice %arg2[%dma_wait3A_78, %dma_wait3A_79] : memref<320000x128xf32, #tpu.memory_space<hbm>> -> memref<80x128xf32, #tpu.memory_space<hbm>>
      %dma_wait3A_81 = arith.constant 0 : i32
      %dma_wait3A_82 = arith.constant 0 : i32
      %dma_wait3A_83 = tpu.memref_slice %arg2[%dma_wait3A_81, %dma_wait3A_82] : memref<320000x128xf32, #tpu.memory_space<hbm>> -> memref<80x128xf32, #tpu.memory_space<hbm>>
      tpu.wait_dma2 semaphore(%arg14 : memref<!tpu.dma_semaphore, #tpu.memory_space<semaphore_mem>>) src(%dma_wait3A_83 : memref<80x128xf32, #tpu.memory_space<hbm>>) dst(%arg10 : memref<80x128xf32, #tpu.memory_space<vmem>>)
      "tpu.region"() ({
        %run_scoped3A = tpu.sem_alloc : memref<!tpu.dma_semaphore, #tpu.memory_space<semaphore_mem>>
        %dma_start3A_91 = arith.constant 0 : i32
        %dma_start3A_92 = arith.constant 0 : i32
        %dma_start3A_93 = tpu.memref_slice %arg6[%dma_start3A_91, %dma_start3A_92] : memref<10240x128xf32, #tpu.memory_space<vmem_shared>> -> memref<10240x128xf32, #tpu.memory_space<vmem_shared>>
        tpu.enqueue_indirect_dma source(%arg10 : memref<80x128xf32, #tpu.memory_space<vmem>>) target(%dma_start3A_93 : memref<10240x128xf32, #tpu.memory_space<vmem_shared>>) offsets(%arg8 : memref<80xi32, #tpu.memory_space<vmem>>) semaphore(%run_scoped3A : memref<!tpu.dma_semaphore, #tpu.memory_space<semaphore_mem>>) {add = true}
        %dma_wait3A_94 = arith.constant 0 : i32
        %dma_wait3A_95 = arith.constant 0 : i32
        %dma_wait3A_96 = tpu.memref_slice %arg6[%dma_wait3A_94, %dma_wait3A_95] : memref<10240x128xf32, #tpu.memory_space<vmem_shared>> -> memref<10240x128xf32, #tpu.memory_space<vmem_shared>>
        tpu.wait_indirect_dma semaphore(%run_scoped3A : memref<!tpu.dma_semaphore, #tpu.memory_space<semaphore_mem>>) src(%arg10 : memref<80x128xf32, #tpu.memory_space<vmem>>) dst(%dma_wait3A_96 : memref<10240x128xf32, #tpu.memory_space<vmem_shared>>)
        tpu.yield
      }) : () -> ()
      %add3A_84 = arith.constant 2 : i32
      %add3A_85 = arith.addi %add3A_70, %add3A_84 : i32
      %lt3A_86 = arith.constant 125 : i32
      %lt3A_87 = arith.cmpi slt, %add3A_85, %lt3A_86 : i32
      %convert_element_type3A_88 = arith.extui %lt3A_87 : i1 to i32
      %cond3A_89 = arith.constant 0 : i32
      %cond3A_90 = arith.cmpi ne, %convert_element_type3A_88, %cond3A_89 : i32
      scf.if %cond3A_90 {
        %add3A_91 = arith.constant 0 : i32
        %add3A_92 = arith.addi %add3A_91, %add3A_73 : i32
        %add3A_93 = arith.constant 160 : i32
        %add3A_94 = arith.addi %add3A_92, %add3A_93 : i32
        %dma_start3A_95 = tpu.memref_slice %arg3[%add3A_94] : memref<320000xi32, #tpu.memory_space<hbm>> -> memref<80xi32, #tpu.memory_space<hbm>>
        %dma_start3A_96 = tpu.memref_slice %arg3[%add3A_94] : memref<320000xi32, #tpu.memory_space<hbm>> -> memref<80xi32, #tpu.memory_space<hbm>>
        tpu.enqueue_dma source(%dma_start3A_96 : memref<80xi32, #tpu.memory_space<hbm>>) target(%arg8 : memref<80xi32, #tpu.memory_space<vmem>>) target_semaphore(%arg12 : memref<!tpu.dma_semaphore, #tpu.memory_space<semaphore_mem>>)
        %add3A_97 = arith.constant 160 : i32
        %add3A_98 = arith.addi %add3A_73, %add3A_97 : i32
        %dma_start3A_99 = arith.constant 0 : i32
        %dma_start3A_100 = tpu.memref_slice %arg2[%add3A_98, %dma_start3A_99] : memref<320000x128xf32, #tpu.memory_space<hbm>> -> memref<80x128xf32, #tpu.memory_space<hbm>>
        %dma_start3A_101 = arith.constant 0 : i32
        %dma_start3A_102 = tpu.memref_slice %arg2[%add3A_98, %dma_start3A_101] : memref<320000x128xf32, #tpu.memory_space<hbm>> -> memref<80x128xf32, #tpu.memory_space<hbm>>
        tpu.enqueue_dma source(%dma_start3A_102 : memref<80x128xf32, #tpu.memory_space<hbm>>) target(%arg10 : memref<80x128xf32, #tpu.memory_space<vmem>>) target_semaphore(%arg14 : memref<!tpu.dma_semaphore, #tpu.memory_space<semaphore_mem>>)
      } else {
      }
    }
    %scan3A_30 = arith.constant 62 : i32
    %add3A_31 = arith.constant 9920 : i32
    %add3A_32 = arith.addi %mul3A_2, %add3A_31 : i32
    %dma_wait3A = arith.constant 0 : i32
    %dma_wait3A_33 = tpu.memref_slice %arg3[%dma_wait3A] : memref<320000xi32, #tpu.memory_space<hbm>> -> memref<80xi32, #tpu.memory_space<hbm>>
    %dma_wait3A_34 = arith.constant 0 : i32
    %dma_wait3A_35 = tpu.memref_slice %arg3[%dma_wait3A_34] : memref<320000xi32, #tpu.memory_space<hbm>> -> memref<80xi32, #tpu.memory_space<hbm>>
    tpu.wait_dma2 semaphore(%arg11 : memref<!tpu.dma_semaphore, #tpu.memory_space<semaphore_mem>>) src(%dma_wait3A_35 : memref<80xi32, #tpu.memory_space<hbm>>) dst(%arg7 : memref<80xi32, #tpu.memory_space<vmem>>)
    %dma_wait3A_36 = arith.constant 0 : i32
    %dma_wait3A_37 = arith.constant 0 : i32
    %dma_wait3A_38 = tpu.memref_slice %arg2[%dma_wait3A_36, %dma_wait3A_37] : memref<320000x128xf32, #tpu.memory_space<hbm>> -> memref<80x128xf32, #tpu.memory_space<hbm>>
    %dma_wait3A_39 = arith.constant 0 : i32
    %dma_wait3A_40 = arith.constant 0 : i32
    %dma_wait3A_41 = tpu.memref_slice %arg2[%dma_wait3A_39, %dma_wait3A_40] : memref<320000x128xf32, #tpu.memory_space<hbm>> -> memref<80x128xf32, #tpu.memory_space<hbm>>
    tpu.wait_dma2 semaphore(%arg13 : memref<!tpu.dma_semaphore, #tpu.memory_space<semaphore_mem>>) src(%dma_wait3A_41 : memref<80x128xf32, #tpu.memory_space<hbm>>) dst(%arg9 : memref<80x128xf32, #tpu.memory_space<vmem>>)
    "tpu.region"() ({
      %run_scoped3A = tpu.sem_alloc : memref<!tpu.dma_semaphore, #tpu.memory_space<semaphore_mem>>
      %dma_start3A_47 = arith.constant 0 : i32
      %dma_start3A_48 = arith.constant 0 : i32
      %dma_start3A_49 = tpu.memref_slice %arg6[%dma_start3A_47, %dma_start3A_48] : memref<10240x128xf32, #tpu.memory_space<vmem_shared>> -> memref<10240x128xf32, #tpu.memory_space<vmem_shared>>
      tpu.enqueue_indirect_dma source(%arg9 : memref<80x128xf32, #tpu.memory_space<vmem>>) target(%dma_start3A_49 : memref<10240x128xf32, #tpu.memory_space<vmem_shared>>) offsets(%arg7 : memref<80xi32, #tpu.memory_space<vmem>>) semaphore(%run_scoped3A : memref<!tpu.dma_semaphore, #tpu.memory_space<semaphore_mem>>) {add = true}
      %dma_wait3A_50 = arith.constant 0 : i32
      %dma_wait3A_51 = arith.constant 0 : i32
      %dma_wait3A_52 = tpu.memref_slice %arg6[%dma_wait3A_50, %dma_wait3A_51] : memref<10240x128xf32, #tpu.memory_space<vmem_shared>> -> memref<10240x128xf32, #tpu.memory_space<vmem_shared>>
      tpu.wait_indirect_dma semaphore(%run_scoped3A : memref<!tpu.dma_semaphore, #tpu.memory_space<semaphore_mem>>) src(%arg9 : memref<80x128xf32, #tpu.memory_space<vmem>>) dst(%dma_wait3A_52 : memref<10240x128xf32, #tpu.memory_space<vmem_shared>>)
      tpu.yield
    }) : () -> ()
    %barrier3A_42 = arith.constant 0 : index
    tpu.barrier barrier_id(%barrier3A_42)
    %mul3A_43 = arith.constant 640 : i32
    %mul3A_44 = arith.muli %arg1, %mul3A_43 : i32
    %mul3A_45 = arith.constant 640 : i32
    %mul3A_46 = arith.muli %arg1, %mul3A_45 : i32
    "tpu.region"() ({
      %run_scoped3A = tpu.sem_alloc : memref<!tpu.dma_semaphore, #tpu.memory_space<semaphore_mem>>
      %dma_start3A_47 = arith.constant 0 : i32
      %dma_start3A_48 = tpu.memref_slice %arg5[%arg0, %mul3A_46, %dma_start3A_47] : memref<2x10240x128xf32, #tpu.memory_space<hbm>> -> memref<1x640x128xf32, #tpu.memory_space<hbm>>
      %dma_start3A_49 = tpu.memref_squeeze %dma_start3A_48 : memref<1x640x128xf32, #tpu.memory_space<hbm>> -> memref<640x128xf32, #tpu.memory_space<hbm>>
      %dma_start3A_50 = arith.constant 0 : i32
      %dma_start3A_51 = tpu.memref_slice %arg6[%mul3A_44, %dma_start3A_50] : memref<10240x128xf32, #tpu.memory_space<vmem_shared>> -> memref<640x128xf32, #tpu.memory_space<vmem_shared>>
      tpu.enqueue_dma source(%dma_start3A_51 : memref<640x128xf32, #tpu.memory_space<vmem_shared>>) target(%dma_start3A_49 : memref<640x128xf32, #tpu.memory_space<hbm>>) target_semaphore(%run_scoped3A : memref<!tpu.dma_semaphore, #tpu.memory_space<semaphore_mem>>)
      %dma_wait3A_52 = arith.constant 0 : i32
      %dma_wait3A_53 = tpu.memref_slice %arg5[%arg0, %mul3A_46, %dma_wait3A_52] : memref<2x10240x128xf32, #tpu.memory_space<hbm>> -> memref<1x640x128xf32, #tpu.memory_space<hbm>>
      %dma_wait3A_54 = tpu.memref_squeeze %dma_wait3A_53 : memref<1x640x128xf32, #tpu.memory_space<hbm>> -> memref<640x128xf32, #tpu.memory_space<hbm>>
      %dma_wait3A_55 = arith.constant 0 : i32
      %dma_wait3A_56 = tpu.memref_slice %arg6[%mul3A_44, %dma_wait3A_55] : memref<10240x128xf32, #tpu.memory_space<vmem_shared>> -> memref<640x128xf32, #tpu.memory_space<vmem_shared>>
      tpu.wait_dma2 semaphore(%run_scoped3A : memref<!tpu.dma_semaphore, #tpu.memory_space<semaphore_mem>>) src(%dma_wait3A_56 : memref<640x128xf32, #tpu.memory_space<vmem_shared>>) dst(%dma_wait3A_54 : memref<640x128xf32, #tpu.memory_space<hbm>>)
      tpu.yield
    }) : () -> ()
    return
  }
}

#map = affine_map<(d0, d1) -> (0, 0)>
#map1 = affine_map<(d0, d1) -> (0)>
module attributes {stable_mosaic.version = 14 : i64} {
  func.func @body(%arg0: i32, %arg1: i32, %arg2: memref<10240x128xf32, #tpu.memory_space<hbm>>, %arg3: memref<320000xi32, #tpu.memory_space<hbm>>, %arg4: memref<320000x128xf32, #tpu.memory_space<hbm>>, %arg5: memref<10240x128xf32, #tpu.memory_space<vmem_shared>>, %arg6: memref<80xi32, #tpu.memory_space<vmem>>, %arg7: memref<80xi32, #tpu.memory_space<vmem>>, %arg8: memref<80x128xf32, #tpu.memory_space<vmem>>, %arg9: memref<80x128xf32, #tpu.memory_space<vmem>>, %arg10: memref<!tpu.dma_semaphore, #tpu.memory_space<semaphore_mem>>, %arg11: memref<!tpu.dma_semaphore, #tpu.memory_space<semaphore_mem>>, %arg12: memref<!tpu.dma_semaphore, #tpu.memory_space<semaphore_mem>>, %arg13: memref<!tpu.dma_semaphore, #tpu.memory_space<semaphore_mem>>, %arg14: memref<!tpu.dma_semaphore, #tpu.memory_space<semaphore_mem>>) attributes {dimension_semantics = [#tpu.dimension_semantics<core_parallel>, #tpu.dimension_semantics<subcore_parallel>], iteration_bounds = array<i64: 2, 16>, scalar_prefetch = 0 : i64, scratch_operands = 10 : i64, tpu.core_type = #tpu.core_type<sc_vector_subcore>, window_params = [{transform_indices = #map}, {transform_indices = #map1}, {transform_indices = #map}]} {
    %mul3A = arith.constant 2 : i32
    %mul3A_0 = arith.muli %arg1, %mul3A : i32
    %add3A = arith.addi %mul3A_0, %arg0 : i32
    %mul3A_1 = arith.constant 10000 : i32
    %mul3A_2 = arith.muli %add3A, %mul3A_1 : i32
    %min3A = arith.constant 0 : i32
    %min3A_3 = arith.constant 9920 : i32
    %min3A_4 = arith.minsi %min3A, %min3A_3 : i32
    %add3A_5 = arith.addi %mul3A_2, %min3A_4 : i32
    %add3A_6 = arith.constant 0 : i32
    %add3A_7 = arith.addi %add3A_6, %add3A_5 : i32
    %dma_start3A = tpu.memref_slice %arg3[%add3A_7] : memref<320000xi32, #tpu.memory_space<hbm>> -> memref<80xi32, #tpu.memory_space<hbm>>
    %dma_start3A_8 = tpu.memref_slice %arg3[%add3A_7] : memref<320000xi32, #tpu.memory_space<hbm>> -> memref<80xi32, #tpu.memory_space<hbm>>
    tpu.enqueue_dma source(%dma_start3A_8 : memref<80xi32, #tpu.memory_space<hbm>>) target(%arg6 : memref<80xi32, #tpu.memory_space<vmem>>) target_semaphore(%arg10 : memref<!tpu.dma_semaphore, #tpu.memory_space<semaphore_mem>>)
    %min3A_9 = arith.constant 80 : i32
    %min3A_10 = arith.constant 9920 : i32
    %min3A_11 = arith.minsi %min3A_9, %min3A_10 : i32
    %add3A_12 = arith.addi %mul3A_2, %min3A_11 : i32
    %add3A_13 = arith.constant 0 : i32
    %add3A_14 = arith.addi %add3A_13, %add3A_12 : i32
    %dma_start3A_15 = tpu.memref_slice %arg3[%add3A_14] : memref<320000xi32, #tpu.memory_space<hbm>> -> memref<80xi32, #tpu.memory_space<hbm>>
    %dma_start3A_16 = tpu.memref_slice %arg3[%add3A_14] : memref<320000xi32, #tpu.memory_space<hbm>> -> memref<80xi32, #tpu.memory_space<hbm>>
    tpu.enqueue_dma source(%dma_start3A_16 : memref<80xi32, #tpu.memory_space<hbm>>) target(%arg7 : memref<80xi32, #tpu.memory_space<vmem>>) target_semaphore(%arg11 : memref<!tpu.dma_semaphore, #tpu.memory_space<semaphore_mem>>)
    %mul3A_17 = arith.constant 640 : i32
    %mul3A_18 = arith.muli %arg1, %mul3A_17 : i32
    %mul3A_19 = arith.constant 640 : i32
    %mul3A_20 = arith.muli %arg1, %mul3A_19 : i32
    "tpu.region"() ({
      %run_scoped3A = tpu.sem_alloc : memref<!tpu.dma_semaphore, #tpu.memory_space<semaphore_mem>>
      %dma_start3A_61 = arith.constant 0 : i32
      %dma_start3A_62 = tpu.memref_slice %arg5[%mul3A_20, %dma_start3A_61] : memref<10240x128xf32, #tpu.memory_space<vmem_shared>> -> memref<640x128xf32, #tpu.memory_space<vmem_shared>>
      %dma_start3A_63 = arith.constant 0 : i32
      %dma_start3A_64 = tpu.memref_slice %arg2[%mul3A_18, %dma_start3A_63] : memref<10240x128xf32, #tpu.memory_space<hbm>> -> memref<640x128xf32, #tpu.memory_space<hbm>>
      tpu.enqueue_dma source(%dma_start3A_64 : memref<640x128xf32, #tpu.memory_space<hbm>>) target(%dma_start3A_62 : memref<640x128xf32, #tpu.memory_space<vmem_shared>>) target_semaphore(%run_scoped3A : memref<!tpu.dma_semaphore, #tpu.memory_space<semaphore_mem>>)
      %dma_wait3A_65 = arith.constant 0 : i32
      %dma_wait3A_66 = tpu.memref_slice %arg5[%mul3A_20, %dma_wait3A_65] : memref<10240x128xf32, #tpu.memory_space<vmem_shared>> -> memref<640x128xf32, #tpu.memory_space<vmem_shared>>
      %dma_wait3A_67 = arith.constant 0 : i32
      %dma_wait3A_68 = tpu.memref_slice %arg2[%mul3A_18, %dma_wait3A_67] : memref<10240x128xf32, #tpu.memory_space<hbm>> -> memref<640x128xf32, #tpu.memory_space<hbm>>
      tpu.wait_dma2 semaphore(%run_scoped3A : memref<!tpu.dma_semaphore, #tpu.memory_space<semaphore_mem>>) src(%dma_wait3A_68 : memref<640x128xf32, #tpu.memory_space<hbm>>) dst(%dma_wait3A_66 : memref<640x128xf32, #tpu.memory_space<vmem_shared>>)
      tpu.yield
    }) : () -> ()
    %barrier3A = arith.constant 0 : index
    tpu.barrier barrier_id(%barrier3A)
    %scan3A = arith.constant 0 : i32
    %scan3A_21 = arith.constant 0 : i32
    %scan3A_22 = arith.constant 62 : i32
    %scan3A_23 = arith.addi %scan3A_21, %scan3A_22 : i32
    %scan3A_24 = arith.constant 1 : i32
    scf.for %scan3A_61 = %scan3A_21 to %scan3A_23 step %scan3A_24  : i32 {
      %mul3A_62 = arith.constant 2 : i32
      %mul3A_63 = arith.muli %mul3A_62, %scan3A_61 : i32
      %mul3A_64 = arith.constant 80 : i32
      %mul3A_65 = arith.muli %mul3A_63, %mul3A_64 : i32
      %min3A_66 = arith.constant 9920 : i32
      %min3A_67 = arith.minsi %mul3A_65, %min3A_66 : i32
      %add3A_68 = arith.addi %mul3A_2, %min3A_67 : i32
      %dma_wait3A_69 = arith.constant 0 : i32
      %dma_wait3A_70 = tpu.memref_slice %arg3[%dma_wait3A_69] : memref<320000xi32, #tpu.memory_space<hbm>> -> memref<80xi32, #tpu.memory_space<hbm>>
      %dma_wait3A_71 = arith.constant 0 : i32
      %dma_wait3A_72 = tpu.memref_slice %arg3[%dma_wait3A_71] : memref<320000xi32, #tpu.memory_space<hbm>> -> memref<80xi32, #tpu.memory_space<hbm>>
      tpu.wait_dma2 semaphore(%arg10 : memref<!tpu.dma_semaphore, #tpu.memory_space<semaphore_mem>>) src(%dma_wait3A_72 : memref<80xi32, #tpu.memory_space<hbm>>) dst(%arg6 : memref<80xi32, #tpu.memory_space<vmem>>)
      %ge3A = arith.constant 2 : i32
      %ge3A_73 = arith.cmpi sge, %mul3A_63, %ge3A : i32
      %convert_element_type3A = arith.extui %ge3A_73 : i1 to i32
      %cond3A = arith.constant 0 : i32
      %cond3A_74 = arith.cmpi ne, %convert_element_type3A, %cond3A : i32
      scf.if %cond3A_74 {
        %dma_wait3A_126 = arith.constant 0 : i32
        %dma_wait3A_127 = arith.constant 0 : i32
        %dma_wait3A_128 = tpu.memref_slice %arg4[%dma_wait3A_126, %dma_wait3A_127] : memref<320000x128xf32, #tpu.memory_space<hbm>> -> memref<80x128xf32, #tpu.memory_space<hbm>>
        %dma_wait3A_129 = arith.constant 0 : i32
        %dma_wait3A_130 = arith.constant 0 : i32
        %dma_wait3A_131 = tpu.memref_slice %arg4[%dma_wait3A_129, %dma_wait3A_130] : memref<320000x128xf32, #tpu.memory_space<hbm>> -> memref<80x128xf32, #tpu.memory_space<hbm>>
        tpu.wait_dma2 semaphore(%arg12 : memref<!tpu.dma_semaphore, #tpu.memory_space<semaphore_mem>>) src(%arg8 : memref<80x128xf32, #tpu.memory_space<vmem>>) dst(%dma_wait3A_131 : memref<80x128xf32, #tpu.memory_space<hbm>>)
      } else {
      }
      %dma_start3A_75 = arith.constant 0 : i32
      %dma_start3A_76 = arith.constant 0 : i32
      %dma_start3A_77 = tpu.memref_slice %arg5[%dma_start3A_75, %dma_start3A_76] : memref<10240x128xf32, #tpu.memory_space<vmem_shared>> -> memref<10240x128xf32, #tpu.memory_space<vmem_shared>>
      tpu.enqueue_indirect_dma source(%dma_start3A_77 : memref<10240x128xf32, #tpu.memory_space<vmem_shared>>) target(%arg8 : memref<80x128xf32, #tpu.memory_space<vmem>>) offsets(%arg6 : memref<80xi32, #tpu.memory_space<vmem>>) semaphore(%arg14 : memref<!tpu.dma_semaphore, #tpu.memory_space<semaphore_mem>>)
      %dma_wait3A_78 = arith.constant 0 : i32
      %dma_wait3A_79 = arith.constant 0 : i32
      %dma_wait3A_80 = tpu.memref_slice %arg5[%dma_wait3A_78, %dma_wait3A_79] : memref<10240x128xf32, #tpu.memory_space<vmem_shared>> -> memref<10240x128xf32, #tpu.memory_space<vmem_shared>>
      tpu.wait_indirect_dma semaphore(%arg14 : memref<!tpu.dma_semaphore, #tpu.memory_space<semaphore_mem>>) src(%dma_wait3A_80 : memref<10240x128xf32, #tpu.memory_space<vmem_shared>>) dst(%arg8 : memref<80x128xf32, #tpu.memory_space<vmem>>)
      %dma_start3A_81 = arith.constant 0 : i32
      %dma_start3A_82 = tpu.memref_slice %arg4[%add3A_68, %dma_start3A_81] : memref<320000x128xf32, #tpu.memory_space<hbm>> -> memref<80x128xf32, #tpu.memory_space<hbm>>
      %dma_start3A_83 = arith.constant 0 : i32
      %dma_start3A_84 = tpu.memref_slice %arg4[%add3A_68, %dma_start3A_83] : memref<320000x128xf32, #tpu.memory_space<hbm>> -> memref<80x128xf32, #tpu.memory_space<hbm>>
      tpu.enqueue_dma source(%arg8 : memref<80x128xf32, #tpu.memory_space<vmem>>) target(%dma_start3A_84 : memref<80x128xf32, #tpu.memory_space<hbm>>) target_semaphore(%arg12 : memref<!tpu.dma_semaphore, #tpu.memory_space<semaphore_mem>>)
      %add3A_85 = arith.constant 2 : i32
      %add3A_86 = arith.addi %mul3A_63, %add3A_85 : i32
      %lt3A = arith.constant 125 : i32
      %lt3A_87 = arith.cmpi slt, %add3A_86, %lt3A : i32
      %convert_element_type3A_88 = arith.extui %lt3A_87 : i1 to i32
      %cond3A_89 = arith.constant 0 : i32
      %cond3A_90 = arith.cmpi ne, %convert_element_type3A_88, %cond3A_89 : i32
      scf.if %cond3A_90 {
        %add3A_126 = arith.constant 2 : i32
        %add3A_127 = arith.addi %mul3A_63, %add3A_126 : i32
        %mul3A_128 = arith.constant 80 : i32
        %mul3A_129 = arith.muli %add3A_127, %mul3A_128 : i32
        %min3A_130 = arith.constant 9920 : i32
        %min3A_131 = arith.minsi %mul3A_129, %min3A_130 : i32
        %add3A_132 = arith.addi %mul3A_2, %min3A_131 : i32
        %add3A_133 = arith.constant 0 : i32
        %add3A_134 = arith.addi %add3A_133, %add3A_132 : i32
        %dma_start3A_135 = tpu.memref_slice %arg3[%add3A_134] : memref<320000xi32, #tpu.memory_space<hbm>> -> memref<80xi32, #tpu.memory_space<hbm>>
        %dma_start3A_136 = tpu.memref_slice %arg3[%add3A_134] : memref<320000xi32, #tpu.memory_space<hbm>> -> memref<80xi32, #tpu.memory_space<hbm>>
        tpu.enqueue_dma source(%dma_start3A_136 : memref<80xi32, #tpu.memory_space<hbm>>) target(%arg6 : memref<80xi32, #tpu.memory_space<vmem>>) target_semaphore(%arg10 : memref<!tpu.dma_semaphore, #tpu.memory_space<semaphore_mem>>)
      } else {
      }
      %mul3A_91 = arith.constant 2 : i32
      %mul3A_92 = arith.muli %mul3A_91, %scan3A_61 : i32
      %add3A_93 = arith.constant 1 : i32
      %add3A_94 = arith.addi %mul3A_92, %add3A_93 : i32
      %mul3A_95 = arith.constant 80 : i32
      %mul3A_96 = arith.muli %add3A_94, %mul3A_95 : i32
      %min3A_97 = arith.constant 9920 : i32
      %min3A_98 = arith.minsi %mul3A_96, %min3A_97 : i32
      %add3A_99 = arith.addi %mul3A_2, %min3A_98 : i32
      %dma_wait3A_100 = arith.constant 0 : i32
      %dma_wait3A_101 = tpu.memref_slice %arg3[%dma_wait3A_100] : memref<320000xi32, #tpu.memory_space<hbm>> -> memref<80xi32, #tpu.memory_space<hbm>>
      %dma_wait3A_102 = arith.constant 0 : i32
      %dma_wait3A_103 = tpu.memref_slice %arg3[%dma_wait3A_102] : memref<320000xi32, #tpu.memory_space<hbm>> -> memref<80xi32, #tpu.memory_space<hbm>>
      tpu.wait_dma2 semaphore(%arg11 : memref<!tpu.dma_semaphore, #tpu.memory_space<semaphore_mem>>) src(%dma_wait3A_103 : memref<80xi32, #tpu.memory_space<hbm>>) dst(%arg7 : memref<80xi32, #tpu.memory_space<vmem>>)
      %ge3A_104 = arith.constant 2 : i32
      %ge3A_105 = arith.cmpi sge, %add3A_94, %ge3A_104 : i32
      %convert_element_type3A_106 = arith.extui %ge3A_105 : i1 to i32
      %cond3A_107 = arith.constant 0 : i32
      %cond3A_108 = arith.cmpi ne, %convert_element_type3A_106, %cond3A_107 : i32
      scf.if %cond3A_108 {
        %dma_wait3A_126 = arith.constant 0 : i32
        %dma_wait3A_127 = arith.constant 0 : i32
        %dma_wait3A_128 = tpu.memref_slice %arg4[%dma_wait3A_126, %dma_wait3A_127] : memref<320000x128xf32, #tpu.memory_space<hbm>> -> memref<80x128xf32, #tpu.memory_space<hbm>>
        %dma_wait3A_129 = arith.constant 0 : i32
        %dma_wait3A_130 = arith.constant 0 : i32
        %dma_wait3A_131 = tpu.memref_slice %arg4[%dma_wait3A_129, %dma_wait3A_130] : memref<320000x128xf32, #tpu.memory_space<hbm>> -> memref<80x128xf32, #tpu.memory_space<hbm>>
        tpu.wait_dma2 semaphore(%arg13 : memref<!tpu.dma_semaphore, #tpu.memory_space<semaphore_mem>>) src(%arg9 : memref<80x128xf32, #tpu.memory_space<vmem>>) dst(%dma_wait3A_131 : memref<80x128xf32, #tpu.memory_space<hbm>>)
      } else {
      }
      %dma_start3A_109 = arith.constant 0 : i32
      %dma_start3A_110 = arith.constant 0 : i32
      %dma_start3A_111 = tpu.memref_slice %arg5[%dma_start3A_109, %dma_start3A_110] : memref<10240x128xf32, #tpu.memory_space<vmem_shared>> -> memref<10240x128xf32, #tpu.memory_space<vmem_shared>>
      tpu.enqueue_indirect_dma source(%dma_start3A_111 : memref<10240x128xf32, #tpu.memory_space<vmem_shared>>) target(%arg9 : memref<80x128xf32, #tpu.memory_space<vmem>>) offsets(%arg7 : memref<80xi32, #tpu.memory_space<vmem>>) semaphore(%arg14 : memref<!tpu.dma_semaphore, #tpu.memory_space<semaphore_mem>>)
      %dma_wait3A_112 = arith.constant 0 : i32
      %dma_wait3A_113 = arith.constant 0 : i32
      %dma_wait3A_114 = tpu.memref_slice %arg5[%dma_wait3A_112, %dma_wait3A_113] : memref<10240x128xf32, #tpu.memory_space<vmem_shared>> -> memref<10240x128xf32, #tpu.memory_space<vmem_shared>>
      tpu.wait_indirect_dma semaphore(%arg14 : memref<!tpu.dma_semaphore, #tpu.memory_space<semaphore_mem>>) src(%dma_wait3A_114 : memref<10240x128xf32, #tpu.memory_space<vmem_shared>>) dst(%arg9 : memref<80x128xf32, #tpu.memory_space<vmem>>)
      %dma_start3A_115 = arith.constant 0 : i32
      %dma_start3A_116 = tpu.memref_slice %arg4[%add3A_99, %dma_start3A_115] : memref<320000x128xf32, #tpu.memory_space<hbm>> -> memref<80x128xf32, #tpu.memory_space<hbm>>
      %dma_start3A_117 = arith.constant 0 : i32
      %dma_start3A_118 = tpu.memref_slice %arg4[%add3A_99, %dma_start3A_117] : memref<320000x128xf32, #tpu.memory_space<hbm>> -> memref<80x128xf32, #tpu.memory_space<hbm>>
      tpu.enqueue_dma source(%arg9 : memref<80x128xf32, #tpu.memory_space<vmem>>) target(%dma_start3A_118 : memref<80x128xf32, #tpu.memory_space<hbm>>) target_semaphore(%arg13 : memref<!tpu.dma_semaphore, #tpu.memory_space<semaphore_mem>>)
      %add3A_119 = arith.constant 2 : i32
      %add3A_120 = arith.addi %add3A_94, %add3A_119 : i32
      %lt3A_121 = arith.constant 125 : i32
      %lt3A_122 = arith.cmpi slt, %add3A_120, %lt3A_121 : i32
      %convert_element_type3A_123 = arith.extui %lt3A_122 : i1 to i32
      %cond3A_124 = arith.constant 0 : i32
      %cond3A_125 = arith.cmpi ne, %convert_element_type3A_123, %cond3A_124 : i32
      scf.if %cond3A_125 {
        %add3A_126 = arith.constant 2 : i32
        %add3A_127 = arith.addi %add3A_94, %add3A_126 : i32
        %mul3A_128 = arith.constant 80 : i32
        %mul3A_129 = arith.muli %add3A_127, %mul3A_128 : i32
        %min3A_130 = arith.constant 9920 : i32
        %min3A_131 = arith.minsi %mul3A_129, %min3A_130 : i32
        %add3A_132 = arith.addi %mul3A_2, %min3A_131 : i32
        %add3A_133 = arith.constant 0 : i32
        %add3A_134 = arith.addi %add3A_133, %add3A_132 : i32
        %dma_start3A_135 = tpu.memref_slice %arg3[%add3A_134] : memref<320000xi32, #tpu.memory_space<hbm>> -> memref<80xi32, #tpu.memory_space<hbm>>
        %dma_start3A_136 = tpu.memref_slice %arg3[%add3A_134] : memref<320000xi32, #tpu.memory_space<hbm>> -> memref<80xi32, #tpu.memory_space<hbm>>
        tpu.enqueue_dma source(%dma_start3A_136 : memref<80xi32, #tpu.memory_space<hbm>>) target(%arg7 : memref<80xi32, #tpu.memory_space<vmem>>) target_semaphore(%arg11 : memref<!tpu.dma_semaphore, #tpu.memory_space<semaphore_mem>>)
      } else {
      }
    }
    %scan3A_25 = arith.constant 62 : i32
    %min3A_26 = arith.constant 9920 : i32
    %min3A_27 = arith.constant 9920 : i32
    %min3A_28 = arith.minsi %min3A_26, %min3A_27 : i32
    %add3A_29 = arith.addi %mul3A_2, %min3A_28 : i32
    %dma_wait3A = arith.constant 0 : i32
    %dma_wait3A_30 = tpu.memref_slice %arg3[%dma_wait3A] : memref<320000xi32, #tpu.memory_space<hbm>> -> memref<80xi32, #tpu.memory_space<hbm>>
    %dma_wait3A_31 = arith.constant 0 : i32
    %dma_wait3A_32 = tpu.memref_slice %arg3[%dma_wait3A_31] : memref<320000xi32, #tpu.memory_space<hbm>> -> memref<80xi32, #tpu.memory_space<hbm>>
    tpu.wait_dma2 semaphore(%arg10 : memref<!tpu.dma_semaphore, #tpu.memory_space<semaphore_mem>>) src(%dma_wait3A_32 : memref<80xi32, #tpu.memory_space<hbm>>) dst(%arg6 : memref<80xi32, #tpu.memory_space<vmem>>)
    %dma_wait3A_33 = arith.constant 0 : i32
    %dma_wait3A_34 = arith.constant 0 : i32
    %dma_wait3A_35 = tpu.memref_slice %arg4[%dma_wait3A_33, %dma_wait3A_34] : memref<320000x128xf32, #tpu.memory_space<hbm>> -> memref<80x128xf32, #tpu.memory_space<hbm>>
    %dma_wait3A_36 = arith.constant 0 : i32
    %dma_wait3A_37 = arith.constant 0 : i32
    %dma_wait3A_38 = tpu.memref_slice %arg4[%dma_wait3A_36, %dma_wait3A_37] : memref<320000x128xf32, #tpu.memory_space<hbm>> -> memref<80x128xf32, #tpu.memory_space<hbm>>
    tpu.wait_dma2 semaphore(%arg12 : memref<!tpu.dma_semaphore, #tpu.memory_space<semaphore_mem>>) src(%arg8 : memref<80x128xf32, #tpu.memory_space<vmem>>) dst(%dma_wait3A_38 : memref<80x128xf32, #tpu.memory_space<hbm>>)
    %dma_start3A_39 = arith.constant 0 : i32
    %dma_start3A_40 = arith.constant 0 : i32
    %dma_start3A_41 = tpu.memref_slice %arg5[%dma_start3A_39, %dma_start3A_40] : memref<10240x128xf32, #tpu.memory_space<vmem_shared>> -> memref<10240x128xf32, #tpu.memory_space<vmem_shared>>
    tpu.enqueue_indirect_dma source(%dma_start3A_41 : memref<10240x128xf32, #tpu.memory_space<vmem_shared>>) target(%arg8 : memref<80x128xf32, #tpu.memory_space<vmem>>) offsets(%arg6 : memref<80xi32, #tpu.memory_space<vmem>>) semaphore(%arg14 : memref<!tpu.dma_semaphore, #tpu.memory_space<semaphore_mem>>)
    %dma_wait3A_42 = arith.constant 0 : i32
    %dma_wait3A_43 = arith.constant 0 : i32
    %dma_wait3A_44 = tpu.memref_slice %arg5[%dma_wait3A_42, %dma_wait3A_43] : memref<10240x128xf32, #tpu.memory_space<vmem_shared>> -> memref<10240x128xf32, #tpu.memory_space<vmem_shared>>
    tpu.wait_indirect_dma semaphore(%arg14 : memref<!tpu.dma_semaphore, #tpu.memory_space<semaphore_mem>>) src(%dma_wait3A_44 : memref<10240x128xf32, #tpu.memory_space<vmem_shared>>) dst(%arg8 : memref<80x128xf32, #tpu.memory_space<vmem>>)
    %dma_start3A_45 = arith.constant 0 : i32
    %dma_start3A_46 = tpu.memref_slice %arg4[%add3A_29, %dma_start3A_45] : memref<320000x128xf32, #tpu.memory_space<hbm>> -> memref<80x128xf32, #tpu.memory_space<hbm>>
    %dma_start3A_47 = arith.constant 0 : i32
    %dma_start3A_48 = tpu.memref_slice %arg4[%add3A_29, %dma_start3A_47] : memref<320000x128xf32, #tpu.memory_space<hbm>> -> memref<80x128xf32, #tpu.memory_space<hbm>>
    tpu.enqueue_dma source(%arg8 : memref<80x128xf32, #tpu.memory_space<vmem>>) target(%dma_start3A_48 : memref<80x128xf32, #tpu.memory_space<hbm>>) target_semaphore(%arg12 : memref<!tpu.dma_semaphore, #tpu.memory_space<semaphore_mem>>)
    %dma_wait3A_49 = arith.constant 0 : i32
    %dma_wait3A_50 = arith.constant 0 : i32
    %dma_wait3A_51 = tpu.memref_slice %arg4[%dma_wait3A_49, %dma_wait3A_50] : memref<320000x128xf32, #tpu.memory_space<hbm>> -> memref<80x128xf32, #tpu.memory_space<hbm>>
    %dma_wait3A_52 = arith.constant 0 : i32
    %dma_wait3A_53 = arith.constant 0 : i32
    %dma_wait3A_54 = tpu.memref_slice %arg4[%dma_wait3A_52, %dma_wait3A_53] : memref<320000x128xf32, #tpu.memory_space<hbm>> -> memref<80x128xf32, #tpu.memory_space<hbm>>
    tpu.wait_dma2 semaphore(%arg13 : memref<!tpu.dma_semaphore, #tpu.memory_space<semaphore_mem>>) src(%arg9 : memref<80x128xf32, #tpu.memory_space<vmem>>) dst(%dma_wait3A_54 : memref<80x128xf32, #tpu.memory_space<hbm>>)
    %dma_wait3A_55 = arith.constant 0 : i32
    %dma_wait3A_56 = arith.constant 0 : i32
    %dma_wait3A_57 = tpu.memref_slice %arg4[%dma_wait3A_55, %dma_wait3A_56] : memref<320000x128xf32, #tpu.memory_space<hbm>> -> memref<80x128xf32, #tpu.memory_space<hbm>>
    %dma_wait3A_58 = arith.constant 0 : i32
    %dma_wait3A_59 = arith.constant 0 : i32
    %dma_wait3A_60 = tpu.memref_slice %arg4[%dma_wait3A_58, %dma_wait3A_59] : memref<320000x128xf32, #tpu.memory_space<hbm>> -> memref<80x128xf32, #tpu.memory_space<hbm>>
    tpu.wait_dma2 semaphore(%arg12 : memref<!tpu.dma_semaphore, #tpu.memory_space<semaphore_mem>>) src(%arg8 : memref<80x128xf32, #tpu.memory_space<vmem>>) dst(%dma_wait3A_60 : memref<80x128xf32, #tpu.memory_space<hbm>>)
    return
  }
}

#map = affine_map<(d0, d1) -> (0, 0)>
#map1 = affine_map<(d0, d1) -> (0)>
#map2 = affine_map<(d0, d1) -> (0, 0, 0)>
module attributes {stable_mosaic.version = 14 : i64} {
  func.func @body(%arg0: i32, %arg1: i32, %arg2: memref<320000x128xf32, #tpu.memory_space<hbm>>, %arg3: memref<320000xi32, #tpu.memory_space<hbm>>, %arg4: memref<10240x128xf32, #tpu.memory_space<hbm>>, %arg5: memref<2x10240x128xf32, #tpu.memory_space<hbm>>, %arg6: memref<10240x128xf32, #tpu.memory_space<vmem_shared>>, %arg7: memref<80xi32, #tpu.memory_space<vmem>>, %arg8: memref<80xi32, #tpu.memory_space<vmem>>, %arg9: memref<80x128xf32, #tpu.memory_space<vmem>>, %arg10: memref<80x128xf32, #tpu.memory_space<vmem>>, %arg11: memref<!tpu.dma_semaphore, #tpu.memory_space<semaphore_mem>>, %arg12: memref<!tpu.dma_semaphore, #tpu.memory_space<semaphore_mem>>, %arg13: memref<!tpu.dma_semaphore, #tpu.memory_space<semaphore_mem>>, %arg14: memref<!tpu.dma_semaphore, #tpu.memory_space<semaphore_mem>>) attributes {dimension_semantics = [#tpu.dimension_semantics<core_parallel>, #tpu.dimension_semantics<subcore_parallel>], iteration_bounds = array<i64: 2, 16>, scalar_prefetch = 0 : i64, scratch_operands = 9 : i64, tpu.core_type = #tpu.core_type<sc_vector_subcore>, window_params = [{transform_indices = #map}, {transform_indices = #map1}, {transform_indices = #map}, {transform_indices = #map2}]} {
    %mul3A = arith.constant 2 : i32
    %mul3A_0 = arith.muli %arg1, %mul3A : i32
    %add3A = arith.addi %mul3A_0, %arg0 : i32
    %mul3A_1 = arith.constant 10000 : i32
    %mul3A_2 = arith.muli %add3A, %mul3A_1 : i32
    %add3A_3 = arith.constant 0 : i32
    %add3A_4 = arith.addi %add3A_3, %mul3A_2 : i32
    %dma_start3A = tpu.memref_slice %arg3[%add3A_4] : memref<320000xi32, #tpu.memory_space<hbm>> -> memref<80xi32, #tpu.memory_space<hbm>>
    %dma_start3A_5 = tpu.memref_slice %arg3[%add3A_4] : memref<320000xi32, #tpu.memory_space<hbm>> -> memref<80xi32, #tpu.memory_space<hbm>>
    tpu.enqueue_dma source(%dma_start3A_5 : memref<80xi32, #tpu.memory_space<hbm>>) target(%arg7 : memref<80xi32, #tpu.memory_space<vmem>>) target_semaphore(%arg11 : memref<!tpu.dma_semaphore, #tpu.memory_space<semaphore_mem>>)
    %dma_start3A_6 = arith.constant 0 : i32
    %dma_start3A_7 = tpu.memref_slice %arg2[%mul3A_2, %dma_start3A_6] : memref<320000x128xf32, #tpu.memory_space<hbm>> -> memref<80x128xf32, #tpu.memory_space<hbm>>
    %dma_start3A_8 = arith.constant 0 : i32
    %dma_start3A_9 = tpu.memref_slice %arg2[%mul3A_2, %dma_start3A_8] : memref<320000x128xf32, #tpu.memory_space<hbm>> -> memref<80x128xf32, #tpu.memory_space<hbm>>
    tpu.enqueue_dma source(%dma_start3A_9 : memref<80x128xf32, #tpu.memory_space<hbm>>) target(%arg9 : memref<80x128xf32, #tpu.memory_space<vmem>>) target_semaphore(%arg13 : memref<!tpu.dma_semaphore, #tpu.memory_space<semaphore_mem>>)
    %add3A_10 = arith.constant 0 : i32
    %add3A_11 = arith.addi %add3A_10, %mul3A_2 : i32
    %add3A_12 = arith.constant 80 : i32
    %add3A_13 = arith.addi %add3A_11, %add3A_12 : i32
    %dma_start3A_14 = tpu.memref_slice %arg3[%add3A_13] : memref<320000xi32, #tpu.memory_space<hbm>> -> memref<80xi32, #tpu.memory_space<hbm>>
    %dma_start3A_15 = tpu.memref_slice %arg3[%add3A_13] : memref<320000xi32, #tpu.memory_space<hbm>> -> memref<80xi32, #tpu.memory_space<hbm>>
    tpu.enqueue_dma source(%dma_start3A_15 : memref<80xi32, #tpu.memory_space<hbm>>) target(%arg8 : memref<80xi32, #tpu.memory_space<vmem>>) target_semaphore(%arg12 : memref<!tpu.dma_semaphore, #tpu.memory_space<semaphore_mem>>)
    %add3A_16 = arith.constant 80 : i32
    %add3A_17 = arith.addi %mul3A_2, %add3A_16 : i32
    %dma_start3A_18 = arith.constant 0 : i32
    %dma_start3A_19 = tpu.memref_slice %arg2[%add3A_17, %dma_start3A_18] : memref<320000x128xf32, #tpu.memory_space<hbm>> -> memref<80x128xf32, #tpu.memory_space<hbm>>
    %dma_start3A_20 = arith.constant 0 : i32
    %dma_start3A_21 = tpu.memref_slice %arg2[%add3A_17, %dma_start3A_20] : memref<320000x128xf32, #tpu.memory_space<hbm>> -> memref<80x128xf32, #tpu.memory_space<hbm>>
    tpu.enqueue_dma source(%dma_start3A_21 : memref<80x128xf32, #tpu.memory_space<hbm>>) target(%arg10 : memref<80x128xf32, #tpu.memory_space<vmem>>) target_semaphore(%arg14 : memref<!tpu.dma_semaphore, #tpu.memory_space<semaphore_mem>>)
    %mul3A_22 = arith.constant 640 : i32
    %mul3A_23 = arith.muli %arg1, %mul3A_22 : i32
    %mul3A_24 = arith.constant 640 : i32
    %mul3A_25 = arith.muli %arg1, %mul3A_24 : i32
    "tpu.region"() ({
      %run_scoped3A = tpu.sem_alloc : memref<!tpu.dma_semaphore, #tpu.memory_space<semaphore_mem>>
      %dma_start3A_47 = arith.constant 0 : i32
      %dma_start3A_48 = tpu.memref_slice %arg6[%mul3A_25, %dma_start3A_47] : memref<10240x128xf32, #tpu.memory_space<vmem_shared>> -> memref<640x128xf32, #tpu.memory_space<vmem_shared>>
      %dma_start3A_49 = arith.constant 0 : i32
      %dma_start3A_50 = tpu.memref_slice %arg4[%mul3A_23, %dma_start3A_49] : memref<10240x128xf32, #tpu.memory_space<hbm>> -> memref<640x128xf32, #tpu.memory_space<hbm>>
      tpu.enqueue_dma source(%dma_start3A_50 : memref<640x128xf32, #tpu.memory_space<hbm>>) target(%dma_start3A_48 : memref<640x128xf32, #tpu.memory_space<vmem_shared>>) target_semaphore(%run_scoped3A : memref<!tpu.dma_semaphore, #tpu.memory_space<semaphore_mem>>)
      %dma_wait3A_51 = arith.constant 0 : i32
      %dma_wait3A_52 = tpu.memref_slice %arg6[%mul3A_25, %dma_wait3A_51] : memref<10240x128xf32, #tpu.memory_space<vmem_shared>> -> memref<640x128xf32, #tpu.memory_space<vmem_shared>>
      %dma_wait3A_53 = arith.constant 0 : i32
      %dma_wait3A_54 = tpu.memref_slice %arg4[%mul3A_23, %dma_wait3A_53] : memref<10240x128xf32, #tpu.memory_space<hbm>> -> memref<640x128xf32, #tpu.memory_space<hbm>>
      tpu.wait_dma2 semaphore(%run_scoped3A : memref<!tpu.dma_semaphore, #tpu.memory_space<semaphore_mem>>) src(%dma_wait3A_54 : memref<640x128xf32, #tpu.memory_space<hbm>>) dst(%dma_wait3A_52 : memref<640x128xf32, #tpu.memory_space<vmem_shared>>)
      tpu.yield
    }) : () -> ()
    %barrier3A = arith.constant 0 : index
    tpu.barrier barrier_id(%barrier3A)
    %scan3A = arith.constant 0 : i32
    %scan3A_26 = arith.constant 0 : i32
    %scan3A_27 = arith.constant 62 : i32
    %scan3A_28 = arith.addi %scan3A_26, %scan3A_27 : i32
    %scan3A_29 = arith.constant 1 : i32
    scf.for %scan3A_47 = %scan3A_26 to %scan3A_28 step %scan3A_29  : i32 {
      %mul3A_48 = arith.constant 2 : i32
      %mul3A_49 = arith.muli %mul3A_48, %scan3A_47 : i32
      %mul3A_50 = arith.constant 80 : i32
      %mul3A_51 = arith.muli %mul3A_49, %mul3A_50 : i32
      %add3A_52 = arith.addi %mul3A_2, %mul3A_51 : i32
      %dma_wait3A_53 = arith.constant 0 : i32
      %dma_wait3A_54 = tpu.memref_slice %arg3[%dma_wait3A_53] : memref<320000xi32, #tpu.memory_space<hbm>> -> memref<80xi32, #tpu.memory_space<hbm>>
      %dma_wait3A_55 = arith.constant 0 : i32
      %dma_wait3A_56 = tpu.memref_slice %arg3[%dma_wait3A_55] : memref<320000xi32, #tpu.memory_space<hbm>> -> memref<80xi32, #tpu.memory_space<hbm>>
      tpu.wait_dma2 semaphore(%arg11 : memref<!tpu.dma_semaphore, #tpu.memory_space<semaphore_mem>>) src(%dma_wait3A_56 : memref<80xi32, #tpu.memory_space<hbm>>) dst(%arg7 : memref<80xi32, #tpu.memory_space<vmem>>)
      %dma_wait3A_57 = arith.constant 0 : i32
      %dma_wait3A_58 = arith.constant 0 : i32
      %dma_wait3A_59 = tpu.memref_slice %arg2[%dma_wait3A_57, %dma_wait3A_58] : memref<320000x128xf32, #tpu.memory_space<hbm>> -> memref<80x128xf32, #tpu.memory_space<hbm>>
      %dma_wait3A_60 = arith.constant 0 : i32
      %dma_wait3A_61 = arith.constant 0 : i32
      %dma_wait3A_62 = tpu.memref_slice %arg2[%dma_wait3A_60, %dma_wait3A_61] : memref<320000x128xf32, #tpu.memory_space<hbm>> -> memref<80x128xf32, #tpu.memory_space<hbm>>
      tpu.wait_dma2 semaphore(%arg13 : memref<!tpu.dma_semaphore, #tpu.memory_space<semaphore_mem>>) src(%dma_wait3A_62 : memref<80x128xf32, #tpu.memory_space<hbm>>) dst(%arg9 : memref<80x128xf32, #tpu.memory_space<vmem>>)
      "tpu.region"() ({
        %run_scoped3A = tpu.sem_alloc : memref<!tpu.dma_semaphore, #tpu.memory_space<semaphore_mem>>
        %dma_start3A_91 = arith.constant 0 : i32
        %dma_start3A_92 = arith.constant 0 : i32
        %dma_start3A_93 = tpu.memref_slice %arg6[%dma_start3A_91, %dma_start3A_92] : memref<10240x128xf32, #tpu.memory_space<vmem_shared>> -> memref<10240x128xf32, #tpu.memory_space<vmem_shared>>
        tpu.enqueue_indirect_dma source(%arg9 : memref<80x128xf32, #tpu.memory_space<vmem>>) target(%dma_start3A_93 : memref<10240x128xf32, #tpu.memory_space<vmem_shared>>) offsets(%arg7 : memref<80xi32, #tpu.memory_space<vmem>>) semaphore(%run_scoped3A : memref<!tpu.dma_semaphore, #tpu.memory_space<semaphore_mem>>) {add = true}
        %dma_wait3A_94 = arith.constant 0 : i32
        %dma_wait3A_95 = arith.constant 0 : i32
        %dma_wait3A_96 = tpu.memref_slice %arg6[%dma_wait3A_94, %dma_wait3A_95] : memref<10240x128xf32, #tpu.memory_space<vmem_shared>> -> memref<10240x128xf32, #tpu.memory_space<vmem_shared>>
        tpu.wait_indirect_dma semaphore(%run_scoped3A : memref<!tpu.dma_semaphore, #tpu.memory_space<semaphore_mem>>) src(%arg9 : memref<80x128xf32, #tpu.memory_space<vmem>>) dst(%dma_wait3A_96 : memref<10240x128xf32, #tpu.memory_space<vmem_shared>>)
        tpu.yield
      }) : () -> ()
      %add3A_63 = arith.constant 2 : i32
      %add3A_64 = arith.addi %mul3A_49, %add3A_63 : i32
      %lt3A = arith.constant 125 : i32
      %lt3A_65 = arith.cmpi slt, %add3A_64, %lt3A : i32
      %convert_element_type3A = arith.extui %lt3A_65 : i1 to i32
      %cond3A = arith.constant 0 : i32
      %cond3A_66 = arith.cmpi ne, %convert_element_type3A, %cond3A : i32
      scf.if %cond3A_66 {
        %add3A_91 = arith.constant 0 : i32
        %add3A_92 = arith.addi %add3A_91, %add3A_52 : i32
        %add3A_93 = arith.constant 160 : i32
        %add3A_94 = arith.addi %add3A_92, %add3A_93 : i32
        %dma_start3A_95 = tpu.memref_slice %arg3[%add3A_94] : memref<320000xi32, #tpu.memory_space<hbm>> -> memref<80xi32, #tpu.memory_space<hbm>>
        %dma_start3A_96 = tpu.memref_slice %arg3[%add3A_94] : memref<320000xi32, #tpu.memory_space<hbm>> -> memref<80xi32, #tpu.memory_space<hbm>>
        tpu.enqueue_dma source(%dma_start3A_96 : memref<80xi32, #tpu.memory_space<hbm>>) target(%arg7 : memref<80xi32, #tpu.memory_space<vmem>>) target_semaphore(%arg11 : memref<!tpu.dma_semaphore, #tpu.memory_space<semaphore_mem>>)
        %add3A_97 = arith.constant 160 : i32
        %add3A_98 = arith.addi %add3A_52, %add3A_97 : i32
        %dma_start3A_99 = arith.constant 0 : i32
        %dma_start3A_100 = tpu.memref_slice %arg2[%add3A_98, %dma_start3A_99] : memref<320000x128xf32, #tpu.memory_space<hbm>> -> memref<80x128xf32, #tpu.memory_space<hbm>>
        %dma_start3A_101 = arith.constant 0 : i32
        %dma_start3A_102 = tpu.memref_slice %arg2[%add3A_98, %dma_start3A_101] : memref<320000x128xf32, #tpu.memory_space<hbm>> -> memref<80x128xf32, #tpu.memory_space<hbm>>
        tpu.enqueue_dma source(%dma_start3A_102 : memref<80x128xf32, #tpu.memory_space<hbm>>) target(%arg9 : memref<80x128xf32, #tpu.memory_space<vmem>>) target_semaphore(%arg13 : memref<!tpu.dma_semaphore, #tpu.memory_space<semaphore_mem>>)
      } else {
      }
      %mul3A_67 = arith.constant 2 : i32
      %mul3A_68 = arith.muli %mul3A_67, %scan3A_47 : i32
      %add3A_69 = arith.constant 1 : i32
      %add3A_70 = arith.addi %mul3A_68, %add3A_69 : i32
      %mul3A_71 = arith.constant 80 : i32
      %mul3A_72 = arith.muli %add3A_70, %mul3A_71 : i32
      %add3A_73 = arith.addi %mul3A_2, %mul3A_72 : i32
      %dma_wait3A_74 = arith.constant 0 : i32
      %dma_wait3A_75 = tpu.memref_slice %arg3[%dma_wait3A_74] : memref<320000xi32, #tpu.memory_space<hbm>> -> memref<80xi32, #tpu.memory_space<hbm>>
      %dma_wait3A_76 = arith.constant 0 : i32
      %dma_wait3A_77 = tpu.memref_slice %arg3[%dma_wait3A_76] : memref<320000xi32, #tpu.memory_space<hbm>> -> memref<80xi32, #tpu.memory_space<hbm>>
      tpu.wait_dma2 semaphore(%arg12 : memref<!tpu.dma_semaphore, #tpu.memory_space<semaphore_mem>>) src(%dma_wait3A_77 : memref<80xi32, #tpu.memory_space<hbm>>) dst(%arg8 : memref<80xi32, #tpu.memory_space<vmem>>)
      %dma_wait3A_78 = arith.constant 0 : i32
      %dma_wait3A_79 = arith.constant 0 : i32
      %dma_wait3A_80 = tpu.memref_slice %arg2[%dma_wait3A_78, %dma_wait3A_79] : memref<320000x128xf32, #tpu.memory_space<hbm>> -> memref<80x128xf32, #tpu.memory_space<hbm>>
      %dma_wait3A_81 = arith.constant 0 : i32
      %dma_wait3A_82 = arith.constant 0 : i32
      %dma_wait3A_83 = tpu.memref_slice %arg2[%dma_wait3A_81, %dma_wait3A_82] : memref<320000x128xf32, #tpu.memory_space<hbm>> -> memref<80x128xf32, #tpu.memory_space<hbm>>
      tpu.wait_dma2 semaphore(%arg14 : memref<!tpu.dma_semaphore, #tpu.memory_space<semaphore_mem>>) src(%dma_wait3A_83 : memref<80x128xf32, #tpu.memory_space<hbm>>) dst(%arg10 : memref<80x128xf32, #tpu.memory_space<vmem>>)
      "tpu.region"() ({
        %run_scoped3A = tpu.sem_alloc : memref<!tpu.dma_semaphore, #tpu.memory_space<semaphore_mem>>
        %dma_start3A_91 = arith.constant 0 : i32
        %dma_start3A_92 = arith.constant 0 : i32
        %dma_start3A_93 = tpu.memref_slice %arg6[%dma_start3A_91, %dma_start3A_92] : memref<10240x128xf32, #tpu.memory_space<vmem_shared>> -> memref<10240x128xf32, #tpu.memory_space<vmem_shared>>
        tpu.enqueue_indirect_dma source(%arg10 : memref<80x128xf32, #tpu.memory_space<vmem>>) target(%dma_start3A_93 : memref<10240x128xf32, #tpu.memory_space<vmem_shared>>) offsets(%arg8 : memref<80xi32, #tpu.memory_space<vmem>>) semaphore(%run_scoped3A : memref<!tpu.dma_semaphore, #tpu.memory_space<semaphore_mem>>) {add = true}
        %dma_wait3A_94 = arith.constant 0 : i32
        %dma_wait3A_95 = arith.constant 0 : i32
        %dma_wait3A_96 = tpu.memref_slice %arg6[%dma_wait3A_94, %dma_wait3A_95] : memref<10240x128xf32, #tpu.memory_space<vmem_shared>> -> memref<10240x128xf32, #tpu.memory_space<vmem_shared>>
        tpu.wait_indirect_dma semaphore(%run_scoped3A : memref<!tpu.dma_semaphore, #tpu.memory_space<semaphore_mem>>) src(%arg10 : memref<80x128xf32, #tpu.memory_space<vmem>>) dst(%dma_wait3A_96 : memref<10240x128xf32, #tpu.memory_space<vmem_shared>>)
        tpu.yield
      }) : () -> ()
      %add3A_84 = arith.constant 2 : i32
      %add3A_85 = arith.addi %add3A_70, %add3A_84 : i32
      %lt3A_86 = arith.constant 125 : i32
      %lt3A_87 = arith.cmpi slt, %add3A_85, %lt3A_86 : i32
      %convert_element_type3A_88 = arith.extui %lt3A_87 : i1 to i32
      %cond3A_89 = arith.constant 0 : i32
      %cond3A_90 = arith.cmpi ne, %convert_element_type3A_88, %cond3A_89 : i32
      scf.if %cond3A_90 {
        %add3A_91 = arith.constant 0 : i32
        %add3A_92 = arith.addi %add3A_91, %add3A_73 : i32
        %add3A_93 = arith.constant 160 : i32
        %add3A_94 = arith.addi %add3A_92, %add3A_93 : i32
        %dma_start3A_95 = tpu.memref_slice %arg3[%add3A_94] : memref<320000xi32, #tpu.memory_space<hbm>> -> memref<80xi32, #tpu.memory_space<hbm>>
        %dma_start3A_96 = tpu.memref_slice %arg3[%add3A_94] : memref<320000xi32, #tpu.memory_space<hbm>> -> memref<80xi32, #tpu.memory_space<hbm>>
        tpu.enqueue_dma source(%dma_start3A_96 : memref<80xi32, #tpu.memory_space<hbm>>) target(%arg8 : memref<80xi32, #tpu.memory_space<vmem>>) target_semaphore(%arg12 : memref<!tpu.dma_semaphore, #tpu.memory_space<semaphore_mem>>)
        %add3A_97 = arith.constant 160 : i32
        %add3A_98 = arith.addi %add3A_73, %add3A_97 : i32
        %dma_start3A_99 = arith.constant 0 : i32
        %dma_start3A_100 = tpu.memref_slice %arg2[%add3A_98, %dma_start3A_99] : memref<320000x128xf32, #tpu.memory_space<hbm>> -> memref<80x128xf32, #tpu.memory_space<hbm>>
        %dma_start3A_101 = arith.constant 0 : i32
        %dma_start3A_102 = tpu.memref_slice %arg2[%add3A_98, %dma_start3A_101] : memref<320000x128xf32, #tpu.memory_space<hbm>> -> memref<80x128xf32, #tpu.memory_space<hbm>>
        tpu.enqueue_dma source(%dma_start3A_102 : memref<80x128xf32, #tpu.memory_space<hbm>>) target(%arg10 : memref<80x128xf32, #tpu.memory_space<vmem>>) target_semaphore(%arg14 : memref<!tpu.dma_semaphore, #tpu.memory_space<semaphore_mem>>)
      } else {
      }
    }
    %scan3A_30 = arith.constant 62 : i32
    %add3A_31 = arith.constant 9920 : i32
    %add3A_32 = arith.addi %mul3A_2, %add3A_31 : i32
    %dma_wait3A = arith.constant 0 : i32
    %dma_wait3A_33 = tpu.memref_slice %arg3[%dma_wait3A] : memref<320000xi32, #tpu.memory_space<hbm>> -> memref<80xi32, #tpu.memory_space<hbm>>
    %dma_wait3A_34 = arith.constant 0 : i32
    %dma_wait3A_35 = tpu.memref_slice %arg3[%dma_wait3A_34] : memref<320000xi32, #tpu.memory_space<hbm>> -> memref<80xi32, #tpu.memory_space<hbm>>
    tpu.wait_dma2 semaphore(%arg11 : memref<!tpu.dma_semaphore, #tpu.memory_space<semaphore_mem>>) src(%dma_wait3A_35 : memref<80xi32, #tpu.memory_space<hbm>>) dst(%arg7 : memref<80xi32, #tpu.memory_space<vmem>>)
    %dma_wait3A_36 = arith.constant 0 : i32
    %dma_wait3A_37 = arith.constant 0 : i32
    %dma_wait3A_38 = tpu.memref_slice %arg2[%dma_wait3A_36, %dma_wait3A_37] : memref<320000x128xf32, #tpu.memory_space<hbm>> -> memref<80x128xf32, #tpu.memory_space<hbm>>
    %dma_wait3A_39 = arith.constant 0 : i32
    %dma_wait3A_40 = arith.constant 0 : i32
    %dma_wait3A_41 = tpu.memref_slice %arg2[%dma_wait3A_39, %dma_wait3A_40] : memref<320000x128xf32, #tpu.memory_space<hbm>> -> memref<80x128xf32, #tpu.memory_space<hbm>>
    tpu.wait_dma2 semaphore(%arg13 : memref<!tpu.dma_semaphore, #tpu.memory_space<semaphore_mem>>) src(%dma_wait3A_41 : memref<80x128xf32, #tpu.memory_space<hbm>>) dst(%arg9 : memref<80x128xf32, #tpu.memory_space<vmem>>)
    "tpu.region"() ({
      %run_scoped3A = tpu.sem_alloc : memref<!tpu.dma_semaphore, #tpu.memory_space<semaphore_mem>>
      %dma_start3A_47 = arith.constant 0 : i32
      %dma_start3A_48 = arith.constant 0 : i32
      %dma_start3A_49 = tpu.memref_slice %arg6[%dma_start3A_47, %dma_start3A_48] : memref<10240x128xf32, #tpu.memory_space<vmem_shared>> -> memref<10240x128xf32, #tpu.memory_space<vmem_shared>>
      tpu.enqueue_indirect_dma source(%arg9 : memref<80x128xf32, #tpu.memory_space<vmem>>) target(%dma_start3A_49 : memref<10240x128xf32, #tpu.memory_space<vmem_shared>>) offsets(%arg7 : memref<80xi32, #tpu.memory_space<vmem>>) semaphore(%run_scoped3A : memref<!tpu.dma_semaphore, #tpu.memory_space<semaphore_mem>>) {add = true}
      %dma_wait3A_50 = arith.constant 0 : i32
      %dma_wait3A_51 = arith.constant 0 : i32
      %dma_wait3A_52 = tpu.memref_slice %arg6[%dma_wait3A_50, %dma_wait3A_51] : memref<10240x128xf32, #tpu.memory_space<vmem_shared>> -> memref<10240x128xf32, #tpu.memory_space<vmem_shared>>
      tpu.wait_indirect_dma semaphore(%run_scoped3A : memref<!tpu.dma_semaphore, #tpu.memory_space<semaphore_mem>>) src(%arg9 : memref<80x128xf32, #tpu.memory_space<vmem>>) dst(%dma_wait3A_52 : memref<10240x128xf32, #tpu.memory_space<vmem_shared>>)
      tpu.yield
    }) : () -> ()
    %barrier3A_42 = arith.constant 0 : index
    tpu.barrier barrier_id(%barrier3A_42)
    %mul3A_43 = arith.constant 640 : i32
    %mul3A_44 = arith.muli %arg1, %mul3A_43 : i32
    %mul3A_45 = arith.constant 640 : i32
    %mul3A_46 = arith.muli %arg1, %mul3A_45 : i32
    "tpu.region"() ({
      %run_scoped3A = tpu.sem_alloc : memref<!tpu.dma_semaphore, #tpu.memory_space<semaphore_mem>>
      %dma_start3A_47 = arith.constant 0 : i32
      %dma_start3A_48 = tpu.memref_slice %arg5[%arg0, %mul3A_46, %dma_start3A_47] : memref<2x10240x128xf32, #tpu.memory_space<hbm>> -> memref<1x640x128xf32, #tpu.memory_space<hbm>>
      %dma_start3A_49 = tpu.memref_squeeze %dma_start3A_48 : memref<1x640x128xf32, #tpu.memory_space<hbm>> -> memref<640x128xf32, #tpu.memory_space<hbm>>
      %dma_start3A_50 = arith.constant 0 : i32
      %dma_start3A_51 = tpu.memref_slice %arg6[%mul3A_44, %dma_start3A_50] : memref<10240x128xf32, #tpu.memory_space<vmem_shared>> -> memref<640x128xf32, #tpu.memory_space<vmem_shared>>
      tpu.enqueue_dma source(%dma_start3A_51 : memref<640x128xf32, #tpu.memory_space<vmem_shared>>) target(%dma_start3A_49 : memref<640x128xf32, #tpu.memory_space<hbm>>) target_semaphore(%run_scoped3A : memref<!tpu.dma_semaphore, #tpu.memory_space<semaphore_mem>>)
      %dma_wait3A_52 = arith.constant 0 : i32
      %dma_wait3A_53 = tpu.memref_slice %arg5[%arg0, %mul3A_46, %dma_wait3A_52] : memref<2x10240x128xf32, #tpu.memory_space<hbm>> -> memref<1x640x128xf32, #tpu.memory_space<hbm>>
      %dma_wait3A_54 = tpu.memref_squeeze %dma_wait3A_53 : memref<1x640x128xf32, #tpu.memory_space<hbm>> -> memref<640x128xf32, #tpu.memory_space<hbm>>
      %dma_wait3A_55 = arith.constant 0 : i32
      %dma_wait3A_56 = tpu.memref_slice %arg6[%mul3A_44, %dma_wait3A_55] : memref<10240x128xf32, #tpu.memory_space<vmem_shared>> -> memref<640x128xf32, #tpu.memory_space<vmem_shared>>
      tpu.wait_dma2 semaphore(%run_scoped3A : memref<!tpu.dma_semaphore, #tpu.memory_space<semaphore_mem>>) src(%dma_wait3A_56 : memref<640x128xf32, #tpu.memory_space<vmem_shared>>) dst(%dma_wait3A_54 : memref<640x128xf32, #tpu.memory_space<hbm>>)
      tpu.yield
    }) : () -> ()
    return
  }
}

#map = affine_map<(d0, d1) -> (0, 0)>
#map1 = affine_map<(d0, d1) -> (0)>
module attributes {stable_mosaic.version = 14 : i64} {
  func.func @body(%arg0: i32, %arg1: i32, %arg2: memref<10240x128xf32, #tpu.memory_space<hbm>>, %arg3: memref<320000xi32, #tpu.memory_space<hbm>>, %arg4: memref<320000x128xf32, #tpu.memory_space<hbm>>, %arg5: memref<10240x128xf32, #tpu.memory_space<vmem_shared>>, %arg6: memref<80xi32, #tpu.memory_space<vmem>>, %arg7: memref<80xi32, #tpu.memory_space<vmem>>, %arg8: memref<80x128xf32, #tpu.memory_space<vmem>>, %arg9: memref<80x128xf32, #tpu.memory_space<vmem>>, %arg10: memref<!tpu.dma_semaphore, #tpu.memory_space<semaphore_mem>>, %arg11: memref<!tpu.dma_semaphore, #tpu.memory_space<semaphore_mem>>, %arg12: memref<!tpu.dma_semaphore, #tpu.memory_space<semaphore_mem>>, %arg13: memref<!tpu.dma_semaphore, #tpu.memory_space<semaphore_mem>>, %arg14: memref<!tpu.dma_semaphore, #tpu.memory_space<semaphore_mem>>) attributes {dimension_semantics = [#tpu.dimension_semantics<core_parallel>, #tpu.dimension_semantics<subcore_parallel>], iteration_bounds = array<i64: 2, 16>, scalar_prefetch = 0 : i64, scratch_operands = 10 : i64, tpu.core_type = #tpu.core_type<sc_vector_subcore>, window_params = [{transform_indices = #map}, {transform_indices = #map1}, {transform_indices = #map}]} {
    %mul3A = arith.constant 2 : i32
    %mul3A_0 = arith.muli %arg1, %mul3A : i32
    %add3A = arith.addi %mul3A_0, %arg0 : i32
    %mul3A_1 = arith.constant 10000 : i32
    %mul3A_2 = arith.muli %add3A, %mul3A_1 : i32
    %min3A = arith.constant 0 : i32
    %min3A_3 = arith.constant 9920 : i32
    %min3A_4 = arith.minsi %min3A, %min3A_3 : i32
    %add3A_5 = arith.addi %mul3A_2, %min3A_4 : i32
    %add3A_6 = arith.constant 0 : i32
    %add3A_7 = arith.addi %add3A_6, %add3A_5 : i32
    %dma_start3A = tpu.memref_slice %arg3[%add3A_7] : memref<320000xi32, #tpu.memory_space<hbm>> -> memref<80xi32, #tpu.memory_space<hbm>>
    %dma_start3A_8 = tpu.memref_slice %arg3[%add3A_7] : memref<320000xi32, #tpu.memory_space<hbm>> -> memref<80xi32, #tpu.memory_space<hbm>>
    tpu.enqueue_dma source(%dma_start3A_8 : memref<80xi32, #tpu.memory_space<hbm>>) target(%arg6 : memref<80xi32, #tpu.memory_space<vmem>>) target_semaphore(%arg10 : memref<!tpu.dma_semaphore, #tpu.memory_space<semaphore_mem>>)
    %min3A_9 = arith.constant 80 : i32
    %min3A_10 = arith.constant 9920 : i32
    %min3A_11 = arith.minsi %min3A_9, %min3A_10 : i32
    %add3A_12 = arith.addi %mul3A_2, %min3A_11 : i32
    %add3A_13 = arith.constant 0 : i32
    %add3A_14 = arith.addi %add3A_13, %add3A_12 : i32
    %dma_start3A_15 = tpu.memref_slice %arg3[%add3A_14] : memref<320000xi32, #tpu.memory_space<hbm>> -> memref<80xi32, #tpu.memory_space<hbm>>
    %dma_start3A_16 = tpu.memref_slice %arg3[%add3A_14] : memref<320000xi32, #tpu.memory_space<hbm>> -> memref<80xi32, #tpu.memory_space<hbm>>
    tpu.enqueue_dma source(%dma_start3A_16 : memref<80xi32, #tpu.memory_space<hbm>>) target(%arg7 : memref<80xi32, #tpu.memory_space<vmem>>) target_semaphore(%arg11 : memref<!tpu.dma_semaphore, #tpu.memory_space<semaphore_mem>>)
    %mul3A_17 = arith.constant 640 : i32
    %mul3A_18 = arith.muli %arg1, %mul3A_17 : i32
    %mul3A_19 = arith.constant 640 : i32
    %mul3A_20 = arith.muli %arg1, %mul3A_19 : i32
    "tpu.region"() ({
      %run_scoped3A = tpu.sem_alloc : memref<!tpu.dma_semaphore, #tpu.memory_space<semaphore_mem>>
      %dma_start3A_61 = arith.constant 0 : i32
      %dma_start3A_62 = tpu.memref_slice %arg5[%mul3A_20, %dma_start3A_61] : memref<10240x128xf32, #tpu.memory_space<vmem_shared>> -> memref<640x128xf32, #tpu.memory_space<vmem_shared>>
      %dma_start3A_63 = arith.constant 0 : i32
      %dma_start3A_64 = tpu.memref_slice %arg2[%mul3A_18, %dma_start3A_63] : memref<10240x128xf32, #tpu.memory_space<hbm>> -> memref<640x128xf32, #tpu.memory_space<hbm>>
      tpu.enqueue_dma source(%dma_start3A_64 : memref<640x128xf32, #tpu.memory_space<hbm>>) target(%dma_start3A_62 : memref<640x128xf32, #tpu.memory_space<vmem_shared>>) target_semaphore(%run_scoped3A : memref<!tpu.dma_semaphore, #tpu.memory_space<semaphore_mem>>)
      %dma_wait3A_65 = arith.constant 0 : i32
      %dma_wait3A_66 = tpu.memref_slice %arg5[%mul3A_20, %dma_wait3A_65] : memref<10240x128xf32, #tpu.memory_space<vmem_shared>> -> memref<640x128xf32, #tpu.memory_space<vmem_shared>>
      %dma_wait3A_67 = arith.constant 0 : i32
      %dma_wait3A_68 = tpu.memref_slice %arg2[%mul3A_18, %dma_wait3A_67] : memref<10240x128xf32, #tpu.memory_space<hbm>> -> memref<640x128xf32, #tpu.memory_space<hbm>>
      tpu.wait_dma2 semaphore(%run_scoped3A : memref<!tpu.dma_semaphore, #tpu.memory_space<semaphore_mem>>) src(%dma_wait3A_68 : memref<640x128xf32, #tpu.memory_space<hbm>>) dst(%dma_wait3A_66 : memref<640x128xf32, #tpu.memory_space<vmem_shared>>)
      tpu.yield
    }) : () -> ()
    %barrier3A = arith.constant 0 : index
    tpu.barrier barrier_id(%barrier3A)
    %scan3A = arith.constant 0 : i32
    %scan3A_21 = arith.constant 0 : i32
    %scan3A_22 = arith.constant 62 : i32
    %scan3A_23 = arith.addi %scan3A_21, %scan3A_22 : i32
    %scan3A_24 = arith.constant 1 : i32
    scf.for %scan3A_61 = %scan3A_21 to %scan3A_23 step %scan3A_24  : i32 {
      %mul3A_62 = arith.constant 2 : i32
      %mul3A_63 = arith.muli %mul3A_62, %scan3A_61 : i32
      %mul3A_64 = arith.constant 80 : i32
      %mul3A_65 = arith.muli %mul3A_63, %mul3A_64 : i32
      %min3A_66 = arith.constant 9920 : i32
      %min3A_67 = arith.minsi %mul3A_65, %min3A_66 : i32
      %add3A_68 = arith.addi %mul3A_2, %min3A_67 : i32
      %dma_wait3A_69 = arith.constant 0 : i32
      %dma_wait3A_70 = tpu.memref_slice %arg3[%dma_wait3A_69] : memref<320000xi32, #tpu.memory_space<hbm>> -> memref<80xi32, #tpu.memory_space<hbm>>
      %dma_wait3A_71 = arith.constant 0 : i32
      %dma_wait3A_72 = tpu.memref_slice %arg3[%dma_wait3A_71] : memref<320000xi32, #tpu.memory_space<hbm>> -> memref<80xi32, #tpu.memory_space<hbm>>
      tpu.wait_dma2 semaphore(%arg10 : memref<!tpu.dma_semaphore, #tpu.memory_space<semaphore_mem>>) src(%dma_wait3A_72 : memref<80xi32, #tpu.memory_space<hbm>>) dst(%arg6 : memref<80xi32, #tpu.memory_space<vmem>>)
      %ge3A = arith.constant 2 : i32
      %ge3A_73 = arith.cmpi sge, %mul3A_63, %ge3A : i32
      %convert_element_type3A = arith.extui %ge3A_73 : i1 to i32
      %cond3A = arith.constant 0 : i32
      %cond3A_74 = arith.cmpi ne, %convert_element_type3A, %cond3A : i32
      scf.if %cond3A_74 {
        %dma_wait3A_126 = arith.constant 0 : i32
        %dma_wait3A_127 = arith.constant 0 : i32
        %dma_wait3A_128 = tpu.memref_slice %arg4[%dma_wait3A_126, %dma_wait3A_127] : memref<320000x128xf32, #tpu.memory_space<hbm>> -> memref<80x128xf32, #tpu.memory_space<hbm>>
        %dma_wait3A_129 = arith.constant 0 : i32
        %dma_wait3A_130 = arith.constant 0 : i32
        %dma_wait3A_131 = tpu.memref_slice %arg4[%dma_wait3A_129, %dma_wait3A_130] : memref<320000x128xf32, #tpu.memory_space<hbm>> -> memref<80x128xf32, #tpu.memory_space<hbm>>
        tpu.wait_dma2 semaphore(%arg12 : memref<!tpu.dma_semaphore, #tpu.memory_space<semaphore_mem>>) src(%arg8 : memref<80x128xf32, #tpu.memory_space<vmem>>) dst(%dma_wait3A_131 : memref<80x128xf32, #tpu.memory_space<hbm>>)
      } else {
      }
      %dma_start3A_75 = arith.constant 0 : i32
      %dma_start3A_76 = arith.constant 0 : i32
      %dma_start3A_77 = tpu.memref_slice %arg5[%dma_start3A_75, %dma_start3A_76] : memref<10240x128xf32, #tpu.memory_space<vmem_shared>> -> memref<10240x128xf32, #tpu.memory_space<vmem_shared>>
      tpu.enqueue_indirect_dma source(%dma_start3A_77 : memref<10240x128xf32, #tpu.memory_space<vmem_shared>>) target(%arg8 : memref<80x128xf32, #tpu.memory_space<vmem>>) offsets(%arg6 : memref<80xi32, #tpu.memory_space<vmem>>) semaphore(%arg14 : memref<!tpu.dma_semaphore, #tpu.memory_space<semaphore_mem>>)
      %dma_wait3A_78 = arith.constant 0 : i32
      %dma_wait3A_79 = arith.constant 0 : i32
      %dma_wait3A_80 = tpu.memref_slice %arg5[%dma_wait3A_78, %dma_wait3A_79] : memref<10240x128xf32, #tpu.memory_space<vmem_shared>> -> memref<10240x128xf32, #tpu.memory_space<vmem_shared>>
      tpu.wait_indirect_dma semaphore(%arg14 : memref<!tpu.dma_semaphore, #tpu.memory_space<semaphore_mem>>) src(%dma_wait3A_80 : memref<10240x128xf32, #tpu.memory_space<vmem_shared>>) dst(%arg8 : memref<80x128xf32, #tpu.memory_space<vmem>>)
      %dma_start3A_81 = arith.constant 0 : i32
      %dma_start3A_82 = tpu.memref_slice %arg4[%add3A_68, %dma_start3A_81] : memref<320000x128xf32, #tpu.memory_space<hbm>> -> memref<80x128xf32, #tpu.memory_space<hbm>>
      %dma_start3A_83 = arith.constant 0 : i32
      %dma_start3A_84 = tpu.memref_slice %arg4[%add3A_68, %dma_start3A_83] : memref<320000x128xf32, #tpu.memory_space<hbm>> -> memref<80x128xf32, #tpu.memory_space<hbm>>
      tpu.enqueue_dma source(%arg8 : memref<80x128xf32, #tpu.memory_space<vmem>>) target(%dma_start3A_84 : memref<80x128xf32, #tpu.memory_space<hbm>>) target_semaphore(%arg12 : memref<!tpu.dma_semaphore, #tpu.memory_space<semaphore_mem>>)
      %add3A_85 = arith.constant 2 : i32
      %add3A_86 = arith.addi %mul3A_63, %add3A_85 : i32
      %lt3A = arith.constant 125 : i32
      %lt3A_87 = arith.cmpi slt, %add3A_86, %lt3A : i32
      %convert_element_type3A_88 = arith.extui %lt3A_87 : i1 to i32
      %cond3A_89 = arith.constant 0 : i32
      %cond3A_90 = arith.cmpi ne, %convert_element_type3A_88, %cond3A_89 : i32
      scf.if %cond3A_90 {
        %add3A_126 = arith.constant 2 : i32
        %add3A_127 = arith.addi %mul3A_63, %add3A_126 : i32
        %mul3A_128 = arith.constant 80 : i32
        %mul3A_129 = arith.muli %add3A_127, %mul3A_128 : i32
        %min3A_130 = arith.constant 9920 : i32
        %min3A_131 = arith.minsi %mul3A_129, %min3A_130 : i32
        %add3A_132 = arith.addi %mul3A_2, %min3A_131 : i32
        %add3A_133 = arith.constant 0 : i32
        %add3A_134 = arith.addi %add3A_133, %add3A_132 : i32
        %dma_start3A_135 = tpu.memref_slice %arg3[%add3A_134] : memref<320000xi32, #tpu.memory_space<hbm>> -> memref<80xi32, #tpu.memory_space<hbm>>
        %dma_start3A_136 = tpu.memref_slice %arg3[%add3A_134] : memref<320000xi32, #tpu.memory_space<hbm>> -> memref<80xi32, #tpu.memory_space<hbm>>
        tpu.enqueue_dma source(%dma_start3A_136 : memref<80xi32, #tpu.memory_space<hbm>>) target(%arg6 : memref<80xi32, #tpu.memory_space<vmem>>) target_semaphore(%arg10 : memref<!tpu.dma_semaphore, #tpu.memory_space<semaphore_mem>>)
      } else {
      }
      %mul3A_91 = arith.constant 2 : i32
      %mul3A_92 = arith.muli %mul3A_91, %scan3A_61 : i32
      %add3A_93 = arith.constant 1 : i32
      %add3A_94 = arith.addi %mul3A_92, %add3A_93 : i32
      %mul3A_95 = arith.constant 80 : i32
      %mul3A_96 = arith.muli %add3A_94, %mul3A_95 : i32
      %min3A_97 = arith.constant 9920 : i32
      %min3A_98 = arith.minsi %mul3A_96, %min3A_97 : i32
      %add3A_99 = arith.addi %mul3A_2, %min3A_98 : i32
      %dma_wait3A_100 = arith.constant 0 : i32
      %dma_wait3A_101 = tpu.memref_slice %arg3[%dma_wait3A_100] : memref<320000xi32, #tpu.memory_space<hbm>> -> memref<80xi32, #tpu.memory_space<hbm>>
      %dma_wait3A_102 = arith.constant 0 : i32
      %dma_wait3A_103 = tpu.memref_slice %arg3[%dma_wait3A_102] : memref<320000xi32, #tpu.memory_space<hbm>> -> memref<80xi32, #tpu.memory_space<hbm>>
      tpu.wait_dma2 semaphore(%arg11 : memref<!tpu.dma_semaphore, #tpu.memory_space<semaphore_mem>>) src(%dma_wait3A_103 : memref<80xi32, #tpu.memory_space<hbm>>) dst(%arg7 : memref<80xi32, #tpu.memory_space<vmem>>)
      %ge3A_104 = arith.constant 2 : i32
      %ge3A_105 = arith.cmpi sge, %add3A_94, %ge3A_104 : i32
      %convert_element_type3A_106 = arith.extui %ge3A_105 : i1 to i32
      %cond3A_107 = arith.constant 0 : i32
      %cond3A_108 = arith.cmpi ne, %convert_element_type3A_106, %cond3A_107 : i32
      scf.if %cond3A_108 {
        %dma_wait3A_126 = arith.constant 0 : i32
        %dma_wait3A_127 = arith.constant 0 : i32
        %dma_wait3A_128 = tpu.memref_slice %arg4[%dma_wait3A_126, %dma_wait3A_127] : memref<320000x128xf32, #tpu.memory_space<hbm>> -> memref<80x128xf32, #tpu.memory_space<hbm>>
        %dma_wait3A_129 = arith.constant 0 : i32
        %dma_wait3A_130 = arith.constant 0 : i32
        %dma_wait3A_131 = tpu.memref_slice %arg4[%dma_wait3A_129, %dma_wait3A_130] : memref<320000x128xf32, #tpu.memory_space<hbm>> -> memref<80x128xf32, #tpu.memory_space<hbm>>
        tpu.wait_dma2 semaphore(%arg13 : memref<!tpu.dma_semaphore, #tpu.memory_space<semaphore_mem>>) src(%arg9 : memref<80x128xf32, #tpu.memory_space<vmem>>) dst(%dma_wait3A_131 : memref<80x128xf32, #tpu.memory_space<hbm>>)
      } else {
      }
      %dma_start3A_109 = arith.constant 0 : i32
      %dma_start3A_110 = arith.constant 0 : i32
      %dma_start3A_111 = tpu.memref_slice %arg5[%dma_start3A_109, %dma_start3A_110] : memref<10240x128xf32, #tpu.memory_space<vmem_shared>> -> memref<10240x128xf32, #tpu.memory_space<vmem_shared>>
      tpu.enqueue_indirect_dma source(%dma_start3A_111 : memref<10240x128xf32, #tpu.memory_space<vmem_shared>>) target(%arg9 : memref<80x128xf32, #tpu.memory_space<vmem>>) offsets(%arg7 : memref<80xi32, #tpu.memory_space<vmem>>) semaphore(%arg14 : memref<!tpu.dma_semaphore, #tpu.memory_space<semaphore_mem>>)
      %dma_wait3A_112 = arith.constant 0 : i32
      %dma_wait3A_113 = arith.constant 0 : i32
      %dma_wait3A_114 = tpu.memref_slice %arg5[%dma_wait3A_112, %dma_wait3A_113] : memref<10240x128xf32, #tpu.memory_space<vmem_shared>> -> memref<10240x128xf32, #tpu.memory_space<vmem_shared>>
      tpu.wait_indirect_dma semaphore(%arg14 : memref<!tpu.dma_semaphore, #tpu.memory_space<semaphore_mem>>) src(%dma_wait3A_114 : memref<10240x128xf32, #tpu.memory_space<vmem_shared>>) dst(%arg9 : memref<80x128xf32, #tpu.memory_space<vmem>>)
      %dma_start3A_115 = arith.constant 0 : i32
      %dma_start3A_116 = tpu.memref_slice %arg4[%add3A_99, %dma_start3A_115] : memref<320000x128xf32, #tpu.memory_space<hbm>> -> memref<80x128xf32, #tpu.memory_space<hbm>>
      %dma_start3A_117 = arith.constant 0 : i32
      %dma_start3A_118 = tpu.memref_slice %arg4[%add3A_99, %dma_start3A_117] : memref<320000x128xf32, #tpu.memory_space<hbm>> -> memref<80x128xf32, #tpu.memory_space<hbm>>
      tpu.enqueue_dma source(%arg9 : memref<80x128xf32, #tpu.memory_space<vmem>>) target(%dma_start3A_118 : memref<80x128xf32, #tpu.memory_space<hbm>>) target_semaphore(%arg13 : memref<!tpu.dma_semaphore, #tpu.memory_space<semaphore_mem>>)
      %add3A_119 = arith.constant 2 : i32
      %add3A_120 = arith.addi %add3A_94, %add3A_119 : i32
      %lt3A_121 = arith.constant 125 : i32
      %lt3A_122 = arith.cmpi slt, %add3A_120, %lt3A_121 : i32
      %convert_element_type3A_123 = arith.extui %lt3A_122 : i1 to i32
      %cond3A_124 = arith.constant 0 : i32
      %cond3A_125 = arith.cmpi ne, %convert_element_type3A_123, %cond3A_124 : i32
      scf.if %cond3A_125 {
        %add3A_126 = arith.constant 2 : i32
        %add3A_127 = arith.addi %add3A_94, %add3A_126 : i32
        %mul3A_128 = arith.constant 80 : i32
        %mul3A_129 = arith.muli %add3A_127, %mul3A_128 : i32
        %min3A_130 = arith.constant 9920 : i32
        %min3A_131 = arith.minsi %mul3A_129, %min3A_130 : i32
        %add3A_132 = arith.addi %mul3A_2, %min3A_131 : i32
        %add3A_133 = arith.constant 0 : i32
        %add3A_134 = arith.addi %add3A_133, %add3A_132 : i32
        %dma_start3A_135 = tpu.memref_slice %arg3[%add3A_134] : memref<320000xi32, #tpu.memory_space<hbm>> -> memref<80xi32, #tpu.memory_space<hbm>>
        %dma_start3A_136 = tpu.memref_slice %arg3[%add3A_134] : memref<320000xi32, #tpu.memory_space<hbm>> -> memref<80xi32, #tpu.memory_space<hbm>>
        tpu.enqueue_dma source(%dma_start3A_136 : memref<80xi32, #tpu.memory_space<hbm>>) target(%arg7 : memref<80xi32, #tpu.memory_space<vmem>>) target_semaphore(%arg11 : memref<!tpu.dma_semaphore, #tpu.memory_space<semaphore_mem>>)
      } else {
      }
    }
    %scan3A_25 = arith.constant 62 : i32
    %min3A_26 = arith.constant 9920 : i32
    %min3A_27 = arith.constant 9920 : i32
    %min3A_28 = arith.minsi %min3A_26, %min3A_27 : i32
    %add3A_29 = arith.addi %mul3A_2, %min3A_28 : i32
    %dma_wait3A = arith.constant 0 : i32
    %dma_wait3A_30 = tpu.memref_slice %arg3[%dma_wait3A] : memref<320000xi32, #tpu.memory_space<hbm>> -> memref<80xi32, #tpu.memory_space<hbm>>
    %dma_wait3A_31 = arith.constant 0 : i32
    %dma_wait3A_32 = tpu.memref_slice %arg3[%dma_wait3A_31] : memref<320000xi32, #tpu.memory_space<hbm>> -> memref<80xi32, #tpu.memory_space<hbm>>
    tpu.wait_dma2 semaphore(%arg10 : memref<!tpu.dma_semaphore, #tpu.memory_space<semaphore_mem>>) src(%dma_wait3A_32 : memref<80xi32, #tpu.memory_space<hbm>>) dst(%arg6 : memref<80xi32, #tpu.memory_space<vmem>>)
    %dma_wait3A_33 = arith.constant 0 : i32
    %dma_wait3A_34 = arith.constant 0 : i32
    %dma_wait3A_35 = tpu.memref_slice %arg4[%dma_wait3A_33, %dma_wait3A_34] : memref<320000x128xf32, #tpu.memory_space<hbm>> -> memref<80x128xf32, #tpu.memory_space<hbm>>
    %dma_wait3A_36 = arith.constant 0 : i32
    %dma_wait3A_37 = arith.constant 0 : i32
    %dma_wait3A_38 = tpu.memref_slice %arg4[%dma_wait3A_36, %dma_wait3A_37] : memref<320000x128xf32, #tpu.memory_space<hbm>> -> memref<80x128xf32, #tpu.memory_space<hbm>>
    tpu.wait_dma2 semaphore(%arg12 : memref<!tpu.dma_semaphore, #tpu.memory_space<semaphore_mem>>) src(%arg8 : memref<80x128xf32, #tpu.memory_space<vmem>>) dst(%dma_wait3A_38 : memref<80x128xf32, #tpu.memory_space<hbm>>)
    %dma_start3A_39 = arith.constant 0 : i32
    %dma_start3A_40 = arith.constant 0 : i32
    %dma_start3A_41 = tpu.memref_slice %arg5[%dma_start3A_39, %dma_start3A_40] : memref<10240x128xf32, #tpu.memory_space<vmem_shared>> -> memref<10240x128xf32, #tpu.memory_space<vmem_shared>>
    tpu.enqueue_indirect_dma source(%dma_start3A_41 : memref<10240x128xf32, #tpu.memory_space<vmem_shared>>) target(%arg8 : memref<80x128xf32, #tpu.memory_space<vmem>>) offsets(%arg6 : memref<80xi32, #tpu.memory_space<vmem>>) semaphore(%arg14 : memref<!tpu.dma_semaphore, #tpu.memory_space<semaphore_mem>>)
    %dma_wait3A_42 = arith.constant 0 : i32
    %dma_wait3A_43 = arith.constant 0 : i32
    %dma_wait3A_44 = tpu.memref_slice %arg5[%dma_wait3A_42, %dma_wait3A_43] : memref<10240x128xf32, #tpu.memory_space<vmem_shared>> -> memref<10240x128xf32, #tpu.memory_space<vmem_shared>>
    tpu.wait_indirect_dma semaphore(%arg14 : memref<!tpu.dma_semaphore, #tpu.memory_space<semaphore_mem>>) src(%dma_wait3A_44 : memref<10240x128xf32, #tpu.memory_space<vmem_shared>>) dst(%arg8 : memref<80x128xf32, #tpu.memory_space<vmem>>)
    %dma_start3A_45 = arith.constant 0 : i32
    %dma_start3A_46 = tpu.memref_slice %arg4[%add3A_29, %dma_start3A_45] : memref<320000x128xf32, #tpu.memory_space<hbm>> -> memref<80x128xf32, #tpu.memory_space<hbm>>
    %dma_start3A_47 = arith.constant 0 : i32
    %dma_start3A_48 = tpu.memref_slice %arg4[%add3A_29, %dma_start3A_47] : memref<320000x128xf32, #tpu.memory_space<hbm>> -> memref<80x128xf32, #tpu.memory_space<hbm>>
    tpu.enqueue_dma source(%arg8 : memref<80x128xf32, #tpu.memory_space<vmem>>) target(%dma_start3A_48 : memref<80x128xf32, #tpu.memory_space<hbm>>) target_semaphore(%arg12 : memref<!tpu.dma_semaphore, #tpu.memory_space<semaphore_mem>>)
    %dma_wait3A_49 = arith.constant 0 : i32
    %dma_wait3A_50 = arith.constant 0 : i32
    %dma_wait3A_51 = tpu.memref_slice %arg4[%dma_wait3A_49, %dma_wait3A_50] : memref<320000x128xf32, #tpu.memory_space<hbm>> -> memref<80x128xf32, #tpu.memory_space<hbm>>
    %dma_wait3A_52 = arith.constant 0 : i32
    %dma_wait3A_53 = arith.constant 0 : i32
    %dma_wait3A_54 = tpu.memref_slice %arg4[%dma_wait3A_52, %dma_wait3A_53] : memref<320000x128xf32, #tpu.memory_space<hbm>> -> memref<80x128xf32, #tpu.memory_space<hbm>>
    tpu.wait_dma2 semaphore(%arg13 : memref<!tpu.dma_semaphore, #tpu.memory_space<semaphore_mem>>) src(%arg9 : memref<80x128xf32, #tpu.memory_space<vmem>>) dst(%dma_wait3A_54 : memref<80x128xf32, #tpu.memory_space<hbm>>)
    %dma_wait3A_55 = arith.constant 0 : i32
    %dma_wait3A_56 = arith.constant 0 : i32
    %dma_wait3A_57 = tpu.memref_slice %arg4[%dma_wait3A_55, %dma_wait3A_56] : memref<320000x128xf32, #tpu.memory_space<hbm>> -> memref<80x128xf32, #tpu.memory_space<hbm>>
    %dma_wait3A_58 = arith.constant 0 : i32
    %dma_wait3A_59 = arith.constant 0 : i32
    %dma_wait3A_60 = tpu.memref_slice %arg4[%dma_wait3A_58, %dma_wait3A_59] : memref<320000x128xf32, #tpu.memory_space<hbm>> -> memref<80x128xf32, #tpu.memory_space<hbm>>
    tpu.wait_dma2 semaphore(%arg12 : memref<!tpu.dma_semaphore, #tpu.memory_space<semaphore_mem>>) src(%arg8 : memref<80x128xf32, #tpu.memory_space<vmem>>) dst(%dma_wait3A_60 : memref<80x128xf32, #tpu.memory_space<hbm>>)
    return
  }
}

#map = affine_map<(d0, d1) -> (0, 0)>
#map1 = affine_map<(d0, d1) -> (0)>
#map2 = affine_map<(d0, d1) -> (0, 0, 0)>
module attributes {stable_mosaic.version = 14 : i64} {
  func.func @body(%arg0: i32, %arg1: i32, %arg2: memref<320000x128xf32, #tpu.memory_space<hbm>>, %arg3: memref<320000xi32, #tpu.memory_space<hbm>>, %arg4: memref<10240x128xf32, #tpu.memory_space<hbm>>, %arg5: memref<2x10240x128xf32, #tpu.memory_space<hbm>>, %arg6: memref<10240x128xf32, #tpu.memory_space<vmem_shared>>, %arg7: memref<80xi32, #tpu.memory_space<vmem>>, %arg8: memref<80xi32, #tpu.memory_space<vmem>>, %arg9: memref<80x128xf32, #tpu.memory_space<vmem>>, %arg10: memref<80x128xf32, #tpu.memory_space<vmem>>, %arg11: memref<!tpu.dma_semaphore, #tpu.memory_space<semaphore_mem>>, %arg12: memref<!tpu.dma_semaphore, #tpu.memory_space<semaphore_mem>>, %arg13: memref<!tpu.dma_semaphore, #tpu.memory_space<semaphore_mem>>, %arg14: memref<!tpu.dma_semaphore, #tpu.memory_space<semaphore_mem>>) attributes {dimension_semantics = [#tpu.dimension_semantics<core_parallel>, #tpu.dimension_semantics<subcore_parallel>], iteration_bounds = array<i64: 2, 16>, scalar_prefetch = 0 : i64, scratch_operands = 9 : i64, tpu.core_type = #tpu.core_type<sc_vector_subcore>, window_params = [{transform_indices = #map}, {transform_indices = #map1}, {transform_indices = #map}, {transform_indices = #map2}]} {
    %mul3A = arith.constant 2 : i32
    %mul3A_0 = arith.muli %arg1, %mul3A : i32
    %add3A = arith.addi %mul3A_0, %arg0 : i32
    %mul3A_1 = arith.constant 10000 : i32
    %mul3A_2 = arith.muli %add3A, %mul3A_1 : i32
    %add3A_3 = arith.constant 0 : i32
    %add3A_4 = arith.addi %add3A_3, %mul3A_2 : i32
    %dma_start3A = tpu.memref_slice %arg3[%add3A_4] : memref<320000xi32, #tpu.memory_space<hbm>> -> memref<80xi32, #tpu.memory_space<hbm>>
    %dma_start3A_5 = tpu.memref_slice %arg3[%add3A_4] : memref<320000xi32, #tpu.memory_space<hbm>> -> memref<80xi32, #tpu.memory_space<hbm>>
    tpu.enqueue_dma source(%dma_start3A_5 : memref<80xi32, #tpu.memory_space<hbm>>) target(%arg7 : memref<80xi32, #tpu.memory_space<vmem>>) target_semaphore(%arg11 : memref<!tpu.dma_semaphore, #tpu.memory_space<semaphore_mem>>)
    %dma_start3A_6 = arith.constant 0 : i32
    %dma_start3A_7 = tpu.memref_slice %arg2[%mul3A_2, %dma_start3A_6] : memref<320000x128xf32, #tpu.memory_space<hbm>> -> memref<80x128xf32, #tpu.memory_space<hbm>>
    %dma_start3A_8 = arith.constant 0 : i32
    %dma_start3A_9 = tpu.memref_slice %arg2[%mul3A_2, %dma_start3A_8] : memref<320000x128xf32, #tpu.memory_space<hbm>> -> memref<80x128xf32, #tpu.memory_space<hbm>>
    tpu.enqueue_dma source(%dma_start3A_9 : memref<80x128xf32, #tpu.memory_space<hbm>>) target(%arg9 : memref<80x128xf32, #tpu.memory_space<vmem>>) target_semaphore(%arg13 : memref<!tpu.dma_semaphore, #tpu.memory_space<semaphore_mem>>)
    %add3A_10 = arith.constant 0 : i32
    %add3A_11 = arith.addi %add3A_10, %mul3A_2 : i32
    %add3A_12 = arith.constant 80 : i32
    %add3A_13 = arith.addi %add3A_11, %add3A_12 : i32
    %dma_start3A_14 = tpu.memref_slice %arg3[%add3A_13] : memref<320000xi32, #tpu.memory_space<hbm>> -> memref<80xi32, #tpu.memory_space<hbm>>
    %dma_start3A_15 = tpu.memref_slice %arg3[%add3A_13] : memref<320000xi32, #tpu.memory_space<hbm>> -> memref<80xi32, #tpu.memory_space<hbm>>
    tpu.enqueue_dma source(%dma_start3A_15 : memref<80xi32, #tpu.memory_space<hbm>>) target(%arg8 : memref<80xi32, #tpu.memory_space<vmem>>) target_semaphore(%arg12 : memref<!tpu.dma_semaphore, #tpu.memory_space<semaphore_mem>>)
    %add3A_16 = arith.constant 80 : i32
    %add3A_17 = arith.addi %mul3A_2, %add3A_16 : i32
    %dma_start3A_18 = arith.constant 0 : i32
    %dma_start3A_19 = tpu.memref_slice %arg2[%add3A_17, %dma_start3A_18] : memref<320000x128xf32, #tpu.memory_space<hbm>> -> memref<80x128xf32, #tpu.memory_space<hbm>>
    %dma_start3A_20 = arith.constant 0 : i32
    %dma_start3A_21 = tpu.memref_slice %arg2[%add3A_17, %dma_start3A_20] : memref<320000x128xf32, #tpu.memory_space<hbm>> -> memref<80x128xf32, #tpu.memory_space<hbm>>
    tpu.enqueue_dma source(%dma_start3A_21 : memref<80x128xf32, #tpu.memory_space<hbm>>) target(%arg10 : memref<80x128xf32, #tpu.memory_space<vmem>>) target_semaphore(%arg14 : memref<!tpu.dma_semaphore, #tpu.memory_space<semaphore_mem>>)
    %mul3A_22 = arith.constant 640 : i32
    %mul3A_23 = arith.muli %arg1, %mul3A_22 : i32
    %mul3A_24 = arith.constant 640 : i32
    %mul3A_25 = arith.muli %arg1, %mul3A_24 : i32
    "tpu.region"() ({
      %run_scoped3A = tpu.sem_alloc : memref<!tpu.dma_semaphore, #tpu.memory_space<semaphore_mem>>
      %dma_start3A_47 = arith.constant 0 : i32
      %dma_start3A_48 = tpu.memref_slice %arg6[%mul3A_25, %dma_start3A_47] : memref<10240x128xf32, #tpu.memory_space<vmem_shared>> -> memref<640x128xf32, #tpu.memory_space<vmem_shared>>
      %dma_start3A_49 = arith.constant 0 : i32
      %dma_start3A_50 = tpu.memref_slice %arg4[%mul3A_23, %dma_start3A_49] : memref<10240x128xf32, #tpu.memory_space<hbm>> -> memref<640x128xf32, #tpu.memory_space<hbm>>
      tpu.enqueue_dma source(%dma_start3A_50 : memref<640x128xf32, #tpu.memory_space<hbm>>) target(%dma_start3A_48 : memref<640x128xf32, #tpu.memory_space<vmem_shared>>) target_semaphore(%run_scoped3A : memref<!tpu.dma_semaphore, #tpu.memory_space<semaphore_mem>>)
      %dma_wait3A_51 = arith.constant 0 : i32
      %dma_wait3A_52 = tpu.memref_slice %arg6[%mul3A_25, %dma_wait3A_51] : memref<10240x128xf32, #tpu.memory_space<vmem_shared>> -> memref<640x128xf32, #tpu.memory_space<vmem_shared>>
      %dma_wait3A_53 = arith.constant 0 : i32
      %dma_wait3A_54 = tpu.memref_slice %arg4[%mul3A_23, %dma_wait3A_53] : memref<10240x128xf32, #tpu.memory_space<hbm>> -> memref<640x128xf32, #tpu.memory_space<hbm>>
      tpu.wait_dma2 semaphore(%run_scoped3A : memref<!tpu.dma_semaphore, #tpu.memory_space<semaphore_mem>>) src(%dma_wait3A_54 : memref<640x128xf32, #tpu.memory_space<hbm>>) dst(%dma_wait3A_52 : memref<640x128xf32, #tpu.memory_space<vmem_shared>>)
      tpu.yield
    }) : () -> ()
    %barrier3A = arith.constant 0 : index
    tpu.barrier barrier_id(%barrier3A)
    %scan3A = arith.constant 0 : i32
    %scan3A_26 = arith.constant 0 : i32
    %scan3A_27 = arith.constant 62 : i32
    %scan3A_28 = arith.addi %scan3A_26, %scan3A_27 : i32
    %scan3A_29 = arith.constant 1 : i32
    scf.for %scan3A_47 = %scan3A_26 to %scan3A_28 step %scan3A_29  : i32 {
      %mul3A_48 = arith.constant 2 : i32
      %mul3A_49 = arith.muli %mul3A_48, %scan3A_47 : i32
      %mul3A_50 = arith.constant 80 : i32
      %mul3A_51 = arith.muli %mul3A_49, %mul3A_50 : i32
      %add3A_52 = arith.addi %mul3A_2, %mul3A_51 : i32
      %dma_wait3A_53 = arith.constant 0 : i32
      %dma_wait3A_54 = tpu.memref_slice %arg3[%dma_wait3A_53] : memref<320000xi32, #tpu.memory_space<hbm>> -> memref<80xi32, #tpu.memory_space<hbm>>
      %dma_wait3A_55 = arith.constant 0 : i32
      %dma_wait3A_56 = tpu.memref_slice %arg3[%dma_wait3A_55] : memref<320000xi32, #tpu.memory_space<hbm>> -> memref<80xi32, #tpu.memory_space<hbm>>
      tpu.wait_dma2 semaphore(%arg11 : memref<!tpu.dma_semaphore, #tpu.memory_space<semaphore_mem>>) src(%dma_wait3A_56 : memref<80xi32, #tpu.memory_space<hbm>>) dst(%arg7 : memref<80xi32, #tpu.memory_space<vmem>>)
      %dma_wait3A_57 = arith.constant 0 : i32
      %dma_wait3A_58 = arith.constant 0 : i32
      %dma_wait3A_59 = tpu.memref_slice %arg2[%dma_wait3A_57, %dma_wait3A_58] : memref<320000x128xf32, #tpu.memory_space<hbm>> -> memref<80x128xf32, #tpu.memory_space<hbm>>
      %dma_wait3A_60 = arith.constant 0 : i32
      %dma_wait3A_61 = arith.constant 0 : i32
      %dma_wait3A_62 = tpu.memref_slice %arg2[%dma_wait3A_60, %dma_wait3A_61] : memref<320000x128xf32, #tpu.memory_space<hbm>> -> memref<80x128xf32, #tpu.memory_space<hbm>>
      tpu.wait_dma2 semaphore(%arg13 : memref<!tpu.dma_semaphore, #tpu.memory_space<semaphore_mem>>) src(%dma_wait3A_62 : memref<80x128xf32, #tpu.memory_space<hbm>>) dst(%arg9 : memref<80x128xf32, #tpu.memory_space<vmem>>)
      "tpu.region"() ({
        %run_scoped3A = tpu.sem_alloc : memref<!tpu.dma_semaphore, #tpu.memory_space<semaphore_mem>>
        %dma_start3A_91 = arith.constant 0 : i32
        %dma_start3A_92 = arith.constant 0 : i32
        %dma_start3A_93 = tpu.memref_slice %arg6[%dma_start3A_91, %dma_start3A_92] : memref<10240x128xf32, #tpu.memory_space<vmem_shared>> -> memref<10240x128xf32, #tpu.memory_space<vmem_shared>>
        tpu.enqueue_indirect_dma source(%arg9 : memref<80x128xf32, #tpu.memory_space<vmem>>) target(%dma_start3A_93 : memref<10240x128xf32, #tpu.memory_space<vmem_shared>>) offsets(%arg7 : memref<80xi32, #tpu.memory_space<vmem>>) semaphore(%run_scoped3A : memref<!tpu.dma_semaphore, #tpu.memory_space<semaphore_mem>>) {add = true}
        %dma_wait3A_94 = arith.constant 0 : i32
        %dma_wait3A_95 = arith.constant 0 : i32
        %dma_wait3A_96 = tpu.memref_slice %arg6[%dma_wait3A_94, %dma_wait3A_95] : memref<10240x128xf32, #tpu.memory_space<vmem_shared>> -> memref<10240x128xf32, #tpu.memory_space<vmem_shared>>
        tpu.wait_indirect_dma semaphore(%run_scoped3A : memref<!tpu.dma_semaphore, #tpu.memory_space<semaphore_mem>>) src(%arg9 : memref<80x128xf32, #tpu.memory_space<vmem>>) dst(%dma_wait3A_96 : memref<10240x128xf32, #tpu.memory_space<vmem_shared>>)
        tpu.yield
      }) : () -> ()
      %add3A_63 = arith.constant 2 : i32
      %add3A_64 = arith.addi %mul3A_49, %add3A_63 : i32
      %lt3A = arith.constant 125 : i32
      %lt3A_65 = arith.cmpi slt, %add3A_64, %lt3A : i32
      %convert_element_type3A = arith.extui %lt3A_65 : i1 to i32
      %cond3A = arith.constant 0 : i32
      %cond3A_66 = arith.cmpi ne, %convert_element_type3A, %cond3A : i32
      scf.if %cond3A_66 {
        %add3A_91 = arith.constant 0 : i32
        %add3A_92 = arith.addi %add3A_91, %add3A_52 : i32
        %add3A_93 = arith.constant 160 : i32
        %add3A_94 = arith.addi %add3A_92, %add3A_93 : i32
        %dma_start3A_95 = tpu.memref_slice %arg3[%add3A_94] : memref<320000xi32, #tpu.memory_space<hbm>> -> memref<80xi32, #tpu.memory_space<hbm>>
        %dma_start3A_96 = tpu.memref_slice %arg3[%add3A_94] : memref<320000xi32, #tpu.memory_space<hbm>> -> memref<80xi32, #tpu.memory_space<hbm>>
        tpu.enqueue_dma source(%dma_start3A_96 : memref<80xi32, #tpu.memory_space<hbm>>) target(%arg7 : memref<80xi32, #tpu.memory_space<vmem>>) target_semaphore(%arg11 : memref<!tpu.dma_semaphore, #tpu.memory_space<semaphore_mem>>)
        %add3A_97 = arith.constant 160 : i32
        %add3A_98 = arith.addi %add3A_52, %add3A_97 : i32
        %dma_start3A_99 = arith.constant 0 : i32
        %dma_start3A_100 = tpu.memref_slice %arg2[%add3A_98, %dma_start3A_99] : memref<320000x128xf32, #tpu.memory_space<hbm>> -> memref<80x128xf32, #tpu.memory_space<hbm>>
        %dma_start3A_101 = arith.constant 0 : i32
        %dma_start3A_102 = tpu.memref_slice %arg2[%add3A_98, %dma_start3A_101] : memref<320000x128xf32, #tpu.memory_space<hbm>> -> memref<80x128xf32, #tpu.memory_space<hbm>>
        tpu.enqueue_dma source(%dma_start3A_102 : memref<80x128xf32, #tpu.memory_space<hbm>>) target(%arg9 : memref<80x128xf32, #tpu.memory_space<vmem>>) target_semaphore(%arg13 : memref<!tpu.dma_semaphore, #tpu.memory_space<semaphore_mem>>)
      } else {
      }
      %mul3A_67 = arith.constant 2 : i32
      %mul3A_68 = arith.muli %mul3A_67, %scan3A_47 : i32
      %add3A_69 = arith.constant 1 : i32
      %add3A_70 = arith.addi %mul3A_68, %add3A_69 : i32
      %mul3A_71 = arith.constant 80 : i32
      %mul3A_72 = arith.muli %add3A_70, %mul3A_71 : i32
      %add3A_73 = arith.addi %mul3A_2, %mul3A_72 : i32
      %dma_wait3A_74 = arith.constant 0 : i32
      %dma_wait3A_75 = tpu.memref_slice %arg3[%dma_wait3A_74] : memref<320000xi32, #tpu.memory_space<hbm>> -> memref<80xi32, #tpu.memory_space<hbm>>
      %dma_wait3A_76 = arith.constant 0 : i32
      %dma_wait3A_77 = tpu.memref_slice %arg3[%dma_wait3A_76] : memref<320000xi32, #tpu.memory_space<hbm>> -> memref<80xi32, #tpu.memory_space<hbm>>
      tpu.wait_dma2 semaphore(%arg12 : memref<!tpu.dma_semaphore, #tpu.memory_space<semaphore_mem>>) src(%dma_wait3A_77 : memref<80xi32, #tpu.memory_space<hbm>>) dst(%arg8 : memref<80xi32, #tpu.memory_space<vmem>>)
      %dma_wait3A_78 = arith.constant 0 : i32
      %dma_wait3A_79 = arith.constant 0 : i32
      %dma_wait3A_80 = tpu.memref_slice %arg2[%dma_wait3A_78, %dma_wait3A_79] : memref<320000x128xf32, #tpu.memory_space<hbm>> -> memref<80x128xf32, #tpu.memory_space<hbm>>
      %dma_wait3A_81 = arith.constant 0 : i32
      %dma_wait3A_82 = arith.constant 0 : i32
      %dma_wait3A_83 = tpu.memref_slice %arg2[%dma_wait3A_81, %dma_wait3A_82] : memref<320000x128xf32, #tpu.memory_space<hbm>> -> memref<80x128xf32, #tpu.memory_space<hbm>>
      tpu.wait_dma2 semaphore(%arg14 : memref<!tpu.dma_semaphore, #tpu.memory_space<semaphore_mem>>) src(%dma_wait3A_83 : memref<80x128xf32, #tpu.memory_space<hbm>>) dst(%arg10 : memref<80x128xf32, #tpu.memory_space<vmem>>)
      "tpu.region"() ({
        %run_scoped3A = tpu.sem_alloc : memref<!tpu.dma_semaphore, #tpu.memory_space<semaphore_mem>>
        %dma_start3A_91 = arith.constant 0 : i32
        %dma_start3A_92 = arith.constant 0 : i32
        %dma_start3A_93 = tpu.memref_slice %arg6[%dma_start3A_91, %dma_start3A_92] : memref<10240x128xf32, #tpu.memory_space<vmem_shared>> -> memref<10240x128xf32, #tpu.memory_space<vmem_shared>>
        tpu.enqueue_indirect_dma source(%arg10 : memref<80x128xf32, #tpu.memory_space<vmem>>) target(%dma_start3A_93 : memref<10240x128xf32, #tpu.memory_space<vmem_shared>>) offsets(%arg8 : memref<80xi32, #tpu.memory_space<vmem>>) semaphore(%run_scoped3A : memref<!tpu.dma_semaphore, #tpu.memory_space<semaphore_mem>>) {add = true}
        %dma_wait3A_94 = arith.constant 0 : i32
        %dma_wait3A_95 = arith.constant 0 : i32
        %dma_wait3A_96 = tpu.memref_slice %arg6[%dma_wait3A_94, %dma_wait3A_95] : memref<10240x128xf32, #tpu.memory_space<vmem_shared>> -> memref<10240x128xf32, #tpu.memory_space<vmem_shared>>
        tpu.wait_indirect_dma semaphore(%run_scoped3A : memref<!tpu.dma_semaphore, #tpu.memory_space<semaphore_mem>>) src(%arg10 : memref<80x128xf32, #tpu.memory_space<vmem>>) dst(%dma_wait3A_96 : memref<10240x128xf32, #tpu.memory_space<vmem_shared>>)
        tpu.yield
      }) : () -> ()
      %add3A_84 = arith.constant 2 : i32
      %add3A_85 = arith.addi %add3A_70, %add3A_84 : i32
      %lt3A_86 = arith.constant 125 : i32
      %lt3A_87 = arith.cmpi slt, %add3A_85, %lt3A_86 : i32
      %convert_element_type3A_88 = arith.extui %lt3A_87 : i1 to i32
      %cond3A_89 = arith.constant 0 : i32
      %cond3A_90 = arith.cmpi ne, %convert_element_type3A_88, %cond3A_89 : i32
      scf.if %cond3A_90 {
        %add3A_91 = arith.constant 0 : i32
        %add3A_92 = arith.addi %add3A_91, %add3A_73 : i32
        %add3A_93 = arith.constant 160 : i32
        %add3A_94 = arith.addi %add3A_92, %add3A_93 : i32
        %dma_start3A_95 = tpu.memref_slice %arg3[%add3A_94] : memref<320000xi32, #tpu.memory_space<hbm>> -> memref<80xi32, #tpu.memory_space<hbm>>
        %dma_start3A_96 = tpu.memref_slice %arg3[%add3A_94] : memref<320000xi32, #tpu.memory_space<hbm>> -> memref<80xi32, #tpu.memory_space<hbm>>
        tpu.enqueue_dma source(%dma_start3A_96 : memref<80xi32, #tpu.memory_space<hbm>>) target(%arg8 : memref<80xi32, #tpu.memory_space<vmem>>) target_semaphore(%arg12 : memref<!tpu.dma_semaphore, #tpu.memory_space<semaphore_mem>>)
        %add3A_97 = arith.constant 160 : i32
        %add3A_98 = arith.addi %add3A_73, %add3A_97 : i32
        %dma_start3A_99 = arith.constant 0 : i32
        %dma_start3A_100 = tpu.memref_slice %arg2[%add3A_98, %dma_start3A_99] : memref<320000x128xf32, #tpu.memory_space<hbm>> -> memref<80x128xf32, #tpu.memory_space<hbm>>
        %dma_start3A_101 = arith.constant 0 : i32
        %dma_start3A_102 = tpu.memref_slice %arg2[%add3A_98, %dma_start3A_101] : memref<320000x128xf32, #tpu.memory_space<hbm>> -> memref<80x128xf32, #tpu.memory_space<hbm>>
        tpu.enqueue_dma source(%dma_start3A_102 : memref<80x128xf32, #tpu.memory_space<hbm>>) target(%arg10 : memref<80x128xf32, #tpu.memory_space<vmem>>) target_semaphore(%arg14 : memref<!tpu.dma_semaphore, #tpu.memory_space<semaphore_mem>>)
      } else {
      }
    }
    %scan3A_30 = arith.constant 62 : i32
    %add3A_31 = arith.constant 9920 : i32
    %add3A_32 = arith.addi %mul3A_2, %add3A_31 : i32
    %dma_wait3A = arith.constant 0 : i32
    %dma_wait3A_33 = tpu.memref_slice %arg3[%dma_wait3A] : memref<320000xi32, #tpu.memory_space<hbm>> -> memref<80xi32, #tpu.memory_space<hbm>>
    %dma_wait3A_34 = arith.constant 0 : i32
    %dma_wait3A_35 = tpu.memref_slice %arg3[%dma_wait3A_34] : memref<320000xi32, #tpu.memory_space<hbm>> -> memref<80xi32, #tpu.memory_space<hbm>>
    tpu.wait_dma2 semaphore(%arg11 : memref<!tpu.dma_semaphore, #tpu.memory_space<semaphore_mem>>) src(%dma_wait3A_35 : memref<80xi32, #tpu.memory_space<hbm>>) dst(%arg7 : memref<80xi32, #tpu.memory_space<vmem>>)
    %dma_wait3A_36 = arith.constant 0 : i32
    %dma_wait3A_37 = arith.constant 0 : i32
    %dma_wait3A_38 = tpu.memref_slice %arg2[%dma_wait3A_36, %dma_wait3A_37] : memref<320000x128xf32, #tpu.memory_space<hbm>> -> memref<80x128xf32, #tpu.memory_space<hbm>>
    %dma_wait3A_39 = arith.constant 0 : i32
    %dma_wait3A_40 = arith.constant 0 : i32
    %dma_wait3A_41 = tpu.memref_slice %arg2[%dma_wait3A_39, %dma_wait3A_40] : memref<320000x128xf32, #tpu.memory_space<hbm>> -> memref<80x128xf32, #tpu.memory_space<hbm>>
    tpu.wait_dma2 semaphore(%arg13 : memref<!tpu.dma_semaphore, #tpu.memory_space<semaphore_mem>>) src(%dma_wait3A_41 : memref<80x128xf32, #tpu.memory_space<hbm>>) dst(%arg9 : memref<80x128xf32, #tpu.memory_space<vmem>>)
    "tpu.region"() ({
      %run_scoped3A = tpu.sem_alloc : memref<!tpu.dma_semaphore, #tpu.memory_space<semaphore_mem>>
      %dma_start3A_47 = arith.constant 0 : i32
      %dma_start3A_48 = arith.constant 0 : i32
      %dma_start3A_49 = tpu.memref_slice %arg6[%dma_start3A_47, %dma_start3A_48] : memref<10240x128xf32, #tpu.memory_space<vmem_shared>> -> memref<10240x128xf32, #tpu.memory_space<vmem_shared>>
      tpu.enqueue_indirect_dma source(%arg9 : memref<80x128xf32, #tpu.memory_space<vmem>>) target(%dma_start3A_49 : memref<10240x128xf32, #tpu.memory_space<vmem_shared>>) offsets(%arg7 : memref<80xi32, #tpu.memory_space<vmem>>) semaphore(%run_scoped3A : memref<!tpu.dma_semaphore, #tpu.memory_space<semaphore_mem>>) {add = true}
      %dma_wait3A_50 = arith.constant 0 : i32
      %dma_wait3A_51 = arith.constant 0 : i32
      %dma_wait3A_52 = tpu.memref_slice %arg6[%dma_wait3A_50, %dma_wait3A_51] : memref<10240x128xf32, #tpu.memory_space<vmem_shared>> -> memref<10240x128xf32, #tpu.memory_space<vmem_shared>>
      tpu.wait_indirect_dma semaphore(%run_scoped3A : memref<!tpu.dma_semaphore, #tpu.memory_space<semaphore_mem>>) src(%arg9 : memref<80x128xf32, #tpu.memory_space<vmem>>) dst(%dma_wait3A_52 : memref<10240x128xf32, #tpu.memory_space<vmem_shared>>)
      tpu.yield
    }) : () -> ()
    %barrier3A_42 = arith.constant 0 : index
    tpu.barrier barrier_id(%barrier3A_42)
    %mul3A_43 = arith.constant 640 : i32
    %mul3A_44 = arith.muli %arg1, %mul3A_43 : i32
    %mul3A_45 = arith.constant 640 : i32
    %mul3A_46 = arith.muli %arg1, %mul3A_45 : i32
    "tpu.region"() ({
      %run_scoped3A = tpu.sem_alloc : memref<!tpu.dma_semaphore, #tpu.memory_space<semaphore_mem>>
      %dma_start3A_47 = arith.constant 0 : i32
      %dma_start3A_48 = tpu.memref_slice %arg5[%arg0, %mul3A_46, %dma_start3A_47] : memref<2x10240x128xf32, #tpu.memory_space<hbm>> -> memref<1x640x128xf32, #tpu.memory_space<hbm>>
      %dma_start3A_49 = tpu.memref_squeeze %dma_start3A_48 : memref<1x640x128xf32, #tpu.memory_space<hbm>> -> memref<640x128xf32, #tpu.memory_space<hbm>>
      %dma_start3A_50 = arith.constant 0 : i32
      %dma_start3A_51 = tpu.memref_slice %arg6[%mul3A_44, %dma_start3A_50] : memref<10240x128xf32, #tpu.memory_space<vmem_shared>> -> memref<640x128xf32, #tpu.memory_space<vmem_shared>>
      tpu.enqueue_dma source(%dma_start3A_51 : memref<640x128xf32, #tpu.memory_space<vmem_shared>>) target(%dma_start3A_49 : memref<640x128xf32, #tpu.memory_space<hbm>>) target_semaphore(%run_scoped3A : memref<!tpu.dma_semaphore, #tpu.memory_space<semaphore_mem>>)
      %dma_wait3A_52 = arith.constant 0 : i32
      %dma_wait3A_53 = tpu.memref_slice %arg5[%arg0, %mul3A_46, %dma_wait3A_52] : memref<2x10240x128xf32, #tpu.memory_space<hbm>> -> memref<1x640x128xf32, #tpu.memory_space<hbm>>
      %dma_wait3A_54 = tpu.memref_squeeze %dma_wait3A_53 : memref<1x640x128xf32, #tpu.memory_space<hbm>> -> memref<640x128xf32, #tpu.memory_space<hbm>>
      %dma_wait3A_55 = arith.constant 0 : i32
      %dma_wait3A_56 = tpu.memref_slice %arg6[%mul3A_44, %dma_wait3A_55] : memref<10240x128xf32, #tpu.memory_space<vmem_shared>> -> memref<640x128xf32, #tpu.memory_space<vmem_shared>>
      tpu.wait_dma2 semaphore(%run_scoped3A : memref<!tpu.dma_semaphore, #tpu.memory_space<semaphore_mem>>) src(%dma_wait3A_56 : memref<640x128xf32, #tpu.memory_space<vmem_shared>>) dst(%dma_wait3A_54 : memref<640x128xf32, #tpu.memory_space<hbm>>)
      tpu.yield
    }) : () -> ()
    return
  }
}

#map = affine_map<(d0, d1) -> (0, 0)>
#map1 = affine_map<(d0, d1) -> (0)>
module attributes {stable_mosaic.version = 14 : i64} {
  func.func @body(%arg0: i32, %arg1: i32, %arg2: memref<10240x128xf32, #tpu.memory_space<hbm>>, %arg3: memref<320000xi32, #tpu.memory_space<hbm>>, %arg4: memref<320000x128xf32, #tpu.memory_space<hbm>>, %arg5: memref<10240x128xf32, #tpu.memory_space<vmem_shared>>, %arg6: memref<80xi32, #tpu.memory_space<vmem>>, %arg7: memref<80xi32, #tpu.memory_space<vmem>>, %arg8: memref<80x128xf32, #tpu.memory_space<vmem>>, %arg9: memref<80x128xf32, #tpu.memory_space<vmem>>, %arg10: memref<!tpu.dma_semaphore, #tpu.memory_space<semaphore_mem>>, %arg11: memref<!tpu.dma_semaphore, #tpu.memory_space<semaphore_mem>>, %arg12: memref<!tpu.dma_semaphore, #tpu.memory_space<semaphore_mem>>, %arg13: memref<!tpu.dma_semaphore, #tpu.memory_space<semaphore_mem>>, %arg14: memref<!tpu.dma_semaphore, #tpu.memory_space<semaphore_mem>>) attributes {dimension_semantics = [#tpu.dimension_semantics<core_parallel>, #tpu.dimension_semantics<subcore_parallel>], iteration_bounds = array<i64: 2, 16>, scalar_prefetch = 0 : i64, scratch_operands = 10 : i64, tpu.core_type = #tpu.core_type<sc_vector_subcore>, window_params = [{transform_indices = #map}, {transform_indices = #map1}, {transform_indices = #map}]} {
    %mul3A = arith.constant 2 : i32
    %mul3A_0 = arith.muli %arg1, %mul3A : i32
    %add3A = arith.addi %mul3A_0, %arg0 : i32
    %mul3A_1 = arith.constant 10000 : i32
    %mul3A_2 = arith.muli %add3A, %mul3A_1 : i32
    %min3A = arith.constant 0 : i32
    %min3A_3 = arith.constant 9920 : i32
    %min3A_4 = arith.minsi %min3A, %min3A_3 : i32
    %add3A_5 = arith.addi %mul3A_2, %min3A_4 : i32
    %add3A_6 = arith.constant 0 : i32
    %add3A_7 = arith.addi %add3A_6, %add3A_5 : i32
    %dma_start3A = tpu.memref_slice %arg3[%add3A_7] : memref<320000xi32, #tpu.memory_space<hbm>> -> memref<80xi32, #tpu.memory_space<hbm>>
    %dma_start3A_8 = tpu.memref_slice %arg3[%add3A_7] : memref<320000xi32, #tpu.memory_space<hbm>> -> memref<80xi32, #tpu.memory_space<hbm>>
    tpu.enqueue_dma source(%dma_start3A_8 : memref<80xi32, #tpu.memory_space<hbm>>) target(%arg6 : memref<80xi32, #tpu.memory_space<vmem>>) target_semaphore(%arg10 : memref<!tpu.dma_semaphore, #tpu.memory_space<semaphore_mem>>)
    %min3A_9 = arith.constant 80 : i32
    %min3A_10 = arith.constant 9920 : i32
    %min3A_11 = arith.minsi %min3A_9, %min3A_10 : i32
    %add3A_12 = arith.addi %mul3A_2, %min3A_11 : i32
    %add3A_13 = arith.constant 0 : i32
    %add3A_14 = arith.addi %add3A_13, %add3A_12 : i32
    %dma_start3A_15 = tpu.memref_slice %arg3[%add3A_14] : memref<320000xi32, #tpu.memory_space<hbm>> -> memref<80xi32, #tpu.memory_space<hbm>>
    %dma_start3A_16 = tpu.memref_slice %arg3[%add3A_14] : memref<320000xi32, #tpu.memory_space<hbm>> -> memref<80xi32, #tpu.memory_space<hbm>>
    tpu.enqueue_dma source(%dma_start3A_16 : memref<80xi32, #tpu.memory_space<hbm>>) target(%arg7 : memref<80xi32, #tpu.memory_space<vmem>>) target_semaphore(%arg11 : memref<!tpu.dma_semaphore, #tpu.memory_space<semaphore_mem>>)
    %mul3A_17 = arith.constant 640 : i32
    %mul3A_18 = arith.muli %arg1, %mul3A_17 : i32
    %mul3A_19 = arith.constant 640 : i32
    %mul3A_20 = arith.muli %arg1, %mul3A_19 : i32
    "tpu.region"() ({
      %run_scoped3A = tpu.sem_alloc : memref<!tpu.dma_semaphore, #tpu.memory_space<semaphore_mem>>
      %dma_start3A_61 = arith.constant 0 : i32
      %dma_start3A_62 = tpu.memref_slice %arg5[%mul3A_20, %dma_start3A_61] : memref<10240x128xf32, #tpu.memory_space<vmem_shared>> -> memref<640x128xf32, #tpu.memory_space<vmem_shared>>
      %dma_start3A_63 = arith.constant 0 : i32
      %dma_start3A_64 = tpu.memref_slice %arg2[%mul3A_18, %dma_start3A_63] : memref<10240x128xf32, #tpu.memory_space<hbm>> -> memref<640x128xf32, #tpu.memory_space<hbm>>
      tpu.enqueue_dma source(%dma_start3A_64 : memref<640x128xf32, #tpu.memory_space<hbm>>) target(%dma_start3A_62 : memref<640x128xf32, #tpu.memory_space<vmem_shared>>) target_semaphore(%run_scoped3A : memref<!tpu.dma_semaphore, #tpu.memory_space<semaphore_mem>>)
      %dma_wait3A_65 = arith.constant 0 : i32
      %dma_wait3A_66 = tpu.memref_slice %arg5[%mul3A_20, %dma_wait3A_65] : memref<10240x128xf32, #tpu.memory_space<vmem_shared>> -> memref<640x128xf32, #tpu.memory_space<vmem_shared>>
      %dma_wait3A_67 = arith.constant 0 : i32
      %dma_wait3A_68 = tpu.memref_slice %arg2[%mul3A_18, %dma_wait3A_67] : memref<10240x128xf32, #tpu.memory_space<hbm>> -> memref<640x128xf32, #tpu.memory_space<hbm>>
      tpu.wait_dma2 semaphore(%run_scoped3A : memref<!tpu.dma_semaphore, #tpu.memory_space<semaphore_mem>>) src(%dma_wait3A_68 : memref<640x128xf32, #tpu.memory_space<hbm>>) dst(%dma_wait3A_66 : memref<640x128xf32, #tpu.memory_space<vmem_shared>>)
      tpu.yield
    }) : () -> ()
    %barrier3A = arith.constant 0 : index
    tpu.barrier barrier_id(%barrier3A)
    %scan3A = arith.constant 0 : i32
    %scan3A_21 = arith.constant 0 : i32
    %scan3A_22 = arith.constant 62 : i32
    %scan3A_23 = arith.addi %scan3A_21, %scan3A_22 : i32
    %scan3A_24 = arith.constant 1 : i32
    scf.for %scan3A_61 = %scan3A_21 to %scan3A_23 step %scan3A_24  : i32 {
      %mul3A_62 = arith.constant 2 : i32
      %mul3A_63 = arith.muli %mul3A_62, %scan3A_61 : i32
      %mul3A_64 = arith.constant 80 : i32
      %mul3A_65 = arith.muli %mul3A_63, %mul3A_64 : i32
      %min3A_66 = arith.constant 9920 : i32
      %min3A_67 = arith.minsi %mul3A_65, %min3A_66 : i32
      %add3A_68 = arith.addi %mul3A_2, %min3A_67 : i32
      %dma_wait3A_69 = arith.constant 0 : i32
      %dma_wait3A_70 = tpu.memref_slice %arg3[%dma_wait3A_69] : memref<320000xi32, #tpu.memory_space<hbm>> -> memref<80xi32, #tpu.memory_space<hbm>>
      %dma_wait3A_71 = arith.constant 0 : i32
      %dma_wait3A_72 = tpu.memref_slice %arg3[%dma_wait3A_71] : memref<320000xi32, #tpu.memory_space<hbm>> -> memref<80xi32, #tpu.memory_space<hbm>>
      tpu.wait_dma2 semaphore(%arg10 : memref<!tpu.dma_semaphore, #tpu.memory_space<semaphore_mem>>) src(%dma_wait3A_72 : memref<80xi32, #tpu.memory_space<hbm>>) dst(%arg6 : memref<80xi32, #tpu.memory_space<vmem>>)
      %ge3A = arith.constant 2 : i32
      %ge3A_73 = arith.cmpi sge, %mul3A_63, %ge3A : i32
      %convert_element_type3A = arith.extui %ge3A_73 : i1 to i32
      %cond3A = arith.constant 0 : i32
      %cond3A_74 = arith.cmpi ne, %convert_element_type3A, %cond3A : i32
      scf.if %cond3A_74 {
        %dma_wait3A_126 = arith.constant 0 : i32
        %dma_wait3A_127 = arith.constant 0 : i32
        %dma_wait3A_128 = tpu.memref_slice %arg4[%dma_wait3A_126, %dma_wait3A_127] : memref<320000x128xf32, #tpu.memory_space<hbm>> -> memref<80x128xf32, #tpu.memory_space<hbm>>
        %dma_wait3A_129 = arith.constant 0 : i32
        %dma_wait3A_130 = arith.constant 0 : i32
        %dma_wait3A_131 = tpu.memref_slice %arg4[%dma_wait3A_129, %dma_wait3A_130] : memref<320000x128xf32, #tpu.memory_space<hbm>> -> memref<80x128xf32, #tpu.memory_space<hbm>>
        tpu.wait_dma2 semaphore(%arg12 : memref<!tpu.dma_semaphore, #tpu.memory_space<semaphore_mem>>) src(%arg8 : memref<80x128xf32, #tpu.memory_space<vmem>>) dst(%dma_wait3A_131 : memref<80x128xf32, #tpu.memory_space<hbm>>)
      } else {
      }
      %dma_start3A_75 = arith.constant 0 : i32
      %dma_start3A_76 = arith.constant 0 : i32
      %dma_start3A_77 = tpu.memref_slice %arg5[%dma_start3A_75, %dma_start3A_76] : memref<10240x128xf32, #tpu.memory_space<vmem_shared>> -> memref<10240x128xf32, #tpu.memory_space<vmem_shared>>
      tpu.enqueue_indirect_dma source(%dma_start3A_77 : memref<10240x128xf32, #tpu.memory_space<vmem_shared>>) target(%arg8 : memref<80x128xf32, #tpu.memory_space<vmem>>) offsets(%arg6 : memref<80xi32, #tpu.memory_space<vmem>>) semaphore(%arg14 : memref<!tpu.dma_semaphore, #tpu.memory_space<semaphore_mem>>)
      %dma_wait3A_78 = arith.constant 0 : i32
      %dma_wait3A_79 = arith.constant 0 : i32
      %dma_wait3A_80 = tpu.memref_slice %arg5[%dma_wait3A_78, %dma_wait3A_79] : memref<10240x128xf32, #tpu.memory_space<vmem_shared>> -> memref<10240x128xf32, #tpu.memory_space<vmem_shared>>
      tpu.wait_indirect_dma semaphore(%arg14 : memref<!tpu.dma_semaphore, #tpu.memory_space<semaphore_mem>>) src(%dma_wait3A_80 : memref<10240x128xf32, #tpu.memory_space<vmem_shared>>) dst(%arg8 : memref<80x128xf32, #tpu.memory_space<vmem>>)
      %dma_start3A_81 = arith.constant 0 : i32
      %dma_start3A_82 = tpu.memref_slice %arg4[%add3A_68, %dma_start3A_81] : memref<320000x128xf32, #tpu.memory_space<hbm>> -> memref<80x128xf32, #tpu.memory_space<hbm>>
      %dma_start3A_83 = arith.constant 0 : i32
      %dma_start3A_84 = tpu.memref_slice %arg4[%add3A_68, %dma_start3A_83] : memref<320000x128xf32, #tpu.memory_space<hbm>> -> memref<80x128xf32, #tpu.memory_space<hbm>>
      tpu.enqueue_dma source(%arg8 : memref<80x128xf32, #tpu.memory_space<vmem>>) target(%dma_start3A_84 : memref<80x128xf32, #tpu.memory_space<hbm>>) target_semaphore(%arg12 : memref<!tpu.dma_semaphore, #tpu.memory_space<semaphore_mem>>)
      %add3A_85 = arith.constant 2 : i32
      %add3A_86 = arith.addi %mul3A_63, %add3A_85 : i32
      %lt3A = arith.constant 125 : i32
      %lt3A_87 = arith.cmpi slt, %add3A_86, %lt3A : i32
      %convert_element_type3A_88 = arith.extui %lt3A_87 : i1 to i32
      %cond3A_89 = arith.constant 0 : i32
      %cond3A_90 = arith.cmpi ne, %convert_element_type3A_88, %cond3A_89 : i32
      scf.if %cond3A_90 {
        %add3A_126 = arith.constant 2 : i32
        %add3A_127 = arith.addi %mul3A_63, %add3A_126 : i32
        %mul3A_128 = arith.constant 80 : i32
        %mul3A_129 = arith.muli %add3A_127, %mul3A_128 : i32
        %min3A_130 = arith.constant 9920 : i32
        %min3A_131 = arith.minsi %mul3A_129, %min3A_130 : i32
        %add3A_132 = arith.addi %mul3A_2, %min3A_131 : i32
        %add3A_133 = arith.constant 0 : i32
        %add3A_134 = arith.addi %add3A_133, %add3A_132 : i32
        %dma_start3A_135 = tpu.memref_slice %arg3[%add3A_134] : memref<320000xi32, #tpu.memory_space<hbm>> -> memref<80xi32, #tpu.memory_space<hbm>>
        %dma_start3A_136 = tpu.memref_slice %arg3[%add3A_134] : memref<320000xi32, #tpu.memory_space<hbm>> -> memref<80xi32, #tpu.memory_space<hbm>>
        tpu.enqueue_dma source(%dma_start3A_136 : memref<80xi32, #tpu.memory_space<hbm>>) target(%arg6 : memref<80xi32, #tpu.memory_space<vmem>>) target_semaphore(%arg10 : memref<!tpu.dma_semaphore, #tpu.memory_space<semaphore_mem>>)
      } else {
      }
      %mul3A_91 = arith.constant 2 : i32
      %mul3A_92 = arith.muli %mul3A_91, %scan3A_61 : i32
      %add3A_93 = arith.constant 1 : i32
      %add3A_94 = arith.addi %mul3A_92, %add3A_93 : i32
      %mul3A_95 = arith.constant 80 : i32
      %mul3A_96 = arith.muli %add3A_94, %mul3A_95 : i32
      %min3A_97 = arith.constant 9920 : i32
      %min3A_98 = arith.minsi %mul3A_96, %min3A_97 : i32
      %add3A_99 = arith.addi %mul3A_2, %min3A_98 : i32
      %dma_wait3A_100 = arith.constant 0 : i32
      %dma_wait3A_101 = tpu.memref_slice %arg3[%dma_wait3A_100] : memref<320000xi32, #tpu.memory_space<hbm>> -> memref<80xi32, #tpu.memory_space<hbm>>
      %dma_wait3A_102 = arith.constant 0 : i32
      %dma_wait3A_103 = tpu.memref_slice %arg3[%dma_wait3A_102] : memref<320000xi32, #tpu.memory_space<hbm>> -> memref<80xi32, #tpu.memory_space<hbm>>
      tpu.wait_dma2 semaphore(%arg11 : memref<!tpu.dma_semaphore, #tpu.memory_space<semaphore_mem>>) src(%dma_wait3A_103 : memref<80xi32, #tpu.memory_space<hbm>>) dst(%arg7 : memref<80xi32, #tpu.memory_space<vmem>>)
      %ge3A_104 = arith.constant 2 : i32
      %ge3A_105 = arith.cmpi sge, %add3A_94, %ge3A_104 : i32
      %convert_element_type3A_106 = arith.extui %ge3A_105 : i1 to i32
      %cond3A_107 = arith.constant 0 : i32
      %cond3A_108 = arith.cmpi ne, %convert_element_type3A_106, %cond3A_107 : i32
      scf.if %cond3A_108 {
        %dma_wait3A_126 = arith.constant 0 : i32
        %dma_wait3A_127 = arith.constant 0 : i32
        %dma_wait3A_128 = tpu.memref_slice %arg4[%dma_wait3A_126, %dma_wait3A_127] : memref<320000x128xf32, #tpu.memory_space<hbm>> -> memref<80x128xf32, #tpu.memory_space<hbm>>
        %dma_wait3A_129 = arith.constant 0 : i32
        %dma_wait3A_130 = arith.constant 0 : i32
        %dma_wait3A_131 = tpu.memref_slice %arg4[%dma_wait3A_129, %dma_wait3A_130] : memref<320000x128xf32, #tpu.memory_space<hbm>> -> memref<80x128xf32, #tpu.memory_space<hbm>>
        tpu.wait_dma2 semaphore(%arg13 : memref<!tpu.dma_semaphore, #tpu.memory_space<semaphore_mem>>) src(%arg9 : memref<80x128xf32, #tpu.memory_space<vmem>>) dst(%dma_wait3A_131 : memref<80x128xf32, #tpu.memory_space<hbm>>)
      } else {
      }
      %dma_start3A_109 = arith.constant 0 : i32
      %dma_start3A_110 = arith.constant 0 : i32
      %dma_start3A_111 = tpu.memref_slice %arg5[%dma_start3A_109, %dma_start3A_110] : memref<10240x128xf32, #tpu.memory_space<vmem_shared>> -> memref<10240x128xf32, #tpu.memory_space<vmem_shared>>
      tpu.enqueue_indirect_dma source(%dma_start3A_111 : memref<10240x128xf32, #tpu.memory_space<vmem_shared>>) target(%arg9 : memref<80x128xf32, #tpu.memory_space<vmem>>) offsets(%arg7 : memref<80xi32, #tpu.memory_space<vmem>>) semaphore(%arg14 : memref<!tpu.dma_semaphore, #tpu.memory_space<semaphore_mem>>)
      %dma_wait3A_112 = arith.constant 0 : i32
      %dma_wait3A_113 = arith.constant 0 : i32
      %dma_wait3A_114 = tpu.memref_slice %arg5[%dma_wait3A_112, %dma_wait3A_113] : memref<10240x128xf32, #tpu.memory_space<vmem_shared>> -> memref<10240x128xf32, #tpu.memory_space<vmem_shared>>
      tpu.wait_indirect_dma semaphore(%arg14 : memref<!tpu.dma_semaphore, #tpu.memory_space<semaphore_mem>>) src(%dma_wait3A_114 : memref<10240x128xf32, #tpu.memory_space<vmem_shared>>) dst(%arg9 : memref<80x128xf32, #tpu.memory_space<vmem>>)
      %dma_start3A_115 = arith.constant 0 : i32
      %dma_start3A_116 = tpu.memref_slice %arg4[%add3A_99, %dma_start3A_115] : memref<320000x128xf32, #tpu.memory_space<hbm>> -> memref<80x128xf32, #tpu.memory_space<hbm>>
      %dma_start3A_117 = arith.constant 0 : i32
      %dma_start3A_118 = tpu.memref_slice %arg4[%add3A_99, %dma_start3A_117] : memref<320000x128xf32, #tpu.memory_space<hbm>> -> memref<80x128xf32, #tpu.memory_space<hbm>>
      tpu.enqueue_dma source(%arg9 : memref<80x128xf32, #tpu.memory_space<vmem>>) target(%dma_start3A_118 : memref<80x128xf32, #tpu.memory_space<hbm>>) target_semaphore(%arg13 : memref<!tpu.dma_semaphore, #tpu.memory_space<semaphore_mem>>)
      %add3A_119 = arith.constant 2 : i32
      %add3A_120 = arith.addi %add3A_94, %add3A_119 : i32
      %lt3A_121 = arith.constant 125 : i32
      %lt3A_122 = arith.cmpi slt, %add3A_120, %lt3A_121 : i32
      %convert_element_type3A_123 = arith.extui %lt3A_122 : i1 to i32
      %cond3A_124 = arith.constant 0 : i32
      %cond3A_125 = arith.cmpi ne, %convert_element_type3A_123, %cond3A_124 : i32
      scf.if %cond3A_125 {
        %add3A_126 = arith.constant 2 : i32
        %add3A_127 = arith.addi %add3A_94, %add3A_126 : i32
        %mul3A_128 = arith.constant 80 : i32
        %mul3A_129 = arith.muli %add3A_127, %mul3A_128 : i32
        %min3A_130 = arith.constant 9920 : i32
        %min3A_131 = arith.minsi %mul3A_129, %min3A_130 : i32
        %add3A_132 = arith.addi %mul3A_2, %min3A_131 : i32
        %add3A_133 = arith.constant 0 : i32
        %add3A_134 = arith.addi %add3A_133, %add3A_132 : i32
        %dma_start3A_135 = tpu.memref_slice %arg3[%add3A_134] : memref<320000xi32, #tpu.memory_space<hbm>> -> memref<80xi32, #tpu.memory_space<hbm>>
        %dma_start3A_136 = tpu.memref_slice %arg3[%add3A_134] : memref<320000xi32, #tpu.memory_space<hbm>> -> memref<80xi32, #tpu.memory_space<hbm>>
        tpu.enqueue_dma source(%dma_start3A_136 : memref<80xi32, #tpu.memory_space<hbm>>) target(%arg7 : memref<80xi32, #tpu.memory_space<vmem>>) target_semaphore(%arg11 : memref<!tpu.dma_semaphore, #tpu.memory_space<semaphore_mem>>)
      } else {
      }
    }
    %scan3A_25 = arith.constant 62 : i32
    %min3A_26 = arith.constant 9920 : i32
    %min3A_27 = arith.constant 9920 : i32
    %min3A_28 = arith.minsi %min3A_26, %min3A_27 : i32
    %add3A_29 = arith.addi %mul3A_2, %min3A_28 : i32
    %dma_wait3A = arith.constant 0 : i32
    %dma_wait3A_30 = tpu.memref_slice %arg3[%dma_wait3A] : memref<320000xi32, #tpu.memory_space<hbm>> -> memref<80xi32, #tpu.memory_space<hbm>>
    %dma_wait3A_31 = arith.constant 0 : i32
    %dma_wait3A_32 = tpu.memref_slice %arg3[%dma_wait3A_31] : memref<320000xi32, #tpu.memory_space<hbm>> -> memref<80xi32, #tpu.memory_space<hbm>>
    tpu.wait_dma2 semaphore(%arg10 : memref<!tpu.dma_semaphore, #tpu.memory_space<semaphore_mem>>) src(%dma_wait3A_32 : memref<80xi32, #tpu.memory_space<hbm>>) dst(%arg6 : memref<80xi32, #tpu.memory_space<vmem>>)
    %dma_wait3A_33 = arith.constant 0 : i32
    %dma_wait3A_34 = arith.constant 0 : i32
    %dma_wait3A_35 = tpu.memref_slice %arg4[%dma_wait3A_33, %dma_wait3A_34] : memref<320000x128xf32, #tpu.memory_space<hbm>> -> memref<80x128xf32, #tpu.memory_space<hbm>>
    %dma_wait3A_36 = arith.constant 0 : i32
    %dma_wait3A_37 = arith.constant 0 : i32
    %dma_wait3A_38 = tpu.memref_slice %arg4[%dma_wait3A_36, %dma_wait3A_37] : memref<320000x128xf32, #tpu.memory_space<hbm>> -> memref<80x128xf32, #tpu.memory_space<hbm>>
    tpu.wait_dma2 semaphore(%arg12 : memref<!tpu.dma_semaphore, #tpu.memory_space<semaphore_mem>>) src(%arg8 : memref<80x128xf32, #tpu.memory_space<vmem>>) dst(%dma_wait3A_38 : memref<80x128xf32, #tpu.memory_space<hbm>>)
    %dma_start3A_39 = arith.constant 0 : i32
    %dma_start3A_40 = arith.constant 0 : i32
    %dma_start3A_41 = tpu.memref_slice %arg5[%dma_start3A_39, %dma_start3A_40] : memref<10240x128xf32, #tpu.memory_space<vmem_shared>> -> memref<10240x128xf32, #tpu.memory_space<vmem_shared>>
    tpu.enqueue_indirect_dma source(%dma_start3A_41 : memref<10240x128xf32, #tpu.memory_space<vmem_shared>>) target(%arg8 : memref<80x128xf32, #tpu.memory_space<vmem>>) offsets(%arg6 : memref<80xi32, #tpu.memory_space<vmem>>) semaphore(%arg14 : memref<!tpu.dma_semaphore, #tpu.memory_space<semaphore_mem>>)
    %dma_wait3A_42 = arith.constant 0 : i32
    %dma_wait3A_43 = arith.constant 0 : i32
    %dma_wait3A_44 = tpu.memref_slice %arg5[%dma_wait3A_42, %dma_wait3A_43] : memref<10240x128xf32, #tpu.memory_space<vmem_shared>> -> memref<10240x128xf32, #tpu.memory_space<vmem_shared>>
    tpu.wait_indirect_dma semaphore(%arg14 : memref<!tpu.dma_semaphore, #tpu.memory_space<semaphore_mem>>) src(%dma_wait3A_44 : memref<10240x128xf32, #tpu.memory_space<vmem_shared>>) dst(%arg8 : memref<80x128xf32, #tpu.memory_space<vmem>>)
    %dma_start3A_45 = arith.constant 0 : i32
    %dma_start3A_46 = tpu.memref_slice %arg4[%add3A_29, %dma_start3A_45] : memref<320000x128xf32, #tpu.memory_space<hbm>> -> memref<80x128xf32, #tpu.memory_space<hbm>>
    %dma_start3A_47 = arith.constant 0 : i32
    %dma_start3A_48 = tpu.memref_slice %arg4[%add3A_29, %dma_start3A_47] : memref<320000x128xf32, #tpu.memory_space<hbm>> -> memref<80x128xf32, #tpu.memory_space<hbm>>
    tpu.enqueue_dma source(%arg8 : memref<80x128xf32, #tpu.memory_space<vmem>>) target(%dma_start3A_48 : memref<80x128xf32, #tpu.memory_space<hbm>>) target_semaphore(%arg12 : memref<!tpu.dma_semaphore, #tpu.memory_space<semaphore_mem>>)
    %dma_wait3A_49 = arith.constant 0 : i32
    %dma_wait3A_50 = arith.constant 0 : i32
    %dma_wait3A_51 = tpu.memref_slice %arg4[%dma_wait3A_49, %dma_wait3A_50] : memref<320000x128xf32, #tpu.memory_space<hbm>> -> memref<80x128xf32, #tpu.memory_space<hbm>>
    %dma_wait3A_52 = arith.constant 0 : i32
    %dma_wait3A_53 = arith.constant 0 : i32
    %dma_wait3A_54 = tpu.memref_slice %arg4[%dma_wait3A_52, %dma_wait3A_53] : memref<320000x128xf32, #tpu.memory_space<hbm>> -> memref<80x128xf32, #tpu.memory_space<hbm>>
    tpu.wait_dma2 semaphore(%arg13 : memref<!tpu.dma_semaphore, #tpu.memory_space<semaphore_mem>>) src(%arg9 : memref<80x128xf32, #tpu.memory_space<vmem>>) dst(%dma_wait3A_54 : memref<80x128xf32, #tpu.memory_space<hbm>>)
    %dma_wait3A_55 = arith.constant 0 : i32
    %dma_wait3A_56 = arith.constant 0 : i32
    %dma_wait3A_57 = tpu.memref_slice %arg4[%dma_wait3A_55, %dma_wait3A_56] : memref<320000x128xf32, #tpu.memory_space<hbm>> -> memref<80x128xf32, #tpu.memory_space<hbm>>
    %dma_wait3A_58 = arith.constant 0 : i32
    %dma_wait3A_59 = arith.constant 0 : i32
    %dma_wait3A_60 = tpu.memref_slice %arg4[%dma_wait3A_58, %dma_wait3A_59] : memref<320000x128xf32, #tpu.memory_space<hbm>> -> memref<80x128xf32, #tpu.memory_space<hbm>>
    tpu.wait_dma2 semaphore(%arg12 : memref<!tpu.dma_semaphore, #tpu.memory_space<semaphore_mem>>) src(%arg8 : memref<80x128xf32, #tpu.memory_space<vmem>>) dst(%dma_wait3A_60 : memref<80x128xf32, #tpu.memory_space<hbm>>)
    return
  }
}

#map = affine_map<(d0, d1) -> (0, 0)>
#map1 = affine_map<(d0, d1) -> (0)>
#map2 = affine_map<(d0, d1) -> (0, 0, 0)>
module attributes {stable_mosaic.version = 14 : i64} {
  func.func @body(%arg0: i32, %arg1: i32, %arg2: memref<320000x128xf32, #tpu.memory_space<hbm>>, %arg3: memref<320000xi32, #tpu.memory_space<hbm>>, %arg4: memref<10240x128xf32, #tpu.memory_space<hbm>>, %arg5: memref<2x10240x128xf32, #tpu.memory_space<hbm>>, %arg6: memref<10240x128xf32, #tpu.memory_space<vmem_shared>>, %arg7: memref<80xi32, #tpu.memory_space<vmem>>, %arg8: memref<80xi32, #tpu.memory_space<vmem>>, %arg9: memref<80x128xf32, #tpu.memory_space<vmem>>, %arg10: memref<80x128xf32, #tpu.memory_space<vmem>>, %arg11: memref<!tpu.dma_semaphore, #tpu.memory_space<semaphore_mem>>, %arg12: memref<!tpu.dma_semaphore, #tpu.memory_space<semaphore_mem>>, %arg13: memref<!tpu.dma_semaphore, #tpu.memory_space<semaphore_mem>>, %arg14: memref<!tpu.dma_semaphore, #tpu.memory_space<semaphore_mem>>) attributes {dimension_semantics = [#tpu.dimension_semantics<core_parallel>, #tpu.dimension_semantics<subcore_parallel>], iteration_bounds = array<i64: 2, 16>, scalar_prefetch = 0 : i64, scratch_operands = 9 : i64, tpu.core_type = #tpu.core_type<sc_vector_subcore>, window_params = [{transform_indices = #map}, {transform_indices = #map1}, {transform_indices = #map}, {transform_indices = #map2}]} {
    %mul3A = arith.constant 2 : i32
    %mul3A_0 = arith.muli %arg1, %mul3A : i32
    %add3A = arith.addi %mul3A_0, %arg0 : i32
    %mul3A_1 = arith.constant 10000 : i32
    %mul3A_2 = arith.muli %add3A, %mul3A_1 : i32
    %add3A_3 = arith.constant 0 : i32
    %add3A_4 = arith.addi %add3A_3, %mul3A_2 : i32
    %dma_start3A = tpu.memref_slice %arg3[%add3A_4] : memref<320000xi32, #tpu.memory_space<hbm>> -> memref<80xi32, #tpu.memory_space<hbm>>
    %dma_start3A_5 = tpu.memref_slice %arg3[%add3A_4] : memref<320000xi32, #tpu.memory_space<hbm>> -> memref<80xi32, #tpu.memory_space<hbm>>
    tpu.enqueue_dma source(%dma_start3A_5 : memref<80xi32, #tpu.memory_space<hbm>>) target(%arg7 : memref<80xi32, #tpu.memory_space<vmem>>) target_semaphore(%arg11 : memref<!tpu.dma_semaphore, #tpu.memory_space<semaphore_mem>>)
    %dma_start3A_6 = arith.constant 0 : i32
    %dma_start3A_7 = tpu.memref_slice %arg2[%mul3A_2, %dma_start3A_6] : memref<320000x128xf32, #tpu.memory_space<hbm>> -> memref<80x128xf32, #tpu.memory_space<hbm>>
    %dma_start3A_8 = arith.constant 0 : i32
    %dma_start3A_9 = tpu.memref_slice %arg2[%mul3A_2, %dma_start3A_8] : memref<320000x128xf32, #tpu.memory_space<hbm>> -> memref<80x128xf32, #tpu.memory_space<hbm>>
    tpu.enqueue_dma source(%dma_start3A_9 : memref<80x128xf32, #tpu.memory_space<hbm>>) target(%arg9 : memref<80x128xf32, #tpu.memory_space<vmem>>) target_semaphore(%arg13 : memref<!tpu.dma_semaphore, #tpu.memory_space<semaphore_mem>>)
    %add3A_10 = arith.constant 0 : i32
    %add3A_11 = arith.addi %add3A_10, %mul3A_2 : i32
    %add3A_12 = arith.constant 80 : i32
    %add3A_13 = arith.addi %add3A_11, %add3A_12 : i32
    %dma_start3A_14 = tpu.memref_slice %arg3[%add3A_13] : memref<320000xi32, #tpu.memory_space<hbm>> -> memref<80xi32, #tpu.memory_space<hbm>>
    %dma_start3A_15 = tpu.memref_slice %arg3[%add3A_13] : memref<320000xi32, #tpu.memory_space<hbm>> -> memref<80xi32, #tpu.memory_space<hbm>>
    tpu.enqueue_dma source(%dma_start3A_15 : memref<80xi32, #tpu.memory_space<hbm>>) target(%arg8 : memref<80xi32, #tpu.memory_space<vmem>>) target_semaphore(%arg12 : memref<!tpu.dma_semaphore, #tpu.memory_space<semaphore_mem>>)
    %add3A_16 = arith.constant 80 : i32
    %add3A_17 = arith.addi %mul3A_2, %add3A_16 : i32
    %dma_start3A_18 = arith.constant 0 : i32
    %dma_start3A_19 = tpu.memref_slice %arg2[%add3A_17, %dma_start3A_18] : memref<320000x128xf32, #tpu.memory_space<hbm>> -> memref<80x128xf32, #tpu.memory_space<hbm>>
    %dma_start3A_20 = arith.constant 0 : i32
    %dma_start3A_21 = tpu.memref_slice %arg2[%add3A_17, %dma_start3A_20] : memref<320000x128xf32, #tpu.memory_space<hbm>> -> memref<80x128xf32, #tpu.memory_space<hbm>>
    tpu.enqueue_dma source(%dma_start3A_21 : memref<80x128xf32, #tpu.memory_space<hbm>>) target(%arg10 : memref<80x128xf32, #tpu.memory_space<vmem>>) target_semaphore(%arg14 : memref<!tpu.dma_semaphore, #tpu.memory_space<semaphore_mem>>)
    %mul3A_22 = arith.constant 640 : i32
    %mul3A_23 = arith.muli %arg1, %mul3A_22 : i32
    %mul3A_24 = arith.constant 640 : i32
    %mul3A_25 = arith.muli %arg1, %mul3A_24 : i32
    "tpu.region"() ({
      %run_scoped3A = tpu.sem_alloc : memref<!tpu.dma_semaphore, #tpu.memory_space<semaphore_mem>>
      %dma_start3A_47 = arith.constant 0 : i32
      %dma_start3A_48 = tpu.memref_slice %arg6[%mul3A_25, %dma_start3A_47] : memref<10240x128xf32, #tpu.memory_space<vmem_shared>> -> memref<640x128xf32, #tpu.memory_space<vmem_shared>>
      %dma_start3A_49 = arith.constant 0 : i32
      %dma_start3A_50 = tpu.memref_slice %arg4[%mul3A_23, %dma_start3A_49] : memref<10240x128xf32, #tpu.memory_space<hbm>> -> memref<640x128xf32, #tpu.memory_space<hbm>>
      tpu.enqueue_dma source(%dma_start3A_50 : memref<640x128xf32, #tpu.memory_space<hbm>>) target(%dma_start3A_48 : memref<640x128xf32, #tpu.memory_space<vmem_shared>>) target_semaphore(%run_scoped3A : memref<!tpu.dma_semaphore, #tpu.memory_space<semaphore_mem>>)
      %dma_wait3A_51 = arith.constant 0 : i32
      %dma_wait3A_52 = tpu.memref_slice %arg6[%mul3A_25, %dma_wait3A_51] : memref<10240x128xf32, #tpu.memory_space<vmem_shared>> -> memref<640x128xf32, #tpu.memory_space<vmem_shared>>
      %dma_wait3A_53 = arith.constant 0 : i32
      %dma_wait3A_54 = tpu.memref_slice %arg4[%mul3A_23, %dma_wait3A_53] : memref<10240x128xf32, #tpu.memory_space<hbm>> -> memref<640x128xf32, #tpu.memory_space<hbm>>
      tpu.wait_dma2 semaphore(%run_scoped3A : memref<!tpu.dma_semaphore, #tpu.memory_space<semaphore_mem>>) src(%dma_wait3A_54 : memref<640x128xf32, #tpu.memory_space<hbm>>) dst(%dma_wait3A_52 : memref<640x128xf32, #tpu.memory_space<vmem_shared>>)
      tpu.yield
    }) : () -> ()
    %barrier3A = arith.constant 0 : index
    tpu.barrier barrier_id(%barrier3A)
    %scan3A = arith.constant 0 : i32
    %scan3A_26 = arith.constant 0 : i32
    %scan3A_27 = arith.constant 62 : i32
    %scan3A_28 = arith.addi %scan3A_26, %scan3A_27 : i32
    %scan3A_29 = arith.constant 1 : i32
    scf.for %scan3A_47 = %scan3A_26 to %scan3A_28 step %scan3A_29  : i32 {
      %mul3A_48 = arith.constant 2 : i32
      %mul3A_49 = arith.muli %mul3A_48, %scan3A_47 : i32
      %mul3A_50 = arith.constant 80 : i32
      %mul3A_51 = arith.muli %mul3A_49, %mul3A_50 : i32
      %add3A_52 = arith.addi %mul3A_2, %mul3A_51 : i32
      %dma_wait3A_53 = arith.constant 0 : i32
      %dma_wait3A_54 = tpu.memref_slice %arg3[%dma_wait3A_53] : memref<320000xi32, #tpu.memory_space<hbm>> -> memref<80xi32, #tpu.memory_space<hbm>>
      %dma_wait3A_55 = arith.constant 0 : i32
      %dma_wait3A_56 = tpu.memref_slice %arg3[%dma_wait3A_55] : memref<320000xi32, #tpu.memory_space<hbm>> -> memref<80xi32, #tpu.memory_space<hbm>>
      tpu.wait_dma2 semaphore(%arg11 : memref<!tpu.dma_semaphore, #tpu.memory_space<semaphore_mem>>) src(%dma_wait3A_56 : memref<80xi32, #tpu.memory_space<hbm>>) dst(%arg7 : memref<80xi32, #tpu.memory_space<vmem>>)
      %dma_wait3A_57 = arith.constant 0 : i32
      %dma_wait3A_58 = arith.constant 0 : i32
      %dma_wait3A_59 = tpu.memref_slice %arg2[%dma_wait3A_57, %dma_wait3A_58] : memref<320000x128xf32, #tpu.memory_space<hbm>> -> memref<80x128xf32, #tpu.memory_space<hbm>>
      %dma_wait3A_60 = arith.constant 0 : i32
      %dma_wait3A_61 = arith.constant 0 : i32
      %dma_wait3A_62 = tpu.memref_slice %arg2[%dma_wait3A_60, %dma_wait3A_61] : memref<320000x128xf32, #tpu.memory_space<hbm>> -> memref<80x128xf32, #tpu.memory_space<hbm>>
      tpu.wait_dma2 semaphore(%arg13 : memref<!tpu.dma_semaphore, #tpu.memory_space<semaphore_mem>>) src(%dma_wait3A_62 : memref<80x128xf32, #tpu.memory_space<hbm>>) dst(%arg9 : memref<80x128xf32, #tpu.memory_space<vmem>>)
      "tpu.region"() ({
        %run_scoped3A = tpu.sem_alloc : memref<!tpu.dma_semaphore, #tpu.memory_space<semaphore_mem>>
        %dma_start3A_91 = arith.constant 0 : i32
        %dma_start3A_92 = arith.constant 0 : i32
        %dma_start3A_93 = tpu.memref_slice %arg6[%dma_start3A_91, %dma_start3A_92] : memref<10240x128xf32, #tpu.memory_space<vmem_shared>> -> memref<10240x128xf32, #tpu.memory_space<vmem_shared>>
        tpu.enqueue_indirect_dma source(%arg9 : memref<80x128xf32, #tpu.memory_space<vmem>>) target(%dma_start3A_93 : memref<10240x128xf32, #tpu.memory_space<vmem_shared>>) offsets(%arg7 : memref<80xi32, #tpu.memory_space<vmem>>) semaphore(%run_scoped3A : memref<!tpu.dma_semaphore, #tpu.memory_space<semaphore_mem>>) {add = true}
        %dma_wait3A_94 = arith.constant 0 : i32
        %dma_wait3A_95 = arith.constant 0 : i32
        %dma_wait3A_96 = tpu.memref_slice %arg6[%dma_wait3A_94, %dma_wait3A_95] : memref<10240x128xf32, #tpu.memory_space<vmem_shared>> -> memref<10240x128xf32, #tpu.memory_space<vmem_shared>>
        tpu.wait_indirect_dma semaphore(%run_scoped3A : memref<!tpu.dma_semaphore, #tpu.memory_space<semaphore_mem>>) src(%arg9 : memref<80x128xf32, #tpu.memory_space<vmem>>) dst(%dma_wait3A_96 : memref<10240x128xf32, #tpu.memory_space<vmem_shared>>)
        tpu.yield
      }) : () -> ()
      %add3A_63 = arith.constant 2 : i32
      %add3A_64 = arith.addi %mul3A_49, %add3A_63 : i32
      %lt3A = arith.constant 125 : i32
      %lt3A_65 = arith.cmpi slt, %add3A_64, %lt3A : i32
      %convert_element_type3A = arith.extui %lt3A_65 : i1 to i32
      %cond3A = arith.constant 0 : i32
      %cond3A_66 = arith.cmpi ne, %convert_element_type3A, %cond3A : i32
      scf.if %cond3A_66 {
        %add3A_91 = arith.constant 0 : i32
        %add3A_92 = arith.addi %add3A_91, %add3A_52 : i32
        %add3A_93 = arith.constant 160 : i32
        %add3A_94 = arith.addi %add3A_92, %add3A_93 : i32
        %dma_start3A_95 = tpu.memref_slice %arg3[%add3A_94] : memref<320000xi32, #tpu.memory_space<hbm>> -> memref<80xi32, #tpu.memory_space<hbm>>
        %dma_start3A_96 = tpu.memref_slice %arg3[%add3A_94] : memref<320000xi32, #tpu.memory_space<hbm>> -> memref<80xi32, #tpu.memory_space<hbm>>
        tpu.enqueue_dma source(%dma_start3A_96 : memref<80xi32, #tpu.memory_space<hbm>>) target(%arg7 : memref<80xi32, #tpu.memory_space<vmem>>) target_semaphore(%arg11 : memref<!tpu.dma_semaphore, #tpu.memory_space<semaphore_mem>>)
        %add3A_97 = arith.constant 160 : i32
        %add3A_98 = arith.addi %add3A_52, %add3A_97 : i32
        %dma_start3A_99 = arith.constant 0 : i32
        %dma_start3A_100 = tpu.memref_slice %arg2[%add3A_98, %dma_start3A_99] : memref<320000x128xf32, #tpu.memory_space<hbm>> -> memref<80x128xf32, #tpu.memory_space<hbm>>
        %dma_start3A_101 = arith.constant 0 : i32
        %dma_start3A_102 = tpu.memref_slice %arg2[%add3A_98, %dma_start3A_101] : memref<320000x128xf32, #tpu.memory_space<hbm>> -> memref<80x128xf32, #tpu.memory_space<hbm>>
        tpu.enqueue_dma source(%dma_start3A_102 : memref<80x128xf32, #tpu.memory_space<hbm>>) target(%arg9 : memref<80x128xf32, #tpu.memory_space<vmem>>) target_semaphore(%arg13 : memref<!tpu.dma_semaphore, #tpu.memory_space<semaphore_mem>>)
      } else {
      }
      %mul3A_67 = arith.constant 2 : i32
      %mul3A_68 = arith.muli %mul3A_67, %scan3A_47 : i32
      %add3A_69 = arith.constant 1 : i32
      %add3A_70 = arith.addi %mul3A_68, %add3A_69 : i32
      %mul3A_71 = arith.constant 80 : i32
      %mul3A_72 = arith.muli %add3A_70, %mul3A_71 : i32
      %add3A_73 = arith.addi %mul3A_2, %mul3A_72 : i32
      %dma_wait3A_74 = arith.constant 0 : i32
      %dma_wait3A_75 = tpu.memref_slice %arg3[%dma_wait3A_74] : memref<320000xi32, #tpu.memory_space<hbm>> -> memref<80xi32, #tpu.memory_space<hbm>>
      %dma_wait3A_76 = arith.constant 0 : i32
      %dma_wait3A_77 = tpu.memref_slice %arg3[%dma_wait3A_76] : memref<320000xi32, #tpu.memory_space<hbm>> -> memref<80xi32, #tpu.memory_space<hbm>>
      tpu.wait_dma2 semaphore(%arg12 : memref<!tpu.dma_semaphore, #tpu.memory_space<semaphore_mem>>) src(%dma_wait3A_77 : memref<80xi32, #tpu.memory_space<hbm>>) dst(%arg8 : memref<80xi32, #tpu.memory_space<vmem>>)
      %dma_wait3A_78 = arith.constant 0 : i32
      %dma_wait3A_79 = arith.constant 0 : i32
      %dma_wait3A_80 = tpu.memref_slice %arg2[%dma_wait3A_78, %dma_wait3A_79] : memref<320000x128xf32, #tpu.memory_space<hbm>> -> memref<80x128xf32, #tpu.memory_space<hbm>>
      %dma_wait3A_81 = arith.constant 0 : i32
      %dma_wait3A_82 = arith.constant 0 : i32
      %dma_wait3A_83 = tpu.memref_slice %arg2[%dma_wait3A_81, %dma_wait3A_82] : memref<320000x128xf32, #tpu.memory_space<hbm>> -> memref<80x128xf32, #tpu.memory_space<hbm>>
      tpu.wait_dma2 semaphore(%arg14 : memref<!tpu.dma_semaphore, #tpu.memory_space<semaphore_mem>>) src(%dma_wait3A_83 : memref<80x128xf32, #tpu.memory_space<hbm>>) dst(%arg10 : memref<80x128xf32, #tpu.memory_space<vmem>>)
      "tpu.region"() ({
        %run_scoped3A = tpu.sem_alloc : memref<!tpu.dma_semaphore, #tpu.memory_space<semaphore_mem>>
        %dma_start3A_91 = arith.constant 0 : i32
        %dma_start3A_92 = arith.constant 0 : i32
        %dma_start3A_93 = tpu.memref_slice %arg6[%dma_start3A_91, %dma_start3A_92] : memref<10240x128xf32, #tpu.memory_space<vmem_shared>> -> memref<10240x128xf32, #tpu.memory_space<vmem_shared>>
        tpu.enqueue_indirect_dma source(%arg10 : memref<80x128xf32, #tpu.memory_space<vmem>>) target(%dma_start3A_93 : memref<10240x128xf32, #tpu.memory_space<vmem_shared>>) offsets(%arg8 : memref<80xi32, #tpu.memory_space<vmem>>) semaphore(%run_scoped3A : memref<!tpu.dma_semaphore, #tpu.memory_space<semaphore_mem>>) {add = true}
        %dma_wait3A_94 = arith.constant 0 : i32
        %dma_wait3A_95 = arith.constant 0 : i32
        %dma_wait3A_96 = tpu.memref_slice %arg6[%dma_wait3A_94, %dma_wait3A_95] : memref<10240x128xf32, #tpu.memory_space<vmem_shared>> -> memref<10240x128xf32, #tpu.memory_space<vmem_shared>>
        tpu.wait_indirect_dma semaphore(%run_scoped3A : memref<!tpu.dma_semaphore, #tpu.memory_space<semaphore_mem>>) src(%arg10 : memref<80x128xf32, #tpu.memory_space<vmem>>) dst(%dma_wait3A_96 : memref<10240x128xf32, #tpu.memory_space<vmem_shared>>)
        tpu.yield
      }) : () -> ()
      %add3A_84 = arith.constant 2 : i32
      %add3A_85 = arith.addi %add3A_70, %add3A_84 : i32
      %lt3A_86 = arith.constant 125 : i32
      %lt3A_87 = arith.cmpi slt, %add3A_85, %lt3A_86 : i32
      %convert_element_type3A_88 = arith.extui %lt3A_87 : i1 to i32
      %cond3A_89 = arith.constant 0 : i32
      %cond3A_90 = arith.cmpi ne, %convert_element_type3A_88, %cond3A_89 : i32
      scf.if %cond3A_90 {
        %add3A_91 = arith.constant 0 : i32
        %add3A_92 = arith.addi %add3A_91, %add3A_73 : i32
        %add3A_93 = arith.constant 160 : i32
        %add3A_94 = arith.addi %add3A_92, %add3A_93 : i32
        %dma_start3A_95 = tpu.memref_slice %arg3[%add3A_94] : memref<320000xi32, #tpu.memory_space<hbm>> -> memref<80xi32, #tpu.memory_space<hbm>>
        %dma_start3A_96 = tpu.memref_slice %arg3[%add3A_94] : memref<320000xi32, #tpu.memory_space<hbm>> -> memref<80xi32, #tpu.memory_space<hbm>>
        tpu.enqueue_dma source(%dma_start3A_96 : memref<80xi32, #tpu.memory_space<hbm>>) target(%arg8 : memref<80xi32, #tpu.memory_space<vmem>>) target_semaphore(%arg12 : memref<!tpu.dma_semaphore, #tpu.memory_space<semaphore_mem>>)
        %add3A_97 = arith.constant 160 : i32
        %add3A_98 = arith.addi %add3A_73, %add3A_97 : i32
        %dma_start3A_99 = arith.constant 0 : i32
        %dma_start3A_100 = tpu.memref_slice %arg2[%add3A_98, %dma_start3A_99] : memref<320000x128xf32, #tpu.memory_space<hbm>> -> memref<80x128xf32, #tpu.memory_space<hbm>>
        %dma_start3A_101 = arith.constant 0 : i32
        %dma_start3A_102 = tpu.memref_slice %arg2[%add3A_98, %dma_start3A_101] : memref<320000x128xf32, #tpu.memory_space<hbm>> -> memref<80x128xf32, #tpu.memory_space<hbm>>
        tpu.enqueue_dma source(%dma_start3A_102 : memref<80x128xf32, #tpu.memory_space<hbm>>) target(%arg10 : memref<80x128xf32, #tpu.memory_space<vmem>>) target_semaphore(%arg14 : memref<!tpu.dma_semaphore, #tpu.memory_space<semaphore_mem>>)
      } else {
      }
    }
    %scan3A_30 = arith.constant 62 : i32
    %add3A_31 = arith.constant 9920 : i32
    %add3A_32 = arith.addi %mul3A_2, %add3A_31 : i32
    %dma_wait3A = arith.constant 0 : i32
    %dma_wait3A_33 = tpu.memref_slice %arg3[%dma_wait3A] : memref<320000xi32, #tpu.memory_space<hbm>> -> memref<80xi32, #tpu.memory_space<hbm>>
    %dma_wait3A_34 = arith.constant 0 : i32
    %dma_wait3A_35 = tpu.memref_slice %arg3[%dma_wait3A_34] : memref<320000xi32, #tpu.memory_space<hbm>> -> memref<80xi32, #tpu.memory_space<hbm>>
    tpu.wait_dma2 semaphore(%arg11 : memref<!tpu.dma_semaphore, #tpu.memory_space<semaphore_mem>>) src(%dma_wait3A_35 : memref<80xi32, #tpu.memory_space<hbm>>) dst(%arg7 : memref<80xi32, #tpu.memory_space<vmem>>)
    %dma_wait3A_36 = arith.constant 0 : i32
    %dma_wait3A_37 = arith.constant 0 : i32
    %dma_wait3A_38 = tpu.memref_slice %arg2[%dma_wait3A_36, %dma_wait3A_37] : memref<320000x128xf32, #tpu.memory_space<hbm>> -> memref<80x128xf32, #tpu.memory_space<hbm>>
    %dma_wait3A_39 = arith.constant 0 : i32
    %dma_wait3A_40 = arith.constant 0 : i32
    %dma_wait3A_41 = tpu.memref_slice %arg2[%dma_wait3A_39, %dma_wait3A_40] : memref<320000x128xf32, #tpu.memory_space<hbm>> -> memref<80x128xf32, #tpu.memory_space<hbm>>
    tpu.wait_dma2 semaphore(%arg13 : memref<!tpu.dma_semaphore, #tpu.memory_space<semaphore_mem>>) src(%dma_wait3A_41 : memref<80x128xf32, #tpu.memory_space<hbm>>) dst(%arg9 : memref<80x128xf32, #tpu.memory_space<vmem>>)
    "tpu.region"() ({
      %run_scoped3A = tpu.sem_alloc : memref<!tpu.dma_semaphore, #tpu.memory_space<semaphore_mem>>
      %dma_start3A_47 = arith.constant 0 : i32
      %dma_start3A_48 = arith.constant 0 : i32
      %dma_start3A_49 = tpu.memref_slice %arg6[%dma_start3A_47, %dma_start3A_48] : memref<10240x128xf32, #tpu.memory_space<vmem_shared>> -> memref<10240x128xf32, #tpu.memory_space<vmem_shared>>
      tpu.enqueue_indirect_dma source(%arg9 : memref<80x128xf32, #tpu.memory_space<vmem>>) target(%dma_start3A_49 : memref<10240x128xf32, #tpu.memory_space<vmem_shared>>) offsets(%arg7 : memref<80xi32, #tpu.memory_space<vmem>>) semaphore(%run_scoped3A : memref<!tpu.dma_semaphore, #tpu.memory_space<semaphore_mem>>) {add = true}
      %dma_wait3A_50 = arith.constant 0 : i32
      %dma_wait3A_51 = arith.constant 0 : i32
      %dma_wait3A_52 = tpu.memref_slice %arg6[%dma_wait3A_50, %dma_wait3A_51] : memref<10240x128xf32, #tpu.memory_space<vmem_shared>> -> memref<10240x128xf32, #tpu.memory_space<vmem_shared>>
      tpu.wait_indirect_dma semaphore(%run_scoped3A : memref<!tpu.dma_semaphore, #tpu.memory_space<semaphore_mem>>) src(%arg9 : memref<80x128xf32, #tpu.memory_space<vmem>>) dst(%dma_wait3A_52 : memref<10240x128xf32, #tpu.memory_space<vmem_shared>>)
      tpu.yield
    }) : () -> ()
    %barrier3A_42 = arith.constant 0 : index
    tpu.barrier barrier_id(%barrier3A_42)
    %mul3A_43 = arith.constant 640 : i32
    %mul3A_44 = arith.muli %arg1, %mul3A_43 : i32
    %mul3A_45 = arith.constant 640 : i32
    %mul3A_46 = arith.muli %arg1, %mul3A_45 : i32
    "tpu.region"() ({
      %run_scoped3A = tpu.sem_alloc : memref<!tpu.dma_semaphore, #tpu.memory_space<semaphore_mem>>
      %dma_start3A_47 = arith.constant 0 : i32
      %dma_start3A_48 = tpu.memref_slice %arg5[%arg0, %mul3A_46, %dma_start3A_47] : memref<2x10240x128xf32, #tpu.memory_space<hbm>> -> memref<1x640x128xf32, #tpu.memory_space<hbm>>
      %dma_start3A_49 = tpu.memref_squeeze %dma_start3A_48 : memref<1x640x128xf32, #tpu.memory_space<hbm>> -> memref<640x128xf32, #tpu.memory_space<hbm>>
      %dma_start3A_50 = arith.constant 0 : i32
      %dma_start3A_51 = tpu.memref_slice %arg6[%mul3A_44, %dma_start3A_50] : memref<10240x128xf32, #tpu.memory_space<vmem_shared>> -> memref<640x128xf32, #tpu.memory_space<vmem_shared>>
      tpu.enqueue_dma source(%dma_start3A_51 : memref<640x128xf32, #tpu.memory_space<vmem_shared>>) target(%dma_start3A_49 : memref<640x128xf32, #tpu.memory_space<hbm>>) target_semaphore(%run_scoped3A : memref<!tpu.dma_semaphore, #tpu.memory_space<semaphore_mem>>)
      %dma_wait3A_52 = arith.constant 0 : i32
      %dma_wait3A_53 = tpu.memref_slice %arg5[%arg0, %mul3A_46, %dma_wait3A_52] : memref<2x10240x128xf32, #tpu.memory_space<hbm>> -> memref<1x640x128xf32, #tpu.memory_space<hbm>>
      %dma_wait3A_54 = tpu.memref_squeeze %dma_wait3A_53 : memref<1x640x128xf32, #tpu.memory_space<hbm>> -> memref<640x128xf32, #tpu.memory_space<hbm>>
      %dma_wait3A_55 = arith.constant 0 : i32
      %dma_wait3A_56 = tpu.memref_slice %arg6[%mul3A_44, %dma_wait3A_55] : memref<10240x128xf32, #tpu.memory_space<vmem_shared>> -> memref<640x128xf32, #tpu.memory_space<vmem_shared>>
      tpu.wait_dma2 semaphore(%run_scoped3A : memref<!tpu.dma_semaphore, #tpu.memory_space<semaphore_mem>>) src(%dma_wait3A_56 : memref<640x128xf32, #tpu.memory_space<vmem_shared>>) dst(%dma_wait3A_54 : memref<640x128xf32, #tpu.memory_space<hbm>>)
      tpu.yield
    }) : () -> ()
    return
  }
}

module attributes {stable_mosaic.version = 14 : i64} {
  func.func @body(%arg0: memref<10240x128xf32, #tpu.memory_space<vmem>>, %arg1: memref<128x128xf32, #tpu.memory_space<vmem>>, %arg2: memref<10240x128xf32, #tpu.memory_space<vmem>>) attributes {dimension_semantics = [], scalar_prefetch = 0 : i64, scratch_operands = 0 : i64, tpu.core_type = #tpu.core_type<tc>} {
    %get3A = arith.constant 0 : index
    %get3A_0 = arith.constant 0 : index
    %get3A_1 = vector.load %arg0[%get3A, %get3A_0] : memref<10240x128xf32, #tpu.memory_space<vmem>>, vector<10240x128xf32>
    %get3A_2 = arith.constant 0 : index
    %get3A_3 = arith.constant 0 : index
    %get3A_4 = vector.load %arg1[%get3A_2, %get3A_3] : memref<128x128xf32, #tpu.memory_space<vmem>>, vector<128x128xf32>
    %dot_general3A = arith.constant dense<0.000000e+00> : vector<10240x128xf32>
    %dot_general3A_5 = tpu.matmul %get3A_1, %get3A_4, %dot_general3A {dimension_numbers = #tpu.dot_dimension_numbers<[1], [0], [0], [1], [0, 0, 1, 1], [], []>, transpose_lhs_hint = false} : vector<10240x128xf32>, vector<128x128xf32>, vector<10240x128xf32> -> vector<10240x128xf32>
    %swap3A = arith.constant 0 : index
    %swap3A_6 = arith.constant 0 : index
    %swap3A_7 = vector.load %arg2[%swap3A, %swap3A_6] : memref<10240x128xf32, #tpu.memory_space<vmem>>, vector<10240x128xf32>
    tpu.vector_store %arg2[%swap3A, %swap3A_6], %dot_general3A_5 {strides = array<i32>} : memref<10240x128xf32, #tpu.memory_space<vmem>>, vector<10240x128xf32>,
    return
  }
}

module attributes {stable_mosaic.version = 14 : i64} {
  func.func @body(%arg0: i32, %arg1: memref<8000x128xf32, #tpu.memory_space<vmem>>, %arg2: memref<8000x16xf32, #tpu.memory_space<vmem>>, %arg3: memref<16x128xf32, #tpu.memory_space<vmem>>, %arg4: memref<128x128xf32, #tpu.memory_space<vmem>>, %arg5: memref<8000x128xf32, #tpu.memory_space<vmem>>, %arg6: memref<8000x128xf32, #tpu.memory_space<vmem>>) attributes {dimension_semantics = [#tpu.dimension_semantics<arbitrary>], iteration_bounds = array<i64: 40>, scalar_prefetch = 0 : i64, scratch_operands = 0 : i64, tpu.core_type = #tpu.core_type<tc>, window_params = [{transform_indices = @transform_0, window_bounds = array<i64: 8000, 128>}, {transform_indices = @transform_1, window_bounds = array<i64: 8000, 16>}, {pipeline_mode = #tpu.pipeline_mode<synchronous>, transform_indices = @transform_2, window_bounds = array<i64: 16, 128>}, {pipeline_mode = #tpu.pipeline_mode<synchronous>, transform_indices = @transform_3, window_bounds = array<i64: 128, 128>}, {transform_indices = @transform_4, window_bounds = array<i64: 8000, 128>}, {transform_indices = @transform_5, window_bounds = array<i64: 8000, 128>}]} {
    %get3A = arith.constant 0 : index
    %get3A_0 = arith.constant 0 : index
    %get3A_1 = vector.load %arg1[%get3A, %get3A_0] : memref<8000x128xf32, #tpu.memory_space<vmem>>, vector<8000x128xf32>
    %get3A_2 = arith.constant 0 : index
    %get3A_3 = arith.constant 0 : index
    %get3A_4 = vector.load %arg2[%get3A_2, %get3A_3] : memref<8000x16xf32, #tpu.memory_space<vmem>>, vector<8000x16xf32>
    %get3A_5 = arith.constant 0 : index
    %get3A_6 = arith.constant 0 : index
    %get3A_7 = vector.load %arg3[%get3A_5, %get3A_6] : memref<16x128xf32, #tpu.memory_space<vmem>>, vector<16x128xf32>
    %dot_general3A = arith.constant dense<0.000000e+00> : vector<8000x128xf32>
    %dot_general3A_8 = tpu.matmul %get3A_4, %get3A_7, %dot_general3A {dimension_numbers = #tpu.dot_dimension_numbers<[1], [0], [0], [1], [0, 0, 1, 1], [], []>, transpose_lhs_hint = false} : vector<8000x16xf32>, vector<16x128xf32>, vector<8000x128xf32> -> vector<8000x128xf32>
    %add3A = arith.addf %get3A_1, %dot_general3A_8 : vector<8000x128xf32>
    %max3A = arith.constant 0.000000e+00 : f32
    %max3A_9 = vector.broadcast %max3A : f32 to vector<8000x128xf32>
    %max3A_10 = arith.maximumf %add3A, %max3A_9 : vector<8000x128xf32>
    %swap3A = arith.constant 0 : index
    %swap3A_11 = arith.constant 0 : index
    %swap3A_12 = vector.load %arg5[%swap3A, %swap3A_11] : memref<8000x128xf32, #tpu.memory_space<vmem>>, vector<8000x128xf32>
    tpu.vector_store %arg5[%swap3A, %swap3A_11], %max3A_10 {strides = array<i32>} : memref<8000x128xf32, #tpu.memory_space<vmem>>, vector<8000x128xf32>,
    %get3A_13 = arith.constant 0 : index
    %get3A_14 = arith.constant 0 : index
    %get3A_15 = vector.load %arg4[%get3A_13, %get3A_14] : memref<128x128xf32, #tpu.memory_space<vmem>>, vector<128x128xf32>
    %dot_general3A_16 = arith.constant dense<0.000000e+00> : vector<8000x128xf32>
    %dot_general3A_17 = tpu.matmul %max3A_10, %get3A_15, %dot_general3A_16 {dimension_numbers = #tpu.dot_dimension_numbers<[1], [0], [0], [1], [0, 0, 1, 1], [], []>, transpose_lhs_hint = false} : vector<8000x128xf32>, vector<128x128xf32>, vector<8000x128xf32> -> vector<8000x128xf32>
    %swap3A_18 = arith.constant 0 : index
    %swap3A_19 = arith.constant 0 : index
    %swap3A_20 = vector.load %arg6[%swap3A_18, %swap3A_19] : memref<8000x128xf32, #tpu.memory_space<vmem>>, vector<8000x128xf32>
    tpu.vector_store %arg6[%swap3A_18, %swap3A_19], %dot_general3A_17 {strides = array<i32>} : memref<8000x128xf32, #tpu.memory_space<vmem>>, vector<8000x128xf32>,
    return
  }
  func.func @transform_0(%arg0: i32) -> (i32, i32) {
    %c0_i32 = arith.constant 0 : i32
    %c0_i32_0 = arith.constant 0 : i32
    return %arg0, %c0_i32 : i32, i32
  }
  func.func @transform_1(%arg0: i32) -> (i32, i32) {
    %add3A = arith.constant 0 : i32
    %add3A_0 = arith.addi %arg0, %add3A : i32
    %c0_i32 = arith.constant 0 : i32
    %c0_i32_1 = arith.constant 0 : i32
    return %add3A_0, %c0_i32 : i32, i32
  }
  func.func @transform_2(%arg0: i32) -> (i32, i32) {
    %c0_i32 = arith.constant 0 : i32
    %c0_i32_0 = arith.constant 0 : i32
    %c0_i32_1 = arith.constant 0 : i32
    return %c0_i32, %c0_i32_0 : i32, i32
  }
  func.func @transform_3(%arg0: i32) -> (i32, i32) {
    %c0_i32 = arith.constant 0 : i32
    %c0_i32_0 = arith.constant 0 : i32
    %c0_i32_1 = arith.constant 0 : i32
    return %c0_i32, %c0_i32_0 : i32, i32
  }
  func.func @transform_4(%arg0: i32) -> (i32, i32) {
    %c0_i32 = arith.constant 0 : i32
    %c0_i32_0 = arith.constant 0 : i32
    return %arg0, %c0_i32 : i32, i32
  }
  func.func @transform_5(%arg0: i32) -> (i32, i32) {
    %c0_i32 = arith.constant 0 : i32
    %c0_i32_0 = arith.constant 0 : i32
    return %arg0, %c0_i32 : i32, i32
  }
}

module attributes {stable_mosaic.version = 14 : i64} {
  func.func @body(%arg0: memref<2x10240x128xf32, #tpu.memory_space<vmem>>, %arg1: memref<10240x128xf32, #tpu.memory_space<vmem>>) attributes {dimension_semantics = [], scalar_prefetch = 0 : i64, scratch_operands = 0 : i64, tpu.core_type = #tpu.core_type<tc>} {
    %get3A = arith.constant 0 : index
    %get3A_0 = arith.constant 0 : index
    %get3A_1 = arith.constant 0 : index
    %get3A_2 = vector.load %arg0[%get3A, %get3A_0, %get3A_1] : memref<2x10240x128xf32, #tpu.memory_space<vmem>>, vector<1x10240x128xf32>
    %get3A_3 = vector.shape_cast %get3A_2 : vector<1x10240x128xf32> to vector<10240x128xf32>
    %get3A_4 = arith.constant 1 : index
    %get3A_5 = arith.constant 0 : index
    %get3A_6 = arith.constant 0 : index
    %get3A_7 = vector.load %arg0[%get3A_4, %get3A_5, %get3A_6] : memref<2x10240x128xf32, #tpu.memory_space<vmem>>, vector<1x10240x128xf32>
    %get3A_8 = vector.shape_cast %get3A_7 : vector<1x10240x128xf32> to vector<10240x128xf32>
    %add3A = arith.addf %get3A_3, %get3A_8 : vector<10240x128xf32>
    %swap3A = arith.constant 0 : index
    %swap3A_9 = arith.constant 0 : index
    %swap3A_10 = vector.load %arg1[%swap3A, %swap3A_9] : memref<10240x128xf32, #tpu.memory_space<vmem>>, vector<10240x128xf32>
    tpu.vector_store %arg1[%swap3A, %swap3A_9], %add3A {strides = array<i32>} : memref<10240x128xf32, #tpu.memory_space<vmem>>, vector<10240x128xf32>,
    return
  }
}

module attributes {stable_mosaic.version = 14 : i64} {
  func.func @body(%arg0: i32, %arg1: memref<8000x128xf32, #tpu.memory_space<vmem>>, %arg2: memref<8000x128xf32, #tpu.memory_space<vmem>>, %arg3: memref<8000x128xf32, #tpu.memory_space<vmem>>, %arg4: memref<128x128xf32, #tpu.memory_space<vmem>>, %arg5: memref<8000x128xf32, #tpu.memory_space<vmem>>) attributes {dimension_semantics = [#tpu.dimension_semantics<arbitrary>], iteration_bounds = array<i64: 40>, scalar_prefetch = 0 : i64, scratch_operands = 0 : i64, tpu.core_type = #tpu.core_type<tc>, window_params = [{transform_indices = @transform_0, window_bounds = array<i64: 8000, 128>}, {transform_indices = @transform_1, window_bounds = array<i64: 8000, 128>}, {transform_indices = @transform_2, window_bounds = array<i64: 8000, 128>}, {pipeline_mode = #tpu.pipeline_mode<synchronous>, transform_indices = @transform_3, window_bounds = array<i64: 128, 128>}, {transform_indices = @transform_4, window_bounds = array<i64: 8000, 128>}]} {
    %get3A = arith.constant 0 : index
    %get3A_0 = arith.constant 0 : index
    %get3A_1 = vector.load %arg1[%get3A, %get3A_0] : memref<8000x128xf32, #tpu.memory_space<vmem>>, vector<8000x128xf32>
    %get3A_2 = arith.constant 0 : index
    %get3A_3 = arith.constant 0 : index
    %get3A_4 = vector.load %arg2[%get3A_2, %get3A_3] : memref<8000x128xf32, #tpu.memory_space<vmem>>, vector<8000x128xf32>
    %add3A = arith.addf %get3A_1, %get3A_4 : vector<8000x128xf32>
    %get3A_5 = arith.constant 0 : index
    %get3A_6 = arith.constant 0 : index
    %get3A_7 = vector.load %arg3[%get3A_5, %get3A_6] : memref<8000x128xf32, #tpu.memory_space<vmem>>, vector<8000x128xf32>
    %slice3A = vector.extract_strided_slice %get3A_7 {offsets = [1, 0], sizes = [7999, 128], strides = [1, 1]} : vector<8000x128xf32> to vector<7999x128xf32>
    %slice3A_8 = vector.extract_strided_slice %get3A_7 {offsets = [0, 0], sizes = [1, 128], strides = [1, 1]} : vector<8000x128xf32> to vector<1x128xf32>
    %concatenate3A = tpu.concatenate %slice3A, %slice3A_8 in 0 : vector<7999x128xf32>, vector<1x128xf32> -> vector<8000x128xf32>
    %slice3A_9 = vector.extract_strided_slice %get3A_7 {offsets = [7999, 0], sizes = [1, 128], strides = [1, 1]} : vector<8000x128xf32> to vector<1x128xf32>
    %slice3A_10 = vector.extract_strided_slice %get3A_7 {offsets = [0, 0], sizes = [7999, 128], strides = [1, 1]} : vector<8000x128xf32> to vector<7999x128xf32>
    %concatenate3A_11 = tpu.concatenate %slice3A_9, %slice3A_10 in 0 : vector<1x128xf32>, vector<7999x128xf32> -> vector<8000x128xf32>
    %iota3A = tpu.iota {dimensions = array<i32: 0>} : vector<8000x128xi32>
    %jit3A = arith.constant 2 : i32
    %eq3A = arith.constant 0 : i32
    %eq3A_12 = arith.cmpi eq, %jit3A, %eq3A : i32
    %jit3A_13 = arith.constant 1 : i32
    %select_n3A = arith.select %eq3A_12, %jit3A_13, %jit3A : i32
    %rem3A = vector.broadcast %select_n3A : i32 to vector<8000x128xi32>
    %rem3A_14 = arith.remsi %iota3A, %rem3A : vector<8000x128xi32>
    %ne3A = arith.constant 0 : i32
    %ne3A_15 = vector.broadcast %ne3A : i32 to vector<8000x128xi32>
    %ne3A_16 = arith.cmpi ne, %rem3A_14, %ne3A_15 : vector<8000x128xi32>
    %lt3A = arith.constant 0 : i32
    %lt3A_17 = vector.broadcast %lt3A : i32 to vector<8000x128xi32>
    %lt3A_18 = arith.cmpi slt, %rem3A_14, %lt3A_17 : vector<8000x128xi32>
    %lt3A_19 = arith.constant 0 : i32
    %lt3A_20 = arith.cmpi slt, %select_n3A, %lt3A_19 : i32
    %ne3A_21 = vector.broadcast %lt3A_20 : i1 to vector<8000x128xi1>
    %ne3A_22 = vector.broadcast %ne3A_21 : vector<8000x128xi1> to vector<8000x128xi1>
    %ne3A_23 = arith.xori %lt3A_18, %ne3A_22 : vector<8000x128xi1>
    %and3A = arith.andi %ne3A_23, %ne3A_16 : vector<8000x128xi1>
    %add3A_24 = vector.broadcast %select_n3A : i32 to vector<8000x128xi32>
    %add3A_25 = arith.addi %rem3A_14, %add3A_24 : vector<8000x128xi32>
    %select_n3A_26 = arith.select %and3A, %add3A_25, %rem3A_14 : vector<8000x128xi1>, vector<8000x128xi32>
    %eq3A_27 = arith.constant 0 : i32
    %eq3A_28 = vector.broadcast %eq3A_27 : i32 to vector<8000x128xi32>
    %eq3A_29 = arith.cmpi eq, %select_n3A_26, %eq3A_28 : vector<8000x128xi32>
    %select_n3A_30 = arith.select %eq3A_29, %concatenate3A, %concatenate3A_11 : vector<8000x128xi1>, vector<8000x128xf32>
    %sub3A = arith.subf %add3A, %select_n3A_30 : vector<8000x128xf32>
    %max3A = arith.constant 0.000000e+00 : f32
    %max3A_31 = vector.broadcast %max3A : f32 to vector<8000x128xf32>
    %max3A_32 = arith.maximumf %sub3A, %max3A_31 : vector<8000x128xf32>
    %get3A_33 = arith.constant 0 : index
    %get3A_34 = arith.constant 0 : index
    %get3A_35 = vector.load %arg4[%get3A_33, %get3A_34] : memref<128x128xf32, #tpu.memory_space<vmem>>, vector<128x128xf32>
    %dot_general3A = arith.constant dense<0.000000e+00> : vector<8000x128xf32>
    %dot_general3A_36 = tpu.matmul %max3A_32, %get3A_35, %dot_general3A {dimension_numbers = #tpu.dot_dimension_numbers<[1], [0], [0], [1], [0, 0, 1, 1], [], []>, transpose_lhs_hint = false} : vector<8000x128xf32>, vector<128x128xf32>, vector<8000x128xf32> -> vector<8000x128xf32>
    %swap3A = arith.constant 0 : index
    %swap3A_37 = arith.constant 0 : index
    %swap3A_38 = vector.load %arg5[%swap3A, %swap3A_37] : memref<8000x128xf32, #tpu.memory_space<vmem>>, vector<8000x128xf32>
    tpu.vector_store %arg5[%swap3A, %swap3A_37], %dot_general3A_36 {strides = array<i32>} : memref<8000x128xf32, #tpu.memory_space<vmem>>, vector<8000x128xf32>,
    return
  }
  func.func @transform_0(%arg0: i32) -> (i32, i32) {
    %c0_i32 = arith.constant 0 : i32
    %c0_i32_0 = arith.constant 0 : i32
    return %arg0, %c0_i32 : i32, i32
  }
  func.func @transform_1(%arg0: i32) -> (i32, i32) {
    %c0_i32 = arith.constant 0 : i32
    %c0_i32_0 = arith.constant 0 : i32
    return %arg0, %c0_i32 : i32, i32
  }
  func.func @transform_2(%arg0: i32) -> (i32, i32) {
    %c0_i32 = arith.constant 0 : i32
    %c0_i32_0 = arith.constant 0 : i32
    return %arg0, %c0_i32 : i32, i32
  }
  func.func @transform_3(%arg0: i32) -> (i32, i32) {
    %c0_i32 = arith.constant 0 : i32
    %c0_i32_0 = arith.constant 0 : i32
    %c0_i32_1 = arith.constant 0 : i32
    return %c0_i32, %c0_i32_0 : i32, i32
  }
  func.func @transform_4(%arg0: i32) -> (i32, i32) {
    %c0_i32 = arith.constant 0 : i32
    %c0_i32_0 = arith.constant 0 : i32
    return %arg0, %c0_i32 : i32, i32
  }
}

module attributes {stable_mosaic.version = 14 : i64} {
  func.func @body(%arg0: i32, %arg1: memref<8000x128xf32, #tpu.memory_space<vmem>>, %arg2: memref<8000x128xf32, #tpu.memory_space<vmem>>, %arg3: memref<8000x128xf32, #tpu.memory_space<vmem>>, %arg4: memref<128x128xf32, #tpu.memory_space<vmem>>, %arg5: memref<8000x128xf32, #tpu.memory_space<vmem>>) attributes {dimension_semantics = [#tpu.dimension_semantics<arbitrary>], iteration_bounds = array<i64: 40>, scalar_prefetch = 0 : i64, scratch_operands = 0 : i64, tpu.core_type = #tpu.core_type<tc>, window_params = [{transform_indices = @transform_0, window_bounds = array<i64: 8000, 128>}, {transform_indices = @transform_1, window_bounds = array<i64: 8000, 128>}, {transform_indices = @transform_2, window_bounds = array<i64: 8000, 128>}, {pipeline_mode = #tpu.pipeline_mode<synchronous>, transform_indices = @transform_3, window_bounds = array<i64: 128, 128>}, {transform_indices = @transform_4, window_bounds = array<i64: 8000, 128>}]} {
    %get3A = arith.constant 0 : index
    %get3A_0 = arith.constant 0 : index
    %get3A_1 = vector.load %arg1[%get3A, %get3A_0] : memref<8000x128xf32, #tpu.memory_space<vmem>>, vector<8000x128xf32>
    %get3A_2 = arith.constant 0 : index
    %get3A_3 = arith.constant 0 : index
    %get3A_4 = vector.load %arg2[%get3A_2, %get3A_3] : memref<8000x128xf32, #tpu.memory_space<vmem>>, vector<8000x128xf32>
    %add3A = arith.addf %get3A_1, %get3A_4 : vector<8000x128xf32>
    %get3A_5 = arith.constant 0 : index
    %get3A_6 = arith.constant 0 : index
    %get3A_7 = vector.load %arg3[%get3A_5, %get3A_6] : memref<8000x128xf32, #tpu.memory_space<vmem>>, vector<8000x128xf32>
    %slice3A = vector.extract_strided_slice %get3A_7 {offsets = [1, 0], sizes = [7999, 128], strides = [1, 1]} : vector<8000x128xf32> to vector<7999x128xf32>
    %slice3A_8 = vector.extract_strided_slice %get3A_7 {offsets = [0, 0], sizes = [1, 128], strides = [1, 1]} : vector<8000x128xf32> to vector<1x128xf32>
    %concatenate3A = tpu.concatenate %slice3A, %slice3A_8 in 0 : vector<7999x128xf32>, vector<1x128xf32> -> vector<8000x128xf32>
    %slice3A_9 = vector.extract_strided_slice %get3A_7 {offsets = [7999, 0], sizes = [1, 128], strides = [1, 1]} : vector<8000x128xf32> to vector<1x128xf32>
    %slice3A_10 = vector.extract_strided_slice %get3A_7 {offsets = [0, 0], sizes = [7999, 128], strides = [1, 1]} : vector<8000x128xf32> to vector<7999x128xf32>
    %concatenate3A_11 = tpu.concatenate %slice3A_9, %slice3A_10 in 0 : vector<1x128xf32>, vector<7999x128xf32> -> vector<8000x128xf32>
    %iota3A = tpu.iota {dimensions = array<i32: 0>} : vector<8000x128xi32>
    %jit3A = arith.constant 2 : i32
    %eq3A = arith.constant 0 : i32
    %eq3A_12 = arith.cmpi eq, %jit3A, %eq3A : i32
    %jit3A_13 = arith.constant 1 : i32
    %select_n3A = arith.select %eq3A_12, %jit3A_13, %jit3A : i32
    %rem3A = vector.broadcast %select_n3A : i32 to vector<8000x128xi32>
    %rem3A_14 = arith.remsi %iota3A, %rem3A : vector<8000x128xi32>
    %ne3A = arith.constant 0 : i32
    %ne3A_15 = vector.broadcast %ne3A : i32 to vector<8000x128xi32>
    %ne3A_16 = arith.cmpi ne, %rem3A_14, %ne3A_15 : vector<8000x128xi32>
    %lt3A = arith.constant 0 : i32
    %lt3A_17 = vector.broadcast %lt3A : i32 to vector<8000x128xi32>
    %lt3A_18 = arith.cmpi slt, %rem3A_14, %lt3A_17 : vector<8000x128xi32>
    %lt3A_19 = arith.constant 0 : i32
    %lt3A_20 = arith.cmpi slt, %select_n3A, %lt3A_19 : i32
    %ne3A_21 = vector.broadcast %lt3A_20 : i1 to vector<8000x128xi1>
    %ne3A_22 = vector.broadcast %ne3A_21 : vector<8000x128xi1> to vector<8000x128xi1>
    %ne3A_23 = arith.xori %lt3A_18, %ne3A_22 : vector<8000x128xi1>
    %and3A = arith.andi %ne3A_23, %ne3A_16 : vector<8000x128xi1>
    %add3A_24 = vector.broadcast %select_n3A : i32 to vector<8000x128xi32>
    %add3A_25 = arith.addi %rem3A_14, %add3A_24 : vector<8000x128xi32>
    %select_n3A_26 = arith.select %and3A, %add3A_25, %rem3A_14 : vector<8000x128xi1>, vector<8000x128xi32>
    %eq3A_27 = arith.constant 0 : i32
    %eq3A_28 = vector.broadcast %eq3A_27 : i32 to vector<8000x128xi32>
    %eq3A_29 = arith.cmpi eq, %select_n3A_26, %eq3A_28 : vector<8000x128xi32>
    %select_n3A_30 = arith.select %eq3A_29, %concatenate3A, %concatenate3A_11 : vector<8000x128xi1>, vector<8000x128xf32>
    %sub3A = arith.subf %add3A, %select_n3A_30 : vector<8000x128xf32>
    %max3A = arith.constant 0.000000e+00 : f32
    %max3A_31 = vector.broadcast %max3A : f32 to vector<8000x128xf32>
    %max3A_32 = arith.maximumf %sub3A, %max3A_31 : vector<8000x128xf32>
    %swap3A = arith.constant 0 : index
    %swap3A_33 = arith.constant 0 : index
    %swap3A_34 = vector.load %arg5[%swap3A, %swap3A_33] : memref<8000x128xf32, #tpu.memory_space<vmem>>, vector<8000x128xf32>
    tpu.vector_store %arg5[%swap3A, %swap3A_33], %max3A_32 {strides = array<i32>} : memref<8000x128xf32, #tpu.memory_space<vmem>>, vector<8000x128xf32>,
    return
  }
  func.func @transform_0(%arg0: i32) -> (i32, i32) {
    %c0_i32 = arith.constant 0 : i32
    %c0_i32_0 = arith.constant 0 : i32
    return %arg0, %c0_i32 : i32, i32
  }
  func.func @transform_1(%arg0: i32) -> (i32, i32) {
    %c0_i32 = arith.constant 0 : i32
    %c0_i32_0 = arith.constant 0 : i32
    return %arg0, %c0_i32 : i32, i32
  }
  func.func @transform_2(%arg0: i32) -> (i32, i32) {
    %c0_i32 = arith.constant 0 : i32
    %c0_i32_0 = arith.constant 0 : i32
    return %arg0, %c0_i32 : i32, i32
  }
  func.func @transform_3(%arg0: i32) -> (i32, i32) {
    %c0_i32 = arith.constant 0 : i32
    %c0_i32_0 = arith.constant 0 : i32
    %c0_i32_1 = arith.constant 0 : i32
    return %c0_i32, %c0_i32_0 : i32, i32
  }
  func.func @transform_4(%arg0: i32) -> (i32, i32) {
    %c0_i32 = arith.constant 0 : i32
    %c0_i32_0 = arith.constant 0 : i32
    return %arg0, %c0_i32 : i32, i32
  }
}

module attributes {stable_mosaic.version = 14 : i64} {
  func.func @body(%arg0: memref<10240x128xf32, #tpu.memory_space<vmem>>, %arg1: memref<2x10240x128xf32, #tpu.memory_space<vmem>>, %arg2: memref<1x10240xi32, #tpu.memory_space<vmem>>, %arg3: memref<128x128xf32, #tpu.memory_space<vmem>>, %arg4: memref<128x128xf32, #tpu.memory_space<vmem>>, %arg5: memref<128x128xf32, #tpu.memory_space<vmem>>, %arg6: memref<128x1xf32, #tpu.memory_space<vmem>>, %arg7: memref<64x1xf32, #tpu.memory_space<vmem>>) attributes {dimension_semantics = [], scalar_prefetch = 0 : i64, scratch_operands = 0 : i64, tpu.core_type = #tpu.core_type<tc>} {
    %get3A = arith.constant 0 : index
    %get3A_0 = arith.constant 0 : index
    %get3A_1 = arith.constant 0 : index
    %get3A_2 = vector.load %arg1[%get3A, %get3A_0, %get3A_1] : memref<2x10240x128xf32, #tpu.memory_space<vmem>>, vector<1x10240x128xf32>
    %get3A_3 = vector.shape_cast %get3A_2 : vector<1x10240x128xf32> to vector<10240x128xf32>
    %get3A_4 = arith.constant 1 : index
    %get3A_5 = arith.constant 0 : index
    %get3A_6 = arith.constant 0 : index
    %get3A_7 = vector.load %arg1[%get3A_4, %get3A_5, %get3A_6] : memref<2x10240x128xf32, #tpu.memory_space<vmem>>, vector<1x10240x128xf32>
    %get3A_8 = vector.shape_cast %get3A_7 : vector<1x10240x128xf32> to vector<10240x128xf32>
    %add3A = arith.addf %get3A_3, %get3A_8 : vector<10240x128xf32>
    %get3A_9 = arith.constant 0 : index
    %get3A_10 = arith.constant 0 : index
    %get3A_11 = vector.load %arg0[%get3A_9, %get3A_10] : memref<10240x128xf32, #tpu.memory_space<vmem>>, vector<10240x128xf32>
    %get3A_12 = arith.constant 0 : index
    %get3A_13 = arith.constant 0 : index
    %get3A_14 = vector.load %arg3[%get3A_12, %get3A_13] : memref<128x128xf32, #tpu.memory_space<vmem>>, vector<128x128xf32>
    %dot_general3A = arith.constant dense<0.000000e+00> : vector<10240x128xf32>
    %dot_general3A_15 = tpu.matmul %get3A_11, %get3A_14, %dot_general3A {dimension_numbers = #tpu.dot_dimension_numbers<[1], [0], [0], [1], [0, 0, 1, 1], [], []>, transpose_lhs_hint = false} : vector<10240x128xf32>, vector<128x128xf32>, vector<10240x128xf32> -> vector<10240x128xf32>
    %get3A_16 = arith.constant 0 : index
    %get3A_17 = arith.constant 0 : index
    %get3A_18 = vector.load %arg4[%get3A_16, %get3A_17] : memref<128x128xf32, #tpu.memory_space<vmem>>, vector<128x128xf32>
    %dot_general3A_19 = arith.constant dense<0.000000e+00> : vector<10240x128xf32>
    %dot_general3A_20 = tpu.matmul %add3A, %get3A_18, %dot_general3A_19 {dimension_numbers = #tpu.dot_dimension_numbers<[1], [0], [0], [1], [0, 0, 1, 1], [], []>, transpose_lhs_hint = false} : vector<10240x128xf32>, vector<128x128xf32>, vector<10240x128xf32> -> vector<10240x128xf32>
    %add3A_21 = arith.addf %dot_general3A_15, %dot_general3A_20 : vector<10240x128xf32>
    %max3A = arith.constant 0.000000e+00 : f32
    %max3A_22 = vector.broadcast %max3A : f32 to vector<10240x128xf32>
    %max3A_23 = arith.maximumf %add3A_21, %max3A_22 : vector<10240x128xf32>
    %iota3A = tpu.iota {dimensions = array<i32: 0>} : vector<64x10240xi32>
    %get3A_24 = arith.constant 0 : index
    %get3A_25 = arith.constant 0 : index
    %get3A_26 = vector.load %arg2[%get3A_24, %get3A_25] : memref<1x10240xi32, #tpu.memory_space<vmem>>, vector<1x10240xi32>
    %eq3A = vector.broadcast %get3A_26 : vector<1x10240xi32> to vector<64x10240xi32>
    %eq3A_27 = arith.cmpi eq, %eq3A, %iota3A : vector<64x10240xi32>
    %convert_element_type3A = arith.extui %eq3A_27 : vector<64x10240xi1> to vector<64x10240xi32>
    %convert_element_type3A_28 = arith.sitofp %convert_element_type3A : vector<64x10240xi32> to vector<64x10240xf32>
    %reduce_sum3A = arith.constant dense<0.000000e+00> : vector<64xf32>
    %reduce_sum3A_29 = vector.multi_reduction <add>, %convert_element_type3A_28, %reduce_sum3A [1] : vector<64x10240xf32> to vector<64xf32>
    %max3A_30 = arith.constant 1.000000e+00 : f32
    %max3A_31 = vector.broadcast %max3A_30 : f32 to vector<64xf32>
    %max3A_32 = arith.maximumf %reduce_sum3A_29, %max3A_31 : vector<64xf32>
    %dot_general3A_33 = arith.constant dense<0.000000e+00> : vector<64x128xf32>
    %dot_general3A_34 = tpu.matmul %convert_element_type3A_28, %max3A_23, %dot_general3A_33 {dimension_numbers = #tpu.dot_dimension_numbers<[1], [0], [0], [1], [0, 0, 1, 1], [], []>, transpose_lhs_hint = false} : vector<64x10240xf32>, vector<10240x128xf32>, vector<64x128xf32> -> vector<64x128xf32>
    %broadcast_in_dim3A = vector.shape_cast %max3A_32 : vector<64xf32> to vector<64x1xf32>
    %div3A = vector.broadcast %broadcast_in_dim3A : vector<64x1xf32> to vector<64x128xf32>
    %div3A_35 = arith.divf %dot_general3A_34, %div3A : vector<64x128xf32>
    %get3A_36 = arith.constant 0 : index
    %get3A_37 = arith.constant 0 : index
    %get3A_38 = vector.load %arg5[%get3A_36, %get3A_37] : memref<128x128xf32, #tpu.memory_space<vmem>>, vector<128x128xf32>
    %dot_general3A_39 = arith.constant dense<0.000000e+00> : vector<64x128xf32>
    %dot_general3A_40 = tpu.matmul %div3A_35, %get3A_38, %dot_general3A_39 {dimension_numbers = #tpu.dot_dimension_numbers<[1], [0], [0], [1], [0, 0, 1, 1], [], []>, transpose_lhs_hint = false} : vector<64x128xf32>, vector<128x128xf32>, vector<64x128xf32> -> vector<64x128xf32>
    %max3A_41 = arith.constant 0.000000e+00 : f32
    %max3A_42 = vector.broadcast %max3A_41 : f32 to vector<64x128xf32>
    %max3A_43 = arith.maximumf %dot_general3A_40, %max3A_42 : vector<64x128xf32>
    %get3A_44 = arith.constant 0 : index
    %get3A_45 = arith.constant 0 : index
    %get3A_46 = vector.load %arg6[%get3A_44, %get3A_45] : memref<128x1xf32, #tpu.memory_space<vmem>>, vector<128x1xf32>
    %dot_general3A_47 = arith.constant dense<0.000000e+00> : vector<64x1xf32>
    %dot_general3A_48 = tpu.matmul %max3A_43, %get3A_46, %dot_general3A_47 {dimension_numbers = #tpu.dot_dimension_numbers<[1], [0], [0], [1], [0, 0, 1, 1], [], []>, transpose_lhs_hint = false} : vector<64x128xf32>, vector<128x1xf32>, vector<64x1xf32> -> vector<64x1xf32>
    %swap3A = arith.constant 0 : index
    %swap3A_49 = arith.constant 0 : index
    %swap3A_50 = vector.load %arg7[%swap3A, %swap3A_49] : memref<64x1xf32, #tpu.memory_space<vmem>>, vector<64x1xf32>
    tpu.vector_store %arg7[%swap3A, %swap3A_49], %dot_general3A_48 {strides = array<i32>} : memref<64x1xf32, #tpu.memory_space<vmem>>, vector<64x1xf32>,
    return
  }
}

</mosaic_0001>

<sc_bundles>
// kernel: kernel.19.cloned.1.call-start
scs
__scs_entry_jumppad:
0x0: {  	(pc) =	sbr.rel $0x88, $3  }
0x1: {  	(tag) =	ssettag $0x0;
	lr =	simm.s32 $0x1  }
0x2: {  	[smem:$0x3F98] =	sst lr;
	_ =	strace $0xD0000000  }
0x3: {  	_ = 	snop  }
0x4: {  	_ = 	snop  }
0x5: {  	_ = 	snop  }
0x6: {  	_ = 	snop  }
0x7: {  	_ = 	snop  }
__scs_overlays_trampoline_lowered:
0x8: {  	[smem:$0x3FA7] =	sst s0  }
0x9: {  	[smem:$0x3FA8] =	sst s1  }
0xa: {  	[smem:$0x3FA9] =	sst s2  }
0xb: {  	[smem:$0x3FAA] =	sst s3  }
0xc: {  	[smem:$0x3FAB] =	sst s4  }
0xd: {  	[smem:$0x3FAC] =	sst s5  }
0xe: {  	[smem:$0x3FAD] =	sst s6  }
0xf: {  	[smem:$0x3FAE] =	sst s7  }
0x10: {  	[smem:$0x3FAF] =	sst s8  }
0x11: {  	[smem:$0x3FB0] =	sst s9;
	s0 =	simm.s32 @!p0 $0x0  }
0x12: {  	s1 =	sld [smem:$0x3F96];
	s0 =	simm.s32 @p0 $0x1  }
0x13: {  	[smem:$0x3FB1] =	sst s0;
	s0 =	simm.s32 @!p1 $0x0  }
0x14: {  	s2 =	sld [smem:$0x3F95];
	s0 =	simm.s32 @p1 $0x1  }
0x15: {  	[smem:$0x3FB2] =	sst s0;
	s0 =	simm.s32 @!p2 $0x0  }
0x16: {  	s3 =	sld [smem:$0x3FDB];
	s0 =	simm.s32 @p2 $0x1  }
0x17: {  	s4 =	simm.s32 $0x1BF5;
	[smem:$0x3FB4] =	sst s0  }
0x18: {  	s0 =	sld [smem:$0x3F97];
	_ =	swait.ge [sflag:s4], $0x0  }
0x19: {  	s7 =	sld [smem:$0x3F98]  }
0x1a: {  	s8 =	sadd.s32 $0xFFFFE003, lr  }
0x1b: {  	s9 =	sadd.s32 $0xFFFFFEF7, lr;
	s5 =	simm.s32 $0xFFFFFFFF;
	p2 =	slt.u32 s8, $0xFFFFF086  }
0x1c: {  	p1 =	slt.u32 s9, $0xF7A;
	s5 =	simm.s32 @!p2 $0x0  }
0x1d: {  	s5 =	simm.s32 @p1 $0x1;
	p0 =	seq.s32 s7, s2  }
0x1e: {  	s7 =	smul.u32 @!p0 $0xF7A, s2;
	p2 =	seq.s32 @!p0 s5, $0x0  }
0x1f: {  	s9 =	smul.u32 $0xF7A, s1;
	s8 =	simm.s32 @!p0 $0x1BF5;
	p2 =	por !p2, p0  }
0x20: {  	[sflag:s8] =	ssyncset.s32 @!p0 $0xFFFFF086;
	s6 =	sadd.s32 @!p0 s3, s7;
	s7 =	simm.s32 @!p0 $0x108  }
0x21: {  	s3 =	sadd.s32 s3, s9;
	s6 =	sadd.s32 @!p0 $0x88, s6;
	s7 =	simm.s32 @p2 $0x1082  }
0x22: {  	[simem:s7], [sflag:s8] =	dma.local @!p0 [hbm:s6], $0xF7A  }
0x23: {  	s9 =	sor.u32 $0xD0000000, s2;
	s6 =	simm.s32 $0x108;
	_ =	swait.ge @!p0 [sflag:s8], $0x0  }
0x24: {  	s3 =	sadd.s32 $0x88, s3;
	s6 =	simm.s32 @!p1 $0x1082;
	[sflag:s4] =	ssyncset.s32 $0xFFFFF086  }
0x25: {  	[simem:s6], [sflag:s4] =	dma.local [hbm:s3], $0xF7A  }
0x26: {  	[smem:$0x3F98] =	sst s1;
	(tag) =	ssettag s2;
	_ =	strace s9  }
0x27: {  	s1 =	sld [smem:$0x3FA8]  }
0x28: {  	s2 =	sld [smem:$0x3FA9]  }
0x29: {  	s4 =	sld [smem:$0x3FAB]  }
0x2a: {  	p0 =	seq.s32 s5, $0x0;
	s5 =	sld [smem:$0x3FAC]  }
0x2b: {  	s6 =	sld [smem:$0x3FAD]  }
0x2c: {  	s7 =	sld [smem:$0x3FAE]  }
0x2d: {  	s3 =	simm.s32 $0x108;
	s8 =	sld [smem:$0x3FAF]  }
0x2e: {  	s3 =	simm.s32 @!p0 $0x1082;
	s9 =	sld [smem:$0x3FB0]  }
0x2f: {  	lr =	sadd.s32 s0, s3;
	s0 =	sld [smem:$0x3FA7]  }
0x30: {  	s3 =	sld [smem:$0x3FAA]  }
0x31: {  	[smem:$0x3FB3] =	sst s10  }
0x32: {  	s10 =	sld [smem:$0x3FB1];
	_ =	sdelay $0x3  }
0x33: {  	p0 =	seq.s32 s10, $0x1;
	s10 =	sld [smem:$0x3FB3];
	_ =	sdelay $0x3  }
0x34: {  	[smem:$0x3FB3] =	sst s10  }
0x35: {  	s10 =	sld [smem:$0x3FB2];
	_ =	sdelay $0x3  }
0x36: {  	p1 =	seq.s32 s10, $0x1;
	s10 =	sld [smem:$0x3FB3];
	_ =	sdelay $0x3  }
0x37: {  	[smem:$0x3FB3] =	sst s10  }
0x38: {  	s10 =	sld [smem:$0x3FB4]  }
0x39: {  	_ = 	snop;
	(pc) =	sbr.ind lr, $3  }
0x3a: {  	_ = 	snop  }
0x3b: {  	_ = 	snop  }
0x3c: {  	p2 =	seq.s32 s10, $0x1;
	s10 =	sld [smem:$0x3FB3]  }
0x3d: {  	_ =	shalt  }
0x3e: {  	_ =	shalt  }
0x3f: {  	_ =	shalt  }
0x40: {  	_ =	shalt  }
0x41: {  	_ =	shalt  }
0x42: {  	_ =	shalt  }
0x43: {  	_ =	shalt  }
0x44: {  	_ =	shalt  }
0x45: {  	_ =	shalt  }
0x46: {  	_ =	shalt  }
0x47: {  	_ =	shalt  }
0x48: {  	_ =	shalt  }
0x49: {  	_ =	shalt  }
0x4a: {  	_ =	shalt  }
0x4b: {  	_ =	shalt  }
0x4c: {  	_ =	shalt  }
0x4d: {  	_ =	shalt  }
0x4e: {  	_ =	shalt  }
0x4f: {  	_ =	shalt  }
0x50: {  	_ =	shalt  }
0x51: {  	_ =	shalt  }
0x52: {  	_ =	shalt  }
0x53: {  	_ =	shalt  }
0x54: {  	_ =	shalt  }
0x55: {  	_ =	shalt  }
0x56: {  	_ =	shalt  }
0x57: {  	_ =	shalt  }
0x58: {  	_ =	shalt  }
0x59: {  	_ =	shalt  }
0x5a: {  	_ =	shalt  }
0x5b: {  	_ =	shalt  }
0x5c: {  	_ =	shalt  }
0x5d: {  	_ =	shalt  }
0x5e: {  	_ =	shalt  }
0x5f: {  	_ =	shalt  }
0x60: {  	_ =	shalt  }
0x61: {  	_ =	shalt  }
0x62: {  	_ =	shalt  }
0x63: {  	_ =	shalt  }
0x64: {  	_ =	shalt  }
0x65: {  	_ =	shalt  }
0x66: {  	_ =	shalt  }
0x67: {  	_ =	shalt  }
0x68: {  	_ =	shalt  }
0x69: {  	_ =	shalt  }
0x6a: {  	_ =	shalt  }
0x6b: {  	_ =	shalt  }
0x6c: {  	_ =	shalt  }
0x6d: {  	_ =	shalt  }
0x6e: {  	_ =	shalt  }
0x6f: {  	_ =	shalt  }
0x70: {  	_ =	shalt  }
0x71: {  	_ =	shalt  }
0x72: {  	_ =	shalt  }
0x73: {  	_ =	shalt  }
0x74: {  	_ =	shalt  }
0x75: {  	_ =	shalt  }
0x76: {  	_ =	shalt  }
0x77: {  	_ =	shalt  }
0x78: {  	_ =	shalt  }
0x79: {  	_ =	shalt  }
0x7a: {  	_ =	shalt  }
0x7b: {  	_ =	shalt  }
0x7c: {  	_ =	shalt  }
0x7d: {  	_ =	shalt  }
0x7e: {  	_ =	shalt  }
0x7f: {  	_ =	shalt  }
0x80: {  	_ =	shalt  }
0x81: {  	_ =	shalt  }
0x82: {  	_ =	shalt  }
0x83: {  	_ =	shalt  }
0x84: {  	_ =	shalt  }
0x85: {  	_ =	shalt  }
0x86: {  	_ =	shalt  }
0x87: {  	_ =	shalt  }
.Lfunc_end0:
.L_simem_size_0:
called_computation_lowered:
.L_overlay_start_0:
0x88: {  	s2 =	sld [smem:$0x3FD9]  }
0x89: {  	s3 =	sld [smem:$0x3FFE];
	_ =	sdelay $0x1  }
0x8a: {  	s1 =	srdreg.scid  }
0x8b: {  	s0 =	sand.u32 $0x1, s1  }
0x8c: {  	s16 =	sshll.u32 s0, $0xA;
	s2 =	sadd.s32 s3, s2  }
0x8d: {  	s2 =	sadd.s32 s2, s16  }
0x8e: {  	[smem:$0x3FBF] =	sst s2  }
0x8f: {  	_ = 	snop  }
0x90: {  	(tm) =	ssettm $0x1  }
0x91: {  	s17 =	sld [smem:$0x3FFB];
	_ =	sdelay $0x3  }
0x92: {  	_ =	strace s17  }
0x93: {  	s2 =	sld [smem:$0x3FFC];
	_ =	sdelay $0x3  }
0x94: {  	_ =	strace s2  }
0x95: {  	s2 =	sld [smem:$0x3FFD];
	_ =	sdelay $0x3  }
0x96: {  	_ =	strace s2  }
0x97: {  	_ =	strace $0x8FFFFFFF  }
0x98: {  	s18 =	sld [smem:$0x3FDB];
	_ =	sdelay $0x1  }
0x99: {  	s19 =	simm.s32 $_scs_section_size  }
0x9a: {  	s4 =	simm.s32 $_size__tile_overlayer_lowered;
	s5 =	simm.s32 $_tile_overlayer_lowered  }
0x9b: {  	s22 =	simm.s32 $0x1BFF;
	s21 =	sshll.u32 s5, $0x1;
	s2 =	sadd.s32 s19, s18  }
0x9c: {  	s6 =	simm.s32 $0x0;
	s20 =	sshll.u32 s4, $0x1;
	s4 =	sadd.s32 s21, s2  }
0x9d: {  	[timem:s6], [sflag:s22] =	dma.local [hbm:s4], s20  }
0x9e: {  	_ =	swait.ge [sflag:s22], s20  }
0x9f: {  	s3 =	ssub.s32 $0x0, s20;
	[sflag:s22] =	ssyncset.done $0x0  }
0xa0: {  	[sflag:s22] =	ssyncadd.s32 s3;
	_ =	sdelay $0x1  }
0xa1: {  	s23 =	simm.s32 $0x1B8B  }
0xa2: {  	_ =	swait.ge [sflag:s23], $0x1  }
0xa3: {  	[sflag:s23] =	ssyncset.done $0x0  }
0xa4: {  	s25 =	simm.s32 $0x1B8E;
	s24 =	sld [smem:$0x3FFE];
	[sflag:s23] =	ssyncadd.s32 $0xFFFFFFFF  }
0xa5: {  	s26 =	simm.s32 $execute0_lowered;
	[smem:$0x3FD2] =	sst s25  }
0xa6: {  	s4 =	sshll.u32 s26, $0x1;
	_ =	strace $0x80000046;
	[dreg:$0x1] =	wrdreg $0xFFFFFFFF  }
0xa7: {  	s28 =	simm.s32 $_size_execute0_lowered;
	s2 =	sadd.s32 s2, s4;
	[dreg:$0x0] =	wrdreg $0x0  }
0xa8: {  	s4 =	sshll.u32 s28, $0x1;
	[dreg:$0x2] =	wrdreg s2  }
0xa9: {  	[dreg:$0x3] =	wrdreg s4  }
0xaa: {  	[dreg:$0x4] =	wrdreg $0xC0  }
0xab: {  	_ =	task [dreg:s6], $0x5FFFF  }
0xac: {  	[dreg:$0x1] =	wrdreg $0xFFFFFFFF  }
0xad: {  	[dreg:$0x0] =	wrdreg $0x60  }
0xae: {  	[dreg:$0x2] =	wrdreg s24  }
0xaf: {  	[dreg:$0x3] =	wrdreg $0x0  }
0xb0: {  	[dreg:$0x4] =	wrdreg $0x9  }
0xb1: {  	_ =	task.clear_ibuf [dreg:s6], $0x5FFFF;
	_ =	strace $0x90000046  }
0xb2: {  	s29 =	simm.s32 $0x9;
	_ =	strace $0x80000048  }
0xb3: {  	_ =	swait.ge [sflag:s29], $0x1  }
0xb4: {  	[sflag:s29] =	ssyncadd.s32 $0xFFFFFFFF  }
0xb5: {  	_ =	strace $0x90000048  }
0xb6: {  	_ =	sfence  }
0xb7: {  	s30 =	sld [smem:$0x0];
	_ =	sdelay $0x2  }
0xb8: {  	s31 =	sshll.u32 s1, $0xD;
	s1 =	sshrl.u32 s1, $0x2  }
0xb9: {  	s3 =	sand.u32 $0x4000, s31;
	s1 =	sadd.s32 s1, s30  }
0xba: {  	s0 =	sor.u32 s3, s0;
	s1 =	sshll.u32 s1, $0x11  }
0xbb: {  	s0 =	sor.u32 s1, s0  }
0xbc: {  	s0 =	sadd.s32 $0x8F2B, s0  }
0xbd: {  	[sflag:s0] =	ssyncadd.remote.s32 $0x1  }
0xbe: {  	_ =	sfence.sel $0xFFFF  }
0xbf: {  	[dreg:$0x0] =	wrdreg $0xFFFFFFFF;
	(pc) =	sbr.abs _section_cstart, $3  }
0xc0: {  	[dreg:$0x1] =	wrdreg $0xFFFFFFFF  }
0xc1: {  	_ =	task.clear_ibuf [dreg:s6], $0x2FFFF;
	_ =	strace $0x9FFFFFFF  }
0xc2: {  	(tm) =	ssettm $0x7FFFFFFF  }
0xc3: {  	_ =	shalt  }
tec
execute0_lowered:
.L_overlay_start_1:
0x0: {  	(tag) =	ssettag $0x1  }
0x1: {  	s0 =	rddreg [dreg:$0x0]  }
0x2: {  	s2 =	rddreg [dreg:$0x1];
	s17 =	stileid.u32  }
0x3: {  	s3 =	simm.s32 $0x0;
	s4 =	srdreg.scid;
	s18 =	simm.s32 $0x14000  }
0x4: {  	s28 =	simm.s32 $0x16900;
	s29 =	simm.s32 $0x3;
	s1 =	smul.u32 $0x2800, s17  }
0x5: {  	s30 =	simm.s32 $0x4;
	s31 =	simm.s32 $0x0;
	s8 =	smul.u32 $0x50000, s17  }
0x6: {  	[smem:$0x7FF] =	sst s3;
	s6 =	sand.u32 $0x1, s4;
	s25 =	smul.u32 $0x4E20, s17  }
0x7: {  	s19 =	sshll.u32 s17, $0x1;
	s22 =	sshll.u32 s17, $0x6;
	s17 =	smul.u32 $0x4E200, s17  }
0x8: {  	s4 =	sadd.s32 $0x3A00, s0;
	_ =	strace $0x80000047;
	s15 =	smul.u32 $0x2710, s6  }
0x9: {  	s9 =	sor.u32 s6, s19;
	s5 =	ssub.s32 $0x2, s6;
	s6 =	smul.u32 $0x27100, s6  }
0xa: {  	s19 =	simm.s32 $0x14080;
	s1 =	sadd.s32 s1, s0;
	s10 =	smul.u32 $0x2710, s9  }
0xb: {  	s0 =	sadd.s32 $0x67600, s0;
	s7 =	sshrl.u32 s5, $0x1;
	s12 =	smul.u32 $0x138800, s9  }
0xc: {  	s8 =	sshrl.u32 s8, $0x2;
	s24 =	smul.u32 $0x27100, s9;
	s11 =	ssub.s32 s5, s7  }
0xd: {  	s16 =	sadd.s32 s8, s2;
	s1 =	sadd.s32 $0x3F600, s1;
	s8 =	sor.u32 $0x1C06, s22  }
0xe: {  	s22 =	simm.s32 $0x1;
	s20 =	sshrl.u32 s10, $0x3;
	s14 =	sadd.s32 $0x50, s10  }
0xf: {  	[dreg:$0x4] =	wrdreg s1;
	s12 =	sshrl.u32 s12, $0x3;
	s9 =	sadd.s32 $0xF0, s10  }
0x10: {  	s11 =	smax.u32 s11, $0x1;
	s1 =	sadd.s32 s15, s25;
	s25 =	simm.s32 $0x5  }
0x11: {  	s21 =	sshrl.u32 s14, $0x3;
	s5 =	sadd.s32 s4, s20;
	s23 =	sadd.s32 s0, s12  }
0x12: {  	s12 =	sadd.s32 s0, s24;
	s14 =	sshll.u32 s14, $0x4;
	s26 =	sshrl.u32 s9, $0x3  }
0x13: {  	s1 =	sadd.s32 $0x140, s1;
	s20 =	sshrl.u32 s16, $0x3;
	s24 =	simm.s32 $0x14100  }
.Ltmp0:
0x14: {  	s7 =	sadd.s32 s4, s21;
	s10 =	sadd.s32 $0x26C00, s23;
	(pc) =	sbr.rel .LBB2_1-.Ltmp0, $4  }
0x15: {  	s13 =	sadd.s32 $0x14, s5;
	s14 =	sadd.s32 s0, s14;
	s0 =	sadd.s32 s17, s0  }
0x16: {  	s15 =	sadd.s32 s4, s26;
	s1 =	sshrl.u32 s1, $0x3;
	s21 =	simm.s32 $0x6  }
0x17: {  	s23 =	simm.s32 $0x50;
	s26 =	simm.s32 $0x2;
	s0 =	sadd.s32 s6, s0  }
0x18: {  	[dreg:$0x3] =	wrdreg s7;
	s1 =	sadd.s32 s1, s4;
	s6 =	sadd.s32 $0xF00, s0  }
.LBB2_4:
0x19: {  	_ =	swait.ge [sflag:s22], $0x50  }
0x1a: {  	[sflag:s22] =	ssyncset.done $0x0  }
0x1b: {  	[sflag:s22] =	ssyncadd.s32 $0xFFFFFFB0  }
0x1c: {  	_ =	swait.ge [sflag:s29], $0x2800  }
0x1d: {  	[sflag:s29] =	ssyncset.done $0x0  }
0x1e: {  	[sflag:s29] =	ssyncadd.s32 $0xFFFFD800  }
0x1f: {  	[tilespmem:s24], [sflag:$0x5] =	stream.indirect.gather [spmem:s2], $0x80, s18, s23, $0xb8;
	[tilespmem:$0x19100] =	vst v63  }
0x20: {  	_ =	swait.ge [sflag:s25], $0x2800  }
0x21: {  	[sflag:s25] =	ssyncset.done $0x0  }
0x22: {  	s31 =	sadd.s32 $0x1, s31;
	[sflag:s25] =	ssyncadd.s32 $0xFFFFD800  }
0x23: {  	[hbm4b:s10+s3] =	stream.linear.scatter [tilespmem:s24], [sflag:$0x3], $0x2800, $0x38;
	[tilespmem:$0x19100] =	vst v63  }
0x24: {  	p0 =	sne.s32 s31, s11;
	_ =	swait.ge [sflag:s30], $0x2800  }
.Ltmp1:
0x25: {  	[sflag:s30] =	ssyncset.done $0x0;
	(pc) =	sbr.rel @!p0 .LBB2_5-.Ltmp1, $4  }
0x26: {  	[sflag:s30] =	ssyncadd.s32 $0xFFFFD800  }
0x27: {  	_ =	swait.ge [sflag:s29], $0x2800  }
0x28: {  	[sflag:s29] =	ssyncset.done $0x0  }
0x29: {  	[sflag:s29] =	ssyncadd.s32 $0xFFFFD800  }
.LBB2_1:
0x2a: {  	[tilespmem:s18], [sflag:$0x1] =	stream.linear.gather [hbm4b:s5+s3], $0x50, $0x38;
	[tilespmem:$0x19100] =	vst v63  }
0x2b: {  	s0 =	rddreg [dreg:$0x3]  }
0x2c: {  	s17 =	rddreg [dreg:$0x4]  }
0x2d: {  	[tilespmem:s19], [sflag:$0x2] =	stream.linear.gather [hbm4b:s0+s3], $0x50, $0x38;
	[tilespmem:$0x19100] =	vst v63  }
0x2e: {  	[spmem:s20], [sflag:s8] =	dma.local [hbm:s17], $0x2800  }
0x2f: {  	_ =	swait.ge [sflag:s21], $0x2800  }
0x30: {  	[sflag:s21] =	ssyncset.done $0x0  }
0x31: {  	[sflag:s21] =	ssyncadd.s32 $0xFFFFD800  }
0x32: {  	[bflag:$0x0] =	sbarrier.arrive $0xFFFF  }
0x33: {  	_ =	swait.ge [sflag:s22], $0x50  }
0x34: {  	[sflag:s22] =	ssyncset.done $0x0  }
0x35: {  	[sflag:s22] =	ssyncadd.s32 $0xFFFFFFB0  }
0x36: {  	[tilespmem:s24], [sflag:$0x5] =	stream.indirect.gather [spmem:s2], $0x80, s18, s23, $0xb8;
	[tilespmem:$0x19100] =	vst v63  }
0x37: {  	_ =	swait.ge [sflag:s25], $0x2800  }
0x38: {  	[sflag:s25] =	ssyncset.done $0x0  }
0x39: {  	[sflag:s25] =	ssyncadd.s32 $0xFFFFD800  }
0x3a: {  	[hbm4b:s12+s3] =	stream.linear.scatter [tilespmem:s24], [sflag:$0x3], $0x2800, $0x38;
	[tilespmem:$0x19100] =	vst v63  }
0x3b: {  	_ = 	snop  }
0x3c: {  	[tilespmem:s18], [sflag:$0x1] =	stream.linear.gather [hbm4b:s13+s3], $0x50, $0x38;
	[tilespmem:$0x19100] =	vst v63  }
0x3d: {  	_ =	swait.ge [sflag:s26], $0x50  }
0x3e: {  	[sflag:s26] =	ssyncset.done $0x0  }
0x3f: {  	[sflag:s26] =	ssyncadd.s32 $0xFFFFFFB0  }
0x40: {  	[tilespmem:s28], [sflag:$0x5] =	stream.indirect.gather [spmem:s2], $0x80, s19, s23, $0xb8;
	[tilespmem:$0x19100] =	vst v63  }
0x41: {  	_ =	swait.ge [sflag:s25], $0x2800  }
0x42: {  	[sflag:s25] =	ssyncset.done $0x0  }
0x43: {  	[sflag:s25] =	ssyncadd.s32 $0xFFFFD800  }
0x44: {  	[hbm4b:s14+s3] =	stream.linear.scatter [tilespmem:s28], [sflag:$0x4], $0x2800, $0x38;
	[tilespmem:$0x19100] =	vst v63  }
0x45: {  	s16 =	smov.u32 s6;
	s0 =	simm.s32 $0xA0;
	s17 =	smov.u32 s1  }
0x46: {  	[tilespmem:s19], [sflag:$0x2] =	stream.linear.gather [hbm4b:s15+s3], $0x50, $0x38;
	[tilespmem:$0x19100] =	vst v63  }
.LBB2_2:
0x47: {  	_ =	swait.ge [sflag:s22], $0x50  }
0x48: {  	[sflag:s22] =	ssyncset.done $0x0  }
0x49: {  	[sflag:s22] =	ssyncadd.s32 $0xFFFFFFB0  }
0x4a: {  	_ =	swait.ge [sflag:s29], $0x2800  }
0x4b: {  	[sflag:s29] =	ssyncset.done $0x0  }
0x4c: {  	[sflag:s29] =	ssyncadd.s32 $0xFFFFD800  }
0x4d: {  	[tilespmem:s24], [sflag:$0x5] =	stream.indirect.gather [spmem:s2], $0x80, s18, s23, $0xb8;
	[tilespmem:$0x19100] =	vst v63  }
0x4e: {  	_ =	swait.ge [sflag:s25], $0x2800  }
0x4f: {  	[sflag:s25] =	ssyncset.done $0x0  }
0x50: {  	s7 =	sadd.s32 $0xFFFFFB00, s16;
	[sflag:s25] =	ssyncadd.s32 $0xFFFFD800  }
0x51: {  	[hbm4b:s7+s3] =	stream.linear.scatter [tilespmem:s24], [sflag:$0x3], $0x2800, $0x38;
	[tilespmem:$0x19100] =	vst v63  }
0x52: {  	_ = 	snop  }
0x53: {  	[tilespmem:s18], [sflag:$0x1] =	stream.linear.gather [hbm4b:s17+s3], $0x50, $0x38;
	[tilespmem:$0x19100] =	vst v63  }
0x54: {  	_ =	swait.ge [sflag:s26], $0x50  }
0x55: {  	[sflag:s26] =	ssyncset.done $0x0  }
0x56: {  	[sflag:s26] =	ssyncadd.s32 $0xFFFFFFB0  }
0x57: {  	_ =	swait.ge [sflag:s30], $0x2800  }
0x58: {  	[sflag:s30] =	ssyncset.done $0x0  }
0x59: {  	p0 =	seq.s32 s0, $0x2620;
	[sflag:s30] =	ssyncadd.s32 $0xFFFFD800  }
0x5a: {  	[tilespmem:s28], [sflag:$0x5] =	stream.indirect.gather [spmem:s2], $0x80, s19, s23, $0xb8;
	[tilespmem:$0x19100] =	vst v63  }
.Ltmp2:
0x5b: {  	_ = 	snop;
	(pc) =	sbr.rel @p0 .LBB2_4-.Ltmp2, $4  }
0x5c: {  	_ =	swait.ge [sflag:s25], $0x2800  }
0x5d: {  	[sflag:s25] =	ssyncset.done $0x0  }
0x5e: {  	[sflag:s25] =	ssyncadd.s32 $0xFFFFD800  }
0x5f: {  	[hbm4b:s16+s3] =	stream.linear.scatter [tilespmem:s28], [sflag:$0x4], $0x2800, $0x38;
	[tilespmem:$0x19100] =	vst v63  }
.Ltmp3:
0x60: {  	s7 =	smin.u32 s0, $0x25D0;
	(pc) =	sbr.rel .LBB2_2-.Ltmp3, $4  }
0x61: {  	s7 =	sadd.s32 s7, s9  }
0x62: {  	s16 =	sadd.s32 $0xA00, s16;
	s7 =	sshrl.u32 s7, $0x3  }
0x63: {  	s17 =	sadd.s32 $0x14, s17;
	s0 =	sadd.s32 $0xA0, s0;
	s7 =	sadd.s32 s4, s7  }
0x64: {  	[tilespmem:s19], [sflag:$0x2] =	stream.linear.gather [hbm4b:s7+s3], $0x50, $0x38;
	[tilespmem:$0x19100] =	vst v63  }
.LBB2_5:
0x65: {  	_ =	sfence.sel $0x180000  }
0x66: {  	[bflag:$0x0] =	sbarrier.arrive $0xFFFF  }
0x67: {  	_ =	strace $0x90000047  }
0x68: {  	s0 =	stileid.u32;
	[bflag:$0x2] =	sbarrier.arrive $0xFFFF  }
0x69: {  	p0 =	sne.s32 s0, $0x0;
	s0 =	rddreg [dreg:$0x2]  }
0x6a: {  	s0 =	sadd.s32 @!p0 $0x100000, s0  }
0x6b: {  	[sflag:s0] =	ssyncadd.tile.s32 @!p0 $0x1;
	_ =	shalt  }
.Lfunc_end2:
_tile_overlayer_lowered:
.L_overlay_start_2:
0x6c: {  	(tag) =	ssettag $0x2  }
0x6d: {  	s0 =	rddreg [dreg:$0x0];
	s2 =	stileid.u32  }
0x6e: {  	s1 =	rddreg [dreg:$0x1];
	p0 =	sne.s32 s2, $0x0  }
0x6f: {  	s3 =	rddreg [dreg:$0x2];
	[bflag:$0x3] =	sbarrier.arrive $0xFFFF;
	s2 =	simm.s32 @!p0 $0x1C06  }
0x70: {  	[timem:s3], [sflag:s2] =	dma.local @!p0 [hbm:s0], s1  }
0x71: {  	s0 =	simm.s32 @!p0 $0x6  }
0x72: {  	_ =	swait.ge @!p0 [sflag:s0], s1  }
0x73: {  	s1 =	ssub.s32 @!p0 $0x0, s1;
	[sflag:s0] =	ssyncset.done @!p0 $0x0  }
0x74: {  	[sflag:s0] =	ssyncadd.s32 @!p0 s1  }
0x75: {  	[bflag:$0x3] =	sbarrier.arrive $0xFFFF  }
0x76: {  	_ =	shalt  }

// kernel: kernel.22.cloned.1.call-start
scs
__scs_entry_jumppad:
0x0: {  	(pc) =	sbr.rel $0x88, $3  }
0x1: {  	(tag) =	ssettag $0x0;
	lr =	simm.s32 $0x1  }
0x2: {  	[smem:$0x3F98] =	sst lr;
	_ =	strace $0xD0000000  }
0x3: {  	_ = 	snop  }
0x4: {  	_ = 	snop  }
0x5: {  	_ = 	snop  }
0x6: {  	_ = 	snop  }
0x7: {  	_ = 	snop  }
__scs_overlays_trampoline_lowered:
0x8: {  	[smem:$0x3FA7] =	sst s0  }
0x9: {  	[smem:$0x3FA8] =	sst s1  }
0xa: {  	[smem:$0x3FA9] =	sst s2  }
0xb: {  	[smem:$0x3FAA] =	sst s3  }
0xc: {  	[smem:$0x3FAB] =	sst s4  }
0xd: {  	[smem:$0x3FAC] =	sst s5  }
0xe: {  	[smem:$0x3FAD] =	sst s6  }
0xf: {  	[smem:$0x3FAE] =	sst s7  }
0x10: {  	[smem:$0x3FAF] =	sst s8  }
0x11: {  	[smem:$0x3FB0] =	sst s9;
	s0 =	simm.s32 @!p0 $0x0  }
0x12: {  	s1 =	sld [smem:$0x3F96];
	s0 =	simm.s32 @p0 $0x1  }
0x13: {  	[smem:$0x3FB1] =	sst s0;
	s0 =	simm.s32 @!p1 $0x0  }
0x14: {  	s2 =	sld [smem:$0x3F95];
	s0 =	simm.s32 @p1 $0x1  }
0x15: {  	[smem:$0x3FB2] =	sst s0;
	s0 =	simm.s32 @!p2 $0x0  }
0x16: {  	s3 =	sld [smem:$0x3FDB];
	s0 =	simm.s32 @p2 $0x1  }
0x17: {  	s4 =	simm.s32 $0x1BF5;
	[smem:$0x3FB4] =	sst s0  }
0x18: {  	s0 =	sld [smem:$0x3F97];
	_ =	swait.ge [sflag:s4], $0x0  }
0x19: {  	s7 =	sld [smem:$0x3F98]  }
0x1a: {  	s8 =	sadd.s32 $0xFFFFE003, lr  }
0x1b: {  	s9 =	sadd.s32 $0xFFFFFEF7, lr;
	s5 =	simm.s32 $0xFFFFFFFF;
	p2 =	slt.u32 s8, $0xFFFFF086  }
0x1c: {  	p1 =	slt.u32 s9, $0xF7A;
	s5 =	simm.s32 @!p2 $0x0  }
0x1d: {  	s5 =	simm.s32 @p1 $0x1;
	p0 =	seq.s32 s7, s2  }
0x1e: {  	s7 =	smul.u32 @!p0 $0xF7A, s2;
	p2 =	seq.s32 @!p0 s5, $0x0  }
0x1f: {  	s9 =	smul.u32 $0xF7A, s1;
	s8 =	simm.s32 @!p0 $0x1BF5;
	p2 =	por !p2, p0  }
0x20: {  	[sflag:s8] =	ssyncset.s32 @!p0 $0xFFFFF086;
	s6 =	sadd.s32 @!p0 s3, s7;
	s7 =	simm.s32 @!p0 $0x108  }
0x21: {  	s3 =	sadd.s32 s3, s9;
	s6 =	sadd.s32 @!p0 $0x88, s6;
	s7 =	simm.s32 @p2 $0x1082  }
0x22: {  	[simem:s7], [sflag:s8] =	dma.local @!p0 [hbm:s6], $0xF7A  }
0x23: {  	s9 =	sor.u32 $0xD0000000, s2;
	s6 =	simm.s32 $0x108;
	_ =	swait.ge @!p0 [sflag:s8], $0x0  }
0x24: {  	s3 =	sadd.s32 $0x88, s3;
	s6 =	simm.s32 @!p1 $0x1082;
	[sflag:s4] =	ssyncset.s32 $0xFFFFF086  }
0x25: {  	[simem:s6], [sflag:s4] =	dma.local [hbm:s3], $0xF7A  }
0x26: {  	[smem:$0x3F98] =	sst s1;
	(tag) =	ssettag s2;
	_ =	strace s9  }
0x27: {  	s1 =	sld [smem:$0x3FA8]  }
0x28: {  	s2 =	sld [smem:$0x3FA9]  }
0x29: {  	s4 =	sld [smem:$0x3FAB]  }
0x2a: {  	p0 =	seq.s32 s5, $0x0;
	s5 =	sld [smem:$0x3FAC]  }
0x2b: {  	s6 =	sld [smem:$0x3FAD]  }
0x2c: {  	s7 =	sld [smem:$0x3FAE]  }
0x2d: {  	s3 =	simm.s32 $0x108;
	s8 =	sld [smem:$0x3FAF]  }
0x2e: {  	s3 =	simm.s32 @!p0 $0x1082;
	s9 =	sld [smem:$0x3FB0]  }
0x2f: {  	lr =	sadd.s32 s0, s3;
	s0 =	sld [smem:$0x3FA7]  }
0x30: {  	s3 =	sld [smem:$0x3FAA]  }
0x31: {  	[smem:$0x3FB3] =	sst s10  }
0x32: {  	s10 =	sld [smem:$0x3FB1];
	_ =	sdelay $0x3  }
0x33: {  	p0 =	seq.s32 s10, $0x1;
	s10 =	sld [smem:$0x3FB3];
	_ =	sdelay $0x3  }
0x34: {  	[smem:$0x3FB3] =	sst s10  }
0x35: {  	s10 =	sld [smem:$0x3FB2];
	_ =	sdelay $0x3  }
0x36: {  	p1 =	seq.s32 s10, $0x1;
	s10 =	sld [smem:$0x3FB3];
	_ =	sdelay $0x3  }
0x37: {  	[smem:$0x3FB3] =	sst s10  }
0x38: {  	s10 =	sld [smem:$0x3FB4]  }
0x39: {  	_ = 	snop;
	(pc) =	sbr.ind lr, $3  }
0x3a: {  	_ = 	snop  }
0x3b: {  	_ = 	snop  }
0x3c: {  	p2 =	seq.s32 s10, $0x1;
	s10 =	sld [smem:$0x3FB3]  }
0x3d: {  	_ =	shalt  }
0x3e: {  	_ =	shalt  }
0x3f: {  	_ =	shalt  }
0x40: {  	_ =	shalt  }
0x41: {  	_ =	shalt  }
0x42: {  	_ =	shalt  }
0x43: {  	_ =	shalt  }
0x44: {  	_ =	shalt  }
0x45: {  	_ =	shalt  }
0x46: {  	_ =	shalt  }
0x47: {  	_ =	shalt  }
0x48: {  	_ =	shalt  }
0x49: {  	_ =	shalt  }
0x4a: {  	_ =	shalt  }
0x4b: {  	_ =	shalt  }
0x4c: {  	_ =	shalt  }
0x4d: {  	_ =	shalt  }
0x4e: {  	_ =	shalt  }
0x4f: {  	_ =	shalt  }
0x50: {  	_ =	shalt  }
0x51: {  	_ =	shalt  }
0x52: {  	_ =	shalt  }
0x53: {  	_ =	shalt  }
0x54: {  	_ =	shalt  }
0x55: {  	_ =	shalt  }
0x56: {  	_ =	shalt  }
0x57: {  	_ =	shalt  }
0x58: {  	_ =	shalt  }
0x59: {  	_ =	shalt  }
0x5a: {  	_ =	shalt  }
0x5b: {  	_ =	shalt  }
0x5c: {  	_ =	shalt  }
0x5d: {  	_ =	shalt  }
0x5e: {  	_ =	shalt  }
0x5f: {  	_ =	shalt  }
0x60: {  	_ =	shalt  }
0x61: {  	_ =	shalt  }
0x62: {  	_ =	shalt  }
0x63: {  	_ =	shalt  }
0x64: {  	_ =	shalt  }
0x65: {  	_ =	shalt  }
0x66: {  	_ =	shalt  }
0x67: {  	_ =	shalt  }
0x68: {  	_ =	shalt  }
0x69: {  	_ =	shalt  }
0x6a: {  	_ =	shalt  }
0x6b: {  	_ =	shalt  }
0x6c: {  	_ =	shalt  }
0x6d: {  	_ =	shalt  }
0x6e: {  	_ =	shalt  }
0x6f: {  	_ =	shalt  }
0x70: {  	_ =	shalt  }
0x71: {  	_ =	shalt  }
0x72: {  	_ =	shalt  }
0x73: {  	_ =	shalt  }
0x74: {  	_ =	shalt  }
0x75: {  	_ =	shalt  }
0x76: {  	_ =	shalt  }
0x77: {  	_ =	shalt  }
0x78: {  	_ =	shalt  }
0x79: {  	_ =	shalt  }
0x7a: {  	_ =	shalt  }
0x7b: {  	_ =	shalt  }
0x7c: {  	_ =	shalt  }
0x7d: {  	_ =	shalt  }
0x7e: {  	_ =	shalt  }
0x7f: {  	_ =	shalt  }
0x80: {  	_ =	shalt  }
0x81: {  	_ =	shalt  }
0x82: {  	_ =	shalt  }
0x83: {  	_ =	shalt  }
0x84: {  	_ =	shalt  }
0x85: {  	_ =	shalt  }
0x86: {  	_ =	shalt  }
0x87: {  	_ =	shalt  }
.Lfunc_end0:
.L_simem_size_0:
called_computation.1_lowered:
.L_overlay_start_0:
0x88: {  	s2 =	sld [smem:$0x3FD9]  }
0x89: {  	s3 =	sld [smem:$0x3FFE];
	_ =	sdelay $0x1  }
0x8a: {  	s1 =	srdreg.scid  }
0x8b: {  	s0 =	sand.u32 $0x1, s1  }
0x8c: {  	s16 =	sshll.u32 s0, $0xA;
	s2 =	sadd.s32 s3, s2  }
0x8d: {  	s2 =	sadd.s32 s2, s16  }
0x8e: {  	[smem:$0x3FBF] =	sst s2  }
0x8f: {  	_ = 	snop  }
0x90: {  	(tm) =	ssettm $0x1  }
0x91: {  	s17 =	sld [smem:$0x3FFB];
	_ =	sdelay $0x3  }
0x92: {  	_ =	strace s17  }
0x93: {  	s2 =	sld [smem:$0x3FFC];
	_ =	sdelay $0x3  }
0x94: {  	_ =	strace s2  }
0x95: {  	s2 =	sld [smem:$0x3FFD];
	_ =	sdelay $0x3  }
0x96: {  	_ =	strace s2  }
0x97: {  	_ =	strace $0x8FFFFFFF  }
0x98: {  	s18 =	sld [smem:$0x3FDB];
	_ =	sdelay $0x1  }
0x99: {  	s19 =	simm.s32 $_scs_section_size  }
0x9a: {  	s4 =	simm.s32 $_size__tile_overlayer_lowered;
	s5 =	simm.s32 $_tile_overlayer_lowered  }
0x9b: {  	s22 =	simm.s32 $0x1BFF;
	s21 =	sshll.u32 s5, $0x1;
	s2 =	sadd.s32 s19, s18  }
0x9c: {  	s6 =	simm.s32 $0x0;
	s20 =	sshll.u32 s4, $0x1;
	s4 =	sadd.s32 s21, s2  }
0x9d: {  	[timem:s6], [sflag:s22] =	dma.local [hbm:s4], s20  }
0x9e: {  	_ =	swait.ge [sflag:s22], s20  }
0x9f: {  	s3 =	ssub.s32 $0x0, s20;
	[sflag:s22] =	ssyncset.done $0x0  }
0xa0: {  	[sflag:s22] =	ssyncadd.s32 s3;
	_ =	sdelay $0x1  }
0xa1: {  	s23 =	simm.s32 $0x1B8B  }
0xa2: {  	_ =	swait.ge [sflag:s23], $0x1  }
0xa3: {  	[sflag:s23] =	ssyncset.done $0x0  }
0xa4: {  	s25 =	simm.s32 $0x1B8E;
	s24 =	sld [smem:$0x3FFE];
	[sflag:s23] =	ssyncadd.s32 $0xFFFFFFFF  }
0xa5: {  	s26 =	simm.s32 $execute0_lowered;
	[smem:$0x3FD2] =	sst s25  }
0xa6: {  	s4 =	sshll.u32 s26, $0x1;
	_ =	strace $0x80000049;
	[dreg:$0x1] =	wrdreg $0xFFFFFFFF  }
0xa7: {  	s28 =	simm.s32 $_size_execute0_lowered;
	s2 =	sadd.s32 s2, s4;
	[dreg:$0x0] =	wrdreg $0x0  }
0xa8: {  	s4 =	sshll.u32 s28, $0x1;
	[dreg:$0x2] =	wrdreg s2  }
0xa9: {  	[dreg:$0x3] =	wrdreg s4  }
0xaa: {  	[dreg:$0x4] =	wrdreg $0xC0  }
0xab: {  	_ =	task [dreg:s6], $0x5FFFF  }
0xac: {  	[dreg:$0x1] =	wrdreg $0xFFFFFFFF  }
0xad: {  	[dreg:$0x0] =	wrdreg $0x60  }
0xae: {  	[dreg:$0x2] =	wrdreg s24  }
0xaf: {  	[dreg:$0x3] =	wrdreg $0x0  }
0xb0: {  	[dreg:$0x4] =	wrdreg $0x9  }
0xb1: {  	_ =	task.clear_ibuf [dreg:s6], $0x5FFFF;
	_ =	strace $0x90000049  }
0xb2: {  	s29 =	simm.s32 $0x9;
	_ =	strace $0x8000004B  }
0xb3: {  	_ =	swait.ge [sflag:s29], $0x1  }
0xb4: {  	[sflag:s29] =	ssyncadd.s32 $0xFFFFFFFF  }
0xb5: {  	_ =	strace $0x9000004B  }
0xb6: {  	_ =	sfence  }
0xb7: {  	s30 =	sld [smem:$0x0];
	_ =	sdelay $0x2  }
0xb8: {  	s31 =	sshll.u32 s1, $0xD;
	s1 =	sshrl.u32 s1, $0x2  }
0xb9: {  	s3 =	sand.u32 $0x4000, s31;
	s1 =	sadd.s32 s1, s30  }
0xba: {  	s0 =	sor.u32 s3, s0;
	s1 =	sshll.u32 s1, $0x11  }
0xbb: {  	s0 =	sor.u32 s1, s0  }
0xbc: {  	s0 =	sadd.s32 $0x8F2B, s0  }
0xbd: {  	[sflag:s0] =	ssyncadd.remote.s32 $0x1  }
0xbe: {  	_ =	sfence.sel $0xFFFF  }
0xbf: {  	[dreg:$0x0] =	wrdreg $0xFFFFFFFF;
	(pc) =	sbr.abs _section_cstart, $3  }
0xc0: {  	[dreg:$0x1] =	wrdreg $0xFFFFFFFF  }
0xc1: {  	_ =	task.clear_ibuf [dreg:s6], $0x2FFFF;
	_ =	strace $0x9FFFFFFF  }
0xc2: {  	(tm) =	ssettm $0x7FFFFFFF  }
0xc3: {  	_ =	shalt  }
tec
execute0_lowered:
.L_overlay_start_1:
0x0: {  	(tag) =	ssettag $0x1  }
0x1: {  	s0 =	rddreg [dreg:$0x0]  }
0x2: {  	s2 =	rddreg [dreg:$0x1];
	s3 =	simm.s32 $0x0  }
0x3: {  	s16 =	stileid.u32;
	s1 =	srdreg.scid;
	s28 =	simm.s32 $0x2  }
0x4: {  	s29 =	simm.s32 $0x4;
	s30 =	simm.s32 $0x0;
	s5 =	smul.u32 $0x14000, s16  }
0x5: {  	[smem:$0x7FF] =	sst s3;
	s1 =	sand.u32 $0x1, s1;
	s18 =	smul.u32 $0x50000, s16  }
0x6: {  	s6 =	sadd.s32 $0xA2B600, s0;
	s4 =	sadd.s32 $0xD800, s0;
	s7 =	smul.u32 $0x140000, s1  }
0x7: {  	s9 =	sshll.u32 s16, $0x1;
	s23 =	sshll.u32 s16, $0x6;
	s24 =	smul.u32 $0x2710, s1  }
0x8: {  	s12 =	sor.u32 s1, s9;
	s13 =	ssub.s32 $0x2, s1;
	s1 =	smul.u32 $0x27100, s1  }
0x9: {  	_ =	strace $0x8000004A;
	s8 =	sshrl.u32 s5, $0x3;
	s14 =	smul.u32 $0x2710, s12  }
0xa: {  	s15 =	sshrl.u32 s13, $0x1;
	s9 =	sshrl.u32 s18, $0x2;
	s10 =	sadd.s32 s8, s0  }
0xb: {  	s5 =	sadd.s32 s5, s7;
	s7 =	smul.u32 $0x27100, s12;
	s9 =	sadd.s32 s9, s2  }
0xc: {  	s5 =	sshrl.u32 s5, $0x3;
	s17 =	sshrl.u32 s14, $0x3;
	s19 =	sadd.s32 $0x50, s14  }
0xd: {  	s10 =	sadd.s32 $0x3F600, s10;
	s25 =	sadd.s32 $0x26C0, s14;
	s0 =	sadd.s32 s5, s0  }
0xe: {  	s5 =	ssub.s32 s13, s15;
	s8 =	sadd.s32 s4, s17;
	s7 =	sadd.s32 s6, s7  }
0xf: {  	s20 =	sshrl.u32 s19, $0x3;
	s11 =	sshll.u32 s19, $0x4;
	s15 =	smul.u32 $0x4E20, s16  }
0x10: {  	s16 =	smul.u32 $0x4E200, s16;
	s14 =	sshrl.u32 s25, $0x3;
	[dreg:$0x3] =	wrdreg s8  }
0x11: {  	s19 =	simm.s32 $0x14000;
	[dreg:$0x4] =	wrdreg s7;
	s21 =	sadd.s32 s4, s20  }
0x12: {  	s22 =	sadd.s32 s6, s11;
	s11 =	sor.u32 $0x1C05, s23;
	s12 =	sadd.s32 $0x67600, s0  }
0x13: {  	s13 =	smax.u32 s5, $0x1;
	s14 =	sadd.s32 s4, s14;
	s5 =	sshll.u32 s25, $0x4  }
0x14: {  	s20 =	simm.s32 $0x14100;
	s23 =	simm.s32 $0x5;
	[dreg:$0x5] =	wrdreg s21  }
0x15: {  	s25 =	simm.s32 $0x3;
	[dreg:$0x6] =	wrdreg s22;
	s0 =	sadd.s32 s24, s15  }
0x16: {  	s26 =	sadd.s32 s16, s6;
	s15 =	sadd.s32 s6, s5;
	s21 =	simm.s32 $0x14080  }
0x17: {  	s22 =	simm.s32 $0x16900;
	s24 =	simm.s32 $0x1;
	s31 =	sadd.s32 $0xF0, s0  }
0x18: {  	s1 =	sadd.s32 s1, s26;
	s18 =	sadd.s32 $0xA0, s0;
	s16 =	sshrl.u32 s31, $0x3  }
0x19: {  	s26 =	simm.s32 $0x50;
	s6 =	sadd.s32 $0xF00, s1;
	s17 =	sadd.s32 s16, s4  }
.LBB2_1:
0x1a: {  	s0 =	rddreg [dreg:$0x3]  }
0x1b: {  	[tilespmem:s19], [sflag:$0x1] =	stream.linear.gather [hbm4b:s0+s3], $0x50, $0x38;
	[tilespmem:$0x19100] =	vst v63  }
0x1c: {  	s16 =	rddreg [dreg:$0x4]  }
0x1d: {  	[tilespmem:s20], [sflag:$0x3] =	stream.linear.gather [hbm4b:s16+s3], $0x2800, $0x38;
	[tilespmem:$0x19100] =	vst v63  }
0x1e: {  	s1 =	rddreg [dreg:$0x5]  }
0x1f: {  	[tilespmem:s21], [sflag:$0x2] =	stream.linear.gather [hbm4b:s1+s3], $0x50, $0x38;
	[tilespmem:$0x19100] =	vst v63  }
0x20: {  	s5 =	rddreg [dreg:$0x6];
	s31 =	sshrl.u32 s9, $0x3  }
0x21: {  	[tilespmem:s22], [sflag:$0x4] =	stream.linear.gather [hbm4b:s5+s3], $0x2800, $0x38;
	[tilespmem:$0x19100] =	vst v63  }
0x22: {  	[spmem:s31], [sflag:s11] =	dma.local [hbm:s10], $0x2800  }
0x23: {  	_ =	swait.ge [sflag:s23], $0x2800  }
0x24: {  	[sflag:s23] =	ssyncset.done $0x0  }
0x25: {  	[sflag:s23] =	ssyncadd.s32 $0xFFFFD800  }
0x26: {  	[bflag:$0x0] =	sbarrier.arrive $0xFFFF  }
0x27: {  	_ =	swait.ge [sflag:s24], $0x50  }
0x28: {  	[sflag:s24] =	ssyncset.done $0x0  }
0x29: {  	[sflag:s24] =	ssyncadd.s32 $0xFFFFFFB0  }
0x2a: {  	_ =	swait.ge [sflag:s25], $0x2800  }
0x2b: {  	[sflag:s25] =	ssyncset.done $0x0  }
0x2c: {  	[sflag:s25] =	ssyncadd.s32 $0xFFFFD800  }
0x2d: {  	[spmem:s2] =	stream.indirect.scatter.add.f32 [tilespmem:s20], [sflag:$0x5], $0x80, s19, s26, $0xb8;
	[tilespmem:$0x19100] =	vst v63  }
0x2e: {  	_ =	swait.ge [sflag:s23], $0x2800  }
0x2f: {  	s7 =	sshrl.u32 s18, $0x3;
	[sflag:s23] =	ssyncset.done $0x0  }
0x30: {  	s0 =	sadd.s32 s4, s7;
	[sflag:s23] =	ssyncadd.s32 $0xFFFFD800  }
0x31: {  	[tilespmem:s19], [sflag:$0x1] =	stream.linear.gather [hbm4b:s0+s3], $0x50, $0x38;
	[tilespmem:$0x19100] =	vst v63  }
0x32: {  	s8 =	sadd.s32 $0xFFFFFB00, s6  }
0x33: {  	[tilespmem:s20], [sflag:$0x3] =	stream.linear.gather [hbm4b:s8+s3], $0x2800, $0x38;
	[tilespmem:$0x19100] =	vst v63  }
0x34: {  	_ =	swait.ge [sflag:s28], $0x50  }
0x35: {  	[sflag:s28] =	ssyncset.done $0x0  }
0x36: {  	[sflag:s28] =	ssyncadd.s32 $0xFFFFFFB0  }
0x37: {  	_ =	swait.ge [sflag:s29], $0x2800  }
0x38: {  	[sflag:s29] =	ssyncset.done $0x0  }
0x39: {  	[sflag:s29] =	ssyncadd.s32 $0xFFFFD800  }
0x3a: {  	[spmem:s2] =	stream.indirect.scatter.add.f32 [tilespmem:s22], [sflag:$0x5], $0x80, s21, s26, $0xb8;
	[tilespmem:$0x19100] =	vst v63  }
0x3b: {  	_ =	swait.ge [sflag:s23], $0x2800  }
0x3c: {  	[sflag:s23] =	ssyncset.done $0x0  }
0x3d: {  	s16 =	sadd.s32 $0x0, s17;
	s1 =	sadd.s32 $0xA00, s6;
	[sflag:s23] =	ssyncadd.s32 $0xFFFFD800  }
0x3e: {  	[tilespmem:s21], [sflag:$0x2] =	stream.linear.gather [hbm4b:s16+s3], $0x50, $0x38;
	[tilespmem:$0x19100] =	vst v63  }
0x3f: {  	s5 =	sadd.s32 $0xA0, s18;
	s0 =	simm.s32 $0x14;
	s16 =	smov.u32 s6  }
.LBB2_2:
0x40: {  	[tilespmem:s22], [sflag:$0x4] =	stream.linear.gather [hbm4b:s16+s3], $0x2800, $0x38;
	[tilespmem:$0x19100] =	vst v63  }
0x41: {  	s7 =	smov.u32 s0;
	s16 =	smov.u32 s1  }
0x42: {  	p0 =	sne.s32 s0, $0x4B0;
	s0 =	sadd.s32 $0x14, s0;
	_ =	swait.ge [sflag:s24], $0x50  }
0x43: {  	[sflag:s24] =	ssyncset.done $0x0  }
0x44: {  	[sflag:s24] =	ssyncadd.s32 $0xFFFFFFB0  }
0x45: {  	_ =	swait.ge [sflag:s25], $0x2800  }
0x46: {  	[sflag:s25] =	ssyncset.done $0x0  }
0x47: {  	[sflag:s25] =	ssyncadd.s32 $0xFFFFD800  }
0x48: {  	[spmem:s2] =	stream.indirect.scatter.add.f32 [tilespmem:s20], [sflag:$0x5], $0x80, s19, s26, $0xb8;
	[tilespmem:$0x19100] =	vst v63  }
0x49: {  	_ =	swait.ge [sflag:s23], $0x2800  }
0x4a: {  	s8 =	sshrl.u32 s5, $0x3;
	[sflag:s23] =	ssyncset.done $0x0  }
0x4b: {  	s8 =	sadd.s32 s4, s8;
	[sflag:s23] =	ssyncadd.s32 $0xFFFFD800  }
0x4c: {  	[tilespmem:s19], [sflag:$0x1] =	stream.linear.gather [hbm4b:s8+s3], $0x50, $0x38;
	[tilespmem:$0x19100] =	vst v63  }
0x4d: {  	s8 =	sadd.s32 $0xFFFFFB00, s1  }
0x4e: {  	[tilespmem:s20], [sflag:$0x3] =	stream.linear.gather [hbm4b:s8+s3], $0x2800, $0x38;
	[tilespmem:$0x19100] =	vst v63  }
0x4f: {  	_ =	swait.ge [sflag:s28], $0x50  }
0x50: {  	[sflag:s28] =	ssyncset.done $0x0  }
0x51: {  	[sflag:s28] =	ssyncadd.s32 $0xFFFFFFB0  }
0x52: {  	_ =	swait.ge [sflag:s29], $0x2800  }
0x53: {  	[sflag:s29] =	ssyncset.done $0x0  }
0x54: {  	[sflag:s29] =	ssyncadd.s32 $0xFFFFD800  }
0x55: {  	[spmem:s2] =	stream.indirect.scatter.add.f32 [tilespmem:s22], [sflag:$0x5], $0x80, s21, s26, $0xb8;
	[tilespmem:$0x19100] =	vst v63  }
.Ltmp0:
0x56: {  	_ =	swait.ge [sflag:s23], $0x2800;
	(pc) =	sbr.rel @p0 .LBB2_2-.Ltmp0, $4  }
0x57: {  	[sflag:s23] =	ssyncset.done $0x0  }
0x58: {  	s7 =	sadd.s32 s7, s17;
	[sflag:s23] =	ssyncadd.s32 $0xFFFFD800  }
0x59: {  	[tilespmem:s21], [sflag:$0x2] =	stream.linear.gather [hbm4b:s7+s3], $0x50, $0x38;
	[tilespmem:$0x19100] =	vst v63  }
0x5a: {  	s5 =	sadd.s32 $0xA0, s5;
	s1 =	sadd.s32 $0xA00, s1  }
0x5b: {  	[tilespmem:s22], [sflag:$0x4] =	stream.linear.gather [hbm4b:s16+s3], $0x2800, $0x38;
	[tilespmem:$0x19100] =	vst v63  }
0x5c: {  	_ =	swait.ge [sflag:s24], $0x50  }
0x5d: {  	[sflag:s24] =	ssyncset.done $0x0  }
0x5e: {  	[sflag:s24] =	ssyncadd.s32 $0xFFFFFFB0  }
0x5f: {  	_ =	swait.ge [sflag:s25], $0x2800  }
0x60: {  	[sflag:s25] =	ssyncset.done $0x0  }
0x61: {  	[sflag:s25] =	ssyncadd.s32 $0xFFFFD800  }
0x62: {  	[spmem:s2] =	stream.indirect.scatter.add.f32 [tilespmem:s20], [sflag:$0x5], $0x80, s19, s26, $0xb8;
	[tilespmem:$0x19100] =	vst v63  }
0x63: {  	_ =	swait.ge [sflag:s23], $0x2800  }
0x64: {  	[sflag:s23] =	ssyncset.done $0x0  }
0x65: {  	[sflag:s23] =	ssyncadd.s32 $0xFFFFD800  }
0x66: {  	[tilespmem:s19], [sflag:$0x1] =	stream.linear.gather [hbm4b:s14+s3], $0x50, $0x38;
	[tilespmem:$0x19100] =	vst v63  }
0x67: {  	_ = 	snop  }
0x68: {  	[tilespmem:s20], [sflag:$0x3] =	stream.linear.gather [hbm4b:s15+s3], $0x2800, $0x38;
	[tilespmem:$0x19100] =	vst v63  }
0x69: {  	_ =	swait.ge [sflag:s28], $0x50  }
0x6a: {  	[sflag:s28] =	ssyncset.done $0x0  }
0x6b: {  	[sflag:s28] =	ssyncadd.s32 $0xFFFFFFB0  }
0x6c: {  	_ =	swait.ge [sflag:s29], $0x2800  }
0x6d: {  	[sflag:s29] =	ssyncset.done $0x0  }
0x6e: {  	[sflag:s29] =	ssyncadd.s32 $0xFFFFD800  }
0x6f: {  	[spmem:s2] =	stream.indirect.scatter.add.f32 [tilespmem:s22], [sflag:$0x5], $0x80, s21, s26, $0xb8;
	[tilespmem:$0x19100] =	vst v63  }
0x70: {  	_ =	swait.ge [sflag:s23], $0x2800  }
0x71: {  	[sflag:s23] =	ssyncset.done $0x0  }
0x72: {  	[sflag:s23] =	ssyncadd.s32 $0xFFFFD800  }
0x73: {  	_ =	swait.ge [sflag:s24], $0x50  }
0x74: {  	[sflag:s24] =	ssyncset.done $0x0  }
0x75: {  	[sflag:s24] =	ssyncadd.s32 $0xFFFFFFB0  }
0x76: {  	_ =	swait.ge [sflag:s25], $0x2800  }
0x77: {  	[sflag:s25] =	ssyncset.done $0x0  }
0x78: {  	[sflag:s25] =	ssyncadd.s32 $0xFFFFD800  }
0x79: {  	[spmem:s2] =	stream.indirect.scatter.add.f32 [tilespmem:s20], [sflag:$0x5], $0x80, s19, s26, $0xb8;
	[tilespmem:$0x19100] =	vst v63  }
0x7a: {  	_ =	swait.ge [sflag:s23], $0x2800  }
0x7b: {  	s30 =	sadd.s32 $0x1, s30;
	[sflag:s23] =	ssyncset.done $0x0  }
0x7c: {  	p0 =	sne.s32 s30, s13;
	[sflag:s23] =	ssyncadd.s32 $0xFFFFD800  }
.Ltmp1:
0x7d: {  	[bflag:$0x0] =	sbarrier.arrive $0xFFFF;
	(pc) =	sbr.rel @p0 .LBB2_1-.Ltmp1, $4  }
0x7e: {  	[hbm:s12], [sflag:s11] =	dma.local [spmem:s31], $0x2800  }
0x7f: {  	_ =	swait.ge [sflag:s23], $0x2800  }
0x80: {  	[sflag:s23] =	ssyncset.done $0x0  }
0x81: {  	[sflag:s23] =	ssyncadd.s32 $0xFFFFD800  }
0x82: {  	_ =	sfence.sel $0x180000  }
0x83: {  	[bflag:$0x0] =	sbarrier.arrive $0xFFFF  }
0x84: {  	_ =	strace $0x9000004A  }
0x85: {  	s0 =	stileid.u32;
	[bflag:$0x2] =	sbarrier.arrive $0xFFFF  }
0x86: {  	p0 =	sne.s32 s0, $0x0;
	s0 =	rddreg [dreg:$0x2]  }
0x87: {  	s0 =	sadd.s32 @!p0 $0x100000, s0  }
0x88: {  	[sflag:s0] =	ssyncadd.tile.s32 @!p0 $0x1;
	_ =	shalt  }
.Lfunc_end2:
_tile_overlayer_lowered:
.L_overlay_start_2:
0x89: {  	(tag) =	ssettag $0x2  }
0x8a: {  	s0 =	rddreg [dreg:$0x0];
	s2 =	stileid.u32  }
0x8b: {  	s1 =	rddreg [dreg:$0x1];
	p0 =	sne.s32 s2, $0x0  }
0x8c: {  	s3 =	rddreg [dreg:$0x2];
	[bflag:$0x3] =	sbarrier.arrive $0xFFFF;
	s2 =	simm.s32 @!p0 $0x1C05  }
0x8d: {  	[timem:s3], [sflag:s2] =	dma.local @!p0 [hbm:s0], s1  }
0x8e: {  	s0 =	simm.s32 @!p0 $0x5  }
0x8f: {  	_ =	swait.ge @!p0 [sflag:s0], s1  }
0x90: {  	s1 =	ssub.s32 @!p0 $0x0, s1;
	[sflag:s0] =	ssyncset.done @!p0 $0x0  }
0x91: {  	[sflag:s0] =	ssyncadd.s32 @!p0 s1  }
0x92: {  	[bflag:$0x3] =	sbarrier.arrive $0xFFFF  }
0x93: {  	_ =	shalt  }

// kernel: kernel.25.cloned.1.call-start
scs
__scs_entry_jumppad:
0x0: {  	(pc) =	sbr.rel $0x88, $3  }
0x1: {  	(tag) =	ssettag $0x0;
	lr =	simm.s32 $0x1  }
0x2: {  	[smem:$0x3F98] =	sst lr;
	_ =	strace $0xD0000000  }
0x3: {  	_ = 	snop  }
0x4: {  	_ = 	snop  }
0x5: {  	_ = 	snop  }
0x6: {  	_ = 	snop  }
0x7: {  	_ = 	snop  }
__scs_overlays_trampoline_lowered:
0x8: {  	[smem:$0x3FA7] =	sst s0  }
0x9: {  	[smem:$0x3FA8] =	sst s1  }
0xa: {  	[smem:$0x3FA9] =	sst s2  }
0xb: {  	[smem:$0x3FAA] =	sst s3  }
0xc: {  	[smem:$0x3FAB] =	sst s4  }
0xd: {  	[smem:$0x3FAC] =	sst s5  }
0xe: {  	[smem:$0x3FAD] =	sst s6  }
0xf: {  	[smem:$0x3FAE] =	sst s7  }
0x10: {  	[smem:$0x3FAF] =	sst s8  }
0x11: {  	[smem:$0x3FB0] =	sst s9;
	s0 =	simm.s32 @!p0 $0x0  }
0x12: {  	s1 =	sld [smem:$0x3F96];
	s0 =	simm.s32 @p0 $0x1  }
0x13: {  	[smem:$0x3FB1] =	sst s0;
	s0 =	simm.s32 @!p1 $0x0  }
0x14: {  	s2 =	sld [smem:$0x3F95];
	s0 =	simm.s32 @p1 $0x1  }
0x15: {  	[smem:$0x3FB2] =	sst s0;
	s0 =	simm.s32 @!p2 $0x0  }
0x16: {  	s3 =	sld [smem:$0x3FDB];
	s0 =	simm.s32 @p2 $0x1  }
0x17: {  	s4 =	simm.s32 $0x1BF5;
	[smem:$0x3FB4] =	sst s0  }
0x18: {  	s0 =	sld [smem:$0x3F97];
	_ =	swait.ge [sflag:s4], $0x0  }
0x19: {  	s7 =	sld [smem:$0x3F98]  }
0x1a: {  	s8 =	sadd.s32 $0xFFFFE003, lr  }
0x1b: {  	s9 =	sadd.s32 $0xFFFFFEF7, lr;
	s5 =	simm.s32 $0xFFFFFFFF;
	p2 =	slt.u32 s8, $0xFFFFF086  }
0x1c: {  	p1 =	slt.u32 s9, $0xF7A;
	s5 =	simm.s32 @!p2 $0x0  }
0x1d: {  	s5 =	simm.s32 @p1 $0x1;
	p0 =	seq.s32 s7, s2  }
0x1e: {  	s7 =	smul.u32 @!p0 $0xF7A, s2;
	p2 =	seq.s32 @!p0 s5, $0x0  }
0x1f: {  	s9 =	smul.u32 $0xF7A, s1;
	s8 =	simm.s32 @!p0 $0x1BF5;
	p2 =	por !p2, p0  }
0x20: {  	[sflag:s8] =	ssyncset.s32 @!p0 $0xFFFFF086;
	s6 =	sadd.s32 @!p0 s3, s7;
	s7 =	simm.s32 @!p0 $0x108  }
0x21: {  	s3 =	sadd.s32 s3, s9;
	s6 =	sadd.s32 @!p0 $0x88, s6;
	s7 =	simm.s32 @p2 $0x1082  }
0x22: {  	[simem:s7], [sflag:s8] =	dma.local @!p0 [hbm:s6], $0xF7A  }
0x23: {  	s9 =	sor.u32 $0xD0000000, s2;
	s6 =	simm.s32 $0x108;
	_ =	swait.ge @!p0 [sflag:s8], $0x0  }
0x24: {  	s3 =	sadd.s32 $0x88, s3;
	s6 =	simm.s32 @!p1 $0x1082;
	[sflag:s4] =	ssyncset.s32 $0xFFFFF086  }
0x25: {  	[simem:s6], [sflag:s4] =	dma.local [hbm:s3], $0xF7A  }
0x26: {  	[smem:$0x3F98] =	sst s1;
	(tag) =	ssettag s2;
	_ =	strace s9  }
0x27: {  	s1 =	sld [smem:$0x3FA8]  }
0x28: {  	s2 =	sld [smem:$0x3FA9]  }
0x29: {  	s4 =	sld [smem:$0x3FAB]  }
0x2a: {  	p0 =	seq.s32 s5, $0x0;
	s5 =	sld [smem:$0x3FAC]  }
0x2b: {  	s6 =	sld [smem:$0x3FAD]  }
0x2c: {  	s7 =	sld [smem:$0x3FAE]  }
0x2d: {  	s3 =	simm.s32 $0x108;
	s8 =	sld [smem:$0x3FAF]  }
0x2e: {  	s3 =	simm.s32 @!p0 $0x1082;
	s9 =	sld [smem:$0x3FB0]  }
0x2f: {  	lr =	sadd.s32 s0, s3;
	s0 =	sld [smem:$0x3FA7]  }
0x30: {  	s3 =	sld [smem:$0x3FAA]  }
0x31: {  	[smem:$0x3FB3] =	sst s10  }
0x32: {  	s10 =	sld [smem:$0x3FB1];
	_ =	sdelay $0x3  }
0x33: {  	p0 =	seq.s32 s10, $0x1;
	s10 =	sld [smem:$0x3FB3];
	_ =	sdelay $0x3  }
0x34: {  	[smem:$0x3FB3] =	sst s10  }
0x35: {  	s10 =	sld [smem:$0x3FB2];
	_ =	sdelay $0x3  }
0x36: {  	p1 =	seq.s32 s10, $0x1;
	s10 =	sld [smem:$0x3FB3];
	_ =	sdelay $0x3  }
0x37: {  	[smem:$0x3FB3] =	sst s10  }
0x38: {  	s10 =	sld [smem:$0x3FB4]  }
0x39: {  	_ = 	snop;
	(pc) =	sbr.ind lr, $3  }
0x3a: {  	_ = 	snop  }
0x3b: {  	_ = 	snop  }
0x3c: {  	p2 =	seq.s32 s10, $0x1;
	s10 =	sld [smem:$0x3FB3]  }
0x3d: {  	_ =	shalt  }
0x3e: {  	_ =	shalt  }
0x3f: {  	_ =	shalt  }
0x40: {  	_ =	shalt  }
0x41: {  	_ =	shalt  }
0x42: {  	_ =	shalt  }
0x43: {  	_ =	shalt  }
0x44: {  	_ =	shalt  }
0x45: {  	_ =	shalt  }
0x46: {  	_ =	shalt  }
0x47: {  	_ =	shalt  }
0x48: {  	_ =	shalt  }
0x49: {  	_ =	shalt  }
0x4a: {  	_ =	shalt  }
0x4b: {  	_ =	shalt  }
0x4c: {  	_ =	shalt  }
0x4d: {  	_ =	shalt  }
0x4e: {  	_ =	shalt  }
0x4f: {  	_ =	shalt  }
0x50: {  	_ =	shalt  }
0x51: {  	_ =	shalt  }
0x52: {  	_ =	shalt  }
0x53: {  	_ =	shalt  }
0x54: {  	_ =	shalt  }
0x55: {  	_ =	shalt  }
0x56: {  	_ =	shalt  }
0x57: {  	_ =	shalt  }
0x58: {  	_ =	shalt  }
0x59: {  	_ =	shalt  }
0x5a: {  	_ =	shalt  }
0x5b: {  	_ =	shalt  }
0x5c: {  	_ =	shalt  }
0x5d: {  	_ =	shalt  }
0x5e: {  	_ =	shalt  }
0x5f: {  	_ =	shalt  }
0x60: {  	_ =	shalt  }
0x61: {  	_ =	shalt  }
0x62: {  	_ =	shalt  }
0x63: {  	_ =	shalt  }
0x64: {  	_ =	shalt  }
0x65: {  	_ =	shalt  }
0x66: {  	_ =	shalt  }
0x67: {  	_ =	shalt  }
0x68: {  	_ =	shalt  }
0x69: {  	_ =	shalt  }
0x6a: {  	_ =	shalt  }
0x6b: {  	_ =	shalt  }
0x6c: {  	_ =	shalt  }
0x6d: {  	_ =	shalt  }
0x6e: {  	_ =	shalt  }
0x6f: {  	_ =	shalt  }
0x70: {  	_ =	shalt  }
0x71: {  	_ =	shalt  }
0x72: {  	_ =	shalt  }
0x73: {  	_ =	shalt  }
0x74: {  	_ =	shalt  }
0x75: {  	_ =	shalt  }
0x76: {  	_ =	shalt  }
0x77: {  	_ =	shalt  }
0x78: {  	_ =	shalt  }
0x79: {  	_ =	shalt  }
0x7a: {  	_ =	shalt  }
0x7b: {  	_ =	shalt  }
0x7c: {  	_ =	shalt  }
0x7d: {  	_ =	shalt  }
0x7e: {  	_ =	shalt  }
0x7f: {  	_ =	shalt  }
0x80: {  	_ =	shalt  }
0x81: {  	_ =	shalt  }
0x82: {  	_ =	shalt  }
0x83: {  	_ =	shalt  }
0x84: {  	_ =	shalt  }
0x85: {  	_ =	shalt  }
0x86: {  	_ =	shalt  }
0x87: {  	_ =	shalt  }
.Lfunc_end0:
.L_simem_size_0:
called_computation.2_lowered:
.L_overlay_start_0:
0x88: {  	s2 =	sld [smem:$0x3FD9]  }
0x89: {  	s3 =	sld [smem:$0x3FFE];
	_ =	sdelay $0x1  }
0x8a: {  	s1 =	srdreg.scid  }
0x8b: {  	s0 =	sand.u32 $0x1, s1  }
0x8c: {  	s16 =	sshll.u32 s0, $0xA;
	s2 =	sadd.s32 s3, s2  }
0x8d: {  	s2 =	sadd.s32 s2, s16  }
0x8e: {  	[smem:$0x3FBF] =	sst s2  }
0x8f: {  	_ = 	snop  }
0x90: {  	(tm) =	ssettm $0x1  }
0x91: {  	s17 =	sld [smem:$0x3FFB];
	_ =	sdelay $0x3  }
0x92: {  	_ =	strace s17  }
0x93: {  	s2 =	sld [smem:$0x3FFC];
	_ =	sdelay $0x3  }
0x94: {  	_ =	strace s2  }
0x95: {  	s2 =	sld [smem:$0x3FFD];
	_ =	sdelay $0x3  }
0x96: {  	_ =	strace s2  }
0x97: {  	_ =	strace $0x8FFFFFFF  }
0x98: {  	s18 =	sld [smem:$0x3FDB];
	_ =	sdelay $0x1  }
0x99: {  	s19 =	simm.s32 $_scs_section_size  }
0x9a: {  	s4 =	simm.s32 $_size__tile_overlayer_lowered;
	s5 =	simm.s32 $_tile_overlayer_lowered  }
0x9b: {  	s22 =	simm.s32 $0x1BFF;
	s21 =	sshll.u32 s5, $0x1;
	s2 =	sadd.s32 s19, s18  }
0x9c: {  	s6 =	simm.s32 $0x0;
	s20 =	sshll.u32 s4, $0x1;
	s4 =	sadd.s32 s21, s2  }
0x9d: {  	[timem:s6], [sflag:s22] =	dma.local [hbm:s4], s20  }
0x9e: {  	_ =	swait.ge [sflag:s22], s20  }
0x9f: {  	s3 =	ssub.s32 $0x0, s20;
	[sflag:s22] =	ssyncset.done $0x0  }
0xa0: {  	[sflag:s22] =	ssyncadd.s32 s3;
	_ =	sdelay $0x1  }
0xa1: {  	s23 =	simm.s32 $0x1B8B  }
0xa2: {  	_ =	swait.ge [sflag:s23], $0x1  }
0xa3: {  	[sflag:s23] =	ssyncset.done $0x0  }
0xa4: {  	s25 =	simm.s32 $0x1B8E;
	s24 =	sld [smem:$0x3FFE];
	[sflag:s23] =	ssyncadd.s32 $0xFFFFFFFF  }
0xa5: {  	s26 =	simm.s32 $execute0_lowered;
	[smem:$0x3FD2] =	sst s25  }
0xa6: {  	s4 =	sshll.u32 s26, $0x1;
	_ =	strace $0x8000004C;
	[dreg:$0x1] =	wrdreg $0xFFFFFFFF  }
0xa7: {  	s28 =	simm.s32 $_size_execute0_lowered;
	s2 =	sadd.s32 s2, s4;
	[dreg:$0x0] =	wrdreg $0x0  }
0xa8: {  	s4 =	sshll.u32 s28, $0x1;
	[dreg:$0x2] =	wrdreg s2  }
0xa9: {  	[dreg:$0x3] =	wrdreg s4  }
0xaa: {  	[dreg:$0x4] =	wrdreg $0xC0  }
0xab: {  	_ =	task [dreg:s6], $0x5FFFF  }
0xac: {  	[dreg:$0x1] =	wrdreg $0xFFFFFFFF  }
0xad: {  	[dreg:$0x0] =	wrdreg $0x60  }
0xae: {  	[dreg:$0x2] =	wrdreg s24  }
0xaf: {  	[dreg:$0x3] =	wrdreg $0x0  }
0xb0: {  	[dreg:$0x4] =	wrdreg $0x9  }
0xb1: {  	_ =	task.clear_ibuf [dreg:s6], $0x5FFFF;
	_ =	strace $0x9000004C  }
0xb2: {  	s29 =	simm.s32 $0x9;
	_ =	strace $0x8000004E  }
0xb3: {  	_ =	swait.ge [sflag:s29], $0x1  }
0xb4: {  	[sflag:s29] =	ssyncadd.s32 $0xFFFFFFFF  }
0xb5: {  	_ =	strace $0x9000004E  }
0xb6: {  	_ =	sfence  }
0xb7: {  	s30 =	sld [smem:$0x0];
	_ =	sdelay $0x2  }
0xb8: {  	s31 =	sshll.u32 s1, $0xD;
	s1 =	sshrl.u32 s1, $0x2  }
0xb9: {  	s3 =	sand.u32 $0x4000, s31;
	s1 =	sadd.s32 s1, s30  }
0xba: {  	s0 =	sor.u32 s3, s0;
	s1 =	sshll.u32 s1, $0x11  }
0xbb: {  	s0 =	sor.u32 s1, s0  }
0xbc: {  	s0 =	sadd.s32 $0x8F2B, s0  }
0xbd: {  	[sflag:s0] =	ssyncadd.remote.s32 $0x1  }
0xbe: {  	_ =	sfence.sel $0xFFFF  }
0xbf: {  	[dreg:$0x0] =	wrdreg $0xFFFFFFFF;
	(pc) =	sbr.abs _section_cstart, $3  }
0xc0: {  	[dreg:$0x1] =	wrdreg $0xFFFFFFFF  }
0xc1: {  	_ =	task.clear_ibuf [dreg:s6], $0x2FFFF;
	_ =	strace $0x9FFFFFFF  }
0xc2: {  	(tm) =	ssettm $0x7FFFFFFF  }
0xc3: {  	_ =	shalt  }
tec
execute0_lowered:
.L_overlay_start_1:
0x0: {  	(tag) =	ssettag $0x1  }
0x1: {  	s0 =	rddreg [dreg:$0x0]  }
0x2: {  	s2 =	rddreg [dreg:$0x1];
	s17 =	stileid.u32  }
0x3: {  	s3 =	simm.s32 $0x0;
	s4 =	srdreg.scid;
	s18 =	simm.s32 $0x14000  }
0x4: {  	s28 =	simm.s32 $0x16900;
	s29 =	simm.s32 $0x3;
	s1 =	smul.u32 $0x2800, s17  }
0x5: {  	s30 =	simm.s32 $0x4;
	s31 =	simm.s32 $0x0;
	s8 =	smul.u32 $0x50000, s17  }
0x6: {  	[smem:$0x7FF] =	sst s3;
	s6 =	sand.u32 $0x1, s4;
	s25 =	smul.u32 $0x4E20, s17  }
0x7: {  	s19 =	sshll.u32 s17, $0x1;
	s22 =	sshll.u32 s17, $0x6;
	s17 =	smul.u32 $0x4E200, s17  }
0x8: {  	s4 =	sadd.s32 $0x3A00, s0;
	_ =	strace $0x8000004D;
	s15 =	smul.u32 $0x2710, s6  }
0x9: {  	s9 =	sor.u32 s6, s19;
	s5 =	ssub.s32 $0x2, s6;
	s6 =	smul.u32 $0x27100, s6  }
0xa: {  	s19 =	simm.s32 $0x14080;
	s1 =	sadd.s32 s1, s0;
	s10 =	smul.u32 $0x2710, s9  }
0xb: {  	s0 =	sadd.s32 $0x8F600, s0;
	s7 =	sshrl.u32 s5, $0x1;
	s12 =	smul.u32 $0x138800, s9  }
0xc: {  	s8 =	sshrl.u32 s8, $0x2;
	s24 =	smul.u32 $0x27100, s9;
	s11 =	ssub.s32 s5, s7  }
0xd: {  	s16 =	sadd.s32 s8, s2;
	s1 =	sadd.s32 $0x67600, s1;
	s8 =	sor.u32 $0x1C06, s22  }
0xe: {  	s22 =	simm.s32 $0x1;
	s20 =	sshrl.u32 s10, $0x3;
	s14 =	sadd.s32 $0x50, s10  }
0xf: {  	[dreg:$0x4] =	wrdreg s1;
	s12 =	sshrl.u32 s12, $0x3;
	s9 =	sadd.s32 $0xF0, s10  }
0x10: {  	s11 =	smax.u32 s11, $0x1;
	s1 =	sadd.s32 s15, s25;
	s25 =	simm.s32 $0x5  }
0x11: {  	s21 =	sshrl.u32 s14, $0x3;
	s5 =	sadd.s32 s4, s20;
	s23 =	sadd.s32 s0, s12  }
0x12: {  	s12 =	sadd.s32 s0, s24;
	s14 =	sshll.u32 s14, $0x4;
	s26 =	sshrl.u32 s9, $0x3  }
0x13: {  	s1 =	sadd.s32 $0x140, s1;
	s20 =	sshrl.u32 s16, $0x3;
	s24 =	simm.s32 $0x14100  }
.Ltmp0:
0x14: {  	s7 =	sadd.s32 s4, s21;
	s10 =	sadd.s32 $0x26C00, s23;
	(pc) =	sbr.rel .LBB2_1-.Ltmp0, $4  }
0x15: {  	s13 =	sadd.s32 $0x14, s5;
	s14 =	sadd.s32 s0, s14;
	s0 =	sadd.s32 s17, s0  }
0x16: {  	s15 =	sadd.s32 s4, s26;
	s1 =	sshrl.u32 s1, $0x3;
	s21 =	simm.s32 $0x6  }
0x17: {  	s23 =	simm.s32 $0x50;
	s26 =	simm.s32 $0x2;
	s0 =	sadd.s32 s6, s0  }
0x18: {  	[dreg:$0x3] =	wrdreg s7;
	s1 =	sadd.s32 s1, s4;
	s6 =	sadd.s32 $0xF00, s0  }
.LBB2_4:
0x19: {  	_ =	swait.ge [sflag:s22], $0x50  }
0x1a: {  	[sflag:s22] =	ssyncset.done $0x0  }
0x1b: {  	[sflag:s22] =	ssyncadd.s32 $0xFFFFFFB0  }
0x1c: {  	_ =	swait.ge [sflag:s29], $0x2800  }
0x1d: {  	[sflag:s29] =	ssyncset.done $0x0  }
0x1e: {  	[sflag:s29] =	ssyncadd.s32 $0xFFFFD800  }
0x1f: {  	[tilespmem:s24], [sflag:$0x5] =	stream.indirect.gather [spmem:s2], $0x80, s18, s23, $0xb8;
	[tilespmem:$0x19100] =	vst v63  }
0x20: {  	_ =	swait.ge [sflag:s25], $0x2800  }
0x21: {  	[sflag:s25] =	ssyncset.done $0x0  }
0x22: {  	s31 =	sadd.s32 $0x1, s31;
	[sflag:s25] =	ssyncadd.s32 $0xFFFFD800  }
0x23: {  	[hbm4b:s10+s3] =	stream.linear.scatter [tilespmem:s24], [sflag:$0x3], $0x2800, $0x38;
	[tilespmem:$0x19100] =	vst v63  }
0x24: {  	p0 =	sne.s32 s31, s11;
	_ =	swait.ge [sflag:s30], $0x2800  }
.Ltmp1:
0x25: {  	[sflag:s30] =	ssyncset.done $0x0;
	(pc) =	sbr.rel @!p0 .LBB2_5-.Ltmp1, $4  }
0x26: {  	[sflag:s30] =	ssyncadd.s32 $0xFFFFD800  }
0x27: {  	_ =	swait.ge [sflag:s29], $0x2800  }
0x28: {  	[sflag:s29] =	ssyncset.done $0x0  }
0x29: {  	[sflag:s29] =	ssyncadd.s32 $0xFFFFD800  }
.LBB2_1:
0x2a: {  	[tilespmem:s18], [sflag:$0x1] =	stream.linear.gather [hbm4b:s5+s3], $0x50, $0x38;
	[tilespmem:$0x19100] =	vst v63  }
0x2b: {  	s0 =	rddreg [dreg:$0x3]  }
0x2c: {  	s17 =	rddreg [dreg:$0x4]  }
0x2d: {  	[tilespmem:s19], [sflag:$0x2] =	stream.linear.gather [hbm4b:s0+s3], $0x50, $0x38;
	[tilespmem:$0x19100] =	vst v63  }
0x2e: {  	[spmem:s20], [sflag:s8] =	dma.local [hbm:s17], $0x2800  }
0x2f: {  	_ =	swait.ge [sflag:s21], $0x2800  }
0x30: {  	[sflag:s21] =	ssyncset.done $0x0  }
0x31: {  	[sflag:s21] =	ssyncadd.s32 $0xFFFFD800  }
0x32: {  	[bflag:$0x0] =	sbarrier.arrive $0xFFFF  }
0x33: {  	_ =	swait.ge [sflag:s22], $0x50  }
0x34: {  	[sflag:s22] =	ssyncset.done $0x0  }
0x35: {  	[sflag:s22] =	ssyncadd.s32 $0xFFFFFFB0  }
0x36: {  	[tilespmem:s24], [sflag:$0x5] =	stream.indirect.gather [spmem:s2], $0x80, s18, s23, $0xb8;
	[tilespmem:$0x19100] =	vst v63  }
0x37: {  	_ =	swait.ge [sflag:s25], $0x2800  }
0x38: {  	[sflag:s25] =	ssyncset.done $0x0  }
0x39: {  	[sflag:s25] =	ssyncadd.s32 $0xFFFFD800  }
0x3a: {  	[hbm4b:s12+s3] =	stream.linear.scatter [tilespmem:s24], [sflag:$0x3], $0x2800, $0x38;
	[tilespmem:$0x19100] =	vst v63  }
0x3b: {  	_ = 	snop  }
0x3c: {  	[tilespmem:s18], [sflag:$0x1] =	stream.linear.gather [hbm4b:s13+s3], $0x50, $0x38;
	[tilespmem:$0x19100] =	vst v63  }
0x3d: {  	_ =	swait.ge [sflag:s26], $0x50  }
0x3e: {  	[sflag:s26] =	ssyncset.done $0x0  }
0x3f: {  	[sflag:s26] =	ssyncadd.s32 $0xFFFFFFB0  }
0x40: {  	[tilespmem:s28], [sflag:$0x5] =	stream.indirect.gather [spmem:s2], $0x80, s19, s23, $0xb8;
	[tilespmem:$0x19100] =	vst v63  }
0x41: {  	_ =	swait.ge [sflag:s25], $0x2800  }
0x42: {  	[sflag:s25] =	ssyncset.done $0x0  }
0x43: {  	[sflag:s25] =	ssyncadd.s32 $0xFFFFD800  }
0x44: {  	[hbm4b:s14+s3] =	stream.linear.scatter [tilespmem:s28], [sflag:$0x4], $0x2800, $0x38;
	[tilespmem:$0x19100] =	vst v63  }
0x45: {  	s16 =	smov.u32 s6;
	s0 =	simm.s32 $0xA0;
	s17 =	smov.u32 s1  }
0x46: {  	[tilespmem:s19], [sflag:$0x2] =	stream.linear.gather [hbm4b:s15+s3], $0x50, $0x38;
	[tilespmem:$0x19100] =	vst v63  }
.LBB2_2:
0x47: {  	_ =	swait.ge [sflag:s22], $0x50  }
0x48: {  	[sflag:s22] =	ssyncset.done $0x0  }
0x49: {  	[sflag:s22] =	ssyncadd.s32 $0xFFFFFFB0  }
0x4a: {  	_ =	swait.ge [sflag:s29], $0x2800  }
0x4b: {  	[sflag:s29] =	ssyncset.done $0x0  }
0x4c: {  	[sflag:s29] =	ssyncadd.s32 $0xFFFFD800  }
0x4d: {  	[tilespmem:s24], [sflag:$0x5] =	stream.indirect.gather [spmem:s2], $0x80, s18, s23, $0xb8;
	[tilespmem:$0x19100] =	vst v63  }
0x4e: {  	_ =	swait.ge [sflag:s25], $0x2800  }
0x4f: {  	[sflag:s25] =	ssyncset.done $0x0  }
0x50: {  	s7 =	sadd.s32 $0xFFFFFB00, s16;
	[sflag:s25] =	ssyncadd.s32 $0xFFFFD800  }
0x51: {  	[hbm4b:s7+s3] =	stream.linear.scatter [tilespmem:s24], [sflag:$0x3], $0x2800, $0x38;
	[tilespmem:$0x19100] =	vst v63  }
0x52: {  	_ = 	snop  }
0x53: {  	[tilespmem:s18], [sflag:$0x1] =	stream.linear.gather [hbm4b:s17+s3], $0x50, $0x38;
	[tilespmem:$0x19100] =	vst v63  }
0x54: {  	_ =	swait.ge [sflag:s26], $0x50  }
0x55: {  	[sflag:s26] =	ssyncset.done $0x0  }
0x56: {  	[sflag:s26] =	ssyncadd.s32 $0xFFFFFFB0  }
0x57: {  	_ =	swait.ge [sflag:s30], $0x2800  }
0x58: {  	[sflag:s30] =	ssyncset.done $0x0  }
0x59: {  	p0 =	seq.s32 s0, $0x2620;
	[sflag:s30] =	ssyncadd.s32 $0xFFFFD800  }
0x5a: {  	[tilespmem:s28], [sflag:$0x5] =	stream.indirect.gather [spmem:s2], $0x80, s19, s23, $0xb8;
	[tilespmem:$0x19100] =	vst v63  }
.Ltmp2:
0x5b: {  	_ = 	snop;
	(pc) =	sbr.rel @p0 .LBB2_4-.Ltmp2, $4  }
0x5c: {  	_ =	swait.ge [sflag:s25], $0x2800  }
0x5d: {  	[sflag:s25] =	ssyncset.done $0x0  }
0x5e: {  	[sflag:s25] =	ssyncadd.s32 $0xFFFFD800  }
0x5f: {  	[hbm4b:s16+s3] =	stream.linear.scatter [tilespmem:s28], [sflag:$0x4], $0x2800, $0x38;
	[tilespmem:$0x19100] =	vst v63  }
.Ltmp3:
0x60: {  	s7 =	smin.u32 s0, $0x25D0;
	(pc) =	sbr.rel .LBB2_2-.Ltmp3, $4  }
0x61: {  	s7 =	sadd.s32 s7, s9  }
0x62: {  	s16 =	sadd.s32 $0xA00, s16;
	s7 =	sshrl.u32 s7, $0x3  }
0x63: {  	s17 =	sadd.s32 $0x14, s17;
	s0 =	sadd.s32 $0xA0, s0;
	s7 =	sadd.s32 s4, s7  }
0x64: {  	[tilespmem:s19], [sflag:$0x2] =	stream.linear.gather [hbm4b:s7+s3], $0x50, $0x38;
	[tilespmem:$0x19100] =	vst v63  }
.LBB2_5:
0x65: {  	_ =	sfence.sel $0x180000  }
0x66: {  	[bflag:$0x0] =	sbarrier.arrive $0xFFFF  }
0x67: {  	_ =	strace $0x9000004D  }
0x68: {  	s0 =	stileid.u32;
	[bflag:$0x2] =	sbarrier.arrive $0xFFFF  }
0x69: {  	p0 =	sne.s32 s0, $0x0;
	s0 =	rddreg [dreg:$0x2]  }
0x6a: {  	s0 =	sadd.s32 @!p0 $0x100000, s0  }
0x6b: {  	[sflag:s0] =	ssyncadd.tile.s32 @!p0 $0x1;
	_ =	shalt  }
.Lfunc_end2:
_tile_overlayer_lowered:
.L_overlay_start_2:
0x6c: {  	(tag) =	ssettag $0x2  }
0x6d: {  	s0 =	rddreg [dreg:$0x0];
	s2 =	stileid.u32  }
0x6e: {  	s1 =	rddreg [dreg:$0x1];
	p0 =	sne.s32 s2, $0x0  }
0x6f: {  	s3 =	rddreg [dreg:$0x2];
	[bflag:$0x3] =	sbarrier.arrive $0xFFFF;
	s2 =	simm.s32 @!p0 $0x1C06  }
0x70: {  	[timem:s3], [sflag:s2] =	dma.local @!p0 [hbm:s0], s1  }
0x71: {  	s0 =	simm.s32 @!p0 $0x6  }
0x72: {  	_ =	swait.ge @!p0 [sflag:s0], s1  }
0x73: {  	s1 =	ssub.s32 @!p0 $0x0, s1;
	[sflag:s0] =	ssyncset.done @!p0 $0x0  }
0x74: {  	[sflag:s0] =	ssyncadd.s32 @!p0 s1  }
0x75: {  	[bflag:$0x3] =	sbarrier.arrive $0xFFFF  }
0x76: {  	_ =	shalt  }

// kernel: kernel.28.cloned.1.call-start
scs
__scs_entry_jumppad:
0x0: {  	(pc) =	sbr.rel $0x88, $3  }
0x1: {  	(tag) =	ssettag $0x0;
	lr =	simm.s32 $0x1  }
0x2: {  	[smem:$0x3F98] =	sst lr;
	_ =	strace $0xD0000000  }
0x3: {  	_ = 	snop  }
0x4: {  	_ = 	snop  }
0x5: {  	_ = 	snop  }
0x6: {  	_ = 	snop  }
0x7: {  	_ = 	snop  }
__scs_overlays_trampoline_lowered:
0x8: {  	[smem:$0x3FA7] =	sst s0  }
0x9: {  	[smem:$0x3FA8] =	sst s1  }
0xa: {  	[smem:$0x3FA9] =	sst s2  }
0xb: {  	[smem:$0x3FAA] =	sst s3  }
0xc: {  	[smem:$0x3FAB] =	sst s4  }
0xd: {  	[smem:$0x3FAC] =	sst s5  }
0xe: {  	[smem:$0x3FAD] =	sst s6  }
0xf: {  	[smem:$0x3FAE] =	sst s7  }
0x10: {  	[smem:$0x3FAF] =	sst s8  }
0x11: {  	[smem:$0x3FB0] =	sst s9;
	s0 =	simm.s32 @!p0 $0x0  }
0x12: {  	s1 =	sld [smem:$0x3F96];
	s0 =	simm.s32 @p0 $0x1  }
0x13: {  	[smem:$0x3FB1] =	sst s0;
	s0 =	simm.s32 @!p1 $0x0  }
0x14: {  	s2 =	sld [smem:$0x3F95];
	s0 =	simm.s32 @p1 $0x1  }
0x15: {  	[smem:$0x3FB2] =	sst s0;
	s0 =	simm.s32 @!p2 $0x0  }
0x16: {  	s3 =	sld [smem:$0x3FDB];
	s0 =	simm.s32 @p2 $0x1  }
0x17: {  	s4 =	simm.s32 $0x1BF5;
	[smem:$0x3FB4] =	sst s0  }
0x18: {  	s0 =	sld [smem:$0x3F97];
	_ =	swait.ge [sflag:s4], $0x0  }
0x19: {  	s7 =	sld [smem:$0x3F98]  }
0x1a: {  	s8 =	sadd.s32 $0xFFFFE003, lr  }
0x1b: {  	s9 =	sadd.s32 $0xFFFFFEF7, lr;
	s5 =	simm.s32 $0xFFFFFFFF;
	p2 =	slt.u32 s8, $0xFFFFF086  }
0x1c: {  	p1 =	slt.u32 s9, $0xF7A;
	s5 =	simm.s32 @!p2 $0x0  }
0x1d: {  	s5 =	simm.s32 @p1 $0x1;
	p0 =	seq.s32 s7, s2  }
0x1e: {  	s7 =	smul.u32 @!p0 $0xF7A, s2;
	p2 =	seq.s32 @!p0 s5, $0x0  }
0x1f: {  	s9 =	smul.u32 $0xF7A, s1;
	s8 =	simm.s32 @!p0 $0x1BF5;
	p2 =	por !p2, p0  }
0x20: {  	[sflag:s8] =	ssyncset.s32 @!p0 $0xFFFFF086;
	s6 =	sadd.s32 @!p0 s3, s7;
	s7 =	simm.s32 @!p0 $0x108  }
0x21: {  	s3 =	sadd.s32 s3, s9;
	s6 =	sadd.s32 @!p0 $0x88, s6;
	s7 =	simm.s32 @p2 $0x1082  }
0x22: {  	[simem:s7], [sflag:s8] =	dma.local @!p0 [hbm:s6], $0xF7A  }
0x23: {  	s9 =	sor.u32 $0xD0000000, s2;
	s6 =	simm.s32 $0x108;
	_ =	swait.ge @!p0 [sflag:s8], $0x0  }
0x24: {  	s3 =	sadd.s32 $0x88, s3;
	s6 =	simm.s32 @!p1 $0x1082;
	[sflag:s4] =	ssyncset.s32 $0xFFFFF086  }
0x25: {  	[simem:s6], [sflag:s4] =	dma.local [hbm:s3], $0xF7A  }
0x26: {  	[smem:$0x3F98] =	sst s1;
	(tag) =	ssettag s2;
	_ =	strace s9  }
0x27: {  	s1 =	sld [smem:$0x3FA8]  }
0x28: {  	s2 =	sld [smem:$0x3FA9]  }
0x29: {  	s4 =	sld [smem:$0x3FAB]  }
0x2a: {  	p0 =	seq.s32 s5, $0x0;
	s5 =	sld [smem:$0x3FAC]  }
0x2b: {  	s6 =	sld [smem:$0x3FAD]  }
0x2c: {  	s7 =	sld [smem:$0x3FAE]  }
0x2d: {  	s3 =	simm.s32 $0x108;
	s8 =	sld [smem:$0x3FAF]  }
0x2e: {  	s3 =	simm.s32 @!p0 $0x1082;
	s9 =	sld [smem:$0x3FB0]  }
0x2f: {  	lr =	sadd.s32 s0, s3;
	s0 =	sld [smem:$0x3FA7]  }
0x30: {  	s3 =	sld [smem:$0x3FAA]  }
0x31: {  	[smem:$0x3FB3] =	sst s10  }
0x32: {  	s10 =	sld [smem:$0x3FB1];
	_ =	sdelay $0x3  }
0x33: {  	p0 =	seq.s32 s10, $0x1;
	s10 =	sld [smem:$0x3FB3];
	_ =	sdelay $0x3  }
0x34: {  	[smem:$0x3FB3] =	sst s10  }
0x35: {  	s10 =	sld [smem:$0x3FB2];
	_ =	sdelay $0x3  }
0x36: {  	p1 =	seq.s32 s10, $0x1;
	s10 =	sld [smem:$0x3FB3];
	_ =	sdelay $0x3  }
0x37: {  	[smem:$0x3FB3] =	sst s10  }
0x38: {  	s10 =	sld [smem:$0x3FB4]  }
0x39: {  	_ = 	snop;
	(pc) =	sbr.ind lr, $3  }
0x3a: {  	_ = 	snop  }
0x3b: {  	_ = 	snop  }
0x3c: {  	p2 =	seq.s32 s10, $0x1;
	s10 =	sld [smem:$0x3FB3]  }
0x3d: {  	_ =	shalt  }
0x3e: {  	_ =	shalt  }
0x3f: {  	_ =	shalt  }
0x40: {  	_ =	shalt  }
0x41: {  	_ =	shalt  }
0x42: {  	_ =	shalt  }
0x43: {  	_ =	shalt  }
0x44: {  	_ =	shalt  }
0x45: {  	_ =	shalt  }
0x46: {  	_ =	shalt  }
0x47: {  	_ =	shalt  }
0x48: {  	_ =	shalt  }
0x49: {  	_ =	shalt  }
0x4a: {  	_ =	shalt  }
0x4b: {  	_ =	shalt  }
0x4c: {  	_ =	shalt  }
0x4d: {  	_ =	shalt  }
0x4e: {  	_ =	shalt  }
0x4f: {  	_ =	shalt  }
0x50: {  	_ =	shalt  }
0x51: {  	_ =	shalt  }
0x52: {  	_ =	shalt  }
0x53: {  	_ =	shalt  }
0x54: {  	_ =	shalt  }
0x55: {  	_ =	shalt  }
0x56: {  	_ =	shalt  }
0x57: {  	_ =	shalt  }
0x58: {  	_ =	shalt  }
0x59: {  	_ =	shalt  }
0x5a: {  	_ =	shalt  }
0x5b: {  	_ =	shalt  }
0x5c: {  	_ =	shalt  }
0x5d: {  	_ =	shalt  }
0x5e: {  	_ =	shalt  }
0x5f: {  	_ =	shalt  }
0x60: {  	_ =	shalt  }
0x61: {  	_ =	shalt  }
0x62: {  	_ =	shalt  }
0x63: {  	_ =	shalt  }
0x64: {  	_ =	shalt  }
0x65: {  	_ =	shalt  }
0x66: {  	_ =	shalt  }
0x67: {  	_ =	shalt  }
0x68: {  	_ =	shalt  }
0x69: {  	_ =	shalt  }
0x6a: {  	_ =	shalt  }
0x6b: {  	_ =	shalt  }
0x6c: {  	_ =	shalt  }
0x6d: {  	_ =	shalt  }
0x6e: {  	_ =	shalt  }
0x6f: {  	_ =	shalt  }
0x70: {  	_ =	shalt  }
0x71: {  	_ =	shalt  }
0x72: {  	_ =	shalt  }
0x73: {  	_ =	shalt  }
0x74: {  	_ =	shalt  }
0x75: {  	_ =	shalt  }
0x76: {  	_ =	shalt  }
0x77: {  	_ =	shalt  }
0x78: {  	_ =	shalt  }
0x79: {  	_ =	shalt  }
0x7a: {  	_ =	shalt  }
0x7b: {  	_ =	shalt  }
0x7c: {  	_ =	shalt  }
0x7d: {  	_ =	shalt  }
0x7e: {  	_ =	shalt  }
0x7f: {  	_ =	shalt  }
0x80: {  	_ =	shalt  }
0x81: {  	_ =	shalt  }
0x82: {  	_ =	shalt  }
0x83: {  	_ =	shalt  }
0x84: {  	_ =	shalt  }
0x85: {  	_ =	shalt  }
0x86: {  	_ =	shalt  }
0x87: {  	_ =	shalt  }
.Lfunc_end0:
.L_simem_size_0:
called_computation.3_lowered:
.L_overlay_start_0:
0x88: {  	s2 =	sld [smem:$0x3FD9]  }
0x89: {  	s3 =	sld [smem:$0x3FFE];
	_ =	sdelay $0x1  }
0x8a: {  	s1 =	srdreg.scid  }
0x8b: {  	s0 =	sand.u32 $0x1, s1  }
0x8c: {  	s16 =	sshll.u32 s0, $0xA;
	s2 =	sadd.s32 s3, s2  }
0x8d: {  	s2 =	sadd.s32 s2, s16  }
0x8e: {  	[smem:$0x3FBF] =	sst s2  }
0x8f: {  	_ = 	snop  }
0x90: {  	(tm) =	ssettm $0x1  }
0x91: {  	s17 =	sld [smem:$0x3FFB];
	_ =	sdelay $0x3  }
0x92: {  	_ =	strace s17  }
0x93: {  	s2 =	sld [smem:$0x3FFC];
	_ =	sdelay $0x3  }
0x94: {  	_ =	strace s2  }
0x95: {  	s2 =	sld [smem:$0x3FFD];
	_ =	sdelay $0x3  }
0x96: {  	_ =	strace s2  }
0x97: {  	_ =	strace $0x8FFFFFFF  }
0x98: {  	s18 =	sld [smem:$0x3FDB];
	_ =	sdelay $0x1  }
0x99: {  	s19 =	simm.s32 $_scs_section_size  }
0x9a: {  	s4 =	simm.s32 $_size__tile_overlayer_lowered;
	s5 =	simm.s32 $_tile_overlayer_lowered  }
0x9b: {  	s22 =	simm.s32 $0x1BFF;
	s21 =	sshll.u32 s5, $0x1;
	s2 =	sadd.s32 s19, s18  }
0x9c: {  	s6 =	simm.s32 $0x0;
	s20 =	sshll.u32 s4, $0x1;
	s4 =	sadd.s32 s21, s2  }
0x9d: {  	[timem:s6], [sflag:s22] =	dma.local [hbm:s4], s20  }
0x9e: {  	_ =	swait.ge [sflag:s22], s20  }
0x9f: {  	s3 =	ssub.s32 $0x0, s20;
	[sflag:s22] =	ssyncset.done $0x0  }
0xa0: {  	[sflag:s22] =	ssyncadd.s32 s3;
	_ =	sdelay $0x1  }
0xa1: {  	s23 =	simm.s32 $0x1B8B  }
0xa2: {  	_ =	swait.ge [sflag:s23], $0x1  }
0xa3: {  	[sflag:s23] =	ssyncset.done $0x0  }
0xa4: {  	s25 =	simm.s32 $0x1B8E;
	s24 =	sld [smem:$0x3FFE];
	[sflag:s23] =	ssyncadd.s32 $0xFFFFFFFF  }
0xa5: {  	s26 =	simm.s32 $execute0_lowered;
	[smem:$0x3FD2] =	sst s25  }
0xa6: {  	s4 =	sshll.u32 s26, $0x1;
	_ =	strace $0x8000004F;
	[dreg:$0x1] =	wrdreg $0xFFFFFFFF  }
0xa7: {  	s28 =	simm.s32 $_size_execute0_lowered;
	s2 =	sadd.s32 s2, s4;
	[dreg:$0x0] =	wrdreg $0x0  }
0xa8: {  	s4 =	sshll.u32 s28, $0x1;
	[dreg:$0x2] =	wrdreg s2  }
0xa9: {  	[dreg:$0x3] =	wrdreg s4  }
0xaa: {  	[dreg:$0x4] =	wrdreg $0xC0  }
0xab: {  	_ =	task [dreg:s6], $0x5FFFF  }
0xac: {  	[dreg:$0x1] =	wrdreg $0xFFFFFFFF  }
0xad: {  	[dreg:$0x0] =	wrdreg $0x60  }
0xae: {  	[dreg:$0x2] =	wrdreg s24  }
0xaf: {  	[dreg:$0x3] =	wrdreg $0x0  }
0xb0: {  	[dreg:$0x4] =	wrdreg $0x9  }
0xb1: {  	_ =	task.clear_ibuf [dreg:s6], $0x5FFFF;
	_ =	strace $0x9000004F  }
0xb2: {  	s29 =	simm.s32 $0x9;
	_ =	strace $0x80000051  }
0xb3: {  	_ =	swait.ge [sflag:s29], $0x1  }
0xb4: {  	[sflag:s29] =	ssyncadd.s32 $0xFFFFFFFF  }
0xb5: {  	_ =	strace $0x90000051  }
0xb6: {  	_ =	sfence  }
0xb7: {  	s30 =	sld [smem:$0x0];
	_ =	sdelay $0x2  }
0xb8: {  	s31 =	sshll.u32 s1, $0xD;
	s1 =	sshrl.u32 s1, $0x2  }
0xb9: {  	s3 =	sand.u32 $0x4000, s31;
	s1 =	sadd.s32 s1, s30  }
0xba: {  	s0 =	sor.u32 s3, s0;
	s1 =	sshll.u32 s1, $0x11  }
0xbb: {  	s0 =	sor.u32 s1, s0  }
0xbc: {  	s0 =	sadd.s32 $0x8F2B, s0  }
0xbd: {  	[sflag:s0] =	ssyncadd.remote.s32 $0x1  }
0xbe: {  	_ =	sfence.sel $0xFFFF  }
0xbf: {  	[dreg:$0x0] =	wrdreg $0xFFFFFFFF;
	(pc) =	sbr.abs _section_cstart, $3  }
0xc0: {  	[dreg:$0x1] =	wrdreg $0xFFFFFFFF  }
0xc1: {  	_ =	task.clear_ibuf [dreg:s6], $0x2FFFF;
	_ =	strace $0x9FFFFFFF  }
0xc2: {  	(tm) =	ssettm $0x7FFFFFFF  }
0xc3: {  	_ =	shalt  }
tec
execute0_lowered:
.L_overlay_start_1:
0x0: {  	(tag) =	ssettag $0x1  }
0x1: {  	s0 =	rddreg [dreg:$0x0]  }
0x2: {  	s2 =	rddreg [dreg:$0x1];
	s3 =	simm.s32 $0x0  }
0x3: {  	s16 =	stileid.u32;
	s1 =	srdreg.scid;
	s28 =	simm.s32 $0x2  }
0x4: {  	s29 =	simm.s32 $0x4;
	s30 =	simm.s32 $0x0;
	s5 =	smul.u32 $0x14000, s16  }
0x5: {  	[smem:$0x7FF] =	sst s3;
	s1 =	sand.u32 $0x1, s1;
	s18 =	smul.u32 $0x50000, s16  }
0x6: {  	s6 =	sadd.s32 $0x13EF600, s0;
	s4 =	sadd.s32 $0xD800, s0;
	s7 =	smul.u32 $0x140000, s1  }
0x7: {  	s9 =	sshll.u32 s16, $0x1;
	s23 =	sshll.u32 s16, $0x6;
	s24 =	smul.u32 $0x2710, s1  }
0x8: {  	s12 =	sor.u32 s1, s9;
	s13 =	ssub.s32 $0x2, s1;
	s1 =	smul.u32 $0x27100, s1  }
0x9: {  	_ =	strace $0x80000050;
	s8 =	sshrl.u32 s5, $0x3;
	s14 =	smul.u32 $0x2710, s12  }
0xa: {  	s15 =	sshrl.u32 s13, $0x1;
	s9 =	sshrl.u32 s18, $0x2;
	s10 =	sadd.s32 s8, s0  }
0xb: {  	s5 =	sadd.s32 s5, s7;
	s7 =	smul.u32 $0x27100, s12;
	s9 =	sadd.s32 s9, s2  }
0xc: {  	s5 =	sshrl.u32 s5, $0x3;
	s17 =	sshrl.u32 s14, $0x3;
	s19 =	sadd.s32 $0x50, s14  }
0xd: {  	s10 =	sadd.s32 $0x3F600, s10;
	s25 =	sadd.s32 $0x26C0, s14;
	s0 =	sadd.s32 s5, s0  }
0xe: {  	s5 =	ssub.s32 s13, s15;
	s8 =	sadd.s32 s4, s17;
	s7 =	sadd.s32 s6, s7  }
0xf: {  	s20 =	sshrl.u32 s19, $0x3;
	s11 =	sshll.u32 s19, $0x4;
	s15 =	smul.u32 $0x4E20, s16  }
0x10: {  	s16 =	smul.u32 $0x4E200, s16;
	s14 =	sshrl.u32 s25, $0x3;
	[dreg:$0x3] =	wrdreg s8  }
0x11: {  	s19 =	simm.s32 $0x14000;
	[dreg:$0x4] =	wrdreg s7;
	s21 =	sadd.s32 s4, s20  }
0x12: {  	s22 =	sadd.s32 s6, s11;
	s11 =	sor.u32 $0x1C05, s23;
	s12 =	sadd.s32 $0x67600, s0  }
0x13: {  	s13 =	smax.u32 s5, $0x1;
	s14 =	sadd.s32 s4, s14;
	s5 =	sshll.u32 s25, $0x4  }
0x14: {  	s20 =	simm.s32 $0x14100;
	s23 =	simm.s32 $0x5;
	[dreg:$0x5] =	wrdreg s21  }
0x15: {  	s25 =	simm.s32 $0x3;
	[dreg:$0x6] =	wrdreg s22;
	s0 =	sadd.s32 s24, s15  }
0x16: {  	s26 =	sadd.s32 s16, s6;
	s15 =	sadd.s32 s6, s5;
	s21 =	simm.s32 $0x14080  }
0x17: {  	s22 =	simm.s32 $0x16900;
	s24 =	simm.s32 $0x1;
	s31 =	sadd.s32 $0xF0, s0  }
0x18: {  	s1 =	sadd.s32 s1, s26;
	s18 =	sadd.s32 $0xA0, s0;
	s16 =	sshrl.u32 s31, $0x3  }
0x19: {  	s26 =	simm.s32 $0x50;
	s6 =	sadd.s32 $0xF00, s1;
	s17 =	sadd.s32 s16, s4  }
.LBB2_1:
0x1a: {  	s0 =	rddreg [dreg:$0x3]  }
0x1b: {  	[tilespmem:s19], [sflag:$0x1] =	stream.linear.gather [hbm4b:s0+s3], $0x50, $0x38;
	[tilespmem:$0x19100] =	vst v63  }
0x1c: {  	s16 =	rddreg [dreg:$0x4]  }
0x1d: {  	[tilespmem:s20], [sflag:$0x3] =	stream.linear.gather [hbm4b:s16+s3], $0x2800, $0x38;
	[tilespmem:$0x19100] =	vst v63  }
0x1e: {  	s1 =	rddreg [dreg:$0x5]  }
0x1f: {  	[tilespmem:s21], [sflag:$0x2] =	stream.linear.gather [hbm4b:s1+s3], $0x50, $0x38;
	[tilespmem:$0x19100] =	vst v63  }
0x20: {  	s5 =	rddreg [dreg:$0x6];
	s31 =	sshrl.u32 s9, $0x3  }
0x21: {  	[tilespmem:s22], [sflag:$0x4] =	stream.linear.gather [hbm4b:s5+s3], $0x2800, $0x38;
	[tilespmem:$0x19100] =	vst v63  }
0x22: {  	[spmem:s31], [sflag:s11] =	dma.local [hbm:s10], $0x2800  }
0x23: {  	_ =	swait.ge [sflag:s23], $0x2800  }
0x24: {  	[sflag:s23] =	ssyncset.done $0x0  }
0x25: {  	[sflag:s23] =	ssyncadd.s32 $0xFFFFD800  }
0x26: {  	[bflag:$0x0] =	sbarrier.arrive $0xFFFF  }
0x27: {  	_ =	swait.ge [sflag:s24], $0x50  }
0x28: {  	[sflag:s24] =	ssyncset.done $0x0  }
0x29: {  	[sflag:s24] =	ssyncadd.s32 $0xFFFFFFB0  }
0x2a: {  	_ =	swait.ge [sflag:s25], $0x2800  }
0x2b: {  	[sflag:s25] =	ssyncset.done $0x0  }
0x2c: {  	[sflag:s25] =	ssyncadd.s32 $0xFFFFD800  }
0x2d: {  	[spmem:s2] =	stream.indirect.scatter.add.f32 [tilespmem:s20], [sflag:$0x5], $0x80, s19, s26, $0xb8;
	[tilespmem:$0x19100] =	vst v63  }
0x2e: {  	_ =	swait.ge [sflag:s23], $0x2800  }
0x2f: {  	s7 =	sshrl.u32 s18, $0x3;
	[sflag:s23] =	ssyncset.done $0x0  }
0x30: {  	s0 =	sadd.s32 s4, s7;
	[sflag:s23] =	ssyncadd.s32 $0xFFFFD800  }
0x31: {  	[tilespmem:s19], [sflag:$0x1] =	stream.linear.gather [hbm4b:s0+s3], $0x50, $0x38;
	[tilespmem:$0x19100] =	vst v63  }
0x32: {  	s8 =	sadd.s32 $0xFFFFFB00, s6  }
0x33: {  	[tilespmem:s20], [sflag:$0x3] =	stream.linear.gather [hbm4b:s8+s3], $0x2800, $0x38;
	[tilespmem:$0x19100] =	vst v63  }
0x34: {  	_ =	swait.ge [sflag:s28], $0x50  }
0x35: {  	[sflag:s28] =	ssyncset.done $0x0  }
0x36: {  	[sflag:s28] =	ssyncadd.s32 $0xFFFFFFB0  }
0x37: {  	_ =	swait.ge [sflag:s29], $0x2800  }
0x38: {  	[sflag:s29] =	ssyncset.done $0x0  }
0x39: {  	[sflag:s29] =	ssyncadd.s32 $0xFFFFD800  }
0x3a: {  	[spmem:s2] =	stream.indirect.scatter.add.f32 [tilespmem:s22], [sflag:$0x5], $0x80, s21, s26, $0xb8;
	[tilespmem:$0x19100] =	vst v63  }
0x3b: {  	_ =	swait.ge [sflag:s23], $0x2800  }
0x3c: {  	[sflag:s23] =	ssyncset.done $0x0  }
0x3d: {  	s16 =	sadd.s32 $0x0, s17;
	s1 =	sadd.s32 $0xA00, s6;
	[sflag:s23] =	ssyncadd.s32 $0xFFFFD800  }
0x3e: {  	[tilespmem:s21], [sflag:$0x2] =	stream.linear.gather [hbm4b:s16+s3], $0x50, $0x38;
	[tilespmem:$0x19100] =	vst v63  }
0x3f: {  	s5 =	sadd.s32 $0xA0, s18;
	s0 =	simm.s32 $0x14;
	s16 =	smov.u32 s6  }
.LBB2_2:
0x40: {  	[tilespmem:s22], [sflag:$0x4] =	stream.linear.gather [hbm4b:s16+s3], $0x2800, $0x38;
	[tilespmem:$0x19100] =	vst v63  }
0x41: {  	s7 =	smov.u32 s0;
	s16 =	smov.u32 s1  }
0x42: {  	p0 =	sne.s32 s0, $0x4B0;
	s0 =	sadd.s32 $0x14, s0;
	_ =	swait.ge [sflag:s24], $0x50  }
0x43: {  	[sflag:s24] =	ssyncset.done $0x0  }
0x44: {  	[sflag:s24] =	ssyncadd.s32 $0xFFFFFFB0  }
0x45: {  	_ =	swait.ge [sflag:s25], $0x2800  }
0x46: {  	[sflag:s25] =	ssyncset.done $0x0  }
0x47: {  	[sflag:s25] =	ssyncadd.s32 $0xFFFFD800  }
0x48: {  	[spmem:s2] =	stream.indirect.scatter.add.f32 [tilespmem:s20], [sflag:$0x5], $0x80, s19, s26, $0xb8;
	[tilespmem:$0x19100] =	vst v63  }
0x49: {  	_ =	swait.ge [sflag:s23], $0x2800  }
0x4a: {  	s8 =	sshrl.u32 s5, $0x3;
	[sflag:s23] =	ssyncset.done $0x0  }
0x4b: {  	s8 =	sadd.s32 s4, s8;
	[sflag:s23] =	ssyncadd.s32 $0xFFFFD800  }
0x4c: {  	[tilespmem:s19], [sflag:$0x1] =	stream.linear.gather [hbm4b:s8+s3], $0x50, $0x38;
	[tilespmem:$0x19100] =	vst v63  }
0x4d: {  	s8 =	sadd.s32 $0xFFFFFB00, s1  }
0x4e: {  	[tilespmem:s20], [sflag:$0x3] =	stream.linear.gather [hbm4b:s8+s3], $0x2800, $0x38;
	[tilespmem:$0x19100] =	vst v63  }
0x4f: {  	_ =	swait.ge [sflag:s28], $0x50  }
0x50: {  	[sflag:s28] =	ssyncset.done $0x0  }
0x51: {  	[sflag:s28] =	ssyncadd.s32 $0xFFFFFFB0  }
0x52: {  	_ =	swait.ge [sflag:s29], $0x2800  }
0x53: {  	[sflag:s29] =	ssyncset.done $0x0  }
0x54: {  	[sflag:s29] =	ssyncadd.s32 $0xFFFFD800  }
0x55: {  	[spmem:s2] =	stream.indirect.scatter.add.f32 [tilespmem:s22], [sflag:$0x5], $0x80, s21, s26, $0xb8;
	[tilespmem:$0x19100] =	vst v63  }
.Ltmp0:
0x56: {  	_ =	swait.ge [sflag:s23], $0x2800;
	(pc) =	sbr.rel @p0 .LBB2_2-.Ltmp0, $4  }
0x57: {  	[sflag:s23] =	ssyncset.done $0x0  }
0x58: {  	s7 =	sadd.s32 s7, s17;
	[sflag:s23] =	ssyncadd.s32 $0xFFFFD800  }
0x59: {  	[tilespmem:s21], [sflag:$0x2] =	stream.linear.gather [hbm4b:s7+s3], $0x50, $0x38;
	[tilespmem:$0x19100] =	vst v63  }
0x5a: {  	s5 =	sadd.s32 $0xA0, s5;
	s1 =	sadd.s32 $0xA00, s1  }
0x5b: {  	[tilespmem:s22], [sflag:$0x4] =	stream.linear.gather [hbm4b:s16+s3], $0x2800, $0x38;
	[tilespmem:$0x19100] =	vst v63  }
0x5c: {  	_ =	swait.ge [sflag:s24], $0x50  }
0x5d: {  	[sflag:s24] =	ssyncset.done $0x0  }
0x5e: {  	[sflag:s24] =	ssyncadd.s32 $0xFFFFFFB0  }
0x5f: {  	_ =	swait.ge [sflag:s25], $0x2800  }
0x60: {  	[sflag:s25] =	ssyncset.done $0x0  }
0x61: {  	[sflag:s25] =	ssyncadd.s32 $0xFFFFD800  }
0x62: {  	[spmem:s2] =	stream.indirect.scatter.add.f32 [tilespmem:s20], [sflag:$0x5], $0x80, s19, s26, $0xb8;
	[tilespmem:$0x19100] =	vst v63  }
0x63: {  	_ =	swait.ge [sflag:s23], $0x2800  }
0x64: {  	[sflag:s23] =	ssyncset.done $0x0  }
0x65: {  	[sflag:s23] =	ssyncadd.s32 $0xFFFFD800  }
0x66: {  	[tilespmem:s19], [sflag:$0x1] =	stream.linear.gather [hbm4b:s14+s3], $0x50, $0x38;
	[tilespmem:$0x19100] =	vst v63  }
0x67: {  	_ = 	snop  }
0x68: {  	[tilespmem:s20], [sflag:$0x3] =	stream.linear.gather [hbm4b:s15+s3], $0x2800, $0x38;
	[tilespmem:$0x19100] =	vst v63  }
0x69: {  	_ =	swait.ge [sflag:s28], $0x50  }
0x6a: {  	[sflag:s28] =	ssyncset.done $0x0  }
0x6b: {  	[sflag:s28] =	ssyncadd.s32 $0xFFFFFFB0  }
0x6c: {  	_ =	swait.ge [sflag:s29], $0x2800  }
0x6d: {  	[sflag:s29] =	ssyncset.done $0x0  }
0x6e: {  	[sflag:s29] =	ssyncadd.s32 $0xFFFFD800  }
0x6f: {  	[spmem:s2] =	stream.indirect.scatter.add.f32 [tilespmem:s22], [sflag:$0x5], $0x80, s21, s26, $0xb8;
	[tilespmem:$0x19100] =	vst v63  }
0x70: {  	_ =	swait.ge [sflag:s23], $0x2800  }
0x71: {  	[sflag:s23] =	ssyncset.done $0x0  }
0x72: {  	[sflag:s23] =	ssyncadd.s32 $0xFFFFD800  }
0x73: {  	_ =	swait.ge [sflag:s24], $0x50  }
0x74: {  	[sflag:s24] =	ssyncset.done $0x0  }
0x75: {  	[sflag:s24] =	ssyncadd.s32 $0xFFFFFFB0  }
0x76: {  	_ =	swait.ge [sflag:s25], $0x2800  }
0x77: {  	[sflag:s25] =	ssyncset.done $0x0  }
0x78: {  	[sflag:s25] =	ssyncadd.s32 $0xFFFFD800  }
0x79: {  	[spmem:s2] =	stream.indirect.scatter.add.f32 [tilespmem:s20], [sflag:$0x5], $0x80, s19, s26, $0xb8;
	[tilespmem:$0x19100] =	vst v63  }
0x7a: {  	_ =	swait.ge [sflag:s23], $0x2800  }
0x7b: {  	s30 =	sadd.s32 $0x1, s30;
	[sflag:s23] =	ssyncset.done $0x0  }
0x7c: {  	p0 =	sne.s32 s30, s13;
	[sflag:s23] =	ssyncadd.s32 $0xFFFFD800  }
.Ltmp1:
0x7d: {  	[bflag:$0x0] =	sbarrier.arrive $0xFFFF;
	(pc) =	sbr.rel @p0 .LBB2_1-.Ltmp1, $4  }
0x7e: {  	[hbm:s12], [sflag:s11] =	dma.local [spmem:s31], $0x2800  }
0x7f: {  	_ =	swait.ge [sflag:s23], $0x2800  }
0x80: {  	[sflag:s23] =	ssyncset.done $0x0  }
0x81: {  	[sflag:s23] =	ssyncadd.s32 $0xFFFFD800  }
0x82: {  	_ =	sfence.sel $0x180000  }
0x83: {  	[bflag:$0x0] =	sbarrier.arrive $0xFFFF  }
0x84: {  	_ =	strace $0x90000050  }
0x85: {  	s0 =	stileid.u32;
	[bflag:$0x2] =	sbarrier.arrive $0xFFFF  }
0x86: {  	p0 =	sne.s32 s0, $0x0;
	s0 =	rddreg [dreg:$0x2]  }
0x87: {  	s0 =	sadd.s32 @!p0 $0x100000, s0  }
0x88: {  	[sflag:s0] =	ssyncadd.tile.s32 @!p0 $0x1;
	_ =	shalt  }
.Lfunc_end2:
_tile_overlayer_lowered:
.L_overlay_start_2:
0x89: {  	(tag) =	ssettag $0x2  }
0x8a: {  	s0 =	rddreg [dreg:$0x0];
	s2 =	stileid.u32  }
0x8b: {  	s1 =	rddreg [dreg:$0x1];
	p0 =	sne.s32 s2, $0x0  }
0x8c: {  	s3 =	rddreg [dreg:$0x2];
	[bflag:$0x3] =	sbarrier.arrive $0xFFFF;
	s2 =	simm.s32 @!p0 $0x1C05  }
0x8d: {  	[timem:s3], [sflag:s2] =	dma.local @!p0 [hbm:s0], s1  }
0x8e: {  	s0 =	simm.s32 @!p0 $0x5  }
0x8f: {  	_ =	swait.ge @!p0 [sflag:s0], s1  }
0x90: {  	s1 =	ssub.s32 @!p0 $0x0, s1;
	[sflag:s0] =	ssyncset.done @!p0 $0x0  }
0x91: {  	[sflag:s0] =	ssyncadd.s32 @!p0 s1  }
0x92: {  	[bflag:$0x3] =	sbarrier.arrive $0xFFFF  }
0x93: {  	_ =	shalt  }

// kernel: kernel.31.cloned.1.call-start
scs
__scs_entry_jumppad:
0x0: {  	(pc) =	sbr.rel $0x88, $3  }
0x1: {  	(tag) =	ssettag $0x0;
	lr =	simm.s32 $0x1  }
0x2: {  	[smem:$0x3F98] =	sst lr;
	_ =	strace $0xD0000000  }
0x3: {  	_ = 	snop  }
0x4: {  	_ = 	snop  }
0x5: {  	_ = 	snop  }
0x6: {  	_ = 	snop  }
0x7: {  	_ = 	snop  }
__scs_overlays_trampoline_lowered:
0x8: {  	[smem:$0x3FA7] =	sst s0  }
0x9: {  	[smem:$0x3FA8] =	sst s1  }
0xa: {  	[smem:$0x3FA9] =	sst s2  }
0xb: {  	[smem:$0x3FAA] =	sst s3  }
0xc: {  	[smem:$0x3FAB] =	sst s4  }
0xd: {  	[smem:$0x3FAC] =	sst s5  }
0xe: {  	[smem:$0x3FAD] =	sst s6  }
0xf: {  	[smem:$0x3FAE] =	sst s7  }
0x10: {  	[smem:$0x3FAF] =	sst s8  }
0x11: {  	[smem:$0x3FB0] =	sst s9;
	s0 =	simm.s32 @!p0 $0x0  }
0x12: {  	s1 =	sld [smem:$0x3F96];
	s0 =	simm.s32 @p0 $0x1  }
0x13: {  	[smem:$0x3FB1] =	sst s0;
	s0 =	simm.s32 @!p1 $0x0  }
0x14: {  	s2 =	sld [smem:$0x3F95];
	s0 =	simm.s32 @p1 $0x1  }
0x15: {  	[smem:$0x3FB2] =	sst s0;
	s0 =	simm.s32 @!p2 $0x0  }
0x16: {  	s3 =	sld [smem:$0x3FDB];
	s0 =	simm.s32 @p2 $0x1  }
0x17: {  	s4 =	simm.s32 $0x1BF5;
	[smem:$0x3FB4] =	sst s0  }
0x18: {  	s0 =	sld [smem:$0x3F97];
	_ =	swait.ge [sflag:s4], $0x0  }
0x19: {  	s7 =	sld [smem:$0x3F98]  }
0x1a: {  	s8 =	sadd.s32 $0xFFFFE003, lr  }
0x1b: {  	s9 =	sadd.s32 $0xFFFFFEF7, lr;
	s5 =	simm.s32 $0xFFFFFFFF;
	p2 =	slt.u32 s8, $0xFFFFF086  }
0x1c: {  	p1 =	slt.u32 s9, $0xF7A;
	s5 =	simm.s32 @!p2 $0x0  }
0x1d: {  	s5 =	simm.s32 @p1 $0x1;
	p0 =	seq.s32 s7, s2  }
0x1e: {  	s7 =	smul.u32 @!p0 $0xF7A, s2;
	p2 =	seq.s32 @!p0 s5, $0x0  }
0x1f: {  	s9 =	smul.u32 $0xF7A, s1;
	s8 =	simm.s32 @!p0 $0x1BF5;
	p2 =	por !p2, p0  }
0x20: {  	[sflag:s8] =	ssyncset.s32 @!p0 $0xFFFFF086;
	s6 =	sadd.s32 @!p0 s3, s7;
	s7 =	simm.s32 @!p0 $0x108  }
0x21: {  	s3 =	sadd.s32 s3, s9;
	s6 =	sadd.s32 @!p0 $0x88, s6;
	s7 =	simm.s32 @p2 $0x1082  }
0x22: {  	[simem:s7], [sflag:s8] =	dma.local @!p0 [hbm:s6], $0xF7A  }
0x23: {  	s9 =	sor.u32 $0xD0000000, s2;
	s6 =	simm.s32 $0x108;
	_ =	swait.ge @!p0 [sflag:s8], $0x0  }
0x24: {  	s3 =	sadd.s32 $0x88, s3;
	s6 =	simm.s32 @!p1 $0x1082;
	[sflag:s4] =	ssyncset.s32 $0xFFFFF086  }
0x25: {  	[simem:s6], [sflag:s4] =	dma.local [hbm:s3], $0xF7A  }
0x26: {  	[smem:$0x3F98] =	sst s1;
	(tag) =	ssettag s2;
	_ =	strace s9  }
0x27: {  	s1 =	sld [smem:$0x3FA8]  }
0x28: {  	s2 =	sld [smem:$0x3FA9]  }
0x29: {  	s4 =	sld [smem:$0x3FAB]  }
0x2a: {  	p0 =	seq.s32 s5, $0x0;
	s5 =	sld [smem:$0x3FAC]  }
0x2b: {  	s6 =	sld [smem:$0x3FAD]  }
0x2c: {  	s7 =	sld [smem:$0x3FAE]  }
0x2d: {  	s3 =	simm.s32 $0x108;
	s8 =	sld [smem:$0x3FAF]  }
0x2e: {  	s3 =	simm.s32 @!p0 $0x1082;
	s9 =	sld [smem:$0x3FB0]  }
0x2f: {  	lr =	sadd.s32 s0, s3;
	s0 =	sld [smem:$0x3FA7]  }
0x30: {  	s3 =	sld [smem:$0x3FAA]  }
0x31: {  	[smem:$0x3FB3] =	sst s10  }
0x32: {  	s10 =	sld [smem:$0x3FB1];
	_ =	sdelay $0x3  }
0x33: {  	p0 =	seq.s32 s10, $0x1;
	s10 =	sld [smem:$0x3FB3];
	_ =	sdelay $0x3  }
0x34: {  	[smem:$0x3FB3] =	sst s10  }
0x35: {  	s10 =	sld [smem:$0x3FB2];
	_ =	sdelay $0x3  }
0x36: {  	p1 =	seq.s32 s10, $0x1;
	s10 =	sld [smem:$0x3FB3];
	_ =	sdelay $0x3  }
0x37: {  	[smem:$0x3FB3] =	sst s10  }
0x38: {  	s10 =	sld [smem:$0x3FB4]  }
0x39: {  	_ = 	snop;
	(pc) =	sbr.ind lr, $3  }
0x3a: {  	_ = 	snop  }
0x3b: {  	_ = 	snop  }
0x3c: {  	p2 =	seq.s32 s10, $0x1;
	s10 =	sld [smem:$0x3FB3]  }
0x3d: {  	_ =	shalt  }
0x3e: {  	_ =	shalt  }
0x3f: {  	_ =	shalt  }
0x40: {  	_ =	shalt  }
0x41: {  	_ =	shalt  }
0x42: {  	_ =	shalt  }
0x43: {  	_ =	shalt  }
0x44: {  	_ =	shalt  }
0x45: {  	_ =	shalt  }
0x46: {  	_ =	shalt  }
0x47: {  	_ =	shalt  }
0x48: {  	_ =	shalt  }
0x49: {  	_ =	shalt  }
0x4a: {  	_ =	shalt  }
0x4b: {  	_ =	shalt  }
0x4c: {  	_ =	shalt  }
0x4d: {  	_ =	shalt  }
0x4e: {  	_ =	shalt  }
0x4f: {  	_ =	shalt  }
0x50: {  	_ =	shalt  }
0x51: {  	_ =	shalt  }
0x52: {  	_ =	shalt  }
0x53: {  	_ =	shalt  }
0x54: {  	_ =	shalt  }
0x55: {  	_ =	shalt  }
0x56: {  	_ =	shalt  }
0x57: {  	_ =	shalt  }
0x58: {  	_ =	shalt  }
0x59: {  	_ =	shalt  }
0x5a: {  	_ =	shalt  }
0x5b: {  	_ =	shalt  }
0x5c: {  	_ =	shalt  }
0x5d: {  	_ =	shalt  }
0x5e: {  	_ =	shalt  }
0x5f: {  	_ =	shalt  }
0x60: {  	_ =	shalt  }
0x61: {  	_ =	shalt  }
0x62: {  	_ =	shalt  }
0x63: {  	_ =	shalt  }
0x64: {  	_ =	shalt  }
0x65: {  	_ =	shalt  }
0x66: {  	_ =	shalt  }
0x67: {  	_ =	shalt  }
0x68: {  	_ =	shalt  }
0x69: {  	_ =	shalt  }
0x6a: {  	_ =	shalt  }
0x6b: {  	_ =	shalt  }
0x6c: {  	_ =	shalt  }
0x6d: {  	_ =	shalt  }
0x6e: {  	_ =	shalt  }
0x6f: {  	_ =	shalt  }
0x70: {  	_ =	shalt  }
0x71: {  	_ =	shalt  }
0x72: {  	_ =	shalt  }
0x73: {  	_ =	shalt  }
0x74: {  	_ =	shalt  }
0x75: {  	_ =	shalt  }
0x76: {  	_ =	shalt  }
0x77: {  	_ =	shalt  }
0x78: {  	_ =	shalt  }
0x79: {  	_ =	shalt  }
0x7a: {  	_ =	shalt  }
0x7b: {  	_ =	shalt  }
0x7c: {  	_ =	shalt  }
0x7d: {  	_ =	shalt  }
0x7e: {  	_ =	shalt  }
0x7f: {  	_ =	shalt  }
0x80: {  	_ =	shalt  }
0x81: {  	_ =	shalt  }
0x82: {  	_ =	shalt  }
0x83: {  	_ =	shalt  }
0x84: {  	_ =	shalt  }
0x85: {  	_ =	shalt  }
0x86: {  	_ =	shalt  }
0x87: {  	_ =	shalt  }
.Lfunc_end0:
.L_simem_size_0:
called_computation.4_lowered:
.L_overlay_start_0:
0x88: {  	s2 =	sld [smem:$0x3FD9]  }
0x89: {  	s3 =	sld [smem:$0x3FFE];
	_ =	sdelay $0x1  }
0x8a: {  	s1 =	srdreg.scid  }
0x8b: {  	s0 =	sand.u32 $0x1, s1  }
0x8c: {  	s16 =	sshll.u32 s0, $0xA;
	s2 =	sadd.s32 s3, s2  }
0x8d: {  	s2 =	sadd.s32 s2, s16  }
0x8e: {  	[smem:$0x3FBF] =	sst s2  }
0x8f: {  	_ = 	snop  }
0x90: {  	(tm) =	ssettm $0x1  }
0x91: {  	s17 =	sld [smem:$0x3FFB];
	_ =	sdelay $0x3  }
0x92: {  	_ =	strace s17  }
0x93: {  	s2 =	sld [smem:$0x3FFC];
	_ =	sdelay $0x3  }
0x94: {  	_ =	strace s2  }
0x95: {  	s2 =	sld [smem:$0x3FFD];
	_ =	sdelay $0x3  }
0x96: {  	_ =	strace s2  }
0x97: {  	_ =	strace $0x8FFFFFFF  }
0x98: {  	s18 =	sld [smem:$0x3FDB];
	_ =	sdelay $0x1  }
0x99: {  	s19 =	simm.s32 $_scs_section_size  }
0x9a: {  	s4 =	simm.s32 $_size__tile_overlayer_lowered;
	s5 =	simm.s32 $_tile_overlayer_lowered  }
0x9b: {  	s22 =	simm.s32 $0x1BFF;
	s21 =	sshll.u32 s5, $0x1;
	s2 =	sadd.s32 s19, s18  }
0x9c: {  	s6 =	simm.s32 $0x0;
	s20 =	sshll.u32 s4, $0x1;
	s4 =	sadd.s32 s21, s2  }
0x9d: {  	[timem:s6], [sflag:s22] =	dma.local [hbm:s4], s20  }
0x9e: {  	_ =	swait.ge [sflag:s22], s20  }
0x9f: {  	s3 =	ssub.s32 $0x0, s20;
	[sflag:s22] =	ssyncset.done $0x0  }
0xa0: {  	[sflag:s22] =	ssyncadd.s32 s3;
	_ =	sdelay $0x1  }
0xa1: {  	s23 =	simm.s32 $0x1B8B  }
0xa2: {  	_ =	swait.ge [sflag:s23], $0x1  }
0xa3: {  	[sflag:s23] =	ssyncset.done $0x0  }
0xa4: {  	s25 =	simm.s32 $0x1B8E;
	s24 =	sld [smem:$0x3FFE];
	[sflag:s23] =	ssyncadd.s32 $0xFFFFFFFF  }
0xa5: {  	s26 =	simm.s32 $execute0_lowered;
	[smem:$0x3FD2] =	sst s25  }
0xa6: {  	s4 =	sshll.u32 s26, $0x1;
	_ =	strace $0x80000052;
	[dreg:$0x1] =	wrdreg $0xFFFFFFFF  }
0xa7: {  	s28 =	simm.s32 $_size_execute0_lowered;
	s2 =	sadd.s32 s2, s4;
	[dreg:$0x0] =	wrdreg $0x0  }
0xa8: {  	s4 =	sshll.u32 s28, $0x1;
	[dreg:$0x2] =	wrdreg s2  }
0xa9: {  	[dreg:$0x3] =	wrdreg s4  }
0xaa: {  	[dreg:$0x4] =	wrdreg $0xC0  }
0xab: {  	_ =	task [dreg:s6], $0x5FFFF  }
0xac: {  	[dreg:$0x1] =	wrdreg $0xFFFFFFFF  }
0xad: {  	[dreg:$0x0] =	wrdreg $0x60  }
0xae: {  	[dreg:$0x2] =	wrdreg s24  }
0xaf: {  	[dreg:$0x3] =	wrdreg $0x0  }
0xb0: {  	[dreg:$0x4] =	wrdreg $0x9  }
0xb1: {  	_ =	task.clear_ibuf [dreg:s6], $0x5FFFF;
	_ =	strace $0x90000052  }
0xb2: {  	s29 =	simm.s32 $0x9;
	_ =	strace $0x80000054  }
0xb3: {  	_ =	swait.ge [sflag:s29], $0x1  }
0xb4: {  	[sflag:s29] =	ssyncadd.s32 $0xFFFFFFFF  }
0xb5: {  	_ =	strace $0x90000054  }
0xb6: {  	_ =	sfence  }
0xb7: {  	s30 =	sld [smem:$0x0];
	_ =	sdelay $0x2  }
0xb8: {  	s31 =	sshll.u32 s1, $0xD;
	s1 =	sshrl.u32 s1, $0x2  }
0xb9: {  	s3 =	sand.u32 $0x4000, s31;
	s1 =	sadd.s32 s1, s30  }
0xba: {  	s0 =	sor.u32 s3, s0;
	s1 =	sshll.u32 s1, $0x11  }
0xbb: {  	s0 =	sor.u32 s1, s0  }
0xbc: {  	s0 =	sadd.s32 $0x8F2B, s0  }
0xbd: {  	[sflag:s0] =	ssyncadd.remote.s32 $0x1  }
0xbe: {  	_ =	sfence.sel $0xFFFF  }
0xbf: {  	[dreg:$0x0] =	wrdreg $0xFFFFFFFF;
	(pc) =	sbr.abs _section_cstart, $3  }
0xc0: {  	[dreg:$0x1] =	wrdreg $0xFFFFFFFF  }
0xc1: {  	_ =	task.clear_ibuf [dreg:s6], $0x2FFFF;
	_ =	strace $0x9FFFFFFF  }
0xc2: {  	(tm) =	ssettm $0x7FFFFFFF  }
0xc3: {  	_ =	shalt  }
tec
execute0_lowered:
.L_overlay_start_1:
0x0: {  	(tag) =	ssettag $0x1  }
0x1: {  	s0 =	rddreg [dreg:$0x0]  }
0x2: {  	s2 =	rddreg [dreg:$0x1];
	s17 =	stileid.u32  }
0x3: {  	s3 =	simm.s32 $0x0;
	s4 =	srdreg.scid;
	s18 =	simm.s32 $0x14000  }
0x4: {  	s28 =	simm.s32 $0x16900;
	s29 =	simm.s32 $0x3;
	s1 =	smul.u32 $0x2800, s17  }
0x5: {  	s30 =	simm.s32 $0x4;
	s31 =	simm.s32 $0x0;
	s8 =	smul.u32 $0x50000, s17  }
0x6: {  	[smem:$0x7FF] =	sst s3;
	s6 =	sand.u32 $0x1, s4;
	s25 =	smul.u32 $0x4E20, s17  }
0x7: {  	s19 =	sshll.u32 s17, $0x1;
	s22 =	sshll.u32 s17, $0x6;
	s17 =	smul.u32 $0x4E200, s17  }
0x8: {  	s4 =	sadd.s32 $0x3A00, s0;
	_ =	strace $0x80000053;
	s15 =	smul.u32 $0x2710, s6  }
0x9: {  	s9 =	sor.u32 s6, s19;
	s5 =	ssub.s32 $0x2, s6;
	s6 =	smul.u32 $0x27100, s6  }
0xa: {  	s19 =	simm.s32 $0x14080;
	s1 =	sadd.s32 s1, s0;
	s10 =	smul.u32 $0x2710, s9  }
0xb: {  	s0 =	sadd.s32 $0x8F600, s0;
	s7 =	sshrl.u32 s5, $0x1;
	s12 =	smul.u32 $0x138800, s9  }
0xc: {  	s8 =	sshrl.u32 s8, $0x2;
	s24 =	smul.u32 $0x27100, s9;
	s11 =	ssub.s32 s5, s7  }
0xd: {  	s16 =	sadd.s32 s8, s2;
	s1 =	sadd.s32 $0x67600, s1;
	s8 =	sor.u32 $0x1C06, s22  }
0xe: {  	s22 =	simm.s32 $0x1;
	s20 =	sshrl.u32 s10, $0x3;
	s14 =	sadd.s32 $0x50, s10  }
0xf: {  	[dreg:$0x4] =	wrdreg s1;
	s12 =	sshrl.u32 s12, $0x3;
	s9 =	sadd.s32 $0xF0, s10  }
0x10: {  	s11 =	smax.u32 s11, $0x1;
	s1 =	sadd.s32 s15, s25;
	s25 =	simm.s32 $0x5  }
0x11: {  	s21 =	sshrl.u32 s14, $0x3;
	s5 =	sadd.s32 s4, s20;
	s23 =	sadd.s32 s0, s12  }
0x12: {  	s12 =	sadd.s32 s0, s24;
	s14 =	sshll.u32 s14, $0x4;
	s26 =	sshrl.u32 s9, $0x3  }
0x13: {  	s1 =	sadd.s32 $0x140, s1;
	s20 =	sshrl.u32 s16, $0x3;
	s24 =	simm.s32 $0x14100  }
.Ltmp0:
0x14: {  	s7 =	sadd.s32 s4, s21;
	s10 =	sadd.s32 $0x26C00, s23;
	(pc) =	sbr.rel .LBB2_1-.Ltmp0, $4  }
0x15: {  	s13 =	sadd.s32 $0x14, s5;
	s14 =	sadd.s32 s0, s14;
	s0 =	sadd.s32 s17, s0  }
0x16: {  	s15 =	sadd.s32 s4, s26;
	s1 =	sshrl.u32 s1, $0x3;
	s21 =	simm.s32 $0x6  }
0x17: {  	s23 =	simm.s32 $0x50;
	s26 =	simm.s32 $0x2;
	s0 =	sadd.s32 s6, s0  }
0x18: {  	[dreg:$0x3] =	wrdreg s7;
	s1 =	sadd.s32 s1, s4;
	s6 =	sadd.s32 $0xF00, s0  }
.LBB2_4:
0x19: {  	_ =	swait.ge [sflag:s22], $0x50  }
0x1a: {  	[sflag:s22] =	ssyncset.done $0x0  }
0x1b: {  	[sflag:s22] =	ssyncadd.s32 $0xFFFFFFB0  }
0x1c: {  	_ =	swait.ge [sflag:s29], $0x2800  }
0x1d: {  	[sflag:s29] =	ssyncset.done $0x0  }
0x1e: {  	[sflag:s29] =	ssyncadd.s32 $0xFFFFD800  }
0x1f: {  	[tilespmem:s24], [sflag:$0x5] =	stream.indirect.gather [spmem:s2], $0x80, s18, s23, $0xb8;
	[tilespmem:$0x19100] =	vst v63  }
0x20: {  	_ =	swait.ge [sflag:s25], $0x2800  }
0x21: {  	[sflag:s25] =	ssyncset.done $0x0  }
0x22: {  	s31 =	sadd.s32 $0x1, s31;
	[sflag:s25] =	ssyncadd.s32 $0xFFFFD800  }
0x23: {  	[hbm4b:s10+s3] =	stream.linear.scatter [tilespmem:s24], [sflag:$0x3], $0x2800, $0x38;
	[tilespmem:$0x19100] =	vst v63  }
0x24: {  	p0 =	sne.s32 s31, s11;
	_ =	swait.ge [sflag:s30], $0x2800  }
.Ltmp1:
0x25: {  	[sflag:s30] =	ssyncset.done $0x0;
	(pc) =	sbr.rel @!p0 .LBB2_5-.Ltmp1, $4  }
0x26: {  	[sflag:s30] =	ssyncadd.s32 $0xFFFFD800  }
0x27: {  	_ =	swait.ge [sflag:s29], $0x2800  }
0x28: {  	[sflag:s29] =	ssyncset.done $0x0  }
0x29: {  	[sflag:s29] =	ssyncadd.s32 $0xFFFFD800  }
.LBB2_1:
0x2a: {  	[tilespmem:s18], [sflag:$0x1] =	stream.linear.gather [hbm4b:s5+s3], $0x50, $0x38;
	[tilespmem:$0x19100] =	vst v63  }
0x2b: {  	s0 =	rddreg [dreg:$0x3]  }
0x2c: {  	s17 =	rddreg [dreg:$0x4]  }
0x2d: {  	[tilespmem:s19], [sflag:$0x2] =	stream.linear.gather [hbm4b:s0+s3], $0x50, $0x38;
	[tilespmem:$0x19100] =	vst v63  }
0x2e: {  	[spmem:s20], [sflag:s8] =	dma.local [hbm:s17], $0x2800  }
0x2f: {  	_ =	swait.ge [sflag:s21], $0x2800  }
0x30: {  	[sflag:s21] =	ssyncset.done $0x0  }
0x31: {  	[sflag:s21] =	ssyncadd.s32 $0xFFFFD800  }
0x32: {  	[bflag:$0x0] =	sbarrier.arrive $0xFFFF  }
0x33: {  	_ =	swait.ge [sflag:s22], $0x50  }
0x34: {  	[sflag:s22] =	ssyncset.done $0x0  }
0x35: {  	[sflag:s22] =	ssyncadd.s32 $0xFFFFFFB0  }
0x36: {  	[tilespmem:s24], [sflag:$0x5] =	stream.indirect.gather [spmem:s2], $0x80, s18, s23, $0xb8;
	[tilespmem:$0x19100] =	vst v63  }
0x37: {  	_ =	swait.ge [sflag:s25], $0x2800  }
0x38: {  	[sflag:s25] =	ssyncset.done $0x0  }
0x39: {  	[sflag:s25] =	ssyncadd.s32 $0xFFFFD800  }
0x3a: {  	[hbm4b:s12+s3] =	stream.linear.scatter [tilespmem:s24], [sflag:$0x3], $0x2800, $0x38;
	[tilespmem:$0x19100] =	vst v63  }
0x3b: {  	_ = 	snop  }
0x3c: {  	[tilespmem:s18], [sflag:$0x1] =	stream.linear.gather [hbm4b:s13+s3], $0x50, $0x38;
	[tilespmem:$0x19100] =	vst v63  }
0x3d: {  	_ =	swait.ge [sflag:s26], $0x50  }
0x3e: {  	[sflag:s26] =	ssyncset.done $0x0  }
0x3f: {  	[sflag:s26] =	ssyncadd.s32 $0xFFFFFFB0  }
0x40: {  	[tilespmem:s28], [sflag:$0x5] =	stream.indirect.gather [spmem:s2], $0x80, s19, s23, $0xb8;
	[tilespmem:$0x19100] =	vst v63  }
0x41: {  	_ =	swait.ge [sflag:s25], $0x2800  }
0x42: {  	[sflag:s25] =	ssyncset.done $0x0  }
0x43: {  	[sflag:s25] =	ssyncadd.s32 $0xFFFFD800  }
0x44: {  	[hbm4b:s14+s3] =	stream.linear.scatter [tilespmem:s28], [sflag:$0x4], $0x2800, $0x38;
	[tilespmem:$0x19100] =	vst v63  }
0x45: {  	s16 =	smov.u32 s6;
	s0 =	simm.s32 $0xA0;
	s17 =	smov.u32 s1  }
0x46: {  	[tilespmem:s19], [sflag:$0x2] =	stream.linear.gather [hbm4b:s15+s3], $0x50, $0x38;
	[tilespmem:$0x19100] =	vst v63  }
.LBB2_2:
0x47: {  	_ =	swait.ge [sflag:s22], $0x50  }
0x48: {  	[sflag:s22] =	ssyncset.done $0x0  }
0x49: {  	[sflag:s22] =	ssyncadd.s32 $0xFFFFFFB0  }
0x4a: {  	_ =	swait.ge [sflag:s29], $0x2800  }
0x4b: {  	[sflag:s29] =	ssyncset.done $0x0  }
0x4c: {  	[sflag:s29] =	ssyncadd.s32 $0xFFFFD800  }
0x4d: {  	[tilespmem:s24], [sflag:$0x5] =	stream.indirect.gather [spmem:s2], $0x80, s18, s23, $0xb8;
	[tilespmem:$0x19100] =	vst v63  }
0x4e: {  	_ =	swait.ge [sflag:s25], $0x2800  }
0x4f: {  	[sflag:s25] =	ssyncset.done $0x0  }
0x50: {  	s7 =	sadd.s32 $0xFFFFFB00, s16;
	[sflag:s25] =	ssyncadd.s32 $0xFFFFD800  }
0x51: {  	[hbm4b:s7+s3] =	stream.linear.scatter [tilespmem:s24], [sflag:$0x3], $0x2800, $0x38;
	[tilespmem:$0x19100] =	vst v63  }
0x52: {  	_ = 	snop  }
0x53: {  	[tilespmem:s18], [sflag:$0x1] =	stream.linear.gather [hbm4b:s17+s3], $0x50, $0x38;
	[tilespmem:$0x19100] =	vst v63  }
0x54: {  	_ =	swait.ge [sflag:s26], $0x50  }
0x55: {  	[sflag:s26] =	ssyncset.done $0x0  }
0x56: {  	[sflag:s26] =	ssyncadd.s32 $0xFFFFFFB0  }
0x57: {  	_ =	swait.ge [sflag:s30], $0x2800  }
0x58: {  	[sflag:s30] =	ssyncset.done $0x0  }
0x59: {  	p0 =	seq.s32 s0, $0x2620;
	[sflag:s30] =	ssyncadd.s32 $0xFFFFD800  }
0x5a: {  	[tilespmem:s28], [sflag:$0x5] =	stream.indirect.gather [spmem:s2], $0x80, s19, s23, $0xb8;
	[tilespmem:$0x19100] =	vst v63  }
.Ltmp2:
0x5b: {  	_ = 	snop;
	(pc) =	sbr.rel @p0 .LBB2_4-.Ltmp2, $4  }
0x5c: {  	_ =	swait.ge [sflag:s25], $0x2800  }
0x5d: {  	[sflag:s25] =	ssyncset.done $0x0  }
0x5e: {  	[sflag:s25] =	ssyncadd.s32 $0xFFFFD800  }
0x5f: {  	[hbm4b:s16+s3] =	stream.linear.scatter [tilespmem:s28], [sflag:$0x4], $0x2800, $0x38;
	[tilespmem:$0x19100] =	vst v63  }
.Ltmp3:
0x60: {  	s7 =	smin.u32 s0, $0x25D0;
	(pc) =	sbr.rel .LBB2_2-.Ltmp3, $4  }
0x61: {  	s7 =	sadd.s32 s7, s9  }
0x62: {  	s16 =	sadd.s32 $0xA00, s16;
	s7 =	sshrl.u32 s7, $0x3  }
0x63: {  	s17 =	sadd.s32 $0x14, s17;
	s0 =	sadd.s32 $0xA0, s0;
	s7 =	sadd.s32 s4, s7  }
0x64: {  	[tilespmem:s19], [sflag:$0x2] =	stream.linear.gather [hbm4b:s7+s3], $0x50, $0x38;
	[tilespmem:$0x19100] =	vst v63  }
.LBB2_5:
0x65: {  	_ =	sfence.sel $0x180000  }
0x66: {  	[bflag:$0x0] =	sbarrier.arrive $0xFFFF  }
0x67: {  	_ =	strace $0x90000053  }
0x68: {  	s0 =	stileid.u32;
	[bflag:$0x2] =	sbarrier.arrive $0xFFFF  }
0x69: {  	p0 =	sne.s32 s0, $0x0;
	s0 =	rddreg [dreg:$0x2]  }
0x6a: {  	s0 =	sadd.s32 @!p0 $0x100000, s0  }
0x6b: {  	[sflag:s0] =	ssyncadd.tile.s32 @!p0 $0x1;
	_ =	shalt  }
.Lfunc_end2:
_tile_overlayer_lowered:
.L_overlay_start_2:
0x6c: {  	(tag) =	ssettag $0x2  }
0x6d: {  	s0 =	rddreg [dreg:$0x0];
	s2 =	stileid.u32  }
0x6e: {  	s1 =	rddreg [dreg:$0x1];
	p0 =	sne.s32 s2, $0x0  }
0x6f: {  	s3 =	rddreg [dreg:$0x2];
	[bflag:$0x3] =	sbarrier.arrive $0xFFFF;
	s2 =	simm.s32 @!p0 $0x1C06  }
0x70: {  	[timem:s3], [sflag:s2] =	dma.local @!p0 [hbm:s0], s1  }
0x71: {  	s0 =	simm.s32 @!p0 $0x6  }
0x72: {  	_ =	swait.ge @!p0 [sflag:s0], s1  }
0x73: {  	s1 =	ssub.s32 @!p0 $0x0, s1;
	[sflag:s0] =	ssyncset.done @!p0 $0x0  }
0x74: {  	[sflag:s0] =	ssyncadd.s32 @!p0 s1  }
0x75: {  	[bflag:$0x3] =	sbarrier.arrive $0xFFFF  }
0x76: {  	_ =	shalt  }

// kernel: kernel.34.cloned.1.call-start
scs
__scs_entry_jumppad:
0x0: {  	(pc) =	sbr.rel $0x88, $3  }
0x1: {  	(tag) =	ssettag $0x0;
	lr =	simm.s32 $0x1  }
0x2: {  	[smem:$0x3F98] =	sst lr;
	_ =	strace $0xD0000000  }
0x3: {  	_ = 	snop  }
0x4: {  	_ = 	snop  }
0x5: {  	_ = 	snop  }
0x6: {  	_ = 	snop  }
0x7: {  	_ = 	snop  }
__scs_overlays_trampoline_lowered:
0x8: {  	[smem:$0x3FA7] =	sst s0  }
0x9: {  	[smem:$0x3FA8] =	sst s1  }
0xa: {  	[smem:$0x3FA9] =	sst s2  }
0xb: {  	[smem:$0x3FAA] =	sst s3  }
0xc: {  	[smem:$0x3FAB] =	sst s4  }
0xd: {  	[smem:$0x3FAC] =	sst s5  }
0xe: {  	[smem:$0x3FAD] =	sst s6  }
0xf: {  	[smem:$0x3FAE] =	sst s7  }
0x10: {  	[smem:$0x3FAF] =	sst s8  }
0x11: {  	[smem:$0x3FB0] =	sst s9;
	s0 =	simm.s32 @!p0 $0x0  }
0x12: {  	s1 =	sld [smem:$0x3F96];
	s0 =	simm.s32 @p0 $0x1  }
0x13: {  	[smem:$0x3FB1] =	sst s0;
	s0 =	simm.s32 @!p1 $0x0  }
0x14: {  	s2 =	sld [smem:$0x3F95];
	s0 =	simm.s32 @p1 $0x1  }
0x15: {  	[smem:$0x3FB2] =	sst s0;
	s0 =	simm.s32 @!p2 $0x0  }
0x16: {  	s3 =	sld [smem:$0x3FDB];
	s0 =	simm.s32 @p2 $0x1  }
0x17: {  	s4 =	simm.s32 $0x1BF5;
	[smem:$0x3FB4] =	sst s0  }
0x18: {  	s0 =	sld [smem:$0x3F97];
	_ =	swait.ge [sflag:s4], $0x0  }
0x19: {  	s7 =	sld [smem:$0x3F98]  }
0x1a: {  	s8 =	sadd.s32 $0xFFFFE003, lr  }
0x1b: {  	s9 =	sadd.s32 $0xFFFFFEF7, lr;
	s5 =	simm.s32 $0xFFFFFFFF;
	p2 =	slt.u32 s8, $0xFFFFF086  }
0x1c: {  	p1 =	slt.u32 s9, $0xF7A;
	s5 =	simm.s32 @!p2 $0x0  }
0x1d: {  	s5 =	simm.s32 @p1 $0x1;
	p0 =	seq.s32 s7, s2  }
0x1e: {  	s7 =	smul.u32 @!p0 $0xF7A, s2;
	p2 =	seq.s32 @!p0 s5, $0x0  }
0x1f: {  	s9 =	smul.u32 $0xF7A, s1;
	s8 =	simm.s32 @!p0 $0x1BF5;
	p2 =	por !p2, p0  }
0x20: {  	[sflag:s8] =	ssyncset.s32 @!p0 $0xFFFFF086;
	s6 =	sadd.s32 @!p0 s3, s7;
	s7 =	simm.s32 @!p0 $0x108  }
0x21: {  	s3 =	sadd.s32 s3, s9;
	s6 =	sadd.s32 @!p0 $0x88, s6;
	s7 =	simm.s32 @p2 $0x1082  }
0x22: {  	[simem:s7], [sflag:s8] =	dma.local @!p0 [hbm:s6], $0xF7A  }
0x23: {  	s9 =	sor.u32 $0xD0000000, s2;
	s6 =	simm.s32 $0x108;
	_ =	swait.ge @!p0 [sflag:s8], $0x0  }
0x24: {  	s3 =	sadd.s32 $0x88, s3;
	s6 =	simm.s32 @!p1 $0x1082;
	[sflag:s4] =	ssyncset.s32 $0xFFFFF086  }
0x25: {  	[simem:s6], [sflag:s4] =	dma.local [hbm:s3], $0xF7A  }
0x26: {  	[smem:$0x3F98] =	sst s1;
	(tag) =	ssettag s2;
	_ =	strace s9  }
0x27: {  	s1 =	sld [smem:$0x3FA8]  }
0x28: {  	s2 =	sld [smem:$0x3FA9]  }
0x29: {  	s4 =	sld [smem:$0x3FAB]  }
0x2a: {  	p0 =	seq.s32 s5, $0x0;
	s5 =	sld [smem:$0x3FAC]  }
0x2b: {  	s6 =	sld [smem:$0x3FAD]  }
0x2c: {  	s7 =	sld [smem:$0x3FAE]  }
0x2d: {  	s3 =	simm.s32 $0x108;
	s8 =	sld [smem:$0x3FAF]  }
0x2e: {  	s3 =	simm.s32 @!p0 $0x1082;
	s9 =	sld [smem:$0x3FB0]  }
0x2f: {  	lr =	sadd.s32 s0, s3;
	s0 =	sld [smem:$0x3FA7]  }
0x30: {  	s3 =	sld [smem:$0x3FAA]  }
0x31: {  	[smem:$0x3FB3] =	sst s10  }
0x32: {  	s10 =	sld [smem:$0x3FB1];
	_ =	sdelay $0x3  }
0x33: {  	p0 =	seq.s32 s10, $0x1;
	s10 =	sld [smem:$0x3FB3];
	_ =	sdelay $0x3  }
0x34: {  	[smem:$0x3FB3] =	sst s10  }
0x35: {  	s10 =	sld [smem:$0x3FB2];
	_ =	sdelay $0x3  }
0x36: {  	p1 =	seq.s32 s10, $0x1;
	s10 =	sld [smem:$0x3FB3];
	_ =	sdelay $0x3  }
0x37: {  	[smem:$0x3FB3] =	sst s10  }
0x38: {  	s10 =	sld [smem:$0x3FB4]  }
0x39: {  	_ = 	snop;
	(pc) =	sbr.ind lr, $3  }
0x3a: {  	_ = 	snop  }
0x3b: {  	_ = 	snop  }
0x3c: {  	p2 =	seq.s32 s10, $0x1;
	s10 =	sld [smem:$0x3FB3]  }
0x3d: {  	_ =	shalt  }
0x3e: {  	_ =	shalt  }
0x3f: {  	_ =	shalt  }
0x40: {  	_ =	shalt  }
0x41: {  	_ =	shalt  }
0x42: {  	_ =	shalt  }
0x43: {  	_ =	shalt  }
0x44: {  	_ =	shalt  }
0x45: {  	_ =	shalt  }
0x46: {  	_ =	shalt  }
0x47: {  	_ =	shalt  }
0x48: {  	_ =	shalt  }
0x49: {  	_ =	shalt  }
0x4a: {  	_ =	shalt  }
0x4b: {  	_ =	shalt  }
0x4c: {  	_ =	shalt  }
0x4d: {  	_ =	shalt  }
0x4e: {  	_ =	shalt  }
0x4f: {  	_ =	shalt  }
0x50: {  	_ =	shalt  }
0x51: {  	_ =	shalt  }
0x52: {  	_ =	shalt  }
0x53: {  	_ =	shalt  }
0x54: {  	_ =	shalt  }
0x55: {  	_ =	shalt  }
0x56: {  	_ =	shalt  }
0x57: {  	_ =	shalt  }
0x58: {  	_ =	shalt  }
0x59: {  	_ =	shalt  }
0x5a: {  	_ =	shalt  }
0x5b: {  	_ =	shalt  }
0x5c: {  	_ =	shalt  }
0x5d: {  	_ =	shalt  }
0x5e: {  	_ =	shalt  }
0x5f: {  	_ =	shalt  }
0x60: {  	_ =	shalt  }
0x61: {  	_ =	shalt  }
0x62: {  	_ =	shalt  }
0x63: {  	_ =	shalt  }
0x64: {  	_ =	shalt  }
0x65: {  	_ =	shalt  }
0x66: {  	_ =	shalt  }
0x67: {  	_ =	shalt  }
0x68: {  	_ =	shalt  }
0x69: {  	_ =	shalt  }
0x6a: {  	_ =	shalt  }
0x6b: {  	_ =	shalt  }
0x6c: {  	_ =	shalt  }
0x6d: {  	_ =	shalt  }
0x6e: {  	_ =	shalt  }
0x6f: {  	_ =	shalt  }
0x70: {  	_ =	shalt  }
0x71: {  	_ =	shalt  }
0x72: {  	_ =	shalt  }
0x73: {  	_ =	shalt  }
0x74: {  	_ =	shalt  }
0x75: {  	_ =	shalt  }
0x76: {  	_ =	shalt  }
0x77: {  	_ =	shalt  }
0x78: {  	_ =	shalt  }
0x79: {  	_ =	shalt  }
0x7a: {  	_ =	shalt  }
0x7b: {  	_ =	shalt  }
0x7c: {  	_ =	shalt  }
0x7d: {  	_ =	shalt  }
0x7e: {  	_ =	shalt  }
0x7f: {  	_ =	shalt  }
0x80: {  	_ =	shalt  }
0x81: {  	_ =	shalt  }
0x82: {  	_ =	shalt  }
0x83: {  	_ =	shalt  }
0x84: {  	_ =	shalt  }
0x85: {  	_ =	shalt  }
0x86: {  	_ =	shalt  }
0x87: {  	_ =	shalt  }
.Lfunc_end0:
.L_simem_size_0:
called_computation.5_lowered:
.L_overlay_start_0:
0x88: {  	s2 =	sld [smem:$0x3FD9]  }
0x89: {  	s3 =	sld [smem:$0x3FFE];
	_ =	sdelay $0x1  }
0x8a: {  	s1 =	srdreg.scid  }
0x8b: {  	s0 =	sand.u32 $0x1, s1  }
0x8c: {  	s16 =	sshll.u32 s0, $0xA;
	s2 =	sadd.s32 s3, s2  }
0x8d: {  	s2 =	sadd.s32 s2, s16  }
0x8e: {  	[smem:$0x3FBF] =	sst s2  }
0x8f: {  	_ = 	snop  }
0x90: {  	(tm) =	ssettm $0x1  }
0x91: {  	s17 =	sld [smem:$0x3FFB];
	_ =	sdelay $0x3  }
0x92: {  	_ =	strace s17  }
0x93: {  	s2 =	sld [smem:$0x3FFC];
	_ =	sdelay $0x3  }
0x94: {  	_ =	strace s2  }
0x95: {  	s2 =	sld [smem:$0x3FFD];
	_ =	sdelay $0x3  }
0x96: {  	_ =	strace s2  }
0x97: {  	_ =	strace $0x8FFFFFFF  }
0x98: {  	s18 =	sld [smem:$0x3FDB];
	_ =	sdelay $0x1  }
0x99: {  	s19 =	simm.s32 $_scs_section_size  }
0x9a: {  	s4 =	simm.s32 $_size__tile_overlayer_lowered;
	s5 =	simm.s32 $_tile_overlayer_lowered  }
0x9b: {  	s22 =	simm.s32 $0x1BFF;
	s21 =	sshll.u32 s5, $0x1;
	s2 =	sadd.s32 s19, s18  }
0x9c: {  	s6 =	simm.s32 $0x0;
	s20 =	sshll.u32 s4, $0x1;
	s4 =	sadd.s32 s21, s2  }
0x9d: {  	[timem:s6], [sflag:s22] =	dma.local [hbm:s4], s20  }
0x9e: {  	_ =	swait.ge [sflag:s22], s20  }
0x9f: {  	s3 =	ssub.s32 $0x0, s20;
	[sflag:s22] =	ssyncset.done $0x0  }
0xa0: {  	[sflag:s22] =	ssyncadd.s32 s3;
	_ =	sdelay $0x1  }
0xa1: {  	s23 =	simm.s32 $0x1B8B  }
0xa2: {  	_ =	swait.ge [sflag:s23], $0x1  }
0xa3: {  	[sflag:s23] =	ssyncset.done $0x0  }
0xa4: {  	s25 =	simm.s32 $0x1B8E;
	s24 =	sld [smem:$0x3FFE];
	[sflag:s23] =	ssyncadd.s32 $0xFFFFFFFF  }
0xa5: {  	s26 =	simm.s32 $execute0_lowered;
	[smem:$0x3FD2] =	sst s25  }
0xa6: {  	s4 =	sshll.u32 s26, $0x1;
	_ =	strace $0x80000055;
	[dreg:$0x1] =	wrdreg $0xFFFFFFFF  }
0xa7: {  	s28 =	simm.s32 $_size_execute0_lowered;
	s2 =	sadd.s32 s2, s4;
	[dreg:$0x0] =	wrdreg $0x0  }
0xa8: {  	s4 =	sshll.u32 s28, $0x1;
	[dreg:$0x2] =	wrdreg s2  }
0xa9: {  	[dreg:$0x3] =	wrdreg s4  }
0xaa: {  	[dreg:$0x4] =	wrdreg $0xC0  }
0xab: {  	_ =	task [dreg:s6], $0x5FFFF  }
0xac: {  	[dreg:$0x1] =	wrdreg $0xFFFFFFFF  }
0xad: {  	[dreg:$0x0] =	wrdreg $0x60  }
0xae: {  	[dreg:$0x2] =	wrdreg s24  }
0xaf: {  	[dreg:$0x3] =	wrdreg $0x0  }
0xb0: {  	[dreg:$0x4] =	wrdreg $0x9  }
0xb1: {  	_ =	task.clear_ibuf [dreg:s6], $0x5FFFF;
	_ =	strace $0x90000055  }
0xb2: {  	s29 =	simm.s32 $0x9;
	_ =	strace $0x80000057  }
0xb3: {  	_ =	swait.ge [sflag:s29], $0x1  }
0xb4: {  	[sflag:s29] =	ssyncadd.s32 $0xFFFFFFFF  }
0xb5: {  	_ =	strace $0x90000057  }
0xb6: {  	_ =	sfence  }
0xb7: {  	s30 =	sld [smem:$0x0];
	_ =	sdelay $0x2  }
0xb8: {  	s31 =	sshll.u32 s1, $0xD;
	s1 =	sshrl.u32 s1, $0x2  }
0xb9: {  	s3 =	sand.u32 $0x4000, s31;
	s1 =	sadd.s32 s1, s30  }
0xba: {  	s0 =	sor.u32 s3, s0;
	s1 =	sshll.u32 s1, $0x11  }
0xbb: {  	s0 =	sor.u32 s1, s0  }
0xbc: {  	s0 =	sadd.s32 $0x8F2B, s0  }
0xbd: {  	[sflag:s0] =	ssyncadd.remote.s32 $0x1  }
0xbe: {  	_ =	sfence.sel $0xFFFF  }
0xbf: {  	[dreg:$0x0] =	wrdreg $0xFFFFFFFF;
	(pc) =	sbr.abs _section_cstart, $3  }
0xc0: {  	[dreg:$0x1] =	wrdreg $0xFFFFFFFF  }
0xc1: {  	_ =	task.clear_ibuf [dreg:s6], $0x2FFFF;
	_ =	strace $0x9FFFFFFF  }
0xc2: {  	(tm) =	ssettm $0x7FFFFFFF  }
0xc3: {  	_ =	shalt  }
tec
execute0_lowered:
.L_overlay_start_1:
0x0: {  	(tag) =	ssettag $0x1  }
0x1: {  	s0 =	rddreg [dreg:$0x0]  }
0x2: {  	s2 =	rddreg [dreg:$0x1];
	s3 =	simm.s32 $0x0  }
0x3: {  	s16 =	stileid.u32;
	s1 =	srdreg.scid;
	s28 =	simm.s32 $0x2  }
0x4: {  	s29 =	simm.s32 $0x4;
	s30 =	simm.s32 $0x0;
	s5 =	smul.u32 $0x14000, s16  }
0x5: {  	[smem:$0x7FF] =	sst s3;
	s1 =	sand.u32 $0x1, s1;
	s18 =	smul.u32 $0x50000, s16  }
0x6: {  	s6 =	sadd.s32 $0x571600, s0;
	s4 =	sadd.s32 $0xD800, s0;
	s7 =	smul.u32 $0x140000, s1  }
0x7: {  	s9 =	sshll.u32 s16, $0x1;
	s23 =	sshll.u32 s16, $0x6;
	s24 =	smul.u32 $0x2710, s1  }
0x8: {  	s12 =	sor.u32 s1, s9;
	s13 =	ssub.s32 $0x2, s1;
	s1 =	smul.u32 $0x27100, s1  }
0x9: {  	_ =	strace $0x80000056;
	s8 =	sshrl.u32 s5, $0x3;
	s14 =	smul.u32 $0x2710, s12  }
0xa: {  	s15 =	sshrl.u32 s13, $0x1;
	s9 =	sshrl.u32 s18, $0x2;
	s10 =	sadd.s32 s8, s0  }
0xb: {  	s5 =	sadd.s32 s5, s7;
	s7 =	smul.u32 $0x27100, s12;
	s9 =	sadd.s32 s9, s2  }
0xc: {  	s5 =	sshrl.u32 s5, $0x3;
	s17 =	sshrl.u32 s14, $0x3;
	s19 =	sadd.s32 $0x50, s14  }
0xd: {  	s10 =	sadd.s32 $0x3F600, s10;
	s25 =	sadd.s32 $0x26C0, s14;
	s0 =	sadd.s32 s5, s0  }
0xe: {  	s5 =	ssub.s32 s13, s15;
	s8 =	sadd.s32 s4, s17;
	s7 =	sadd.s32 s6, s7  }
0xf: {  	s20 =	sshrl.u32 s19, $0x3;
	s11 =	sshll.u32 s19, $0x4;
	s15 =	smul.u32 $0x4E20, s16  }
0x10: {  	s16 =	smul.u32 $0x4E200, s16;
	s14 =	sshrl.u32 s25, $0x3;
	[dreg:$0x3] =	wrdreg s8  }
0x11: {  	s19 =	simm.s32 $0x14000;
	[dreg:$0x4] =	wrdreg s7;
	s21 =	sadd.s32 s4, s20  }
0x12: {  	s22 =	sadd.s32 s6, s11;
	s11 =	sor.u32 $0x1C05, s23;
	s12 =	sadd.s32 $0xA53600, s0  }
0x13: {  	s13 =	smax.u32 s5, $0x1;
	s14 =	sadd.s32 s4, s14;
	s5 =	sshll.u32 s25, $0x4  }
0x14: {  	s20 =	simm.s32 $0x14100;
	s23 =	simm.s32 $0x5;
	[dreg:$0x5] =	wrdreg s21  }
0x15: {  	s25 =	simm.s32 $0x3;
	[dreg:$0x6] =	wrdreg s22;
	s0 =	sadd.s32 s24, s15  }
0x16: {  	s26 =	sadd.s32 s16, s6;
	s15 =	sadd.s32 s6, s5;
	s21 =	simm.s32 $0x14080  }
0x17: {  	s22 =	simm.s32 $0x16900;
	s24 =	simm.s32 $0x1;
	s31 =	sadd.s32 $0xF0, s0  }
0x18: {  	s1 =	sadd.s32 s1, s26;
	s18 =	sadd.s32 $0xA0, s0;
	s16 =	sshrl.u32 s31, $0x3  }
0x19: {  	s26 =	simm.s32 $0x50;
	s6 =	sadd.s32 $0xF00, s1;
	s17 =	sadd.s32 s16, s4  }
.LBB2_1:
0x1a: {  	s0 =	rddreg [dreg:$0x3]  }
0x1b: {  	[tilespmem:s19], [sflag:$0x1] =	stream.linear.gather [hbm4b:s0+s3], $0x50, $0x38;
	[tilespmem:$0x19100] =	vst v63  }
0x1c: {  	s16 =	rddreg [dreg:$0x4]  }
0x1d: {  	[tilespmem:s20], [sflag:$0x3] =	stream.linear.gather [hbm4b:s16+s3], $0x2800, $0x38;
	[tilespmem:$0x19100] =	vst v63  }
0x1e: {  	s1 =	rddreg [dreg:$0x5]  }
0x1f: {  	[tilespmem:s21], [sflag:$0x2] =	stream.linear.gather [hbm4b:s1+s3], $0x50, $0x38;
	[tilespmem:$0x19100] =	vst v63  }
0x20: {  	s5 =	rddreg [dreg:$0x6];
	s31 =	sshrl.u32 s9, $0x3  }
0x21: {  	[tilespmem:s22], [sflag:$0x4] =	stream.linear.gather [hbm4b:s5+s3], $0x2800, $0x38;
	[tilespmem:$0x19100] =	vst v63  }
0x22: {  	[spmem:s31], [sflag:s11] =	dma.local [hbm:s10], $0x2800  }
0x23: {  	_ =	swait.ge [sflag:s23], $0x2800  }
0x24: {  	[sflag:s23] =	ssyncset.done $0x0  }
0x25: {  	[sflag:s23] =	ssyncadd.s32 $0xFFFFD800  }
0x26: {  	[bflag:$0x0] =	sbarrier.arrive $0xFFFF  }
0x27: {  	_ =	swait.ge [sflag:s24], $0x50  }
0x28: {  	[sflag:s24] =	ssyncset.done $0x0  }
0x29: {  	[sflag:s24] =	ssyncadd.s32 $0xFFFFFFB0  }
0x2a: {  	_ =	swait.ge [sflag:s25], $0x2800  }
0x2b: {  	[sflag:s25] =	ssyncset.done $0x0  }
0x2c: {  	[sflag:s25] =	ssyncadd.s32 $0xFFFFD800  }
0x2d: {  	[spmem:s2] =	stream.indirect.scatter.add.f32 [tilespmem:s20], [sflag:$0x5], $0x80, s19, s26, $0xb8;
	[tilespmem:$0x19100] =	vst v63  }
0x2e: {  	_ =	swait.ge [sflag:s23], $0x2800  }
0x2f: {  	s7 =	sshrl.u32 s18, $0x3;
	[sflag:s23] =	ssyncset.done $0x0  }
0x30: {  	s0 =	sadd.s32 s4, s7;
	[sflag:s23] =	ssyncadd.s32 $0xFFFFD800  }
0x31: {  	[tilespmem:s19], [sflag:$0x1] =	stream.linear.gather [hbm4b:s0+s3], $0x50, $0x38;
	[tilespmem:$0x19100] =	vst v63  }
0x32: {  	s8 =	sadd.s32 $0xFFFFFB00, s6  }
0x33: {  	[tilespmem:s20], [sflag:$0x3] =	stream.linear.gather [hbm4b:s8+s3], $0x2800, $0x38;
	[tilespmem:$0x19100] =	vst v63  }
0x34: {  	_ =	swait.ge [sflag:s28], $0x50  }
0x35: {  	[sflag:s28] =	ssyncset.done $0x0  }
0x36: {  	[sflag:s28] =	ssyncadd.s32 $0xFFFFFFB0  }
0x37: {  	_ =	swait.ge [sflag:s29], $0x2800  }
0x38: {  	[sflag:s29] =	ssyncset.done $0x0  }
0x39: {  	[sflag:s29] =	ssyncadd.s32 $0xFFFFD800  }
0x3a: {  	[spmem:s2] =	stream.indirect.scatter.add.f32 [tilespmem:s22], [sflag:$0x5], $0x80, s21, s26, $0xb8;
	[tilespmem:$0x19100] =	vst v63  }
0x3b: {  	_ =	swait.ge [sflag:s23], $0x2800  }
0x3c: {  	[sflag:s23] =	ssyncset.done $0x0  }
0x3d: {  	s16 =	sadd.s32 $0x0, s17;
	s1 =	sadd.s32 $0xA00, s6;
	[sflag:s23] =	ssyncadd.s32 $0xFFFFD800  }
0x3e: {  	[tilespmem:s21], [sflag:$0x2] =	stream.linear.gather [hbm4b:s16+s3], $0x50, $0x38;
	[tilespmem:$0x19100] =	vst v63  }
0x3f: {  	s5 =	sadd.s32 $0xA0, s18;
	s0 =	simm.s32 $0x14;
	s16 =	smov.u32 s6  }
.LBB2_2:
0x40: {  	[tilespmem:s22], [sflag:$0x4] =	stream.linear.gather [hbm4b:s16+s3], $0x2800, $0x38;
	[tilespmem:$0x19100] =	vst v63  }
0x41: {  	s7 =	smov.u32 s0;
	s16 =	smov.u32 s1  }
0x42: {  	p0 =	sne.s32 s0, $0x4B0;
	s0 =	sadd.s32 $0x14, s0;
	_ =	swait.ge [sflag:s24], $0x50  }
0x43: {  	[sflag:s24] =	ssyncset.done $0x0  }
0x44: {  	[sflag:s24] =	ssyncadd.s32 $0xFFFFFFB0  }
0x45: {  	_ =	swait.ge [sflag:s25], $0x2800  }
0x46: {  	[sflag:s25] =	ssyncset.done $0x0  }
0x47: {  	[sflag:s25] =	ssyncadd.s32 $0xFFFFD800  }
0x48: {  	[spmem:s2] =	stream.indirect.scatter.add.f32 [tilespmem:s20], [sflag:$0x5], $0x80, s19, s26, $0xb8;
	[tilespmem:$0x19100] =	vst v63  }
0x49: {  	_ =	swait.ge [sflag:s23], $0x2800  }
0x4a: {  	s8 =	sshrl.u32 s5, $0x3;
	[sflag:s23] =	ssyncset.done $0x0  }
0x4b: {  	s8 =	sadd.s32 s4, s8;
	[sflag:s23] =	ssyncadd.s32 $0xFFFFD800  }
0x4c: {  	[tilespmem:s19], [sflag:$0x1] =	stream.linear.gather [hbm4b:s8+s3], $0x50, $0x38;
	[tilespmem:$0x19100] =	vst v63  }
0x4d: {  	s8 =	sadd.s32 $0xFFFFFB00, s1  }
0x4e: {  	[tilespmem:s20], [sflag:$0x3] =	stream.linear.gather [hbm4b:s8+s3], $0x2800, $0x38;
	[tilespmem:$0x19100] =	vst v63  }
0x4f: {  	_ =	swait.ge [sflag:s28], $0x50  }
0x50: {  	[sflag:s28] =	ssyncset.done $0x0  }
0x51: {  	[sflag:s28] =	ssyncadd.s32 $0xFFFFFFB0  }
0x52: {  	_ =	swait.ge [sflag:s29], $0x2800  }
0x53: {  	[sflag:s29] =	ssyncset.done $0x0  }
0x54: {  	[sflag:s29] =	ssyncadd.s32 $0xFFFFD800  }
0x55: {  	[spmem:s2] =	stream.indirect.scatter.add.f32 [tilespmem:s22], [sflag:$0x5], $0x80, s21, s26, $0xb8;
	[tilespmem:$0x19100] =	vst v63  }
.Ltmp0:
0x56: {  	_ =	swait.ge [sflag:s23], $0x2800;
	(pc) =	sbr.rel @p0 .LBB2_2-.Ltmp0, $4  }
0x57: {  	[sflag:s23] =	ssyncset.done $0x0  }
0x58: {  	s7 =	sadd.s32 s7, s17;
	[sflag:s23] =	ssyncadd.s32 $0xFFFFD800  }
0x59: {  	[tilespmem:s21], [sflag:$0x2] =	stream.linear.gather [hbm4b:s7+s3], $0x50, $0x38;
	[tilespmem:$0x19100] =	vst v63  }
0x5a: {  	s5 =	sadd.s32 $0xA0, s5;
	s1 =	sadd.s32 $0xA00, s1  }
0x5b: {  	[tilespmem:s22], [sflag:$0x4] =	stream.linear.gather [hbm4b:s16+s3], $0x2800, $0x38;
	[tilespmem:$0x19100] =	vst v63  }
0x5c: {  	_ =	swait.ge [sflag:s24], $0x50  }
0x5d: {  	[sflag:s24] =	ssyncset.done $0x0  }
0x5e: {  	[sflag:s24] =	ssyncadd.s32 $0xFFFFFFB0  }
0x5f: {  	_ =	swait.ge [sflag:s25], $0x2800  }
0x60: {  	[sflag:s25] =	ssyncset.done $0x0  }
0x61: {  	[sflag:s25] =	ssyncadd.s32 $0xFFFFD800  }
0x62: {  	[spmem:s2] =	stream.indirect.scatter.add.f32 [tilespmem:s20], [sflag:$0x5], $0x80, s19, s26, $0xb8;
	[tilespmem:$0x19100] =	vst v63  }
0x63: {  	_ =	swait.ge [sflag:s23], $0x2800  }
0x64: {  	[sflag:s23] =	ssyncset.done $0x0  }
0x65: {  	[sflag:s23] =	ssyncadd.s32 $0xFFFFD800  }
0x66: {  	[tilespmem:s19], [sflag:$0x1] =	stream.linear.gather [hbm4b:s14+s3], $0x50, $0x38;
	[tilespmem:$0x19100] =	vst v63  }
0x67: {  	_ = 	snop  }
0x68: {  	[tilespmem:s20], [sflag:$0x3] =	stream.linear.gather [hbm4b:s15+s3], $0x2800, $0x38;
	[tilespmem:$0x19100] =	vst v63  }
0x69: {  	_ =	swait.ge [sflag:s28], $0x50  }
0x6a: {  	[sflag:s28] =	ssyncset.done $0x0  }
0x6b: {  	[sflag:s28] =	ssyncadd.s32 $0xFFFFFFB0  }
0x6c: {  	_ =	swait.ge [sflag:s29], $0x2800  }
0x6d: {  	[sflag:s29] =	ssyncset.done $0x0  }
0x6e: {  	[sflag:s29] =	ssyncadd.s32 $0xFFFFD800  }
0x6f: {  	[spmem:s2] =	stream.indirect.scatter.add.f32 [tilespmem:s22], [sflag:$0x5], $0x80, s21, s26, $0xb8;
	[tilespmem:$0x19100] =	vst v63  }
0x70: {  	_ =	swait.ge [sflag:s23], $0x2800  }
0x71: {  	[sflag:s23] =	ssyncset.done $0x0  }
0x72: {  	[sflag:s23] =	ssyncadd.s32 $0xFFFFD800  }
0x73: {  	_ =	swait.ge [sflag:s24], $0x50  }
0x74: {  	[sflag:s24] =	ssyncset.done $0x0  }
0x75: {  	[sflag:s24] =	ssyncadd.s32 $0xFFFFFFB0  }
0x76: {  	_ =	swait.ge [sflag:s25], $0x2800  }
0x77: {  	[sflag:s25] =	ssyncset.done $0x0  }
0x78: {  	[sflag:s25] =	ssyncadd.s32 $0xFFFFD800  }
0x79: {  	[spmem:s2] =	stream.indirect.scatter.add.f32 [tilespmem:s20], [sflag:$0x5], $0x80, s19, s26, $0xb8;
	[tilespmem:$0x19100] =	vst v63  }
0x7a: {  	_ =	swait.ge [sflag:s23], $0x2800  }
0x7b: {  	s30 =	sadd.s32 $0x1, s30;
	[sflag:s23] =	ssyncset.done $0x0  }
0x7c: {  	p0 =	sne.s32 s30, s13;
	[sflag:s23] =	ssyncadd.s32 $0xFFFFD800  }
.Ltmp1:
0x7d: {  	[bflag:$0x0] =	sbarrier.arrive $0xFFFF;
	(pc) =	sbr.rel @p0 .LBB2_1-.Ltmp1, $4  }
0x7e: {  	[hbm:s12], [sflag:s11] =	dma.local [spmem:s31], $0x2800  }
0x7f: {  	_ =	swait.ge [sflag:s23], $0x2800  }
0x80: {  	[sflag:s23] =	ssyncset.done $0x0  }
0x81: {  	[sflag:s23] =	ssyncadd.s32 $0xFFFFD800  }
0x82: {  	_ =	sfence.sel $0x180000  }
0x83: {  	[bflag:$0x0] =	sbarrier.arrive $0xFFFF  }
0x84: {  	_ =	strace $0x90000056  }
0x85: {  	s0 =	stileid.u32;
	[bflag:$0x2] =	sbarrier.arrive $0xFFFF  }
0x86: {  	p0 =	sne.s32 s0, $0x0;
	s0 =	rddreg [dreg:$0x2]  }
0x87: {  	s0 =	sadd.s32 @!p0 $0x100000, s0  }
0x88: {  	[sflag:s0] =	ssyncadd.tile.s32 @!p0 $0x1;
	_ =	shalt  }
.Lfunc_end2:
_tile_overlayer_lowered:
.L_overlay_start_2:
0x89: {  	(tag) =	ssettag $0x2  }
0x8a: {  	s0 =	rddreg [dreg:$0x0];
	s2 =	stileid.u32  }
0x8b: {  	s1 =	rddreg [dreg:$0x1];
	p0 =	sne.s32 s2, $0x0  }
0x8c: {  	s3 =	rddreg [dreg:$0x2];
	[bflag:$0x3] =	sbarrier.arrive $0xFFFF;
	s2 =	simm.s32 @!p0 $0x1C05  }
0x8d: {  	[timem:s3], [sflag:s2] =	dma.local @!p0 [hbm:s0], s1  }
0x8e: {  	s0 =	simm.s32 @!p0 $0x5  }
0x8f: {  	_ =	swait.ge @!p0 [sflag:s0], s1  }
0x90: {  	s1 =	ssub.s32 @!p0 $0x0, s1;
	[sflag:s0] =	ssyncset.done @!p0 $0x0  }
0x91: {  	[sflag:s0] =	ssyncadd.s32 @!p0 s1  }
0x92: {  	[bflag:$0x3] =	sbarrier.arrive $0xFFFF  }
0x93: {  	_ =	shalt  }

// kernel: kernel.37.cloned.1.call-start
scs
__scs_entry_jumppad:
0x0: {  	(pc) =	sbr.rel $0x88, $3  }
0x1: {  	(tag) =	ssettag $0x0;
	lr =	simm.s32 $0x1  }
0x2: {  	[smem:$0x3F98] =	sst lr;
	_ =	strace $0xD0000000  }
0x3: {  	_ = 	snop  }
0x4: {  	_ = 	snop  }
0x5: {  	_ = 	snop  }
0x6: {  	_ = 	snop  }
0x7: {  	_ = 	snop  }
__scs_overlays_trampoline_lowered:
0x8: {  	[smem:$0x3FA7] =	sst s0  }
0x9: {  	[smem:$0x3FA8] =	sst s1  }
0xa: {  	[smem:$0x3FA9] =	sst s2  }
0xb: {  	[smem:$0x3FAA] =	sst s3  }
0xc: {  	[smem:$0x3FAB] =	sst s4  }
0xd: {  	[smem:$0x3FAC] =	sst s5  }
0xe: {  	[smem:$0x3FAD] =	sst s6  }
0xf: {  	[smem:$0x3FAE] =	sst s7  }
0x10: {  	[smem:$0x3FAF] =	sst s8  }
0x11: {  	[smem:$0x3FB0] =	sst s9;
	s0 =	simm.s32 @!p0 $0x0  }
0x12: {  	s1 =	sld [smem:$0x3F96];
	s0 =	simm.s32 @p0 $0x1  }
0x13: {  	[smem:$0x3FB1] =	sst s0;
	s0 =	simm.s32 @!p1 $0x0  }
0x14: {  	s2 =	sld [smem:$0x3F95];
	s0 =	simm.s32 @p1 $0x1  }
0x15: {  	[smem:$0x3FB2] =	sst s0;
	s0 =	simm.s32 @!p2 $0x0  }
0x16: {  	s3 =	sld [smem:$0x3FDB];
	s0 =	simm.s32 @p2 $0x1  }
0x17: {  	s4 =	simm.s32 $0x1BF5;
	[smem:$0x3FB4] =	sst s0  }
0x18: {  	s0 =	sld [smem:$0x3F97];
	_ =	swait.ge [sflag:s4], $0x0  }
0x19: {  	s7 =	sld [smem:$0x3F98]  }
0x1a: {  	s8 =	sadd.s32 $0xFFFFE003, lr  }
0x1b: {  	s9 =	sadd.s32 $0xFFFFFEF7, lr;
	s5 =	simm.s32 $0xFFFFFFFF;
	p2 =	slt.u32 s8, $0xFFFFF086  }
0x1c: {  	p1 =	slt.u32 s9, $0xF7A;
	s5 =	simm.s32 @!p2 $0x0  }
0x1d: {  	s5 =	simm.s32 @p1 $0x1;
	p0 =	seq.s32 s7, s2  }
0x1e: {  	s7 =	smul.u32 @!p0 $0xF7A, s2;
	p2 =	seq.s32 @!p0 s5, $0x0  }
0x1f: {  	s9 =	smul.u32 $0xF7A, s1;
	s8 =	simm.s32 @!p0 $0x1BF5;
	p2 =	por !p2, p0  }
0x20: {  	[sflag:s8] =	ssyncset.s32 @!p0 $0xFFFFF086;
	s6 =	sadd.s32 @!p0 s3, s7;
	s7 =	simm.s32 @!p0 $0x108  }
0x21: {  	s3 =	sadd.s32 s3, s9;
	s6 =	sadd.s32 @!p0 $0x88, s6;
	s7 =	simm.s32 @p2 $0x1082  }
0x22: {  	[simem:s7], [sflag:s8] =	dma.local @!p0 [hbm:s6], $0xF7A  }
0x23: {  	s9 =	sor.u32 $0xD0000000, s2;
	s6 =	simm.s32 $0x108;
	_ =	swait.ge @!p0 [sflag:s8], $0x0  }
0x24: {  	s3 =	sadd.s32 $0x88, s3;
	s6 =	simm.s32 @!p1 $0x1082;
	[sflag:s4] =	ssyncset.s32 $0xFFFFF086  }
0x25: {  	[simem:s6], [sflag:s4] =	dma.local [hbm:s3], $0xF7A  }
0x26: {  	[smem:$0x3F98] =	sst s1;
	(tag) =	ssettag s2;
	_ =	strace s9  }
0x27: {  	s1 =	sld [smem:$0x3FA8]  }
0x28: {  	s2 =	sld [smem:$0x3FA9]  }
0x29: {  	s4 =	sld [smem:$0x3FAB]  }
0x2a: {  	p0 =	seq.s32 s5, $0x0;
	s5 =	sld [smem:$0x3FAC]  }
0x2b: {  	s6 =	sld [smem:$0x3FAD]  }
0x2c: {  	s7 =	sld [smem:$0x3FAE]  }
0x2d: {  	s3 =	simm.s32 $0x108;
	s8 =	sld [smem:$0x3FAF]  }
0x2e: {  	s3 =	simm.s32 @!p0 $0x1082;
	s9 =	sld [smem:$0x3FB0]  }
0x2f: {  	lr =	sadd.s32 s0, s3;
	s0 =	sld [smem:$0x3FA7]  }
0x30: {  	s3 =	sld [smem:$0x3FAA]  }
0x31: {  	[smem:$0x3FB3] =	sst s10  }
0x32: {  	s10 =	sld [smem:$0x3FB1];
	_ =	sdelay $0x3  }
0x33: {  	p0 =	seq.s32 s10, $0x1;
	s10 =	sld [smem:$0x3FB3];
	_ =	sdelay $0x3  }
0x34: {  	[smem:$0x3FB3] =	sst s10  }
0x35: {  	s10 =	sld [smem:$0x3FB2];
	_ =	sdelay $0x3  }
0x36: {  	p1 =	seq.s32 s10, $0x1;
	s10 =	sld [smem:$0x3FB3];
	_ =	sdelay $0x3  }
0x37: {  	[smem:$0x3FB3] =	sst s10  }
0x38: {  	s10 =	sld [smem:$0x3FB4]  }
0x39: {  	_ = 	snop;
	(pc) =	sbr.ind lr, $3  }
0x3a: {  	_ = 	snop  }
0x3b: {  	_ = 	snop  }
0x3c: {  	p2 =	seq.s32 s10, $0x1;
	s10 =	sld [smem:$0x3FB3]  }
0x3d: {  	_ =	shalt  }
0x3e: {  	_ =	shalt  }
0x3f: {  	_ =	shalt  }
0x40: {  	_ =	shalt  }
0x41: {  	_ =	shalt  }
0x42: {  	_ =	shalt  }
0x43: {  	_ =	shalt  }
0x44: {  	_ =	shalt  }
0x45: {  	_ =	shalt  }
0x46: {  	_ =	shalt  }
0x47: {  	_ =	shalt  }
0x48: {  	_ =	shalt  }
0x49: {  	_ =	shalt  }
0x4a: {  	_ =	shalt  }
0x4b: {  	_ =	shalt  }
0x4c: {  	_ =	shalt  }
0x4d: {  	_ =	shalt  }
0x4e: {  	_ =	shalt  }
0x4f: {  	_ =	shalt  }
0x50: {  	_ =	shalt  }
0x51: {  	_ =	shalt  }
0x52: {  	_ =	shalt  }
0x53: {  	_ =	shalt  }
0x54: {  	_ =	shalt  }
0x55: {  	_ =	shalt  }
0x56: {  	_ =	shalt  }
0x57: {  	_ =	shalt  }
0x58: {  	_ =	shalt  }
0x59: {  	_ =	shalt  }
0x5a: {  	_ =	shalt  }
0x5b: {  	_ =	shalt  }
0x5c: {  	_ =	shalt  }
0x5d: {  	_ =	shalt  }
0x5e: {  	_ =	shalt  }
0x5f: {  	_ =	shalt  }
0x60: {  	_ =	shalt  }
0x61: {  	_ =	shalt  }
0x62: {  	_ =	shalt  }
0x63: {  	_ =	shalt  }
0x64: {  	_ =	shalt  }
0x65: {  	_ =	shalt  }
0x66: {  	_ =	shalt  }
0x67: {  	_ =	shalt  }
0x68: {  	_ =	shalt  }
0x69: {  	_ =	shalt  }
0x6a: {  	_ =	shalt  }
0x6b: {  	_ =	shalt  }
0x6c: {  	_ =	shalt  }
0x6d: {  	_ =	shalt  }
0x6e: {  	_ =	shalt  }
0x6f: {  	_ =	shalt  }
0x70: {  	_ =	shalt  }
0x71: {  	_ =	shalt  }
0x72: {  	_ =	shalt  }
0x73: {  	_ =	shalt  }
0x74: {  	_ =	shalt  }
0x75: {  	_ =	shalt  }
0x76: {  	_ =	shalt  }
0x77: {  	_ =	shalt  }
0x78: {  	_ =	shalt  }
0x79: {  	_ =	shalt  }
0x7a: {  	_ =	shalt  }
0x7b: {  	_ =	shalt  }
0x7c: {  	_ =	shalt  }
0x7d: {  	_ =	shalt  }
0x7e: {  	_ =	shalt  }
0x7f: {  	_ =	shalt  }
0x80: {  	_ =	shalt  }
0x81: {  	_ =	shalt  }
0x82: {  	_ =	shalt  }
0x83: {  	_ =	shalt  }
0x84: {  	_ =	shalt  }
0x85: {  	_ =	shalt  }
0x86: {  	_ =	shalt  }
0x87: {  	_ =	shalt  }
.Lfunc_end0:
.L_simem_size_0:
called_computation.6_lowered:
.L_overlay_start_0:
0x88: {  	s2 =	sld [smem:$0x3FD9]  }
0x89: {  	s3 =	sld [smem:$0x3FFE];
	_ =	sdelay $0x1  }
0x8a: {  	s1 =	srdreg.scid  }
0x8b: {  	s0 =	sand.u32 $0x1, s1  }
0x8c: {  	s16 =	sshll.u32 s0, $0xA;
	s2 =	sadd.s32 s3, s2  }
0x8d: {  	s2 =	sadd.s32 s2, s16  }
0x8e: {  	[smem:$0x3FBF] =	sst s2  }
0x8f: {  	_ = 	snop  }
0x90: {  	(tm) =	ssettm $0x1  }
0x91: {  	s17 =	sld [smem:$0x3FFB];
	_ =	sdelay $0x3  }
0x92: {  	_ =	strace s17  }
0x93: {  	s2 =	sld [smem:$0x3FFC];
	_ =	sdelay $0x3  }
0x94: {  	_ =	strace s2  }
0x95: {  	s2 =	sld [smem:$0x3FFD];
	_ =	sdelay $0x3  }
0x96: {  	_ =	strace s2  }
0x97: {  	_ =	strace $0x8FFFFFFF  }
0x98: {  	s18 =	sld [smem:$0x3FDB];
	_ =	sdelay $0x1  }
0x99: {  	s19 =	simm.s32 $_scs_section_size  }
0x9a: {  	s4 =	simm.s32 $_size__tile_overlayer_lowered;
	s5 =	simm.s32 $_tile_overlayer_lowered  }
0x9b: {  	s22 =	simm.s32 $0x1BFF;
	s21 =	sshll.u32 s5, $0x1;
	s2 =	sadd.s32 s19, s18  }
0x9c: {  	s6 =	simm.s32 $0x0;
	s20 =	sshll.u32 s4, $0x1;
	s4 =	sadd.s32 s21, s2  }
0x9d: {  	[timem:s6], [sflag:s22] =	dma.local [hbm:s4], s20  }
0x9e: {  	_ =	swait.ge [sflag:s22], s20  }
0x9f: {  	s3 =	ssub.s32 $0x0, s20;
	[sflag:s22] =	ssyncset.done $0x0  }
0xa0: {  	[sflag:s22] =	ssyncadd.s32 s3;
	_ =	sdelay $0x1  }
0xa1: {  	s23 =	simm.s32 $0x1B8B  }
0xa2: {  	_ =	swait.ge [sflag:s23], $0x1  }
0xa3: {  	[sflag:s23] =	ssyncset.done $0x0  }
0xa4: {  	s25 =	simm.s32 $0x1B8E;
	s24 =	sld [smem:$0x3FFE];
	[sflag:s23] =	ssyncadd.s32 $0xFFFFFFFF  }
0xa5: {  	s26 =	simm.s32 $execute0_lowered;
	[smem:$0x3FD2] =	sst s25  }
0xa6: {  	s4 =	sshll.u32 s26, $0x1;
	_ =	strace $0x80000058;
	[dreg:$0x1] =	wrdreg $0xFFFFFFFF  }
0xa7: {  	s28 =	simm.s32 $_size_execute0_lowered;
	s2 =	sadd.s32 s2, s4;
	[dreg:$0x0] =	wrdreg $0x0  }
0xa8: {  	s4 =	sshll.u32 s28, $0x1;
	[dreg:$0x2] =	wrdreg s2  }
0xa9: {  	[dreg:$0x3] =	wrdreg s4  }
0xaa: {  	[dreg:$0x4] =	wrdreg $0xC0  }
0xab: {  	_ =	task [dreg:s6], $0x5FFFF  }
0xac: {  	[dreg:$0x1] =	wrdreg $0xFFFFFFFF  }
0xad: {  	[dreg:$0x0] =	wrdreg $0x60  }
0xae: {  	[dreg:$0x2] =	wrdreg s24  }
0xaf: {  	[dreg:$0x3] =	wrdreg $0x0  }
0xb0: {  	[dreg:$0x4] =	wrdreg $0x9  }
0xb1: {  	_ =	task.clear_ibuf [dreg:s6], $0x5FFFF;
	_ =	strace $0x90000058  }
0xb2: {  	s29 =	simm.s32 $0x9;
	_ =	strace $0x8000005A  }
0xb3: {  	_ =	swait.ge [sflag:s29], $0x1  }
0xb4: {  	[sflag:s29] =	ssyncadd.s32 $0xFFFFFFFF  }
0xb5: {  	_ =	strace $0x9000005A  }
0xb6: {  	_ =	sfence  }
0xb7: {  	s30 =	sld [smem:$0x0];
	_ =	sdelay $0x2  }
0xb8: {  	s31 =	sshll.u32 s1, $0xD;
	s1 =	sshrl.u32 s1, $0x2  }
0xb9: {  	s3 =	sand.u32 $0x4000, s31;
	s1 =	sadd.s32 s1, s30  }
0xba: {  	s0 =	sor.u32 s3, s0;
	s1 =	sshll.u32 s1, $0x11  }
0xbb: {  	s0 =	sor.u32 s1, s0  }
0xbc: {  	s0 =	sadd.s32 $0x8F2B, s0  }
0xbd: {  	[sflag:s0] =	ssyncadd.remote.s32 $0x1  }
0xbe: {  	_ =	sfence.sel $0xFFFF  }
0xbf: {  	[dreg:$0x0] =	wrdreg $0xFFFFFFFF;
	(pc) =	sbr.abs _section_cstart, $3  }
0xc0: {  	[dreg:$0x1] =	wrdreg $0xFFFFFFFF  }
0xc1: {  	_ =	task.clear_ibuf [dreg:s6], $0x2FFFF;
	_ =	strace $0x9FFFFFFF  }
0xc2: {  	(tm) =	ssettm $0x7FFFFFFF  }
0xc3: {  	_ =	shalt  }
tec
execute0_lowered:
.L_overlay_start_1:
0x0: {  	(tag) =	ssettag $0x1  }
0x1: {  	s0 =	rddreg [dreg:$0x0]  }
0x2: {  	s2 =	rddreg [dreg:$0x1];
	s17 =	stileid.u32  }
0x3: {  	s3 =	simm.s32 $0x0;
	s4 =	srdreg.scid;
	s18 =	simm.s32 $0x14000  }
0x4: {  	s28 =	simm.s32 $0x16900;
	s29 =	simm.s32 $0x3;
	s1 =	smul.u32 $0x2800, s17  }
0x5: {  	s30 =	simm.s32 $0x4;
	s31 =	simm.s32 $0x0;
	s8 =	smul.u32 $0x50000, s17  }
0x6: {  	[smem:$0x7FF] =	sst s3;
	s6 =	sand.u32 $0x1, s4;
	s25 =	smul.u32 $0x4E20, s17  }
0x7: {  	s19 =	sshll.u32 s17, $0x1;
	s22 =	sshll.u32 s17, $0x6;
	s17 =	smul.u32 $0x4E200, s17  }
0x8: {  	s4 =	sadd.s32 $0x3A00, s0;
	_ =	strace $0x80000059;
	s15 =	smul.u32 $0x2710, s6  }
0x9: {  	s9 =	sor.u32 s6, s19;
	s5 =	ssub.s32 $0x2, s6;
	s6 =	smul.u32 $0x27100, s6  }
0xa: {  	s19 =	simm.s32 $0x14080;
	s1 =	sadd.s32 s1, s0;
	s10 =	smul.u32 $0x2710, s9  }
0xb: {  	s0 =	sadd.s32 $0x67600, s0;
	s7 =	sshrl.u32 s5, $0x1;
	s12 =	smul.u32 $0x138800, s9  }
0xc: {  	s8 =	sshrl.u32 s8, $0x2;
	s24 =	smul.u32 $0x27100, s9;
	s11 =	ssub.s32 s5, s7  }
0xd: {  	s16 =	sadd.s32 s8, s2;
	s1 =	sadd.s32 $0xA53600, s1;
	s8 =	sor.u32 $0x1C06, s22  }
0xe: {  	s22 =	simm.s32 $0x1;
	s20 =	sshrl.u32 s10, $0x3;
	s14 =	sadd.s32 $0x50, s10  }
0xf: {  	[dreg:$0x4] =	wrdreg s1;
	s12 =	sshrl.u32 s12, $0x3;
	s9 =	sadd.s32 $0xF0, s10  }
0x10: {  	s11 =	smax.u32 s11, $0x1;
	s1 =	sadd.s32 s15, s25;
	s25 =	simm.s32 $0x5  }
0x11: {  	s21 =	sshrl.u32 s14, $0x3;
	s5 =	sadd.s32 s4, s20;
	s23 =	sadd.s32 s0, s12  }
0x12: {  	s12 =	sadd.s32 s0, s24;
	s14 =	sshll.u32 s14, $0x4;
	s26 =	sshrl.u32 s9, $0x3  }
0x13: {  	s1 =	sadd.s32 $0x140, s1;
	s20 =	sshrl.u32 s16, $0x3;
	s24 =	simm.s32 $0x14100  }
.Ltmp0:
0x14: {  	s7 =	sadd.s32 s4, s21;
	s10 =	sadd.s32 $0x26C00, s23;
	(pc) =	sbr.rel .LBB2_1-.Ltmp0, $4  }
0x15: {  	s13 =	sadd.s32 $0x14, s5;
	s14 =	sadd.s32 s0, s14;
	s0 =	sadd.s32 s17, s0  }
0x16: {  	s15 =	sadd.s32 s4, s26;
	s1 =	sshrl.u32 s1, $0x3;
	s21 =	simm.s32 $0x6  }
0x17: {  	s23 =	simm.s32 $0x50;
	s26 =	simm.s32 $0x2;
	s0 =	sadd.s32 s6, s0  }
0x18: {  	[dreg:$0x3] =	wrdreg s7;
	s1 =	sadd.s32 s1, s4;
	s6 =	sadd.s32 $0xF00, s0  }
.LBB2_4:
0x19: {  	_ =	swait.ge [sflag:s22], $0x50  }
0x1a: {  	[sflag:s22] =	ssyncset.done $0x0  }
0x1b: {  	[sflag:s22] =	ssyncadd.s32 $0xFFFFFFB0  }
0x1c: {  	_ =	swait.ge [sflag:s29], $0x2800  }
0x1d: {  	[sflag:s29] =	ssyncset.done $0x0  }
0x1e: {  	[sflag:s29] =	ssyncadd.s32 $0xFFFFD800  }
0x1f: {  	[tilespmem:s24], [sflag:$0x5] =	stream.indirect.gather [spmem:s2], $0x80, s18, s23, $0xb8;
	[tilespmem:$0x19100] =	vst v63  }
0x20: {  	_ =	swait.ge [sflag:s25], $0x2800  }
0x21: {  	[sflag:s25] =	ssyncset.done $0x0  }
0x22: {  	s31 =	sadd.s32 $0x1, s31;
	[sflag:s25] =	ssyncadd.s32 $0xFFFFD800  }
0x23: {  	[hbm4b:s10+s3] =	stream.linear.scatter [tilespmem:s24], [sflag:$0x3], $0x2800, $0x38;
	[tilespmem:$0x19100] =	vst v63  }
0x24: {  	p0 =	sne.s32 s31, s11;
	_ =	swait.ge [sflag:s30], $0x2800  }
.Ltmp1:
0x25: {  	[sflag:s30] =	ssyncset.done $0x0;
	(pc) =	sbr.rel @!p0 .LBB2_5-.Ltmp1, $4  }
0x26: {  	[sflag:s30] =	ssyncadd.s32 $0xFFFFD800  }
0x27: {  	_ =	swait.ge [sflag:s29], $0x2800  }
0x28: {  	[sflag:s29] =	ssyncset.done $0x0  }
0x29: {  	[sflag:s29] =	ssyncadd.s32 $0xFFFFD800  }
.LBB2_1:
0x2a: {  	[tilespmem:s18], [sflag:$0x1] =	stream.linear.gather [hbm4b:s5+s3], $0x50, $0x38;
	[tilespmem:$0x19100] =	vst v63  }
0x2b: {  	s0 =	rddreg [dreg:$0x3]  }
0x2c: {  	s17 =	rddreg [dreg:$0x4]  }
0x2d: {  	[tilespmem:s19], [sflag:$0x2] =	stream.linear.gather [hbm4b:s0+s3], $0x50, $0x38;
	[tilespmem:$0x19100] =	vst v63  }
0x2e: {  	[spmem:s20], [sflag:s8] =	dma.local [hbm:s17], $0x2800  }
0x2f: {  	_ =	swait.ge [sflag:s21], $0x2800  }
0x30: {  	[sflag:s21] =	ssyncset.done $0x0  }
0x31: {  	[sflag:s21] =	ssyncadd.s32 $0xFFFFD800  }
0x32: {  	[bflag:$0x0] =	sbarrier.arrive $0xFFFF  }
0x33: {  	_ =	swait.ge [sflag:s22], $0x50  }
0x34: {  	[sflag:s22] =	ssyncset.done $0x0  }
0x35: {  	[sflag:s22] =	ssyncadd.s32 $0xFFFFFFB0  }
0x36: {  	[tilespmem:s24], [sflag:$0x5] =	stream.indirect.gather [spmem:s2], $0x80, s18, s23, $0xb8;
	[tilespmem:$0x19100] =	vst v63  }
0x37: {  	_ =	swait.ge [sflag:s25], $0x2800  }
0x38: {  	[sflag:s25] =	ssyncset.done $0x0  }
0x39: {  	[sflag:s25] =	ssyncadd.s32 $0xFFFFD800  }
0x3a: {  	[hbm4b:s12+s3] =	stream.linear.scatter [tilespmem:s24], [sflag:$0x3], $0x2800, $0x38;
	[tilespmem:$0x19100] =	vst v63  }
0x3b: {  	_ = 	snop  }
0x3c: {  	[tilespmem:s18], [sflag:$0x1] =	stream.linear.gather [hbm4b:s13+s3], $0x50, $0x38;
	[tilespmem:$0x19100] =	vst v63  }
0x3d: {  	_ =	swait.ge [sflag:s26], $0x50  }
0x3e: {  	[sflag:s26] =	ssyncset.done $0x0  }
0x3f: {  	[sflag:s26] =	ssyncadd.s32 $0xFFFFFFB0  }
0x40: {  	[tilespmem:s28], [sflag:$0x5] =	stream.indirect.gather [spmem:s2], $0x80, s19, s23, $0xb8;
	[tilespmem:$0x19100] =	vst v63  }
0x41: {  	_ =	swait.ge [sflag:s25], $0x2800  }
0x42: {  	[sflag:s25] =	ssyncset.done $0x0  }
0x43: {  	[sflag:s25] =	ssyncadd.s32 $0xFFFFD800  }
0x44: {  	[hbm4b:s14+s3] =	stream.linear.scatter [tilespmem:s28], [sflag:$0x4], $0x2800, $0x38;
	[tilespmem:$0x19100] =	vst v63  }
0x45: {  	s16 =	smov.u32 s6;
	s0 =	simm.s32 $0xA0;
	s17 =	smov.u32 s1  }
0x46: {  	[tilespmem:s19], [sflag:$0x2] =	stream.linear.gather [hbm4b:s15+s3], $0x50, $0x38;
	[tilespmem:$0x19100] =	vst v63  }
.LBB2_2:
0x47: {  	_ =	swait.ge [sflag:s22], $0x50  }
0x48: {  	[sflag:s22] =	ssyncset.done $0x0  }
0x49: {  	[sflag:s22] =	ssyncadd.s32 $0xFFFFFFB0  }
0x4a: {  	_ =	swait.ge [sflag:s29], $0x2800  }
0x4b: {  	[sflag:s29] =	ssyncset.done $0x0  }
0x4c: {  	[sflag:s29] =	ssyncadd.s32 $0xFFFFD800  }
0x4d: {  	[tilespmem:s24], [sflag:$0x5] =	stream.indirect.gather [spmem:s2], $0x80, s18, s23, $0xb8;
	[tilespmem:$0x19100] =	vst v63  }
0x4e: {  	_ =	swait.ge [sflag:s25], $0x2800  }
0x4f: {  	[sflag:s25] =	ssyncset.done $0x0  }
0x50: {  	s7 =	sadd.s32 $0xFFFFFB00, s16;
	[sflag:s25] =	ssyncadd.s32 $0xFFFFD800  }
0x51: {  	[hbm4b:s7+s3] =	stream.linear.scatter [tilespmem:s24], [sflag:$0x3], $0x2800, $0x38;
	[tilespmem:$0x19100] =	vst v63  }
0x52: {  	_ = 	snop  }
0x53: {  	[tilespmem:s18], [sflag:$0x1] =	stream.linear.gather [hbm4b:s17+s3], $0x50, $0x38;
	[tilespmem:$0x19100] =	vst v63  }
0x54: {  	_ =	swait.ge [sflag:s26], $0x50  }
0x55: {  	[sflag:s26] =	ssyncset.done $0x0  }
0x56: {  	[sflag:s26] =	ssyncadd.s32 $0xFFFFFFB0  }
0x57: {  	_ =	swait.ge [sflag:s30], $0x2800  }
0x58: {  	[sflag:s30] =	ssyncset.done $0x0  }
0x59: {  	p0 =	seq.s32 s0, $0x2620;
	[sflag:s30] =	ssyncadd.s32 $0xFFFFD800  }
0x5a: {  	[tilespmem:s28], [sflag:$0x5] =	stream.indirect.gather [spmem:s2], $0x80, s19, s23, $0xb8;
	[tilespmem:$0x19100] =	vst v63  }
.Ltmp2:
0x5b: {  	_ = 	snop;
	(pc) =	sbr.rel @p0 .LBB2_4-.Ltmp2, $4  }
0x5c: {  	_ =	swait.ge [sflag:s25], $0x2800  }
0x5d: {  	[sflag:s25] =	ssyncset.done $0x0  }
0x5e: {  	[sflag:s25] =	ssyncadd.s32 $0xFFFFD800  }
0x5f: {  	[hbm4b:s16+s3] =	stream.linear.scatter [tilespmem:s28], [sflag:$0x4], $0x2800, $0x38;
	[tilespmem:$0x19100] =	vst v63  }
.Ltmp3:
0x60: {  	s7 =	smin.u32 s0, $0x25D0;
	(pc) =	sbr.rel .LBB2_2-.Ltmp3, $4  }
0x61: {  	s7 =	sadd.s32 s7, s9  }
0x62: {  	s16 =	sadd.s32 $0xA00, s16;
	s7 =	sshrl.u32 s7, $0x3  }
0x63: {  	s17 =	sadd.s32 $0x14, s17;
	s0 =	sadd.s32 $0xA0, s0;
	s7 =	sadd.s32 s4, s7  }
0x64: {  	[tilespmem:s19], [sflag:$0x2] =	stream.linear.gather [hbm4b:s7+s3], $0x50, $0x38;
	[tilespmem:$0x19100] =	vst v63  }
.LBB2_5:
0x65: {  	_ =	sfence.sel $0x180000  }
0x66: {  	[bflag:$0x0] =	sbarrier.arrive $0xFFFF  }
0x67: {  	_ =	strace $0x90000059  }
0x68: {  	s0 =	stileid.u32;
	[bflag:$0x2] =	sbarrier.arrive $0xFFFF  }
0x69: {  	p0 =	sne.s32 s0, $0x0;
	s0 =	rddreg [dreg:$0x2]  }
0x6a: {  	s0 =	sadd.s32 @!p0 $0x100000, s0  }
0x6b: {  	[sflag:s0] =	ssyncadd.tile.s32 @!p0 $0x1;
	_ =	shalt  }
.Lfunc_end2:
_tile_overlayer_lowered:
.L_overlay_start_2:
0x6c: {  	(tag) =	ssettag $0x2  }
0x6d: {  	s0 =	rddreg [dreg:$0x0];
	s2 =	stileid.u32  }
0x6e: {  	s1 =	rddreg [dreg:$0x1];
	p0 =	sne.s32 s2, $0x0  }
0x6f: {  	s3 =	rddreg [dreg:$0x2];
	[bflag:$0x3] =	sbarrier.arrive $0xFFFF;
	s2 =	simm.s32 @!p0 $0x1C06  }
0x70: {  	[timem:s3], [sflag:s2] =	dma.local @!p0 [hbm:s0], s1  }
0x71: {  	s0 =	simm.s32 @!p0 $0x6  }
0x72: {  	_ =	swait.ge @!p0 [sflag:s0], s1  }
0x73: {  	s1 =	ssub.s32 @!p0 $0x0, s1;
	[sflag:s0] =	ssyncset.done @!p0 $0x0  }
0x74: {  	[sflag:s0] =	ssyncadd.s32 @!p0 s1  }
0x75: {  	[bflag:$0x3] =	sbarrier.arrive $0xFFFF  }
0x76: {  	_ =	shalt  }

// kernel: kernel.40.cloned.1.call-start
scs
__scs_entry_jumppad:
0x0: {  	(pc) =	sbr.rel $0x88, $3  }
0x1: {  	(tag) =	ssettag $0x0;
	lr =	simm.s32 $0x1  }
0x2: {  	[smem:$0x3F98] =	sst lr;
	_ =	strace $0xD0000000  }
0x3: {  	_ = 	snop  }
0x4: {  	_ = 	snop  }
0x5: {  	_ = 	snop  }
0x6: {  	_ = 	snop  }
0x7: {  	_ = 	snop  }
__scs_overlays_trampoline_lowered:
0x8: {  	[smem:$0x3FA7] =	sst s0  }
0x9: {  	[smem:$0x3FA8] =	sst s1  }
0xa: {  	[smem:$0x3FA9] =	sst s2  }
0xb: {  	[smem:$0x3FAA] =	sst s3  }
0xc: {  	[smem:$0x3FAB] =	sst s4  }
0xd: {  	[smem:$0x3FAC] =	sst s5  }
0xe: {  	[smem:$0x3FAD] =	sst s6  }
0xf: {  	[smem:$0x3FAE] =	sst s7  }
0x10: {  	[smem:$0x3FAF] =	sst s8  }
0x11: {  	[smem:$0x3FB0] =	sst s9;
	s0 =	simm.s32 @!p0 $0x0  }
0x12: {  	s1 =	sld [smem:$0x3F96];
	s0 =	simm.s32 @p0 $0x1  }
0x13: {  	[smem:$0x3FB1] =	sst s0;
	s0 =	simm.s32 @!p1 $0x0  }
0x14: {  	s2 =	sld [smem:$0x3F95];
	s0 =	simm.s32 @p1 $0x1  }
0x15: {  	[smem:$0x3FB2] =	sst s0;
	s0 =	simm.s32 @!p2 $0x0  }
0x16: {  	s3 =	sld [smem:$0x3FDB];
	s0 =	simm.s32 @p2 $0x1  }
0x17: {  	s4 =	simm.s32 $0x1BF5;
	[smem:$0x3FB4] =	sst s0  }
0x18: {  	s0 =	sld [smem:$0x3F97];
	_ =	swait.ge [sflag:s4], $0x0  }
0x19: {  	s7 =	sld [smem:$0x3F98]  }
0x1a: {  	s8 =	sadd.s32 $0xFFFFE003, lr  }
0x1b: {  	s9 =	sadd.s32 $0xFFFFFEF7, lr;
	s5 =	simm.s32 $0xFFFFFFFF;
	p2 =	slt.u32 s8, $0xFFFFF086  }
0x1c: {  	p1 =	slt.u32 s9, $0xF7A;
	s5 =	simm.s32 @!p2 $0x0  }
0x1d: {  	s5 =	simm.s32 @p1 $0x1;
	p0 =	seq.s32 s7, s2  }
0x1e: {  	s7 =	smul.u32 @!p0 $0xF7A, s2;
	p2 =	seq.s32 @!p0 s5, $0x0  }
0x1f: {  	s9 =	smul.u32 $0xF7A, s1;
	s8 =	simm.s32 @!p0 $0x1BF5;
	p2 =	por !p2, p0  }
0x20: {  	[sflag:s8] =	ssyncset.s32 @!p0 $0xFFFFF086;
	s6 =	sadd.s32 @!p0 s3, s7;
	s7 =	simm.s32 @!p0 $0x108  }
0x21: {  	s3 =	sadd.s32 s3, s9;
	s6 =	sadd.s32 @!p0 $0x88, s6;
	s7 =	simm.s32 @p2 $0x1082  }
0x22: {  	[simem:s7], [sflag:s8] =	dma.local @!p0 [hbm:s6], $0xF7A  }
0x23: {  	s9 =	sor.u32 $0xD0000000, s2;
	s6 =	simm.s32 $0x108;
	_ =	swait.ge @!p0 [sflag:s8], $0x0  }
0x24: {  	s3 =	sadd.s32 $0x88, s3;
	s6 =	simm.s32 @!p1 $0x1082;
	[sflag:s4] =	ssyncset.s32 $0xFFFFF086  }
0x25: {  	[simem:s6], [sflag:s4] =	dma.local [hbm:s3], $0xF7A  }
0x26: {  	[smem:$0x3F98] =	sst s1;
	(tag) =	ssettag s2;
	_ =	strace s9  }
0x27: {  	s1 =	sld [smem:$0x3FA8]  }
0x28: {  	s2 =	sld [smem:$0x3FA9]  }
0x29: {  	s4 =	sld [smem:$0x3FAB]  }
0x2a: {  	p0 =	seq.s32 s5, $0x0;
	s5 =	sld [smem:$0x3FAC]  }
0x2b: {  	s6 =	sld [smem:$0x3FAD]  }
0x2c: {  	s7 =	sld [smem:$0x3FAE]  }
0x2d: {  	s3 =	simm.s32 $0x108;
	s8 =	sld [smem:$0x3FAF]  }
0x2e: {  	s3 =	simm.s32 @!p0 $0x1082;
	s9 =	sld [smem:$0x3FB0]  }
0x2f: {  	lr =	sadd.s32 s0, s3;
	s0 =	sld [smem:$0x3FA7]  }
0x30: {  	s3 =	sld [smem:$0x3FAA]  }
0x31: {  	[smem:$0x3FB3] =	sst s10  }
0x32: {  	s10 =	sld [smem:$0x3FB1];
	_ =	sdelay $0x3  }
0x33: {  	p0 =	seq.s32 s10, $0x1;
	s10 =	sld [smem:$0x3FB3];
	_ =	sdelay $0x3  }
0x34: {  	[smem:$0x3FB3] =	sst s10  }
0x35: {  	s10 =	sld [smem:$0x3FB2];
	_ =	sdelay $0x3  }
0x36: {  	p1 =	seq.s32 s10, $0x1;
	s10 =	sld [smem:$0x3FB3];
	_ =	sdelay $0x3  }
0x37: {  	[smem:$0x3FB3] =	sst s10  }
0x38: {  	s10 =	sld [smem:$0x3FB4]  }
0x39: {  	_ = 	snop;
	(pc) =	sbr.ind lr, $3  }
0x3a: {  	_ = 	snop  }
0x3b: {  	_ = 	snop  }
0x3c: {  	p2 =	seq.s32 s10, $0x1;
	s10 =	sld [smem:$0x3FB3]  }
0x3d: {  	_ =	shalt  }
0x3e: {  	_ =	shalt  }
0x3f: {  	_ =	shalt  }
0x40: {  	_ =	shalt  }
0x41: {  	_ =	shalt  }
0x42: {  	_ =	shalt  }
0x43: {  	_ =	shalt  }
0x44: {  	_ =	shalt  }
0x45: {  	_ =	shalt  }
0x46: {  	_ =	shalt  }
0x47: {  	_ =	shalt  }
0x48: {  	_ =	shalt  }
0x49: {  	_ =	shalt  }
0x4a: {  	_ =	shalt  }
0x4b: {  	_ =	shalt  }
0x4c: {  	_ =	shalt  }
0x4d: {  	_ =	shalt  }
0x4e: {  	_ =	shalt  }
0x4f: {  	_ =	shalt  }
0x50: {  	_ =	shalt  }
0x51: {  	_ =	shalt  }
0x52: {  	_ =	shalt  }
0x53: {  	_ =	shalt  }
0x54: {  	_ =	shalt  }
0x55: {  	_ =	shalt  }
0x56: {  	_ =	shalt  }
0x57: {  	_ =	shalt  }
0x58: {  	_ =	shalt  }
0x59: {  	_ =	shalt  }
0x5a: {  	_ =	shalt  }
0x5b: {  	_ =	shalt  }
0x5c: {  	_ =	shalt  }
0x5d: {  	_ =	shalt  }
0x5e: {  	_ =	shalt  }
0x5f: {  	_ =	shalt  }
0x60: {  	_ =	shalt  }
0x61: {  	_ =	shalt  }
0x62: {  	_ =	shalt  }
0x63: {  	_ =	shalt  }
0x64: {  	_ =	shalt  }
0x65: {  	_ =	shalt  }
0x66: {  	_ =	shalt  }
0x67: {  	_ =	shalt  }
0x68: {  	_ =	shalt  }
0x69: {  	_ =	shalt  }
0x6a: {  	_ =	shalt  }
0x6b: {  	_ =	shalt  }
0x6c: {  	_ =	shalt  }
0x6d: {  	_ =	shalt  }
0x6e: {  	_ =	shalt  }
0x6f: {  	_ =	shalt  }
0x70: {  	_ =	shalt  }
0x71: {  	_ =	shalt  }
0x72: {  	_ =	shalt  }
0x73: {  	_ =	shalt  }
0x74: {  	_ =	shalt  }
0x75: {  	_ =	shalt  }
0x76: {  	_ =	shalt  }
0x77: {  	_ =	shalt  }
0x78: {  	_ =	shalt  }
0x79: {  	_ =	shalt  }
0x7a: {  	_ =	shalt  }
0x7b: {  	_ =	shalt  }
0x7c: {  	_ =	shalt  }
0x7d: {  	_ =	shalt  }
0x7e: {  	_ =	shalt  }
0x7f: {  	_ =	shalt  }
0x80: {  	_ =	shalt  }
0x81: {  	_ =	shalt  }
0x82: {  	_ =	shalt  }
0x83: {  	_ =	shalt  }
0x84: {  	_ =	shalt  }
0x85: {  	_ =	shalt  }
0x86: {  	_ =	shalt  }
0x87: {  	_ =	shalt  }
.Lfunc_end0:
.L_simem_size_0:
called_computation.7_lowered:
.L_overlay_start_0:
0x88: {  	s2 =	sld [smem:$0x3FD9]  }
0x89: {  	s3 =	sld [smem:$0x3FFE];
	_ =	sdelay $0x1  }
0x8a: {  	s1 =	srdreg.scid  }
0x8b: {  	s0 =	sand.u32 $0x1, s1  }
0x8c: {  	s16 =	sshll.u32 s0, $0xA;
	s2 =	sadd.s32 s3, s2  }
0x8d: {  	s2 =	sadd.s32 s2, s16  }
0x8e: {  	[smem:$0x3FBF] =	sst s2  }
0x8f: {  	_ = 	snop  }
0x90: {  	(tm) =	ssettm $0x1  }
0x91: {  	s17 =	sld [smem:$0x3FFB];
	_ =	sdelay $0x3  }
0x92: {  	_ =	strace s17  }
0x93: {  	s2 =	sld [smem:$0x3FFC];
	_ =	sdelay $0x3  }
0x94: {  	_ =	strace s2  }
0x95: {  	s2 =	sld [smem:$0x3FFD];
	_ =	sdelay $0x3  }
0x96: {  	_ =	strace s2  }
0x97: {  	_ =	strace $0x8FFFFFFF  }
0x98: {  	s18 =	sld [smem:$0x3FDB];
	_ =	sdelay $0x1  }
0x99: {  	s19 =	simm.s32 $_scs_section_size  }
0x9a: {  	s4 =	simm.s32 $_size__tile_overlayer_lowered;
	s5 =	simm.s32 $_tile_overlayer_lowered  }
0x9b: {  	s22 =	simm.s32 $0x1BFF;
	s21 =	sshll.u32 s5, $0x1;
	s2 =	sadd.s32 s19, s18  }
0x9c: {  	s6 =	simm.s32 $0x0;
	s20 =	sshll.u32 s4, $0x1;
	s4 =	sadd.s32 s21, s2  }
0x9d: {  	[timem:s6], [sflag:s22] =	dma.local [hbm:s4], s20  }
0x9e: {  	_ =	swait.ge [sflag:s22], s20  }
0x9f: {  	s3 =	ssub.s32 $0x0, s20;
	[sflag:s22] =	ssyncset.done $0x0  }
0xa0: {  	[sflag:s22] =	ssyncadd.s32 s3;
	_ =	sdelay $0x1  }
0xa1: {  	s23 =	simm.s32 $0x1B8B  }
0xa2: {  	_ =	swait.ge [sflag:s23], $0x1  }
0xa3: {  	[sflag:s23] =	ssyncset.done $0x0  }
0xa4: {  	s25 =	simm.s32 $0x1B8E;
	s24 =	sld [smem:$0x3FFE];
	[sflag:s23] =	ssyncadd.s32 $0xFFFFFFFF  }
0xa5: {  	s26 =	simm.s32 $execute0_lowered;
	[smem:$0x3FD2] =	sst s25  }
0xa6: {  	s4 =	sshll.u32 s26, $0x1;
	_ =	strace $0x8000005B;
	[dreg:$0x1] =	wrdreg $0xFFFFFFFF  }
0xa7: {  	s28 =	simm.s32 $_size_execute0_lowered;
	s2 =	sadd.s32 s2, s4;
	[dreg:$0x0] =	wrdreg $0x0  }
0xa8: {  	s4 =	sshll.u32 s28, $0x1;
	[dreg:$0x2] =	wrdreg s2  }
0xa9: {  	[dreg:$0x3] =	wrdreg s4  }
0xaa: {  	[dreg:$0x4] =	wrdreg $0xC0  }
0xab: {  	_ =	task [dreg:s6], $0x5FFFF  }
0xac: {  	[dreg:$0x1] =	wrdreg $0xFFFFFFFF  }
0xad: {  	[dreg:$0x0] =	wrdreg $0x60  }
0xae: {  	[dreg:$0x2] =	wrdreg s24  }
0xaf: {  	[dreg:$0x3] =	wrdreg $0x0  }
0xb0: {  	[dreg:$0x4] =	wrdreg $0x9  }
0xb1: {  	_ =	task.clear_ibuf [dreg:s6], $0x5FFFF;
	_ =	strace $0x9000005B  }
0xb2: {  	s29 =	simm.s32 $0x9;
	_ =	strace $0x8000005D  }
0xb3: {  	_ =	swait.ge [sflag:s29], $0x1  }
0xb4: {  	[sflag:s29] =	ssyncadd.s32 $0xFFFFFFFF  }
0xb5: {  	_ =	strace $0x9000005D  }
0xb6: {  	_ =	sfence  }
0xb7: {  	s30 =	sld [smem:$0x0];
	_ =	sdelay $0x2  }
0xb8: {  	s31 =	sshll.u32 s1, $0xD;
	s1 =	sshrl.u32 s1, $0x2  }
0xb9: {  	s3 =	sand.u32 $0x4000, s31;
	s1 =	sadd.s32 s1, s30  }
0xba: {  	s0 =	sor.u32 s3, s0;
	s1 =	sshll.u32 s1, $0x11  }
0xbb: {  	s0 =	sor.u32 s1, s0  }
0xbc: {  	s0 =	sadd.s32 $0x8F2B, s0  }
0xbd: {  	[sflag:s0] =	ssyncadd.remote.s32 $0x1  }
0xbe: {  	_ =	sfence.sel $0xFFFF  }
0xbf: {  	[dreg:$0x0] =	wrdreg $0xFFFFFFFF;
	(pc) =	sbr.abs _section_cstart, $3  }
0xc0: {  	[dreg:$0x1] =	wrdreg $0xFFFFFFFF  }
0xc1: {  	_ =	task.clear_ibuf [dreg:s6], $0x2FFFF;
	_ =	strace $0x9FFFFFFF  }
0xc2: {  	(tm) =	ssettm $0x7FFFFFFF  }
0xc3: {  	_ =	shalt  }
tec
execute0_lowered:
.L_overlay_start_1:
0x0: {  	(tag) =	ssettag $0x1  }
0x1: {  	s0 =	rddreg [dreg:$0x0]  }
0x2: {  	s2 =	rddreg [dreg:$0x1];
	s3 =	simm.s32 $0x0  }
0x3: {  	s16 =	stileid.u32;
	s1 =	srdreg.scid;
	s28 =	simm.s32 $0x2  }
0x4: {  	s29 =	simm.s32 $0x4;
	s30 =	simm.s32 $0x0;
	s5 =	smul.u32 $0x14000, s16  }
0x5: {  	[smem:$0x7FF] =	sst s3;
	s1 =	sand.u32 $0x1, s1;
	s18 =	smul.u32 $0x50000, s16  }
0x6: {  	s6 =	sadd.s32 $0x13EF600, s0;
	s4 =	sadd.s32 $0xD800, s0;
	s7 =	smul.u32 $0x140000, s1  }
0x7: {  	s9 =	sshll.u32 s16, $0x1;
	s23 =	sshll.u32 s16, $0x6;
	s24 =	smul.u32 $0x2710, s1  }
0x8: {  	s12 =	sor.u32 s1, s9;
	s13 =	ssub.s32 $0x2, s1;
	s1 =	smul.u32 $0x27100, s1  }
0x9: {  	_ =	strace $0x8000005C;
	s8 =	sshrl.u32 s5, $0x3;
	s14 =	smul.u32 $0x2710, s12  }
0xa: {  	s15 =	sshrl.u32 s13, $0x1;
	s9 =	sshrl.u32 s18, $0x2;
	s10 =	sadd.s32 s8, s0  }
0xb: {  	s5 =	sadd.s32 s5, s7;
	s7 =	smul.u32 $0x27100, s12;
	s9 =	sadd.s32 s9, s2  }
0xc: {  	s5 =	sshrl.u32 s5, $0x3;
	s17 =	sshrl.u32 s14, $0x3;
	s19 =	sadd.s32 $0x50, s14  }
0xd: {  	s10 =	sadd.s32 $0x3F600, s10;
	s25 =	sadd.s32 $0x26C0, s14;
	s0 =	sadd.s32 s5, s0  }
0xe: {  	s5 =	ssub.s32 s13, s15;
	s8 =	sadd.s32 s4, s17;
	s7 =	sadd.s32 s6, s7  }
0xf: {  	s20 =	sshrl.u32 s19, $0x3;
	s11 =	sshll.u32 s19, $0x4;
	s15 =	smul.u32 $0x4E20, s16  }
0x10: {  	s16 =	smul.u32 $0x4E200, s16;
	s14 =	sshrl.u32 s25, $0x3;
	[dreg:$0x3] =	wrdreg s8  }
0x11: {  	s19 =	simm.s32 $0x14000;
	[dreg:$0x4] =	wrdreg s7;
	s21 =	sadd.s32 s4, s20  }
0x12: {  	s22 =	sadd.s32 s6, s11;
	s11 =	sor.u32 $0x1C05, s23;
	s12 =	sadd.s32 $0x67600, s0  }
0x13: {  	s13 =	smax.u32 s5, $0x1;
	s14 =	sadd.s32 s4, s14;
	s5 =	sshll.u32 s25, $0x4  }
0x14: {  	s20 =	simm.s32 $0x14100;
	s23 =	simm.s32 $0x5;
	[dreg:$0x5] =	wrdreg s21  }
0x15: {  	s25 =	simm.s32 $0x3;
	[dreg:$0x6] =	wrdreg s22;
	s0 =	sadd.s32 s24, s15  }
0x16: {  	s26 =	sadd.s32 s16, s6;
	s15 =	sadd.s32 s6, s5;
	s21 =	simm.s32 $0x14080  }
0x17: {  	s22 =	simm.s32 $0x16900;
	s24 =	simm.s32 $0x1;
	s31 =	sadd.s32 $0xF0, s0  }
0x18: {  	s1 =	sadd.s32 s1, s26;
	s18 =	sadd.s32 $0xA0, s0;
	s16 =	sshrl.u32 s31, $0x3  }
0x19: {  	s26 =	simm.s32 $0x50;
	s6 =	sadd.s32 $0xF00, s1;
	s17 =	sadd.s32 s16, s4  }
.LBB2_1:
0x1a: {  	s0 =	rddreg [dreg:$0x3]  }
0x1b: {  	[tilespmem:s19], [sflag:$0x1] =	stream.linear.gather [hbm4b:s0+s3], $0x50, $0x38;
	[tilespmem:$0x19100] =	vst v63  }
0x1c: {  	s16 =	rddreg [dreg:$0x4]  }
0x1d: {  	[tilespmem:s20], [sflag:$0x3] =	stream.linear.gather [hbm4b:s16+s3], $0x2800, $0x38;
	[tilespmem:$0x19100] =	vst v63  }
0x1e: {  	s1 =	rddreg [dreg:$0x5]  }
0x1f: {  	[tilespmem:s21], [sflag:$0x2] =	stream.linear.gather [hbm4b:s1+s3], $0x50, $0x38;
	[tilespmem:$0x19100] =	vst v63  }
0x20: {  	s5 =	rddreg [dreg:$0x6];
	s31 =	sshrl.u32 s9, $0x3  }
0x21: {  	[tilespmem:s22], [sflag:$0x4] =	stream.linear.gather [hbm4b:s5+s3], $0x2800, $0x38;
	[tilespmem:$0x19100] =	vst v63  }
0x22: {  	[spmem:s31], [sflag:s11] =	dma.local [hbm:s10], $0x2800  }
0x23: {  	_ =	swait.ge [sflag:s23], $0x2800  }
0x24: {  	[sflag:s23] =	ssyncset.done $0x0  }
0x25: {  	[sflag:s23] =	ssyncadd.s32 $0xFFFFD800  }
0x26: {  	[bflag:$0x0] =	sbarrier.arrive $0xFFFF  }
0x27: {  	_ =	swait.ge [sflag:s24], $0x50  }
0x28: {  	[sflag:s24] =	ssyncset.done $0x0  }
0x29: {  	[sflag:s24] =	ssyncadd.s32 $0xFFFFFFB0  }
0x2a: {  	_ =	swait.ge [sflag:s25], $0x2800  }
0x2b: {  	[sflag:s25] =	ssyncset.done $0x0  }
0x2c: {  	[sflag:s25] =	ssyncadd.s32 $0xFFFFD800  }
0x2d: {  	[spmem:s2] =	stream.indirect.scatter.add.f32 [tilespmem:s20], [sflag:$0x5], $0x80, s19, s26, $0xb8;
	[tilespmem:$0x19100] =	vst v63  }
0x2e: {  	_ =	swait.ge [sflag:s23], $0x2800  }
0x2f: {  	s7 =	sshrl.u32 s18, $0x3;
	[sflag:s23] =	ssyncset.done $0x0  }
0x30: {  	s0 =	sadd.s32 s4, s7;
	[sflag:s23] =	ssyncadd.s32 $0xFFFFD800  }
0x31: {  	[tilespmem:s19], [sflag:$0x1] =	stream.linear.gather [hbm4b:s0+s3], $0x50, $0x38;
	[tilespmem:$0x19100] =	vst v63  }
0x32: {  	s8 =	sadd.s32 $0xFFFFFB00, s6  }
0x33: {  	[tilespmem:s20], [sflag:$0x3] =	stream.linear.gather [hbm4b:s8+s3], $0x2800, $0x38;
	[tilespmem:$0x19100] =	vst v63  }
0x34: {  	_ =	swait.ge [sflag:s28], $0x50  }
0x35: {  	[sflag:s28] =	ssyncset.done $0x0  }
0x36: {  	[sflag:s28] =	ssyncadd.s32 $0xFFFFFFB0  }
0x37: {  	_ =	swait.ge [sflag:s29], $0x2800  }
0x38: {  	[sflag:s29] =	ssyncset.done $0x0  }
0x39: {  	[sflag:s29] =	ssyncadd.s32 $0xFFFFD800  }
0x3a: {  	[spmem:s2] =	stream.indirect.scatter.add.f32 [tilespmem:s22], [sflag:$0x5], $0x80, s21, s26, $0xb8;
	[tilespmem:$0x19100] =	vst v63  }
0x3b: {  	_ =	swait.ge [sflag:s23], $0x2800  }
0x3c: {  	[sflag:s23] =	ssyncset.done $0x0  }
0x3d: {  	s16 =	sadd.s32 $0x0, s17;
	s1 =	sadd.s32 $0xA00, s6;
	[sflag:s23] =	ssyncadd.s32 $0xFFFFD800  }
0x3e: {  	[tilespmem:s21], [sflag:$0x2] =	stream.linear.gather [hbm4b:s16+s3], $0x50, $0x38;
	[tilespmem:$0x19100] =	vst v63  }
0x3f: {  	s5 =	sadd.s32 $0xA0, s18;
	s0 =	simm.s32 $0x14;
	s16 =	smov.u32 s6  }
.LBB2_2:
0x40: {  	[tilespmem:s22], [sflag:$0x4] =	stream.linear.gather [hbm4b:s16+s3], $0x2800, $0x38;
	[tilespmem:$0x19100] =	vst v63  }
0x41: {  	s7 =	smov.u32 s0;
	s16 =	smov.u32 s1  }
0x42: {  	p0 =	sne.s32 s0, $0x4B0;
	s0 =	sadd.s32 $0x14, s0;
	_ =	swait.ge [sflag:s24], $0x50  }
0x43: {  	[sflag:s24] =	ssyncset.done $0x0  }
0x44: {  	[sflag:s24] =	ssyncadd.s32 $0xFFFFFFB0  }
0x45: {  	_ =	swait.ge [sflag:s25], $0x2800  }
0x46: {  	[sflag:s25] =	ssyncset.done $0x0  }
0x47: {  	[sflag:s25] =	ssyncadd.s32 $0xFFFFD800  }
0x48: {  	[spmem:s2] =	stream.indirect.scatter.add.f32 [tilespmem:s20], [sflag:$0x5], $0x80, s19, s26, $0xb8;
	[tilespmem:$0x19100] =	vst v63  }
0x49: {  	_ =	swait.ge [sflag:s23], $0x2800  }
0x4a: {  	s8 =	sshrl.u32 s5, $0x3;
	[sflag:s23] =	ssyncset.done $0x0  }
0x4b: {  	s8 =	sadd.s32 s4, s8;
	[sflag:s23] =	ssyncadd.s32 $0xFFFFD800  }
0x4c: {  	[tilespmem:s19], [sflag:$0x1] =	stream.linear.gather [hbm4b:s8+s3], $0x50, $0x38;
	[tilespmem:$0x19100] =	vst v63  }
0x4d: {  	s8 =	sadd.s32 $0xFFFFFB00, s1  }
0x4e: {  	[tilespmem:s20], [sflag:$0x3] =	stream.linear.gather [hbm4b:s8+s3], $0x2800, $0x38;
	[tilespmem:$0x19100] =	vst v63  }
0x4f: {  	_ =	swait.ge [sflag:s28], $0x50  }
0x50: {  	[sflag:s28] =	ssyncset.done $0x0  }
0x51: {  	[sflag:s28] =	ssyncadd.s32 $0xFFFFFFB0  }
0x52: {  	_ =	swait.ge [sflag:s29], $0x2800  }
0x53: {  	[sflag:s29] =	ssyncset.done $0x0  }
0x54: {  	[sflag:s29] =	ssyncadd.s32 $0xFFFFD800  }
0x55: {  	[spmem:s2] =	stream.indirect.scatter.add.f32 [tilespmem:s22], [sflag:$0x5], $0x80, s21, s26, $0xb8;
	[tilespmem:$0x19100] =	vst v63  }
.Ltmp0:
0x56: {  	_ =	swait.ge [sflag:s23], $0x2800;
	(pc) =	sbr.rel @p0 .LBB2_2-.Ltmp0, $4  }
0x57: {  	[sflag:s23] =	ssyncset.done $0x0  }
0x58: {  	s7 =	sadd.s32 s7, s17;
	[sflag:s23] =	ssyncadd.s32 $0xFFFFD800  }
0x59: {  	[tilespmem:s21], [sflag:$0x2] =	stream.linear.gather [hbm4b:s7+s3], $0x50, $0x38;
	[tilespmem:$0x19100] =	vst v63  }
0x5a: {  	s5 =	sadd.s32 $0xA0, s5;
	s1 =	sadd.s32 $0xA00, s1  }
0x5b: {  	[tilespmem:s22], [sflag:$0x4] =	stream.linear.gather [hbm4b:s16+s3], $0x2800, $0x38;
	[tilespmem:$0x19100] =	vst v63  }
0x5c: {  	_ =	swait.ge [sflag:s24], $0x50  }
0x5d: {  	[sflag:s24] =	ssyncset.done $0x0  }
0x5e: {  	[sflag:s24] =	ssyncadd.s32 $0xFFFFFFB0  }
0x5f: {  	_ =	swait.ge [sflag:s25], $0x2800  }
0x60: {  	[sflag:s25] =	ssyncset.done $0x0  }
0x61: {  	[sflag:s25] =	ssyncadd.s32 $0xFFFFD800  }
0x62: {  	[spmem:s2] =	stream.indirect.scatter.add.f32 [tilespmem:s20], [sflag:$0x5], $0x80, s19, s26, $0xb8;
	[tilespmem:$0x19100] =	vst v63  }
0x63: {  	_ =	swait.ge [sflag:s23], $0x2800  }
0x64: {  	[sflag:s23] =	ssyncset.done $0x0  }
0x65: {  	[sflag:s23] =	ssyncadd.s32 $0xFFFFD800  }
0x66: {  	[tilespmem:s19], [sflag:$0x1] =	stream.linear.gather [hbm4b:s14+s3], $0x50, $0x38;
	[tilespmem:$0x19100] =	vst v63  }
0x67: {  	_ = 	snop  }
0x68: {  	[tilespmem:s20], [sflag:$0x3] =	stream.linear.gather [hbm4b:s15+s3], $0x2800, $0x38;
	[tilespmem:$0x19100] =	vst v63  }
0x69: {  	_ =	swait.ge [sflag:s28], $0x50  }
0x6a: {  	[sflag:s28] =	ssyncset.done $0x0  }
0x6b: {  	[sflag:s28] =	ssyncadd.s32 $0xFFFFFFB0  }
0x6c: {  	_ =	swait.ge [sflag:s29], $0x2800  }
0x6d: {  	[sflag:s29] =	ssyncset.done $0x0  }
0x6e: {  	[sflag:s29] =	ssyncadd.s32 $0xFFFFD800  }
0x6f: {  	[spmem:s2] =	stream.indirect.scatter.add.f32 [tilespmem:s22], [sflag:$0x5], $0x80, s21, s26, $0xb8;
	[tilespmem:$0x19100] =	vst v63  }
0x70: {  	_ =	swait.ge [sflag:s23], $0x2800  }
0x71: {  	[sflag:s23] =	ssyncset.done $0x0  }
0x72: {  	[sflag:s23] =	ssyncadd.s32 $0xFFFFD800  }
0x73: {  	_ =	swait.ge [sflag:s24], $0x50  }
0x74: {  	[sflag:s24] =	ssyncset.done $0x0  }
0x75: {  	[sflag:s24] =	ssyncadd.s32 $0xFFFFFFB0  }
0x76: {  	_ =	swait.ge [sflag:s25], $0x2800  }
0x77: {  	[sflag:s25] =	ssyncset.done $0x0  }
0x78: {  	[sflag:s25] =	ssyncadd.s32 $0xFFFFD800  }
0x79: {  	[spmem:s2] =	stream.indirect.scatter.add.f32 [tilespmem:s20], [sflag:$0x5], $0x80, s19, s26, $0xb8;
	[tilespmem:$0x19100] =	vst v63  }
0x7a: {  	_ =	swait.ge [sflag:s23], $0x2800  }
0x7b: {  	s30 =	sadd.s32 $0x1, s30;
	[sflag:s23] =	ssyncset.done $0x0  }
0x7c: {  	p0 =	sne.s32 s30, s13;
	[sflag:s23] =	ssyncadd.s32 $0xFFFFD800  }
.Ltmp1:
0x7d: {  	[bflag:$0x0] =	sbarrier.arrive $0xFFFF;
	(pc) =	sbr.rel @p0 .LBB2_1-.Ltmp1, $4  }
0x7e: {  	[hbm:s12], [sflag:s11] =	dma.local [spmem:s31], $0x2800  }
0x7f: {  	_ =	swait.ge [sflag:s23], $0x2800  }
0x80: {  	[sflag:s23] =	ssyncset.done $0x0  }
0x81: {  	[sflag:s23] =	ssyncadd.s32 $0xFFFFD800  }
0x82: {  	_ =	sfence.sel $0x180000  }
0x83: {  	[bflag:$0x0] =	sbarrier.arrive $0xFFFF  }
0x84: {  	_ =	strace $0x9000005C  }
0x85: {  	s0 =	stileid.u32;
	[bflag:$0x2] =	sbarrier.arrive $0xFFFF  }
0x86: {  	p0 =	sne.s32 s0, $0x0;
	s0 =	rddreg [dreg:$0x2]  }
0x87: {  	s0 =	sadd.s32 @!p0 $0x100000, s0  }
0x88: {  	[sflag:s0] =	ssyncadd.tile.s32 @!p0 $0x1;
	_ =	shalt  }
.Lfunc_end2:
_tile_overlayer_lowered:
.L_overlay_start_2:
0x89: {  	(tag) =	ssettag $0x2  }
0x8a: {  	s0 =	rddreg [dreg:$0x0];
	s2 =	stileid.u32  }
0x8b: {  	s1 =	rddreg [dreg:$0x1];
	p0 =	sne.s32 s2, $0x0  }
0x8c: {  	s3 =	rddreg [dreg:$0x2];
	[bflag:$0x3] =	sbarrier.arrive $0xFFFF;
	s2 =	simm.s32 @!p0 $0x1C05  }
0x8d: {  	[timem:s3], [sflag:s2] =	dma.local @!p0 [hbm:s0], s1  }
0x8e: {  	s0 =	simm.s32 @!p0 $0x5  }
0x8f: {  	_ =	swait.ge @!p0 [sflag:s0], s1  }
0x90: {  	s1 =	ssub.s32 @!p0 $0x0, s1;
	[sflag:s0] =	ssyncset.done @!p0 $0x0  }
0x91: {  	[sflag:s0] =	ssyncadd.s32 @!p0 s1  }
0x92: {  	[bflag:$0x3] =	sbarrier.arrive $0xFFFF  }
0x93: {  	_ =	shalt  }

</sc_bundles>
